<compile_context>
chip_gen: v7x
topology: tpu7x:2x2x1
jax: 0.10.2.dev20260603
libtpu: 0.0.44.dev20260713+nightly
codegen_flags: <defaults>
</compile_context>

<pallas_src>
import jax
import jax.numpy as jnp
from jax import lax
from jax.experimental import pallas as pl
from jax.experimental.pallas import tpu as pltpu
from jax.experimental.pallas import tpu_sc as plsc

N_NODES = 10000
N_EDGES = 320000
D = 128
DE = 16
H = 128
NORM = 32.0

NC = 2
NS = 16
NW = NC * NS
CH = 80
SEG_ES = (64000, 128000, 128000)
NSEG = len(SEG_ES)
K = 5
S_CH = 80
S_NCH_MAX = max(s // NS // S_CH for s in SEG_ES)
N_PAD = 10240
NPT = N_PAD // NS
NPT_F = NPT // S_CH
NPT_T = 0
LANES = 16

_mesh2 = plsc.VectorSubcoreMesh(
    core_axis_name="c", subcore_axis_name="s", num_cores=NC, num_subcores=NS)
_mesh1 = plsc.VectorSubcoreMesh(
    core_axis_name="c", subcore_axis_name="s", num_cores=1, num_subcores=NS)


def _make_gather(seg_e):
    g_epw = seg_e // NW
    g_nch = g_epw // CH
    ng = g_nch // K

    def _gather_body(a_hbm, b_hbm, rowi_hbm, coli_hbm, out_hbm,
                     idxr_v, idxc_v, b0, b1, b2, b3, b4, s0, s1, s2, s3, s4):
        bufs = (b0, b1, b2, b3, b4)
        sems = (s0, s1, s2, s3, s4)
        cid = lax.axis_index("c")
        sid = lax.axis_index("s")
        base = (cid * NS + sid) * g_epw
        pltpu.sync_copy(rowi_hbm.at[cid, sid], idxr_v)
        pltpu.sync_copy(coli_hbm.at[cid, sid], idxc_v)

        def group(g, carry):
            js = [g * K + b for b in range(K)]
            for b in range(K):
                @pl.when(g > 0)
                def _(b=b):
                    pltpu.make_async_copy(
                        bufs[b], out_hbm.at[pl.ds(base, CH)], sems[b]).wait()
                pltpu.async_copy(a_hbm.at[idxr_v.at[js[b]]], bufs[b], sems[b])
            for b in range(K):
                pltpu.make_async_copy(
                    a_hbm.at[idxr_v.at[js[b]]], bufs[b], sems[b]).wait()
                pltpu.async_copy(b_hbm.at[idxc_v.at[js[b]]], bufs[b], sems[b],
                                 add=True)
            for b in range(K):
                pltpu.make_async_copy(
                    b_hbm.at[idxc_v.at[js[b]]], bufs[b], sems[b]).wait()
                pltpu.async_copy(
                    bufs[b], out_hbm.at[pl.ds(base + js[b] * CH, CH)], sems[b])
            return carry

        lax.fori_loop(0, ng, group, 0)
        for b in range(K):
            pltpu.make_async_copy(bufs[b], out_hbm.at[pl.ds(base, CH)],
                                  sems[b]).wait()

    return pl.kernel(
        _gather_body,
        out_type=jax.ShapeDtypeStruct((seg_e, D), jnp.float32),
        mesh=_mesh2,
        scratch_types=[
            pltpu.VMEM((g_nch, CH), jnp.int32),
            pltpu.VMEM((g_nch, CH), jnp.int32),
        ] + [pltpu.VMEM((CH, D), jnp.float32)] * K
          + [pltpu.SemaphoreType.DMA] * K,
    )


_gathers = {seg_e: _make_gather(seg_e) for seg_e in set(SEG_ES)}


def _scatter_body(m0_hbm, m1_hbm, m2_hbm, r0_hbm, r1_hbm, r2_hbm, out_hbm,
                  idxr_v, mbuf_v, mbuf2_v, acc_s, sem):
    sid = lax.axis_index("s")

    def zrow(r, carry):
        for c8 in range(D // LANES):
            mbuf_v[r, pl.ds(c8 * LANES, LANES)] = jnp.zeros((LANES,), jnp.float32)
        return carry

    lax.fori_loop(0, S_CH, zrow, 0)

    def zchunk(k, carry):
        pltpu.sync_copy(mbuf_v, acc_s.at[pl.ds(sid * NPT + k * S_CH, S_CH)])
        return carry

    lax.fori_loop(0, NPT_F, zchunk, 0)
    if NPT_T:
        pltpu.sync_copy(mbuf_v.at[pl.ds(0, NPT_T)],
                        acc_s.at[pl.ds(sid * NPT + NPT_F * S_CH, NPT_T)])
    plsc.subcore_barrier()

    for m_hbm, rowi_hbm, seg_e in ((m0_hbm, r0_hbm, SEG_ES[0]),
                                   (m1_hbm, r1_hbm, SEG_ES[1]),
                                   (m2_hbm, r2_hbm, SEG_ES[2])):
        s_ept = seg_e // NS
        s_nch = s_ept // S_CH
        base = sid * s_ept
        pltpu.sync_copy(rowi_hbm.at[sid], idxr_v.at[pl.ds(0, s_nch)])
        pltpu.async_copy(m_hbm.at[pl.ds(base, S_CH)], mbuf_v, sem)

        def chunk(j, carry, m_hbm=m_hbm, base=base, s_nch=s_nch):
            nxt = jnp.minimum(j + 1, s_nch - 1)
            cur_is_0 = lax.rem(j, 2) == 0

            @pl.when(cur_is_0)
            def _():
                pltpu.make_async_copy(
                    m_hbm.at[pl.ds(base, S_CH)], mbuf_v, sem).wait()
                pltpu.async_copy(
                    m_hbm.at[pl.ds(base + nxt * S_CH, S_CH)], mbuf2_v, sem)
                pltpu.sync_copy(mbuf_v, acc_s.at[idxr_v.at[j]], add=True)

            @pl.when(jnp.logical_not(cur_is_0))
            def _():
                pltpu.make_async_copy(
                    m_hbm.at[pl.ds(base, S_CH)], mbuf2_v, sem).wait()
                pltpu.async_copy(
                    m_hbm.at[pl.ds(base + nxt * S_CH, S_CH)], mbuf_v, sem)
                pltpu.sync_copy(mbuf2_v, acc_s.at[idxr_v.at[j]], add=True)

            return carry

        lax.fori_loop(0, s_nch, chunk, 0)
        pltpu.make_async_copy(
            m_hbm.at[pl.ds(base, S_CH)],
            mbuf_v if s_nch % 2 == 0 else mbuf2_v, sem).wait()

    plsc.subcore_barrier()

    def dchunk(k, carry):
        pltpu.sync_copy(acc_s.at[pl.ds(sid * NPT + k * S_CH, S_CH)], mbuf_v)
        pltpu.sync_copy(mbuf_v, out_hbm.at[pl.ds(sid * NPT + k * S_CH, S_CH)])
        return carry

    lax.fori_loop(0, NPT_F, dchunk, 0)
    if NPT_T:
        pltpu.sync_copy(acc_s.at[pl.ds(sid * NPT + NPT_F * S_CH, NPT_T)],
                        mbuf_v.at[pl.ds(0, NPT_T)])
        pltpu.sync_copy(mbuf_v.at[pl.ds(0, NPT_T)],
                        out_hbm.at[pl.ds(sid * NPT + NPT_F * S_CH, NPT_T)])


_scatter = pl.kernel(
    _scatter_body,
    out_type=jax.ShapeDtypeStruct((N_PAD, D), jnp.float32),
    mesh=_mesh1,
    scratch_types=[
        pltpu.VMEM((S_NCH_MAX, S_CH), jnp.int32),
        pltpu.VMEM((S_CH, D), jnp.float32),
        pltpu.VMEM((S_CH, D), jnp.float32),
        pltpu.MemorySpace.VMEM_SHARED((N_PAD, D), jnp.float32),
        pltpu.SemaphoreType.DMA,
    ],
)


def _precompute_body(h_ref, w1a_ref, w1b_ref, b1_ref, a_ref, b_ref):
    hh = h_ref[...]
    a_ref[...] = jnp.dot(hh, w1a_ref[...],
                         preferred_element_type=jnp.float32) + b1_ref[...]
    b_ref[...] = jnp.dot(hh, w1b_ref[...], preferred_element_type=jnp.float32)


def _edge_mlp_body(pre_ref, ea_ref, w1c_ref, w2_ref, b2_ref, wat_ref, ba_ref,
                   out_ref):
    x = pre_ref[...] + jnp.dot(ea_ref[...], w1c_ref[...],
                               preferred_element_type=jnp.float32)
    m = jnp.maximum(x, 0.0)
    m = jnp.maximum(
        jnp.dot(m, w2_ref[...], preferred_element_type=jnp.float32)
        + b2_ref[...], 0.0)
    logit = jnp.sum(m * wat_ref[...], axis=1, keepdims=True) + ba_ref[...]
    out_ref[...] = m * jax.nn.sigmoid(logit)


def _node_body(h_ref, p_ref, wu1h_ref, wu1a_ref, bu1_ref, wu2_ref, bu2_ref,
               out_ref):
    hh = h_ref[...]
    u = jnp.maximum(
        jnp.dot(hh, wu1h_ref[...], preferred_element_type=jnp.float32)
        + jnp.dot(p_ref[...] * (1.0 / NORM), wu1a_ref[...],
                  preferred_element_type=jnp.float32)
        + bu1_ref[...], 0.0)
    out_ref[...] = hh + jnp.dot(u, wu2_ref[...],
                                preferred_element_type=jnp.float32) + bu2_ref[...]


BE = 8000
BN = 1000


def kernel(h, edge_index, edge_attr, W1, b1, W2, b2, Wa, ba, Wu1, bu1, Wu2, bu2):
    W1a, W1b, W1c = W1[:D], W1[D:2 * D], W1[2 * D:]
    Wu1h, Wu1a = Wu1[:D], Wu1[D:]
    row = edge_index[0]
    col = edge_index[1]
    seg_lo = [sum(SEG_ES[:s]) for s in range(NSEG)]
    row_g = [row[seg_lo[s]:seg_lo[s] + SEG_ES[s]].reshape(
        NC, NS, SEG_ES[s] // NW // CH, CH) for s in range(NSEG)]
    col_g = [col[seg_lo[s]:seg_lo[s] + SEG_ES[s]].reshape(
        NC, NS, SEG_ES[s] // NW // CH, CH) for s in range(NSEG)]
    row_s = [row[seg_lo[s]:seg_lo[s] + SEG_ES[s]].reshape(
        NS, SEG_ES[s] // NS // S_CH, S_CH) for s in range(NSEG)]

    A, B = pl.pallas_call(
        _precompute_body,
        out_shape=[jax.ShapeDtypeStruct((N_NODES, D), jnp.float32),
                   jax.ShapeDtypeStruct((N_NODES, D), jnp.float32)],
    )(h, W1a, W1b, b1.reshape(1, H))

    zero = lambda i: (0, 0)

    def edge_mlp_seg(pre_s, seg_e, ea_off):
        return pl.pallas_call(
            _edge_mlp_body,
            grid=(seg_e // BE,),
            in_specs=[
                pl.BlockSpec((BE, D), lambda i: (i, 0)),
                pl.BlockSpec((BE, DE), lambda i: (i + ea_off, 0)),
                pl.BlockSpec((DE, H), zero),
                pl.BlockSpec((H, H), zero),
                pl.BlockSpec((1, H), zero),
                pl.BlockSpec((1, H), zero),
                pl.BlockSpec((1, 1), zero),
            ],
            out_specs=pl.BlockSpec((BE, D), lambda i: (i, 0)),
            out_shape=jax.ShapeDtypeStruct((seg_e, D), jnp.float32),
        )(pre_s, edge_attr, W1c, W2, b2.reshape(1, H), Wa.reshape(1, H),
          ba.reshape(1, 1))

    mms = []
    for s in range(NSEG):
        pre_s = _gathers[SEG_ES[s]](A, B, row_g[s], col_g[s])
        mms.append(edge_mlp_seg(pre_s, SEG_ES[s], seg_lo[s] // BE))

    agg = _scatter(*mms, *row_s)[:N_NODES]

    out = pl.pallas_call(
        _node_body,
        grid=(N_NODES // BN,),
        in_specs=[
            pl.BlockSpec((BN, D), lambda i: (i, 0)),
            pl.BlockSpec((BN, D), lambda i: (i, 0)),
            pl.BlockSpec((H, H), zero),
            pl.BlockSpec((H, H), zero),
            pl.BlockSpec((1, H), zero),
            pl.BlockSpec((H, H), zero),
            pl.BlockSpec((1, H), zero),
        ],
        out_specs=pl.BlockSpec((BN, D), lambda i: (i, 0)),
        out_shape=jax.ShapeDtypeStruct((N_NODES, D), jnp.float32),
    )(h, agg, Wu1h, Wu1a, bu1.reshape(1, H), Wu2, bu2.reshape(1, H))

    return out

# --- scband reference (transcript-rebuilt; emitter-appended) ---
"""Pipeline reference for scband-feat-update-901943132400 (READ-ONLY COPY).

The authoritative reference and input builder live on the scoring server;
editing this copy changes nothing except your own understanding.
"""

import jax, jax.numpy as jnp
import numpy as np

N_NODES = 10000
N_EDGES = 320000
D = 128
DE = 16
H = 128
NORM = 32.0

def _lin(k, fi, fo):
    kw, kb = jax.random.split(k)
    bound = 1.0 / np.sqrt(fi)
    W = jax.random.uniform(kw, (fi, fo), jnp.float32, -bound, bound)
    b = jax.random.uniform(kb, (fo,), jnp.float32, -bound, bound)
    return W, b

def setup_inputs(seed: int = 0):
    key = jax.random.key(seed)
    ks = jax.random.split(key, 8)
    h = jax.random.normal(ks[0], (N_NODES, D), dtype=jnp.float32)
    edge_index = jax.random.randint(ks[1], (2, N_EDGES), 0, N_NODES, dtype=jnp.int32)
    edge_attr = jax.random.normal(ks[2], (N_EDGES, DE), dtype=jnp.float32)
    W1, b1 = _lin(ks[3], 2 * D + DE, H)
    W2, b2 = _lin(ks[4], H, H)
    Wa, ba = _lin(ks[5], H, 1)
    Wu1, bu1 = _lin(ks[6], 2 * H, H)
    Wu2, bu2 = _lin(ks[7], H, D)
    return {"h": h, "edge_index": edge_index, "edge_attr": edge_attr,
            "W1": W1, "b1": b1, "W2": W2, "b2": b2,
            "Wa": Wa, "ba": ba, "Wu1": Wu1, "bu1": bu1, "Wu2": Wu2, "bu2": bu2}

def reference(h, edge_index, edge_attr, W1, b1, W2, b2, Wa, ba, Wu1, bu1, Wu2, bu2):
    row = edge_index[0]
    col = edge_index[1]
    inp = jnp.concatenate([h[row], h[col], edge_attr], axis=1)
    m = jax.nn.relu(inp @ W1 + b1)
    m = jax.nn.relu(m @ W2 + b2)
    att = jax.nn.sigmoid(m @ Wa + ba)
    m = m * att
    n_unique = h.shape[0]
    agg = jnp.zeros((n_unique, m.shape[1]), dtype=m.dtype).at[row].add(m)
    agg = agg / NORM
    upd = jax.nn.relu(jnp.concatenate([h, agg], axis=1) @ Wu1 + bu1) @ Wu2 + bu2
    return h + upd

if __name__ == "__main__":
    import jax
    _d = setup_inputs()
    print(jax.jit(kernel)(*tuple(_d.values())))

</pallas_src>

<mosaic_0001>
#map = affine_map<(d0, d1) -> (0, 0)>
#map1 = affine_map<(d0, d1) -> (0, 0, 0, 0)>
module attributes {stable_mosaic.version = 14 : i64} {
  func.func @_gather_body(%arg0: i32, %arg1: i32, %arg2: memref<10000x128xf32, #tpu.memory_space<hbm>>, %arg3: memref<10000x128xf32, #tpu.memory_space<hbm>>, %arg4: memref<2x16x50x80xi32, #tpu.memory_space<hbm>>, %arg5: memref<2x16x50x80xi32, #tpu.memory_space<hbm>>, %arg6: memref<128000x128xf32, #tpu.memory_space<hbm>>, %arg7: memref<50x80xi32, #tpu.memory_space<vmem>>, %arg8: memref<50x80xi32, #tpu.memory_space<vmem>>, %arg9: memref<80x128xf32, #tpu.memory_space<vmem>>, %arg10: memref<80x128xf32, #tpu.memory_space<vmem>>, %arg11: memref<80x128xf32, #tpu.memory_space<vmem>>, %arg12: memref<80x128xf32, #tpu.memory_space<vmem>>, %arg13: memref<80x128xf32, #tpu.memory_space<vmem>>, %arg14: memref<!tpu.dma_semaphore, #tpu.memory_space<semaphore_mem>>, %arg15: memref<!tpu.dma_semaphore, #tpu.memory_space<semaphore_mem>>, %arg16: memref<!tpu.dma_semaphore, #tpu.memory_space<semaphore_mem>>, %arg17: memref<!tpu.dma_semaphore, #tpu.memory_space<semaphore_mem>>, %arg18: memref<!tpu.dma_semaphore, #tpu.memory_space<semaphore_mem>>) attributes {dimension_semantics = [#tpu.dimension_semantics<core_parallel>, #tpu.dimension_semantics<subcore_parallel>], iteration_bounds = array<i64: 2, 16>, scalar_prefetch = 0 : i64, scratch_operands = 12 : i64, tpu.core_type = #tpu.core_type<sc_vector_subcore>, window_params = [{transform_indices = #map}, {transform_indices = #map}, {transform_indices = #map1}, {transform_indices = #map1}, {transform_indices = #map}]} {
    %mul3A = arith.constant 16 : i32
    %mul3A_0 = arith.muli %arg0, %mul3A : i32
    %add3A = arith.addi %mul3A_0, %arg1 : i32
    %mul3A_1 = arith.constant 4000 : i32
    %mul3A_2 = arith.muli %add3A, %mul3A_1 : i32
    "tpu.region"() ({
      %run_scoped3A = tpu.sem_alloc : memref<!tpu.dma_semaphore, #tpu.memory_space<semaphore_mem>>
      %dma_start3A = arith.constant 0 : i32
      %dma_start3A_27 = arith.constant 0 : i32
      %dma_start3A_28 = tpu.memref_slice %arg4[%arg0, %arg1, %dma_start3A, %dma_start3A_27] : memref<2x16x50x80xi32, #tpu.memory_space<hbm>> -> memref<1x1x50x80xi32, #tpu.memory_space<hbm>>
      %dma_start3A_29 = tpu.memref_squeeze %dma_start3A_28 : memref<1x1x50x80xi32, #tpu.memory_space<hbm>> -> memref<50x80xi32, #tpu.memory_space<hbm>>
      %dma_start3A_30 = arith.constant 0 : i32
      %dma_start3A_31 = arith.constant 0 : i32
      %dma_start3A_32 = tpu.memref_slice %arg4[%arg0, %arg1, %dma_start3A_30, %dma_start3A_31] : memref<2x16x50x80xi32, #tpu.memory_space<hbm>> -> memref<1x1x50x80xi32, #tpu.memory_space<hbm>>
      %dma_start3A_33 = tpu.memref_squeeze %dma_start3A_32 : memref<1x1x50x80xi32, #tpu.memory_space<hbm>> -> memref<50x80xi32, #tpu.memory_space<hbm>>
      tpu.enqueue_dma source(%dma_start3A_33 : memref<50x80xi32, #tpu.memory_space<hbm>>) target(%arg7 : memref<50x80xi32, #tpu.memory_space<vmem>>) target_semaphore(%run_scoped3A : memref<!tpu.dma_semaphore, #tpu.memory_space<semaphore_mem>>)
      %dma_wait3A_34 = arith.constant 0 : i32
      %dma_wait3A_35 = arith.constant 0 : i32
      %dma_wait3A_36 = tpu.memref_slice %arg4[%arg0, %arg1, %dma_wait3A_34, %dma_wait3A_35] : memref<2x16x50x80xi32, #tpu.memory_space<hbm>> -> memref<1x1x50x80xi32, #tpu.memory_space<hbm>>
      %dma_wait3A_37 = tpu.memref_squeeze %dma_wait3A_36 : memref<1x1x50x80xi32, #tpu.memory_space<hbm>> -> memref<50x80xi32, #tpu.memory_space<hbm>>
      %dma_wait3A_38 = arith.constant 0 : i32
      %dma_wait3A_39 = arith.constant 0 : i32
      %dma_wait3A_40 = tpu.memref_slice %arg4[%arg0, %arg1, %dma_wait3A_38, %dma_wait3A_39] : memref<2x16x50x80xi32, #tpu.memory_space<hbm>> -> memref<1x1x50x80xi32, #tpu.memory_space<hbm>>
      %dma_wait3A_41 = tpu.memref_squeeze %dma_wait3A_40 : memref<1x1x50x80xi32, #tpu.memory_space<hbm>> -> memref<50x80xi32, #tpu.memory_space<hbm>>
      tpu.wait_dma2 semaphore(%run_scoped3A : memref<!tpu.dma_semaphore, #tpu.memory_space<semaphore_mem>>) src(%dma_wait3A_41 : memref<50x80xi32, #tpu.memory_space<hbm>>) dst(%arg7 : memref<50x80xi32, #tpu.memory_space<vmem>>)
      tpu.yield
    }) : () -> ()
    "tpu.region"() ({
      %run_scoped3A = tpu.sem_alloc : memref<!tpu.dma_semaphore, #tpu.memory_space<semaphore_mem>>
      %dma_start3A = arith.constant 0 : i32
      %dma_start3A_27 = arith.constant 0 : i32
      %dma_start3A_28 = tpu.memref_slice %arg5[%arg0, %arg1, %dma_start3A, %dma_start3A_27] : memref<2x16x50x80xi32, #tpu.memory_space<hbm>> -> memref<1x1x50x80xi32, #tpu.memory_space<hbm>>
      %dma_start3A_29 = tpu.memref_squeeze %dma_start3A_28 : memref<1x1x50x80xi32, #tpu.memory_space<hbm>> -> memref<50x80xi32, #tpu.memory_space<hbm>>
      %dma_start3A_30 = arith.constant 0 : i32
      %dma_start3A_31 = arith.constant 0 : i32
      %dma_start3A_32 = tpu.memref_slice %arg5[%arg0, %arg1, %dma_start3A_30, %dma_start3A_31] : memref<2x16x50x80xi32, #tpu.memory_space<hbm>> -> memref<1x1x50x80xi32, #tpu.memory_space<hbm>>
      %dma_start3A_33 = tpu.memref_squeeze %dma_start3A_32 : memref<1x1x50x80xi32, #tpu.memory_space<hbm>> -> memref<50x80xi32, #tpu.memory_space<hbm>>
      tpu.enqueue_dma source(%dma_start3A_33 : memref<50x80xi32, #tpu.memory_space<hbm>>) target(%arg8 : memref<50x80xi32, #tpu.memory_space<vmem>>) target_semaphore(%run_scoped3A : memref<!tpu.dma_semaphore, #tpu.memory_space<semaphore_mem>>)
      %dma_wait3A_34 = arith.constant 0 : i32
      %dma_wait3A_35 = arith.constant 0 : i32
      %dma_wait3A_36 = tpu.memref_slice %arg5[%arg0, %arg1, %dma_wait3A_34, %dma_wait3A_35] : memref<2x16x50x80xi32, #tpu.memory_space<hbm>> -> memref<1x1x50x80xi32, #tpu.memory_space<hbm>>
      %dma_wait3A_37 = tpu.memref_squeeze %dma_wait3A_36 : memref<1x1x50x80xi32, #tpu.memory_space<hbm>> -> memref<50x80xi32, #tpu.memory_space<hbm>>
      %dma_wait3A_38 = arith.constant 0 : i32
      %dma_wait3A_39 = arith.constant 0 : i32
      %dma_wait3A_40 = tpu.memref_slice %arg5[%arg0, %arg1, %dma_wait3A_38, %dma_wait3A_39] : memref<2x16x50x80xi32, #tpu.memory_space<hbm>> -> memref<1x1x50x80xi32, #tpu.memory_space<hbm>>
      %dma_wait3A_41 = tpu.memref_squeeze %dma_wait3A_40 : memref<1x1x50x80xi32, #tpu.memory_space<hbm>> -> memref<50x80xi32, #tpu.memory_space<hbm>>
      tpu.wait_dma2 semaphore(%run_scoped3A : memref<!tpu.dma_semaphore, #tpu.memory_space<semaphore_mem>>) src(%dma_wait3A_41 : memref<50x80xi32, #tpu.memory_space<hbm>>) dst(%arg8 : memref<50x80xi32, #tpu.memory_space<vmem>>)
      tpu.yield
    }) : () -> ()
    %scan3A = arith.constant 0 : i32
    %scan3A_3 = arith.constant 0 : i32
    %scan3A_4 = arith.constant 10 : i32
    %scan3A_5 = arith.addi %scan3A_3, %scan3A_4 : i32
    %scan3A_6 = arith.constant 1 : i32
    scf.for %scan3A_27 = %scan3A_3 to %scan3A_5 step %scan3A_6  : i32 {
      %mul3A_28 = arith.constant 5 : i32
      %mul3A_29 = arith.muli %scan3A_27, %mul3A_28 : i32
      %add3A_30 = arith.constant 0 : i32
      %add3A_31 = arith.addi %mul3A_29, %add3A_30 : i32
      %mul3A_32 = arith.constant 5 : i32
      %mul3A_33 = arith.muli %scan3A_27, %mul3A_32 : i32
      %add3A_34 = arith.constant 1 : i32
      %add3A_35 = arith.addi %mul3A_33, %add3A_34 : i32
      %mul3A_36 = arith.constant 5 : i32
      %mul3A_37 = arith.muli %scan3A_27, %mul3A_36 : i32
      %add3A_38 = arith.constant 2 : i32
      %add3A_39 = arith.addi %mul3A_37, %add3A_38 : i32
      %mul3A_40 = arith.constant 5 : i32
      %mul3A_41 = arith.muli %scan3A_27, %mul3A_40 : i32
      %add3A_42 = arith.constant 3 : i32
      %add3A_43 = arith.addi %mul3A_41, %add3A_42 : i32
      %mul3A_44 = arith.constant 5 : i32
      %mul3A_45 = arith.muli %scan3A_27, %mul3A_44 : i32
      %add3A_46 = arith.constant 4 : i32
      %add3A_47 = arith.addi %mul3A_45, %add3A_46 : i32
      %gt3A = arith.constant 0 : i32
      %gt3A_48 = arith.cmpi sgt, %scan3A_27, %gt3A : i32
      %convert_element_type3A = arith.extui %gt3A_48 : i1 to i32
      %cond3A = arith.constant 0 : i32
      %cond3A_49 = arith.cmpi ne, %convert_element_type3A, %cond3A : i32
      scf.if %cond3A_49 {
        %dma_wait3A_224 = arith.constant 0 : i32
        %dma_wait3A_225 = tpu.memref_slice %arg6[%mul3A_2, %dma_wait3A_224] : memref<128000x128xf32, #tpu.memory_space<hbm>> -> memref<80x128xf32, #tpu.memory_space<hbm>>
        %dma_wait3A_226 = arith.constant 0 : i32
        %dma_wait3A_227 = tpu.memref_slice %arg6[%mul3A_2, %dma_wait3A_226] : memref<128000x128xf32, #tpu.memory_space<hbm>> -> memref<80x128xf32, #tpu.memory_space<hbm>>
        tpu.wait_dma2 semaphore(%arg14 : memref<!tpu.dma_semaphore, #tpu.memory_space<semaphore_mem>>) src(%arg9 : memref<80x128xf32, #tpu.memory_space<vmem>>) dst(%dma_wait3A_227 : memref<80x128xf32, #tpu.memory_space<hbm>>)
      } else {
      }
      %dma_start3A = arith.constant 0 : i32
      %dma_start3A_50 = tpu.memref_slice %arg7[%add3A_31, %dma_start3A] : memref<50x80xi32, #tpu.memory_space<vmem>> -> memref<1x80xi32, #tpu.memory_space<vmem>>
      %dma_start3A_51 = tpu.memref_squeeze %dma_start3A_50 : memref<1x80xi32, #tpu.memory_space<vmem>> -> memref<80xi32, #tpu.memory_space<vmem>>
      %dma_start3A_52 = arith.constant 0 : i32
      %dma_start3A_53 = arith.constant 0 : i32
      %dma_start3A_54 = tpu.memref_slice %arg2[%dma_start3A_52, %dma_start3A_53] : memref<10000x128xf32, #tpu.memory_space<hbm>> -> memref<10000x128xf32, #tpu.memory_space<hbm>>
      tpu.enqueue_indirect_dma source(%dma_start3A_54 : memref<10000x128xf32, #tpu.memory_space<hbm>>) target(%arg9 : memref<80x128xf32, #tpu.memory_space<vmem>>) offsets(%dma_start3A_51 : memref<80xi32, #tpu.memory_space<vmem>>) semaphore(%arg14 : memref<!tpu.dma_semaphore, #tpu.memory_space<semaphore_mem>>)
      %gt3A_55 = arith.constant 0 : i32
      %gt3A_56 = arith.cmpi sgt, %scan3A_27, %gt3A_55 : i32
      %convert_element_type3A_57 = arith.extui %gt3A_56 : i1 to i32
      %cond3A_58 = arith.constant 0 : i32
      %cond3A_59 = arith.cmpi ne, %convert_element_type3A_57, %cond3A_58 : i32
      scf.if %cond3A_59 {
        %dma_wait3A_224 = arith.constant 0 : i32
        %dma_wait3A_225 = tpu.memref_slice %arg6[%mul3A_2, %dma_wait3A_224] : memref<128000x128xf32, #tpu.memory_space<hbm>> -> memref<80x128xf32, #tpu.memory_space<hbm>>
        %dma_wait3A_226 = arith.constant 0 : i32
        %dma_wait3A_227 = tpu.memref_slice %arg6[%mul3A_2, %dma_wait3A_226] : memref<128000x128xf32, #tpu.memory_space<hbm>> -> memref<80x128xf32, #tpu.memory_space<hbm>>
        tpu.wait_dma2 semaphore(%arg15 : memref<!tpu.dma_semaphore, #tpu.memory_space<semaphore_mem>>) src(%arg10 : memref<80x128xf32, #tpu.memory_space<vmem>>) dst(%dma_wait3A_227 : memref<80x128xf32, #tpu.memory_space<hbm>>)
      } else {
      }
      %dma_start3A_60 = arith.constant 0 : i32
      %dma_start3A_61 = tpu.memref_slice %arg7[%add3A_35, %dma_start3A_60] : memref<50x80xi32, #tpu.memory_space<vmem>> -> memref<1x80xi32, #tpu.memory_space<vmem>>
      %dma_start3A_62 = tpu.memref_squeeze %dma_start3A_61 : memref<1x80xi32, #tpu.memory_space<vmem>> -> memref<80xi32, #tpu.memory_space<vmem>>
      %dma_start3A_63 = arith.constant 0 : i32
      %dma_start3A_64 = arith.constant 0 : i32
      %dma_start3A_65 = tpu.memref_slice %arg2[%dma_start3A_63, %dma_start3A_64] : memref<10000x128xf32, #tpu.memory_space<hbm>> -> memref<10000x128xf32, #tpu.memory_space<hbm>>
      tpu.enqueue_indirect_dma source(%dma_start3A_65 : memref<10000x128xf32, #tpu.memory_space<hbm>>) target(%arg10 : memref<80x128xf32, #tpu.memory_space<vmem>>) offsets(%dma_start3A_62 : memref<80xi32, #tpu.memory_space<vmem>>) semaphore(%arg15 : memref<!tpu.dma_semaphore, #tpu.memory_space<semaphore_mem>>)
      %gt3A_66 = arith.constant 0 : i32
      %gt3A_67 = arith.cmpi sgt, %scan3A_27, %gt3A_66 : i32
      %convert_element_type3A_68 = arith.extui %gt3A_67 : i1 to i32
      %cond3A_69 = arith.constant 0 : i32
      %cond3A_70 = arith.cmpi ne, %convert_element_type3A_68, %cond3A_69 : i32
      scf.if %cond3A_70 {
        %dma_wait3A_224 = arith.constant 0 : i32
        %dma_wait3A_225 = tpu.memref_slice %arg6[%mul3A_2, %dma_wait3A_224] : memref<128000x128xf32, #tpu.memory_space<hbm>> -> memref<80x128xf32, #tpu.memory_space<hbm>>
        %dma_wait3A_226 = arith.constant 0 : i32
        %dma_wait3A_227 = tpu.memref_slice %arg6[%mul3A_2, %dma_wait3A_226] : memref<128000x128xf32, #tpu.memory_space<hbm>> -> memref<80x128xf32, #tpu.memory_space<hbm>>
        tpu.wait_dma2 semaphore(%arg16 : memref<!tpu.dma_semaphore, #tpu.memory_space<semaphore_mem>>) src(%arg11 : memref<80x128xf32, #tpu.memory_space<vmem>>) dst(%dma_wait3A_227 : memref<80x128xf32, #tpu.memory_space<hbm>>)
      } else {
      }
      %dma_start3A_71 = arith.constant 0 : i32
      %dma_start3A_72 = tpu.memref_slice %arg7[%add3A_39, %dma_start3A_71] : memref<50x80xi32, #tpu.memory_space<vmem>> -> memref<1x80xi32, #tpu.memory_space<vmem>>
      %dma_start3A_73 = tpu.memref_squeeze %dma_start3A_72 : memref<1x80xi32, #tpu.memory_space<vmem>> -> memref<80xi32, #tpu.memory_space<vmem>>
      %dma_start3A_74 = arith.constant 0 : i32
      %dma_start3A_75 = arith.constant 0 : i32
      %dma_start3A_76 = tpu.memref_slice %arg2[%dma_start3A_74, %dma_start3A_75] : memref<10000x128xf32, #tpu.memory_space<hbm>> -> memref<10000x128xf32, #tpu.memory_space<hbm>>
      tpu.enqueue_indirect_dma source(%dma_start3A_76 : memref<10000x128xf32, #tpu.memory_space<hbm>>) target(%arg11 : memref<80x128xf32, #tpu.memory_space<vmem>>) offsets(%dma_start3A_73 : memref<80xi32, #tpu.memory_space<vmem>>) semaphore(%arg16 : memref<!tpu.dma_semaphore, #tpu.memory_space<semaphore_mem>>)
      %gt3A_77 = arith.constant 0 : i32
      %gt3A_78 = arith.cmpi sgt, %scan3A_27, %gt3A_77 : i32
      %convert_element_type3A_79 = arith.extui %gt3A_78 : i1 to i32
      %cond3A_80 = arith.constant 0 : i32
      %cond3A_81 = arith.cmpi ne, %convert_element_type3A_79, %cond3A_80 : i32
      scf.if %cond3A_81 {
        %dma_wait3A_224 = arith.constant 0 : i32
        %dma_wait3A_225 = tpu.memref_slice %arg6[%mul3A_2, %dma_wait3A_224] : memref<128000x128xf32, #tpu.memory_space<hbm>> -> memref<80x128xf32, #tpu.memory_space<hbm>>
        %dma_wait3A_226 = arith.constant 0 : i32
        %dma_wait3A_227 = tpu.memref_slice %arg6[%mul3A_2, %dma_wait3A_226] : memref<128000x128xf32, #tpu.memory_space<hbm>> -> memref<80x128xf32, #tpu.memory_space<hbm>>
        tpu.wait_dma2 semaphore(%arg17 : memref<!tpu.dma_semaphore, #tpu.memory_space<semaphore_mem>>) src(%arg12 : memref<80x128xf32, #tpu.memory_space<vmem>>) dst(%dma_wait3A_227 : memref<80x128xf32, #tpu.memory_space<hbm>>)
      } else {
      }
      %dma_start3A_82 = arith.constant 0 : i32
      %dma_start3A_83 = tpu.memref_slice %arg7[%add3A_43, %dma_start3A_82] : memref<50x80xi32, #tpu.memory_space<vmem>> -> memref<1x80xi32, #tpu.memory_space<vmem>>
      %dma_start3A_84 = tpu.memref_squeeze %dma_start3A_83 : memref<1x80xi32, #tpu.memory_space<vmem>> -> memref<80xi32, #tpu.memory_space<vmem>>
      %dma_start3A_85 = arith.constant 0 : i32
      %dma_start3A_86 = arith.constant 0 : i32
      %dma_start3A_87 = tpu.memref_slice %arg2[%dma_start3A_85, %dma_start3A_86] : memref<10000x128xf32, #tpu.memory_space<hbm>> -> memref<10000x128xf32, #tpu.memory_space<hbm>>
      tpu.enqueue_indirect_dma source(%dma_start3A_87 : memref<10000x128xf32, #tpu.memory_space<hbm>>) target(%arg12 : memref<80x128xf32, #tpu.memory_space<vmem>>) offsets(%dma_start3A_84 : memref<80xi32, #tpu.memory_space<vmem>>) semaphore(%arg17 : memref<!tpu.dma_semaphore, #tpu.memory_space<semaphore_mem>>)
      %gt3A_88 = arith.constant 0 : i32
      %gt3A_89 = arith.cmpi sgt, %scan3A_27, %gt3A_88 : i32
      %convert_element_type3A_90 = arith.extui %gt3A_89 : i1 to i32
      %cond3A_91 = arith.constant 0 : i32
      %cond3A_92 = arith.cmpi ne, %convert_element_type3A_90, %cond3A_91 : i32
      scf.if %cond3A_92 {
        %dma_wait3A_224 = arith.constant 0 : i32
        %dma_wait3A_225 = tpu.memref_slice %arg6[%mul3A_2, %dma_wait3A_224] : memref<128000x128xf32, #tpu.memory_space<hbm>> -> memref<80x128xf32, #tpu.memory_space<hbm>>
        %dma_wait3A_226 = arith.constant 0 : i32
        %dma_wait3A_227 = tpu.memref_slice %arg6[%mul3A_2, %dma_wait3A_226] : memref<128000x128xf32, #tpu.memory_space<hbm>> -> memref<80x128xf32, #tpu.memory_space<hbm>>
        tpu.wait_dma2 semaphore(%arg18 : memref<!tpu.dma_semaphore, #tpu.memory_space<semaphore_mem>>) src(%arg13 : memref<80x128xf32, #tpu.memory_space<vmem>>) dst(%dma_wait3A_227 : memref<80x128xf32, #tpu.memory_space<hbm>>)
      } else {
      }
      %dma_start3A_93 = arith.constant 0 : i32
      %dma_start3A_94 = tpu.memref_slice %arg7[%add3A_47, %dma_start3A_93] : memref<50x80xi32, #tpu.memory_space<vmem>> -> memref<1x80xi32, #tpu.memory_space<vmem>>
      %dma_start3A_95 = tpu.memref_squeeze %dma_start3A_94 : memref<1x80xi32, #tpu.memory_space<vmem>> -> memref<80xi32, #tpu.memory_space<vmem>>
      %dma_start3A_96 = arith.constant 0 : i32
      %dma_start3A_97 = arith.constant 0 : i32
      %dma_start3A_98 = tpu.memref_slice %arg2[%dma_start3A_96, %dma_start3A_97] : memref<10000x128xf32, #tpu.memory_space<hbm>> -> memref<10000x128xf32, #tpu.memory_space<hbm>>
      tpu.enqueue_indirect_dma source(%dma_start3A_98 : memref<10000x128xf32, #tpu.memory_space<hbm>>) target(%arg13 : memref<80x128xf32, #tpu.memory_space<vmem>>) offsets(%dma_start3A_95 : memref<80xi32, #tpu.memory_space<vmem>>) semaphore(%arg18 : memref<!tpu.dma_semaphore, #tpu.memory_space<semaphore_mem>>)
      %dma_wait3A_99 = arith.constant 0 : i32
      %dma_wait3A_100 = tpu.memref_slice %arg7[%add3A_31, %dma_wait3A_99] : memref<50x80xi32, #tpu.memory_space<vmem>> -> memref<1x80xi32, #tpu.memory_space<vmem>>
      %dma_wait3A_101 = tpu.memref_squeeze %dma_wait3A_100 : memref<1x80xi32, #tpu.memory_space<vmem>> -> memref<80xi32, #tpu.memory_space<vmem>>
      %dma_wait3A_102 = arith.constant 0 : i32
      %dma_wait3A_103 = arith.constant 0 : i32
      %dma_wait3A_104 = tpu.memref_slice %arg2[%dma_wait3A_102, %dma_wait3A_103] : memref<10000x128xf32, #tpu.memory_space<hbm>> -> memref<10000x128xf32, #tpu.memory_space<hbm>>
      tpu.wait_indirect_dma semaphore(%arg14 : memref<!tpu.dma_semaphore, #tpu.memory_space<semaphore_mem>>) src(%dma_wait3A_104 : memref<10000x128xf32, #tpu.memory_space<hbm>>) dst(%arg9 : memref<80x128xf32, #tpu.memory_space<vmem>>)
      %dma_start3A_105 = arith.constant 0 : i32
      %dma_start3A_106 = tpu.memref_slice %arg8[%add3A_31, %dma_start3A_105] : memref<50x80xi32, #tpu.memory_space<vmem>> -> memref<1x80xi32, #tpu.memory_space<vmem>>
      %dma_start3A_107 = tpu.memref_squeeze %dma_start3A_106 : memref<1x80xi32, #tpu.memory_space<vmem>> -> memref<80xi32, #tpu.memory_space<vmem>>
      %dma_start3A_108 = arith.constant 0 : i32
      %dma_start3A_109 = arith.constant 0 : i32
      %dma_start3A_110 = tpu.memref_slice %arg3[%dma_start3A_108, %dma_start3A_109] : memref<10000x128xf32, #tpu.memory_space<hbm>> -> memref<10000x128xf32, #tpu.memory_space<hbm>>
      tpu.enqueue_indirect_dma source(%dma_start3A_110 : memref<10000x128xf32, #tpu.memory_space<hbm>>) target(%arg9 : memref<80x128xf32, #tpu.memory_space<vmem>>) offsets(%dma_start3A_107 : memref<80xi32, #tpu.memory_space<vmem>>) semaphore(%arg14 : memref<!tpu.dma_semaphore, #tpu.memory_space<semaphore_mem>>) {add = true}
      %dma_wait3A_111 = arith.constant 0 : i32
      %dma_wait3A_112 = tpu.memref_slice %arg7[%add3A_35, %dma_wait3A_111] : memref<50x80xi32, #tpu.memory_space<vmem>> -> memref<1x80xi32, #tpu.memory_space<vmem>>
      %dma_wait3A_113 = tpu.memref_squeeze %dma_wait3A_112 : memref<1x80xi32, #tpu.memory_space<vmem>> -> memref<80xi32, #tpu.memory_space<vmem>>
      %dma_wait3A_114 = arith.constant 0 : i32
      %dma_wait3A_115 = arith.constant 0 : i32
      %dma_wait3A_116 = tpu.memref_slice %arg2[%dma_wait3A_114, %dma_wait3A_115] : memref<10000x128xf32, #tpu.memory_space<hbm>> -> memref<10000x128xf32, #tpu.memory_space<hbm>>
      tpu.wait_indirect_dma semaphore(%arg15 : memref<!tpu.dma_semaphore, #tpu.memory_space<semaphore_mem>>) src(%dma_wait3A_116 : memref<10000x128xf32, #tpu.memory_space<hbm>>) dst(%arg10 : memref<80x128xf32, #tpu.memory_space<vmem>>)
      %dma_start3A_117 = arith.constant 0 : i32
      %dma_start3A_118 = tpu.memref_slice %arg8[%add3A_35, %dma_start3A_117] : memref<50x80xi32, #tpu.memory_space<vmem>> -> memref<1x80xi32, #tpu.memory_space<vmem>>
      %dma_start3A_119 = tpu.memref_squeeze %dma_start3A_118 : memref<1x80xi32, #tpu.memory_space<vmem>> -> memref<80xi32, #tpu.memory_space<vmem>>
      %dma_start3A_120 = arith.constant 0 : i32
      %dma_start3A_121 = arith.constant 0 : i32
      %dma_start3A_122 = tpu.memref_slice %arg3[%dma_start3A_120, %dma_start3A_121] : memref<10000x128xf32, #tpu.memory_space<hbm>> -> memref<10000x128xf32, #tpu.memory_space<hbm>>
      tpu.enqueue_indirect_dma source(%dma_start3A_122 : memref<10000x128xf32, #tpu.memory_space<hbm>>) target(%arg10 : memref<80x128xf32, #tpu.memory_space<vmem>>) offsets(%dma_start3A_119 : memref<80xi32, #tpu.memory_space<vmem>>) semaphore(%arg15 : memref<!tpu.dma_semaphore, #tpu.memory_space<semaphore_mem>>) {add = true}
      %dma_wait3A_123 = arith.constant 0 : i32
      %dma_wait3A_124 = tpu.memref_slice %arg7[%add3A_39, %dma_wait3A_123] : memref<50x80xi32, #tpu.memory_space<vmem>> -> memref<1x80xi32, #tpu.memory_space<vmem>>
      %dma_wait3A_125 = tpu.memref_squeeze %dma_wait3A_124 : memref<1x80xi32, #tpu.memory_space<vmem>> -> memref<80xi32, #tpu.memory_space<vmem>>
      %dma_wait3A_126 = arith.constant 0 : i32
      %dma_wait3A_127 = arith.constant 0 : i32
      %dma_wait3A_128 = tpu.memref_slice %arg2[%dma_wait3A_126, %dma_wait3A_127] : memref<10000x128xf32, #tpu.memory_space<hbm>> -> memref<10000x128xf32, #tpu.memory_space<hbm>>
      tpu.wait_indirect_dma semaphore(%arg16 : memref<!tpu.dma_semaphore, #tpu.memory_space<semaphore_mem>>) src(%dma_wait3A_128 : memref<10000x128xf32, #tpu.memory_space<hbm>>) dst(%arg11 : memref<80x128xf32, #tpu.memory_space<vmem>>)
      %dma_start3A_129 = arith.constant 0 : i32
      %dma_start3A_130 = tpu.memref_slice %arg8[%add3A_39, %dma_start3A_129] : memref<50x80xi32, #tpu.memory_space<vmem>> -> memref<1x80xi32, #tpu.memory_space<vmem>>
      %dma_start3A_131 = tpu.memref_squeeze %dma_start3A_130 : memref<1x80xi32, #tpu.memory_space<vmem>> -> memref<80xi32, #tpu.memory_space<vmem>>
      %dma_start3A_132 = arith.constant 0 : i32
      %dma_start3A_133 = arith.constant 0 : i32
      %dma_start3A_134 = tpu.memref_slice %arg3[%dma_start3A_132, %dma_start3A_133] : memref<10000x128xf32, #tpu.memory_space<hbm>> -> memref<10000x128xf32, #tpu.memory_space<hbm>>
      tpu.enqueue_indirect_dma source(%dma_start3A_134 : memref<10000x128xf32, #tpu.memory_space<hbm>>) target(%arg11 : memref<80x128xf32, #tpu.memory_space<vmem>>) offsets(%dma_start3A_131 : memref<80xi32, #tpu.memory_space<vmem>>) semaphore(%arg16 : memref<!tpu.dma_semaphore, #tpu.memory_space<semaphore_mem>>) {add = true}
      %dma_wait3A_135 = arith.constant 0 : i32
      %dma_wait3A_136 = tpu.memref_slice %arg7[%add3A_43, %dma_wait3A_135] : memref<50x80xi32, #tpu.memory_space<vmem>> -> memref<1x80xi32, #tpu.memory_space<vmem>>
      %dma_wait3A_137 = tpu.memref_squeeze %dma_wait3A_136 : memref<1x80xi32, #tpu.memory_space<vmem>> -> memref<80xi32, #tpu.memory_space<vmem>>
      %dma_wait3A_138 = arith.constant 0 : i32
      %dma_wait3A_139 = arith.constant 0 : i32
      %dma_wait3A_140 = tpu.memref_slice %arg2[%dma_wait3A_138, %dma_wait3A_139] : memref<10000x128xf32, #tpu.memory_space<hbm>> -> memref<10000x128xf32, #tpu.memory_space<hbm>>
      tpu.wait_indirect_dma semaphore(%arg17 : memref<!tpu.dma_semaphore, #tpu.memory_space<semaphore_mem>>) src(%dma_wait3A_140 : memref<10000x128xf32, #tpu.memory_space<hbm>>) dst(%arg12 : memref<80x128xf32, #tpu.memory_space<vmem>>)
      %dma_start3A_141 = arith.constant 0 : i32
      %dma_start3A_142 = tpu.memref_slice %arg8[%add3A_43, %dma_start3A_141] : memref<50x80xi32, #tpu.memory_space<vmem>> -> memref<1x80xi32, #tpu.memory_space<vmem>>
      %dma_start3A_143 = tpu.memref_squeeze %dma_start3A_142 : memref<1x80xi32, #tpu.memory_space<vmem>> -> memref<80xi32, #tpu.memory_space<vmem>>
      %dma_start3A_144 = arith.constant 0 : i32
      %dma_start3A_145 = arith.constant 0 : i32
      %dma_start3A_146 = tpu.memref_slice %arg3[%dma_start3A_144, %dma_start3A_145] : memref<10000x128xf32, #tpu.memory_space<hbm>> -> memref<10000x128xf32, #tpu.memory_space<hbm>>
      tpu.enqueue_indirect_dma source(%dma_start3A_146 : memref<10000x128xf32, #tpu.memory_space<hbm>>) target(%arg12 : memref<80x128xf32, #tpu.memory_space<vmem>>) offsets(%dma_start3A_143 : memref<80xi32, #tpu.memory_space<vmem>>) semaphore(%arg17 : memref<!tpu.dma_semaphore, #tpu.memory_space<semaphore_mem>>) {add = true}
      %dma_wait3A_147 = arith.constant 0 : i32
      %dma_wait3A_148 = tpu.memref_slice %arg7[%add3A_47, %dma_wait3A_147] : memref<50x80xi32, #tpu.memory_space<vmem>> -> memref<1x80xi32, #tpu.memory_space<vmem>>
      %dma_wait3A_149 = tpu.memref_squeeze %dma_wait3A_148 : memref<1x80xi32, #tpu.memory_space<vmem>> -> memref<80xi32, #tpu.memory_space<vmem>>
      %dma_wait3A_150 = arith.constant 0 : i32
      %dma_wait3A_151 = arith.constant 0 : i32
      %dma_wait3A_152 = tpu.memref_slice %arg2[%dma_wait3A_150, %dma_wait3A_151] : memref<10000x128xf32, #tpu.memory_space<hbm>> -> memref<10000x128xf32, #tpu.memory_space<hbm>>
      tpu.wait_indirect_dma semaphore(%arg18 : memref<!tpu.dma_semaphore, #tpu.memory_space<semaphore_mem>>) src(%dma_wait3A_152 : memref<10000x128xf32, #tpu.memory_space<hbm>>) dst(%arg13 : memref<80x128xf32, #tpu.memory_space<vmem>>)
      %dma_start3A_153 = arith.constant 0 : i32
      %dma_start3A_154 = tpu.memref_slice %arg8[%add3A_47, %dma_start3A_153] : memref<50x80xi32, #tpu.memory_space<vmem>> -> memref<1x80xi32, #tpu.memory_space<vmem>>
      %dma_start3A_155 = tpu.memref_squeeze %dma_start3A_154 : memref<1x80xi32, #tpu.memory_space<vmem>> -> memref<80xi32, #tpu.memory_space<vmem>>
      %dma_start3A_156 = arith.constant 0 : i32
      %dma_start3A_157 = arith.constant 0 : i32
      %dma_start3A_158 = tpu.memref_slice %arg3[%dma_start3A_156, %dma_start3A_157] : memref<10000x128xf32, #tpu.memory_space<hbm>> -> memref<10000x128xf32, #tpu.memory_space<hbm>>
      tpu.enqueue_indirect_dma source(%dma_start3A_158 : memref<10000x128xf32, #tpu.memory_space<hbm>>) target(%arg13 : memref<80x128xf32, #tpu.memory_space<vmem>>) offsets(%dma_start3A_155 : memref<80xi32, #tpu.memory_space<vmem>>) semaphore(%arg18 : memref<!tpu.dma_semaphore, #tpu.memory_space<semaphore_mem>>) {add = true}
      %dma_wait3A_159 = arith.constant 0 : i32
      %dma_wait3A_160 = tpu.memref_slice %arg8[%add3A_31, %dma_wait3A_159] : memref<50x80xi32, #tpu.memory_space<vmem>> -> memref<1x80xi32, #tpu.memory_space<vmem>>
      %dma_wait3A_161 = tpu.memref_squeeze %dma_wait3A_160 : memref<1x80xi32, #tpu.memory_space<vmem>> -> memref<80xi32, #tpu.memory_space<vmem>>
      %dma_wait3A_162 = arith.constant 0 : i32
      %dma_wait3A_163 = arith.constant 0 : i32
      %dma_wait3A_164 = tpu.memref_slice %arg3[%dma_wait3A_162, %dma_wait3A_163] : memref<10000x128xf32, #tpu.memory_space<hbm>> -> memref<10000x128xf32, #tpu.memory_space<hbm>>
      tpu.wait_indirect_dma semaphore(%arg14 : memref<!tpu.dma_semaphore, #tpu.memory_space<semaphore_mem>>) src(%dma_wait3A_164 : memref<10000x128xf32, #tpu.memory_space<hbm>>) dst(%arg9 : memref<80x128xf32, #tpu.memory_space<vmem>>)
      %mul3A_165 = arith.constant 80 : i32
      %mul3A_166 = arith.muli %add3A_31, %mul3A_165 : i32
      %add3A_167 = arith.addi %mul3A_2, %mul3A_166 : i32
      %dma_start3A_168 = arith.constant 0 : i32
      %dma_start3A_169 = tpu.memref_slice %arg6[%add3A_167, %dma_start3A_168] : memref<128000x128xf32, #tpu.memory_space<hbm>> -> memref<80x128xf32, #tpu.memory_space<hbm>>
      %dma_start3A_170 = arith.constant 0 : i32
      %dma_start3A_171 = tpu.memref_slice %arg6[%add3A_167, %dma_start3A_170] : memref<128000x128xf32, #tpu.memory_space<hbm>> -> memref<80x128xf32, #tpu.memory_space<hbm>>
      tpu.enqueue_dma source(%arg9 : memref<80x128xf32, #tpu.memory_space<vmem>>) target(%dma_start3A_171 : memref<80x128xf32, #tpu.memory_space<hbm>>) target_semaphore(%arg14 : memref<!tpu.dma_semaphore, #tpu.memory_space<semaphore_mem>>)
      %dma_wait3A_172 = arith.constant 0 : i32
      %dma_wait3A_173 = tpu.memref_slice %arg8[%add3A_35, %dma_wait3A_172] : memref<50x80xi32, #tpu.memory_space<vmem>> -> memref<1x80xi32, #tpu.memory_space<vmem>>
      %dma_wait3A_174 = tpu.memref_squeeze %dma_wait3A_173 : memref<1x80xi32, #tpu.memory_space<vmem>> -> memref<80xi32, #tpu.memory_space<vmem>>
      %dma_wait3A_175 = arith.constant 0 : i32
      %dma_wait3A_176 = arith.constant 0 : i32
      %dma_wait3A_177 = tpu.memref_slice %arg3[%dma_wait3A_175, %dma_wait3A_176] : memref<10000x128xf32, #tpu.memory_space<hbm>> -> memref<10000x128xf32, #tpu.memory_space<hbm>>
      tpu.wait_indirect_dma semaphore(%arg15 : memref<!tpu.dma_semaphore, #tpu.memory_space<semaphore_mem>>) src(%dma_wait3A_177 : memref<10000x128xf32, #tpu.memory_space<hbm>>) dst(%arg10 : memref<80x128xf32, #tpu.memory_space<vmem>>)
      %mul3A_178 = arith.constant 80 : i32
      %mul3A_179 = arith.muli %add3A_35, %mul3A_178 : i32
      %add3A_180 = arith.addi %mul3A_2, %mul3A_179 : i32
      %dma_start3A_181 = arith.constant 0 : i32
      %dma_start3A_182 = tpu.memref_slice %arg6[%add3A_180, %dma_start3A_181] : memref<128000x128xf32, #tpu.memory_space<hbm>> -> memref<80x128xf32, #tpu.memory_space<hbm>>
      %dma_start3A_183 = arith.constant 0 : i32
      %dma_start3A_184 = tpu.memref_slice %arg6[%add3A_180, %dma_start3A_183] : memref<128000x128xf32, #tpu.memory_space<hbm>> -> memref<80x128xf32, #tpu.memory_space<hbm>>
      tpu.enqueue_dma source(%arg10 : memref<80x128xf32, #tpu.memory_space<vmem>>) target(%dma_start3A_184 : memref<80x128xf32, #tpu.memory_space<hbm>>) target_semaphore(%arg15 : memref<!tpu.dma_semaphore, #tpu.memory_space<semaphore_mem>>)
      %dma_wait3A_185 = arith.constant 0 : i32
      %dma_wait3A_186 = tpu.memref_slice %arg8[%add3A_39, %dma_wait3A_185] : memref<50x80xi32, #tpu.memory_space<vmem>> -> memref<1x80xi32, #tpu.memory_space<vmem>>
      %dma_wait3A_187 = tpu.memref_squeeze %dma_wait3A_186 : memref<1x80xi32, #tpu.memory_space<vmem>> -> memref<80xi32, #tpu.memory_space<vmem>>
      %dma_wait3A_188 = arith.constant 0 : i32
      %dma_wait3A_189 = arith.constant 0 : i32
      %dma_wait3A_190 = tpu.memref_slice %arg3[%dma_wait3A_188, %dma_wait3A_189] : memref<10000x128xf32, #tpu.memory_space<hbm>> -> memref<10000x128xf32, #tpu.memory_space<hbm>>
      tpu.wait_indirect_dma semaphore(%arg16 : memref<!tpu.dma_semaphore, #tpu.memory_space<semaphore_mem>>) src(%dma_wait3A_190 : memref<10000x128xf32, #tpu.memory_space<hbm>>) dst(%arg11 : memref<80x128xf32, #tpu.memory_space<vmem>>)
      %mul3A_191 = arith.constant 80 : i32
      %mul3A_192 = arith.muli %add3A_39, %mul3A_191 : i32
      %add3A_193 = arith.addi %mul3A_2, %mul3A_192 : i32
      %dma_start3A_194 = arith.constant 0 : i32
      %dma_start3A_195 = tpu.memref_slice %arg6[%add3A_193, %dma_start3A_194] : memref<128000x128xf32, #tpu.memory_space<hbm>> -> memref<80x128xf32, #tpu.memory_space<hbm>>
      %dma_start3A_196 = arith.constant 0 : i32
      %dma_start3A_197 = tpu.memref_slice %arg6[%add3A_193, %dma_start3A_196] : memref<128000x128xf32, #tpu.memory_space<hbm>> -> memref<80x128xf32, #tpu.memory_space<hbm>>
      tpu.enqueue_dma source(%arg11 : memref<80x128xf32, #tpu.memory_space<vmem>>) target(%dma_start3A_197 : memref<80x128xf32, #tpu.memory_space<hbm>>) target_semaphore(%arg16 : memref<!tpu.dma_semaphore, #tpu.memory_space<semaphore_mem>>)
      %dma_wait3A_198 = arith.constant 0 : i32
      %dma_wait3A_199 = tpu.memref_slice %arg8[%add3A_43, %dma_wait3A_198] : memref<50x80xi32, #tpu.memory_space<vmem>> -> memref<1x80xi32, #tpu.memory_space<vmem>>
      %dma_wait3A_200 = tpu.memref_squeeze %dma_wait3A_199 : memref<1x80xi32, #tpu.memory_space<vmem>> -> memref<80xi32, #tpu.memory_space<vmem>>
      %dma_wait3A_201 = arith.constant 0 : i32
      %dma_wait3A_202 = arith.constant 0 : i32
      %dma_wait3A_203 = tpu.memref_slice %arg3[%dma_wait3A_201, %dma_wait3A_202] : memref<10000x128xf32, #tpu.memory_space<hbm>> -> memref<10000x128xf32, #tpu.memory_space<hbm>>
      tpu.wait_indirect_dma semaphore(%arg17 : memref<!tpu.dma_semaphore, #tpu.memory_space<semaphore_mem>>) src(%dma_wait3A_203 : memref<10000x128xf32, #tpu.memory_space<hbm>>) dst(%arg12 : memref<80x128xf32, #tpu.memory_space<vmem>>)
      %mul3A_204 = arith.constant 80 : i32
      %mul3A_205 = arith.muli %add3A_43, %mul3A_204 : i32
      %add3A_206 = arith.addi %mul3A_2, %mul3A_205 : i32
      %dma_start3A_207 = arith.constant 0 : i32
      %dma_start3A_208 = tpu.memref_slice %arg6[%add3A_206, %dma_start3A_207] : memref<128000x128xf32, #tpu.memory_space<hbm>> -> memref<80x128xf32, #tpu.memory_space<hbm>>
      %dma_start3A_209 = arith.constant 0 : i32
      %dma_start3A_210 = tpu.memref_slice %arg6[%add3A_206, %dma_start3A_209] : memref<128000x128xf32, #tpu.memory_space<hbm>> -> memref<80x128xf32, #tpu.memory_space<hbm>>
      tpu.enqueue_dma source(%arg12 : memref<80x128xf32, #tpu.memory_space<vmem>>) target(%dma_start3A_210 : memref<80x128xf32, #tpu.memory_space<hbm>>) target_semaphore(%arg17 : memref<!tpu.dma_semaphore, #tpu.memory_space<semaphore_mem>>)
      %dma_wait3A_211 = arith.constant 0 : i32
      %dma_wait3A_212 = tpu.memref_slice %arg8[%add3A_47, %dma_wait3A_211] : memref<50x80xi32, #tpu.memory_space<vmem>> -> memref<1x80xi32, #tpu.memory_space<vmem>>
      %dma_wait3A_213 = tpu.memref_squeeze %dma_wait3A_212 : memref<1x80xi32, #tpu.memory_space<vmem>> -> memref<80xi32, #tpu.memory_space<vmem>>
      %dma_wait3A_214 = arith.constant 0 : i32
      %dma_wait3A_215 = arith.constant 0 : i32
      %dma_wait3A_216 = tpu.memref_slice %arg3[%dma_wait3A_214, %dma_wait3A_215] : memref<10000x128xf32, #tpu.memory_space<hbm>> -> memref<10000x128xf32, #tpu.memory_space<hbm>>
      tpu.wait_indirect_dma semaphore(%arg18 : memref<!tpu.dma_semaphore, #tpu.memory_space<semaphore_mem>>) src(%dma_wait3A_216 : memref<10000x128xf32, #tpu.memory_space<hbm>>) dst(%arg13 : memref<80x128xf32, #tpu.memory_space<vmem>>)
      %mul3A_217 = arith.constant 80 : i32
      %mul3A_218 = arith.muli %add3A_47, %mul3A_217 : i32
      %add3A_219 = arith.addi %mul3A_2, %mul3A_218 : i32
      %dma_start3A_220 = arith.constant 0 : i32
      %dma_start3A_221 = tpu.memref_slice %arg6[%add3A_219, %dma_start3A_220] : memref<128000x128xf32, #tpu.memory_space<hbm>> -> memref<80x128xf32, #tpu.memory_space<hbm>>
      %dma_start3A_222 = arith.constant 0 : i32
      %dma_start3A_223 = tpu.memref_slice %arg6[%add3A_219, %dma_start3A_222] : memref<128000x128xf32, #tpu.memory_space<hbm>> -> memref<80x128xf32, #tpu.memory_space<hbm>>
      tpu.enqueue_dma source(%arg13 : memref<80x128xf32, #tpu.memory_space<vmem>>) target(%dma_start3A_223 : memref<80x128xf32, #tpu.memory_space<hbm>>) target_semaphore(%arg18 : memref<!tpu.dma_semaphore, #tpu.memory_space<semaphore_mem>>)
    }
    %scan3A_7 = arith.constant 10 : i32
    %dma_wait3A = arith.constant 0 : i32
    %dma_wait3A_8 = tpu.memref_slice %arg6[%mul3A_2, %dma_wait3A] : memref<128000x128xf32, #tpu.memory_space<hbm>> -> memref<80x128xf32, #tpu.memory_space<hbm>>
    %dma_wait3A_9 = arith.constant 0 : i32
    %dma_wait3A_10 = tpu.memref_slice %arg6[%mul3A_2, %dma_wait3A_9] : memref<128000x128xf32, #tpu.memory_space<hbm>> -> memref<80x128xf32, #tpu.memory_space<hbm>>
    tpu.wait_dma2 semaphore(%arg14 : memref<!tpu.dma_semaphore, #tpu.memory_space<semaphore_mem>>) src(%arg9 : memref<80x128xf32, #tpu.memory_space<vmem>>) dst(%dma_wait3A_10 : memref<80x128xf32, #tpu.memory_space<hbm>>)
    %dma_wait3A_11 = arith.constant 0 : i32
    %dma_wait3A_12 = tpu.memref_slice %arg6[%mul3A_2, %dma_wait3A_11] : memref<128000x128xf32, #tpu.memory_space<hbm>> -> memref<80x128xf32, #tpu.memory_space<hbm>>
    %dma_wait3A_13 = arith.constant 0 : i32
    %dma_wait3A_14 = tpu.memref_slice %arg6[%mul3A_2, %dma_wait3A_13] : memref<128000x128xf32, #tpu.memory_space<hbm>> -> memref<80x128xf32, #tpu.memory_space<hbm>>
    tpu.wait_dma2 semaphore(%arg15 : memref<!tpu.dma_semaphore, #tpu.memory_space<semaphore_mem>>) src(%arg10 : memref<80x128xf32, #tpu.memory_space<vmem>>) dst(%dma_wait3A_14 : memref<80x128xf32, #tpu.memory_space<hbm>>)
    %dma_wait3A_15 = arith.constant 0 : i32
    %dma_wait3A_16 = tpu.memref_slice %arg6[%mul3A_2, %dma_wait3A_15] : memref<128000x128xf32, #tpu.memory_space<hbm>> -> memref<80x128xf32, #tpu.memory_space<hbm>>
    %dma_wait3A_17 = arith.constant 0 : i32
    %dma_wait3A_18 = tpu.memref_slice %arg6[%mul3A_2, %dma_wait3A_17] : memref<128000x128xf32, #tpu.memory_space<hbm>> -> memref<80x128xf32, #tpu.memory_space<hbm>>
    tpu.wait_dma2 semaphore(%arg16 : memref<!tpu.dma_semaphore, #tpu.memory_space<semaphore_mem>>) src(%arg11 : memref<80x128xf32, #tpu.memory_space<vmem>>) dst(%dma_wait3A_18 : memref<80x128xf32, #tpu.memory_space<hbm>>)
    %dma_wait3A_19 = arith.constant 0 : i32
    %dma_wait3A_20 = tpu.memref_slice %arg6[%mul3A_2, %dma_wait3A_19] : memref<128000x128xf32, #tpu.memory_space<hbm>> -> memref<80x128xf32, #tpu.memory_space<hbm>>
    %dma_wait3A_21 = arith.constant 0 : i32
    %dma_wait3A_22 = tpu.memref_slice %arg6[%mul3A_2, %dma_wait3A_21] : memref<128000x128xf32, #tpu.memory_space<hbm>> -> memref<80x128xf32, #tpu.memory_space<hbm>>
    tpu.wait_dma2 semaphore(%arg17 : memref<!tpu.dma_semaphore, #tpu.memory_space<semaphore_mem>>) src(%arg12 : memref<80x128xf32, #tpu.memory_space<vmem>>) dst(%dma_wait3A_22 : memref<80x128xf32, #tpu.memory_space<hbm>>)
    %dma_wait3A_23 = arith.constant 0 : i32
    %dma_wait3A_24 = tpu.memref_slice %arg6[%mul3A_2, %dma_wait3A_23] : memref<128000x128xf32, #tpu.memory_space<hbm>> -> memref<80x128xf32, #tpu.memory_space<hbm>>
    %dma_wait3A_25 = arith.constant 0 : i32
    %dma_wait3A_26 = tpu.memref_slice %arg6[%mul3A_2, %dma_wait3A_25] : memref<128000x128xf32, #tpu.memory_space<hbm>> -> memref<80x128xf32, #tpu.memory_space<hbm>>
    tpu.wait_dma2 semaphore(%arg18 : memref<!tpu.dma_semaphore, #tpu.memory_space<semaphore_mem>>) src(%arg13 : memref<80x128xf32, #tpu.memory_space<vmem>>) dst(%dma_wait3A_26 : memref<80x128xf32, #tpu.memory_space<hbm>>)
    return
  }
}

#map = affine_map<(d0, d1) -> (0, 0)>
#map1 = affine_map<(d0, d1) -> (0, 0, 0, 0)>
module attributes {stable_mosaic.version = 14 : i64} {
  func.func @_gather_body(%arg0: i32, %arg1: i32, %arg2: memref<10000x128xf32, #tpu.memory_space<hbm>>, %arg3: memref<10000x128xf32, #tpu.memory_space<hbm>>, %arg4: memref<2x16x50x80xi32, #tpu.memory_space<hbm>>, %arg5: memref<2x16x50x80xi32, #tpu.memory_space<hbm>>, %arg6: memref<128000x128xf32, #tpu.memory_space<hbm>>, %arg7: memref<50x80xi32, #tpu.memory_space<vmem>>, %arg8: memref<50x80xi32, #tpu.memory_space<vmem>>, %arg9: memref<80x128xf32, #tpu.memory_space<vmem>>, %arg10: memref<80x128xf32, #tpu.memory_space<vmem>>, %arg11: memref<80x128xf32, #tpu.memory_space<vmem>>, %arg12: memref<80x128xf32, #tpu.memory_space<vmem>>, %arg13: memref<80x128xf32, #tpu.memory_space<vmem>>, %arg14: memref<!tpu.dma_semaphore, #tpu.memory_space<semaphore_mem>>, %arg15: memref<!tpu.dma_semaphore, #tpu.memory_space<semaphore_mem>>, %arg16: memref<!tpu.dma_semaphore, #tpu.memory_space<semaphore_mem>>, %arg17: memref<!tpu.dma_semaphore, #tpu.memory_space<semaphore_mem>>, %arg18: memref<!tpu.dma_semaphore, #tpu.memory_space<semaphore_mem>>) attributes {dimension_semantics = [#tpu.dimension_semantics<core_parallel>, #tpu.dimension_semantics<subcore_parallel>], iteration_bounds = array<i64: 2, 16>, scalar_prefetch = 0 : i64, scratch_operands = 12 : i64, tpu.core_type = #tpu.core_type<sc_vector_subcore>, window_params = [{transform_indices = #map}, {transform_indices = #map}, {transform_indices = #map1}, {transform_indices = #map1}, {transform_indices = #map}]} {
    %mul3A = arith.constant 16 : i32
    %mul3A_0 = arith.muli %arg0, %mul3A : i32
    %add3A = arith.addi %mul3A_0, %arg1 : i32
    %mul3A_1 = arith.constant 4000 : i32
    %mul3A_2 = arith.muli %add3A, %mul3A_1 : i32
    "tpu.region"() ({
      %run_scoped3A = tpu.sem_alloc : memref<!tpu.dma_semaphore, #tpu.memory_space<semaphore_mem>>
      %dma_start3A = arith.constant 0 : i32
      %dma_start3A_27 = arith.constant 0 : i32
      %dma_start3A_28 = tpu.memref_slice %arg4[%arg0, %arg1, %dma_start3A, %dma_start3A_27] : memref<2x16x50x80xi32, #tpu.memory_space<hbm>> -> memref<1x1x50x80xi32, #tpu.memory_space<hbm>>
      %dma_start3A_29 = tpu.memref_squeeze %dma_start3A_28 : memref<1x1x50x80xi32, #tpu.memory_space<hbm>> -> memref<50x80xi32, #tpu.memory_space<hbm>>
      %dma_start3A_30 = arith.constant 0 : i32
      %dma_start3A_31 = arith.constant 0 : i32
      %dma_start3A_32 = tpu.memref_slice %arg4[%arg0, %arg1, %dma_start3A_30, %dma_start3A_31] : memref<2x16x50x80xi32, #tpu.memory_space<hbm>> -> memref<1x1x50x80xi32, #tpu.memory_space<hbm>>
      %dma_start3A_33 = tpu.memref_squeeze %dma_start3A_32 : memref<1x1x50x80xi32, #tpu.memory_space<hbm>> -> memref<50x80xi32, #tpu.memory_space<hbm>>
      tpu.enqueue_dma source(%dma_start3A_33 : memref<50x80xi32, #tpu.memory_space<hbm>>) target(%arg7 : memref<50x80xi32, #tpu.memory_space<vmem>>) target_semaphore(%run_scoped3A : memref<!tpu.dma_semaphore, #tpu.memory_space<semaphore_mem>>)
      %dma_wait3A_34 = arith.constant 0 : i32
      %dma_wait3A_35 = arith.constant 0 : i32
      %dma_wait3A_36 = tpu.memref_slice %arg4[%arg0, %arg1, %dma_wait3A_34, %dma_wait3A_35] : memref<2x16x50x80xi32, #tpu.memory_space<hbm>> -> memref<1x1x50x80xi32, #tpu.memory_space<hbm>>
      %dma_wait3A_37 = tpu.memref_squeeze %dma_wait3A_36 : memref<1x1x50x80xi32, #tpu.memory_space<hbm>> -> memref<50x80xi32, #tpu.memory_space<hbm>>
      %dma_wait3A_38 = arith.constant 0 : i32
      %dma_wait3A_39 = arith.constant 0 : i32
      %dma_wait3A_40 = tpu.memref_slice %arg4[%arg0, %arg1, %dma_wait3A_38, %dma_wait3A_39] : memref<2x16x50x80xi32, #tpu.memory_space<hbm>> -> memref<1x1x50x80xi32, #tpu.memory_space<hbm>>
      %dma_wait3A_41 = tpu.memref_squeeze %dma_wait3A_40 : memref<1x1x50x80xi32, #tpu.memory_space<hbm>> -> memref<50x80xi32, #tpu.memory_space<hbm>>
      tpu.wait_dma2 semaphore(%run_scoped3A : memref<!tpu.dma_semaphore, #tpu.memory_space<semaphore_mem>>) src(%dma_wait3A_41 : memref<50x80xi32, #tpu.memory_space<hbm>>) dst(%arg7 : memref<50x80xi32, #tpu.memory_space<vmem>>)
      tpu.yield
    }) : () -> ()
    "tpu.region"() ({
      %run_scoped3A = tpu.sem_alloc : memref<!tpu.dma_semaphore, #tpu.memory_space<semaphore_mem>>
      %dma_start3A = arith.constant 0 : i32
      %dma_start3A_27 = arith.constant 0 : i32
      %dma_start3A_28 = tpu.memref_slice %arg5[%arg0, %arg1, %dma_start3A, %dma_start3A_27] : memref<2x16x50x80xi32, #tpu.memory_space<hbm>> -> memref<1x1x50x80xi32, #tpu.memory_space<hbm>>
      %dma_start3A_29 = tpu.memref_squeeze %dma_start3A_28 : memref<1x1x50x80xi32, #tpu.memory_space<hbm>> -> memref<50x80xi32, #tpu.memory_space<hbm>>
      %dma_start3A_30 = arith.constant 0 : i32
      %dma_start3A_31 = arith.constant 0 : i32
      %dma_start3A_32 = tpu.memref_slice %arg5[%arg0, %arg1, %dma_start3A_30, %dma_start3A_31] : memref<2x16x50x80xi32, #tpu.memory_space<hbm>> -> memref<1x1x50x80xi32, #tpu.memory_space<hbm>>
      %dma_start3A_33 = tpu.memref_squeeze %dma_start3A_32 : memref<1x1x50x80xi32, #tpu.memory_space<hbm>> -> memref<50x80xi32, #tpu.memory_space<hbm>>
      tpu.enqueue_dma source(%dma_start3A_33 : memref<50x80xi32, #tpu.memory_space<hbm>>) target(%arg8 : memref<50x80xi32, #tpu.memory_space<vmem>>) target_semaphore(%run_scoped3A : memref<!tpu.dma_semaphore, #tpu.memory_space<semaphore_mem>>)
      %dma_wait3A_34 = arith.constant 0 : i32
      %dma_wait3A_35 = arith.constant 0 : i32
      %dma_wait3A_36 = tpu.memref_slice %arg5[%arg0, %arg1, %dma_wait3A_34, %dma_wait3A_35] : memref<2x16x50x80xi32, #tpu.memory_space<hbm>> -> memref<1x1x50x80xi32, #tpu.memory_space<hbm>>
      %dma_wait3A_37 = tpu.memref_squeeze %dma_wait3A_36 : memref<1x1x50x80xi32, #tpu.memory_space<hbm>> -> memref<50x80xi32, #tpu.memory_space<hbm>>
      %dma_wait3A_38 = arith.constant 0 : i32
      %dma_wait3A_39 = arith.constant 0 : i32
      %dma_wait3A_40 = tpu.memref_slice %arg5[%arg0, %arg1, %dma_wait3A_38, %dma_wait3A_39] : memref<2x16x50x80xi32, #tpu.memory_space<hbm>> -> memref<1x1x50x80xi32, #tpu.memory_space<hbm>>
      %dma_wait3A_41 = tpu.memref_squeeze %dma_wait3A_40 : memref<1x1x50x80xi32, #tpu.memory_space<hbm>> -> memref<50x80xi32, #tpu.memory_space<hbm>>
      tpu.wait_dma2 semaphore(%run_scoped3A : memref<!tpu.dma_semaphore, #tpu.memory_space<semaphore_mem>>) src(%dma_wait3A_41 : memref<50x80xi32, #tpu.memory_space<hbm>>) dst(%arg8 : memref<50x80xi32, #tpu.memory_space<vmem>>)
      tpu.yield
    }) : () -> ()
    %scan3A = arith.constant 0 : i32
    %scan3A_3 = arith.constant 0 : i32
    %scan3A_4 = arith.constant 10 : i32
    %scan3A_5 = arith.addi %scan3A_3, %scan3A_4 : i32
    %scan3A_6 = arith.constant 1 : i32
    scf.for %scan3A_27 = %scan3A_3 to %scan3A_5 step %scan3A_6  : i32 {
      %mul3A_28 = arith.constant 5 : i32
      %mul3A_29 = arith.muli %scan3A_27, %mul3A_28 : i32
      %add3A_30 = arith.constant 0 : i32
      %add3A_31 = arith.addi %mul3A_29, %add3A_30 : i32
      %mul3A_32 = arith.constant 5 : i32
      %mul3A_33 = arith.muli %scan3A_27, %mul3A_32 : i32
      %add3A_34 = arith.constant 1 : i32
      %add3A_35 = arith.addi %mul3A_33, %add3A_34 : i32
      %mul3A_36 = arith.constant 5 : i32
      %mul3A_37 = arith.muli %scan3A_27, %mul3A_36 : i32
      %add3A_38 = arith.constant 2 : i32
      %add3A_39 = arith.addi %mul3A_37, %add3A_38 : i32
      %mul3A_40 = arith.constant 5 : i32
      %mul3A_41 = arith.muli %scan3A_27, %mul3A_40 : i32
      %add3A_42 = arith.constant 3 : i32
      %add3A_43 = arith.addi %mul3A_41, %add3A_42 : i32
      %mul3A_44 = arith.constant 5 : i32
      %mul3A_45 = arith.muli %scan3A_27, %mul3A_44 : i32
      %add3A_46 = arith.constant 4 : i32
      %add3A_47 = arith.addi %mul3A_45, %add3A_46 : i32
      %gt3A = arith.constant 0 : i32
      %gt3A_48 = arith.cmpi sgt, %scan3A_27, %gt3A : i32
      %convert_element_type3A = arith.extui %gt3A_48 : i1 to i32
      %cond3A = arith.constant 0 : i32
      %cond3A_49 = arith.cmpi ne, %convert_element_type3A, %cond3A : i32
      scf.if %cond3A_49 {
        %dma_wait3A_224 = arith.constant 0 : i32
        %dma_wait3A_225 = tpu.memref_slice %arg6[%mul3A_2, %dma_wait3A_224] : memref<128000x128xf32, #tpu.memory_space<hbm>> -> memref<80x128xf32, #tpu.memory_space<hbm>>
        %dma_wait3A_226 = arith.constant 0 : i32
        %dma_wait3A_227 = tpu.memref_slice %arg6[%mul3A_2, %dma_wait3A_226] : memref<128000x128xf32, #tpu.memory_space<hbm>> -> memref<80x128xf32, #tpu.memory_space<hbm>>
        tpu.wait_dma2 semaphore(%arg14 : memref<!tpu.dma_semaphore, #tpu.memory_space<semaphore_mem>>) src(%arg9 : memref<80x128xf32, #tpu.memory_space<vmem>>) dst(%dma_wait3A_227 : memref<80x128xf32, #tpu.memory_space<hbm>>)
      } else {
      }
      %dma_start3A = arith.constant 0 : i32
      %dma_start3A_50 = tpu.memref_slice %arg7[%add3A_31, %dma_start3A] : memref<50x80xi32, #tpu.memory_space<vmem>> -> memref<1x80xi32, #tpu.memory_space<vmem>>
      %dma_start3A_51 = tpu.memref_squeeze %dma_start3A_50 : memref<1x80xi32, #tpu.memory_space<vmem>> -> memref<80xi32, #tpu.memory_space<vmem>>
      %dma_start3A_52 = arith.constant 0 : i32
      %dma_start3A_53 = arith.constant 0 : i32
      %dma_start3A_54 = tpu.memref_slice %arg2[%dma_start3A_52, %dma_start3A_53] : memref<10000x128xf32, #tpu.memory_space<hbm>> -> memref<10000x128xf32, #tpu.memory_space<hbm>>
      tpu.enqueue_indirect_dma source(%dma_start3A_54 : memref<10000x128xf32, #tpu.memory_space<hbm>>) target(%arg9 : memref<80x128xf32, #tpu.memory_space<vmem>>) offsets(%dma_start3A_51 : memref<80xi32, #tpu.memory_space<vmem>>) semaphore(%arg14 : memref<!tpu.dma_semaphore, #tpu.memory_space<semaphore_mem>>)
      %gt3A_55 = arith.constant 0 : i32
      %gt3A_56 = arith.cmpi sgt, %scan3A_27, %gt3A_55 : i32
      %convert_element_type3A_57 = arith.extui %gt3A_56 : i1 to i32
      %cond3A_58 = arith.constant 0 : i32
      %cond3A_59 = arith.cmpi ne, %convert_element_type3A_57, %cond3A_58 : i32
      scf.if %cond3A_59 {
        %dma_wait3A_224 = arith.constant 0 : i32
        %dma_wait3A_225 = tpu.memref_slice %arg6[%mul3A_2, %dma_wait3A_224] : memref<128000x128xf32, #tpu.memory_space<hbm>> -> memref<80x128xf32, #tpu.memory_space<hbm>>
        %dma_wait3A_226 = arith.constant 0 : i32
        %dma_wait3A_227 = tpu.memref_slice %arg6[%mul3A_2, %dma_wait3A_226] : memref<128000x128xf32, #tpu.memory_space<hbm>> -> memref<80x128xf32, #tpu.memory_space<hbm>>
        tpu.wait_dma2 semaphore(%arg15 : memref<!tpu.dma_semaphore, #tpu.memory_space<semaphore_mem>>) src(%arg10 : memref<80x128xf32, #tpu.memory_space<vmem>>) dst(%dma_wait3A_227 : memref<80x128xf32, #tpu.memory_space<hbm>>)
      } else {
      }
      %dma_start3A_60 = arith.constant 0 : i32
      %dma_start3A_61 = tpu.memref_slice %arg7[%add3A_35, %dma_start3A_60] : memref<50x80xi32, #tpu.memory_space<vmem>> -> memref<1x80xi32, #tpu.memory_space<vmem>>
      %dma_start3A_62 = tpu.memref_squeeze %dma_start3A_61 : memref<1x80xi32, #tpu.memory_space<vmem>> -> memref<80xi32, #tpu.memory_space<vmem>>
      %dma_start3A_63 = arith.constant 0 : i32
      %dma_start3A_64 = arith.constant 0 : i32
      %dma_start3A_65 = tpu.memref_slice %arg2[%dma_start3A_63, %dma_start3A_64] : memref<10000x128xf32, #tpu.memory_space<hbm>> -> memref<10000x128xf32, #tpu.memory_space<hbm>>
      tpu.enqueue_indirect_dma source(%dma_start3A_65 : memref<10000x128xf32, #tpu.memory_space<hbm>>) target(%arg10 : memref<80x128xf32, #tpu.memory_space<vmem>>) offsets(%dma_start3A_62 : memref<80xi32, #tpu.memory_space<vmem>>) semaphore(%arg15 : memref<!tpu.dma_semaphore, #tpu.memory_space<semaphore_mem>>)
      %gt3A_66 = arith.constant 0 : i32
      %gt3A_67 = arith.cmpi sgt, %scan3A_27, %gt3A_66 : i32
      %convert_element_type3A_68 = arith.extui %gt3A_67 : i1 to i32
      %cond3A_69 = arith.constant 0 : i32
      %cond3A_70 = arith.cmpi ne, %convert_element_type3A_68, %cond3A_69 : i32
      scf.if %cond3A_70 {
        %dma_wait3A_224 = arith.constant 0 : i32
        %dma_wait3A_225 = tpu.memref_slice %arg6[%mul3A_2, %dma_wait3A_224] : memref<128000x128xf32, #tpu.memory_space<hbm>> -> memref<80x128xf32, #tpu.memory_space<hbm>>
        %dma_wait3A_226 = arith.constant 0 : i32
        %dma_wait3A_227 = tpu.memref_slice %arg6[%mul3A_2, %dma_wait3A_226] : memref<128000x128xf32, #tpu.memory_space<hbm>> -> memref<80x128xf32, #tpu.memory_space<hbm>>
        tpu.wait_dma2 semaphore(%arg16 : memref<!tpu.dma_semaphore, #tpu.memory_space<semaphore_mem>>) src(%arg11 : memref<80x128xf32, #tpu.memory_space<vmem>>) dst(%dma_wait3A_227 : memref<80x128xf32, #tpu.memory_space<hbm>>)
      } else {
      }
      %dma_start3A_71 = arith.constant 0 : i32
      %dma_start3A_72 = tpu.memref_slice %arg7[%add3A_39, %dma_start3A_71] : memref<50x80xi32, #tpu.memory_space<vmem>> -> memref<1x80xi32, #tpu.memory_space<vmem>>
      %dma_start3A_73 = tpu.memref_squeeze %dma_start3A_72 : memref<1x80xi32, #tpu.memory_space<vmem>> -> memref<80xi32, #tpu.memory_space<vmem>>
      %dma_start3A_74 = arith.constant 0 : i32
      %dma_start3A_75 = arith.constant 0 : i32
      %dma_start3A_76 = tpu.memref_slice %arg2[%dma_start3A_74, %dma_start3A_75] : memref<10000x128xf32, #tpu.memory_space<hbm>> -> memref<10000x128xf32, #tpu.memory_space<hbm>>
      tpu.enqueue_indirect_dma source(%dma_start3A_76 : memref<10000x128xf32, #tpu.memory_space<hbm>>) target(%arg11 : memref<80x128xf32, #tpu.memory_space<vmem>>) offsets(%dma_start3A_73 : memref<80xi32, #tpu.memory_space<vmem>>) semaphore(%arg16 : memref<!tpu.dma_semaphore, #tpu.memory_space<semaphore_mem>>)
      %gt3A_77 = arith.constant 0 : i32
      %gt3A_78 = arith.cmpi sgt, %scan3A_27, %gt3A_77 : i32
      %convert_element_type3A_79 = arith.extui %gt3A_78 : i1 to i32
      %cond3A_80 = arith.constant 0 : i32
      %cond3A_81 = arith.cmpi ne, %convert_element_type3A_79, %cond3A_80 : i32
      scf.if %cond3A_81 {
        %dma_wait3A_224 = arith.constant 0 : i32
        %dma_wait3A_225 = tpu.memref_slice %arg6[%mul3A_2, %dma_wait3A_224] : memref<128000x128xf32, #tpu.memory_space<hbm>> -> memref<80x128xf32, #tpu.memory_space<hbm>>
        %dma_wait3A_226 = arith.constant 0 : i32
        %dma_wait3A_227 = tpu.memref_slice %arg6[%mul3A_2, %dma_wait3A_226] : memref<128000x128xf32, #tpu.memory_space<hbm>> -> memref<80x128xf32, #tpu.memory_space<hbm>>
        tpu.wait_dma2 semaphore(%arg17 : memref<!tpu.dma_semaphore, #tpu.memory_space<semaphore_mem>>) src(%arg12 : memref<80x128xf32, #tpu.memory_space<vmem>>) dst(%dma_wait3A_227 : memref<80x128xf32, #tpu.memory_space<hbm>>)
      } else {
      }
      %dma_start3A_82 = arith.constant 0 : i32
      %dma_start3A_83 = tpu.memref_slice %arg7[%add3A_43, %dma_start3A_82] : memref<50x80xi32, #tpu.memory_space<vmem>> -> memref<1x80xi32, #tpu.memory_space<vmem>>
      %dma_start3A_84 = tpu.memref_squeeze %dma_start3A_83 : memref<1x80xi32, #tpu.memory_space<vmem>> -> memref<80xi32, #tpu.memory_space<vmem>>
      %dma_start3A_85 = arith.constant 0 : i32
      %dma_start3A_86 = arith.constant 0 : i32
      %dma_start3A_87 = tpu.memref_slice %arg2[%dma_start3A_85, %dma_start3A_86] : memref<10000x128xf32, #tpu.memory_space<hbm>> -> memref<10000x128xf32, #tpu.memory_space<hbm>>
      tpu.enqueue_indirect_dma source(%dma_start3A_87 : memref<10000x128xf32, #tpu.memory_space<hbm>>) target(%arg12 : memref<80x128xf32, #tpu.memory_space<vmem>>) offsets(%dma_start3A_84 : memref<80xi32, #tpu.memory_space<vmem>>) semaphore(%arg17 : memref<!tpu.dma_semaphore, #tpu.memory_space<semaphore_mem>>)
      %gt3A_88 = arith.constant 0 : i32
      %gt3A_89 = arith.cmpi sgt, %scan3A_27, %gt3A_88 : i32
      %convert_element_type3A_90 = arith.extui %gt3A_89 : i1 to i32
      %cond3A_91 = arith.constant 0 : i32
      %cond3A_92 = arith.cmpi ne, %convert_element_type3A_90, %cond3A_91 : i32
      scf.if %cond3A_92 {
        %dma_wait3A_224 = arith.constant 0 : i32
        %dma_wait3A_225 = tpu.memref_slice %arg6[%mul3A_2, %dma_wait3A_224] : memref<128000x128xf32, #tpu.memory_space<hbm>> -> memref<80x128xf32, #tpu.memory_space<hbm>>
        %dma_wait3A_226 = arith.constant 0 : i32
        %dma_wait3A_227 = tpu.memref_slice %arg6[%mul3A_2, %dma_wait3A_226] : memref<128000x128xf32, #tpu.memory_space<hbm>> -> memref<80x128xf32, #tpu.memory_space<hbm>>
        tpu.wait_dma2 semaphore(%arg18 : memref<!tpu.dma_semaphore, #tpu.memory_space<semaphore_mem>>) src(%arg13 : memref<80x128xf32, #tpu.memory_space<vmem>>) dst(%dma_wait3A_227 : memref<80x128xf32, #tpu.memory_space<hbm>>)
      } else {
      }
      %dma_start3A_93 = arith.constant 0 : i32
      %dma_start3A_94 = tpu.memref_slice %arg7[%add3A_47, %dma_start3A_93] : memref<50x80xi32, #tpu.memory_space<vmem>> -> memref<1x80xi32, #tpu.memory_space<vmem>>
      %dma_start3A_95 = tpu.memref_squeeze %dma_start3A_94 : memref<1x80xi32, #tpu.memory_space<vmem>> -> memref<80xi32, #tpu.memory_space<vmem>>
      %dma_start3A_96 = arith.constant 0 : i32
      %dma_start3A_97 = arith.constant 0 : i32
      %dma_start3A_98 = tpu.memref_slice %arg2[%dma_start3A_96, %dma_start3A_97] : memref<10000x128xf32, #tpu.memory_space<hbm>> -> memref<10000x128xf32, #tpu.memory_space<hbm>>
      tpu.enqueue_indirect_dma source(%dma_start3A_98 : memref<10000x128xf32, #tpu.memory_space<hbm>>) target(%arg13 : memref<80x128xf32, #tpu.memory_space<vmem>>) offsets(%dma_start3A_95 : memref<80xi32, #tpu.memory_space<vmem>>) semaphore(%arg18 : memref<!tpu.dma_semaphore, #tpu.memory_space<semaphore_mem>>)
      %dma_wait3A_99 = arith.constant 0 : i32
      %dma_wait3A_100 = tpu.memref_slice %arg7[%add3A_31, %dma_wait3A_99] : memref<50x80xi32, #tpu.memory_space<vmem>> -> memref<1x80xi32, #tpu.memory_space<vmem>>
      %dma_wait3A_101 = tpu.memref_squeeze %dma_wait3A_100 : memref<1x80xi32, #tpu.memory_space<vmem>> -> memref<80xi32, #tpu.memory_space<vmem>>
      %dma_wait3A_102 = arith.constant 0 : i32
      %dma_wait3A_103 = arith.constant 0 : i32
      %dma_wait3A_104 = tpu.memref_slice %arg2[%dma_wait3A_102, %dma_wait3A_103] : memref<10000x128xf32, #tpu.memory_space<hbm>> -> memref<10000x128xf32, #tpu.memory_space<hbm>>
      tpu.wait_indirect_dma semaphore(%arg14 : memref<!tpu.dma_semaphore, #tpu.memory_space<semaphore_mem>>) src(%dma_wait3A_104 : memref<10000x128xf32, #tpu.memory_space<hbm>>) dst(%arg9 : memref<80x128xf32, #tpu.memory_space<vmem>>)
      %dma_start3A_105 = arith.constant 0 : i32
      %dma_start3A_106 = tpu.memref_slice %arg8[%add3A_31, %dma_start3A_105] : memref<50x80xi32, #tpu.memory_space<vmem>> -> memref<1x80xi32, #tpu.memory_space<vmem>>
      %dma_start3A_107 = tpu.memref_squeeze %dma_start3A_106 : memref<1x80xi32, #tpu.memory_space<vmem>> -> memref<80xi32, #tpu.memory_space<vmem>>
      %dma_start3A_108 = arith.constant 0 : i32
      %dma_start3A_109 = arith.constant 0 : i32
      %dma_start3A_110 = tpu.memref_slice %arg3[%dma_start3A_108, %dma_start3A_109] : memref<10000x128xf32, #tpu.memory_space<hbm>> -> memref<10000x128xf32, #tpu.memory_space<hbm>>
      tpu.enqueue_indirect_dma source(%dma_start3A_110 : memref<10000x128xf32, #tpu.memory_space<hbm>>) target(%arg9 : memref<80x128xf32, #tpu.memory_space<vmem>>) offsets(%dma_start3A_107 : memref<80xi32, #tpu.memory_space<vmem>>) semaphore(%arg14 : memref<!tpu.dma_semaphore, #tpu.memory_space<semaphore_mem>>) {add = true}
      %dma_wait3A_111 = arith.constant 0 : i32
      %dma_wait3A_112 = tpu.memref_slice %arg7[%add3A_35, %dma_wait3A_111] : memref<50x80xi32, #tpu.memory_space<vmem>> -> memref<1x80xi32, #tpu.memory_space<vmem>>
      %dma_wait3A_113 = tpu.memref_squeeze %dma_wait3A_112 : memref<1x80xi32, #tpu.memory_space<vmem>> -> memref<80xi32, #tpu.memory_space<vmem>>
      %dma_wait3A_114 = arith.constant 0 : i32
      %dma_wait3A_115 = arith.constant 0 : i32
      %dma_wait3A_116 = tpu.memref_slice %arg2[%dma_wait3A_114, %dma_wait3A_115] : memref<10000x128xf32, #tpu.memory_space<hbm>> -> memref<10000x128xf32, #tpu.memory_space<hbm>>
      tpu.wait_indirect_dma semaphore(%arg15 : memref<!tpu.dma_semaphore, #tpu.memory_space<semaphore_mem>>) src(%dma_wait3A_116 : memref<10000x128xf32, #tpu.memory_space<hbm>>) dst(%arg10 : memref<80x128xf32, #tpu.memory_space<vmem>>)
      %dma_start3A_117 = arith.constant 0 : i32
      %dma_start3A_118 = tpu.memref_slice %arg8[%add3A_35, %dma_start3A_117] : memref<50x80xi32, #tpu.memory_space<vmem>> -> memref<1x80xi32, #tpu.memory_space<vmem>>
      %dma_start3A_119 = tpu.memref_squeeze %dma_start3A_118 : memref<1x80xi32, #tpu.memory_space<vmem>> -> memref<80xi32, #tpu.memory_space<vmem>>
      %dma_start3A_120 = arith.constant 0 : i32
      %dma_start3A_121 = arith.constant 0 : i32
      %dma_start3A_122 = tpu.memref_slice %arg3[%dma_start3A_120, %dma_start3A_121] : memref<10000x128xf32, #tpu.memory_space<hbm>> -> memref<10000x128xf32, #tpu.memory_space<hbm>>
      tpu.enqueue_indirect_dma source(%dma_start3A_122 : memref<10000x128xf32, #tpu.memory_space<hbm>>) target(%arg10 : memref<80x128xf32, #tpu.memory_space<vmem>>) offsets(%dma_start3A_119 : memref<80xi32, #tpu.memory_space<vmem>>) semaphore(%arg15 : memref<!tpu.dma_semaphore, #tpu.memory_space<semaphore_mem>>) {add = true}
      %dma_wait3A_123 = arith.constant 0 : i32
      %dma_wait3A_124 = tpu.memref_slice %arg7[%add3A_39, %dma_wait3A_123] : memref<50x80xi32, #tpu.memory_space<vmem>> -> memref<1x80xi32, #tpu.memory_space<vmem>>
      %dma_wait3A_125 = tpu.memref_squeeze %dma_wait3A_124 : memref<1x80xi32, #tpu.memory_space<vmem>> -> memref<80xi32, #tpu.memory_space<vmem>>
      %dma_wait3A_126 = arith.constant 0 : i32
      %dma_wait3A_127 = arith.constant 0 : i32
      %dma_wait3A_128 = tpu.memref_slice %arg2[%dma_wait3A_126, %dma_wait3A_127] : memref<10000x128xf32, #tpu.memory_space<hbm>> -> memref<10000x128xf32, #tpu.memory_space<hbm>>
      tpu.wait_indirect_dma semaphore(%arg16 : memref<!tpu.dma_semaphore, #tpu.memory_space<semaphore_mem>>) src(%dma_wait3A_128 : memref<10000x128xf32, #tpu.memory_space<hbm>>) dst(%arg11 : memref<80x128xf32, #tpu.memory_space<vmem>>)
      %dma_start3A_129 = arith.constant 0 : i32
      %dma_start3A_130 = tpu.memref_slice %arg8[%add3A_39, %dma_start3A_129] : memref<50x80xi32, #tpu.memory_space<vmem>> -> memref<1x80xi32, #tpu.memory_space<vmem>>
      %dma_start3A_131 = tpu.memref_squeeze %dma_start3A_130 : memref<1x80xi32, #tpu.memory_space<vmem>> -> memref<80xi32, #tpu.memory_space<vmem>>
      %dma_start3A_132 = arith.constant 0 : i32
      %dma_start3A_133 = arith.constant 0 : i32
      %dma_start3A_134 = tpu.memref_slice %arg3[%dma_start3A_132, %dma_start3A_133] : memref<10000x128xf32, #tpu.memory_space<hbm>> -> memref<10000x128xf32, #tpu.memory_space<hbm>>
      tpu.enqueue_indirect_dma source(%dma_start3A_134 : memref<10000x128xf32, #tpu.memory_space<hbm>>) target(%arg11 : memref<80x128xf32, #tpu.memory_space<vmem>>) offsets(%dma_start3A_131 : memref<80xi32, #tpu.memory_space<vmem>>) semaphore(%arg16 : memref<!tpu.dma_semaphore, #tpu.memory_space<semaphore_mem>>) {add = true}
      %dma_wait3A_135 = arith.constant 0 : i32
      %dma_wait3A_136 = tpu.memref_slice %arg7[%add3A_43, %dma_wait3A_135] : memref<50x80xi32, #tpu.memory_space<vmem>> -> memref<1x80xi32, #tpu.memory_space<vmem>>
      %dma_wait3A_137 = tpu.memref_squeeze %dma_wait3A_136 : memref<1x80xi32, #tpu.memory_space<vmem>> -> memref<80xi32, #tpu.memory_space<vmem>>
      %dma_wait3A_138 = arith.constant 0 : i32
      %dma_wait3A_139 = arith.constant 0 : i32
      %dma_wait3A_140 = tpu.memref_slice %arg2[%dma_wait3A_138, %dma_wait3A_139] : memref<10000x128xf32, #tpu.memory_space<hbm>> -> memref<10000x128xf32, #tpu.memory_space<hbm>>
      tpu.wait_indirect_dma semaphore(%arg17 : memref<!tpu.dma_semaphore, #tpu.memory_space<semaphore_mem>>) src(%dma_wait3A_140 : memref<10000x128xf32, #tpu.memory_space<hbm>>) dst(%arg12 : memref<80x128xf32, #tpu.memory_space<vmem>>)
      %dma_start3A_141 = arith.constant 0 : i32
      %dma_start3A_142 = tpu.memref_slice %arg8[%add3A_43, %dma_start3A_141] : memref<50x80xi32, #tpu.memory_space<vmem>> -> memref<1x80xi32, #tpu.memory_space<vmem>>
      %dma_start3A_143 = tpu.memref_squeeze %dma_start3A_142 : memref<1x80xi32, #tpu.memory_space<vmem>> -> memref<80xi32, #tpu.memory_space<vmem>>
      %dma_start3A_144 = arith.constant 0 : i32
      %dma_start3A_145 = arith.constant 0 : i32
      %dma_start3A_146 = tpu.memref_slice %arg3[%dma_start3A_144, %dma_start3A_145] : memref<10000x128xf32, #tpu.memory_space<hbm>> -> memref<10000x128xf32, #tpu.memory_space<hbm>>
      tpu.enqueue_indirect_dma source(%dma_start3A_146 : memref<10000x128xf32, #tpu.memory_space<hbm>>) target(%arg12 : memref<80x128xf32, #tpu.memory_space<vmem>>) offsets(%dma_start3A_143 : memref<80xi32, #tpu.memory_space<vmem>>) semaphore(%arg17 : memref<!tpu.dma_semaphore, #tpu.memory_space<semaphore_mem>>) {add = true}
      %dma_wait3A_147 = arith.constant 0 : i32
      %dma_wait3A_148 = tpu.memref_slice %arg7[%add3A_47, %dma_wait3A_147] : memref<50x80xi32, #tpu.memory_space<vmem>> -> memref<1x80xi32, #tpu.memory_space<vmem>>
      %dma_wait3A_149 = tpu.memref_squeeze %dma_wait3A_148 : memref<1x80xi32, #tpu.memory_space<vmem>> -> memref<80xi32, #tpu.memory_space<vmem>>
      %dma_wait3A_150 = arith.constant 0 : i32
      %dma_wait3A_151 = arith.constant 0 : i32
      %dma_wait3A_152 = tpu.memref_slice %arg2[%dma_wait3A_150, %dma_wait3A_151] : memref<10000x128xf32, #tpu.memory_space<hbm>> -> memref<10000x128xf32, #tpu.memory_space<hbm>>
      tpu.wait_indirect_dma semaphore(%arg18 : memref<!tpu.dma_semaphore, #tpu.memory_space<semaphore_mem>>) src(%dma_wait3A_152 : memref<10000x128xf32, #tpu.memory_space<hbm>>) dst(%arg13 : memref<80x128xf32, #tpu.memory_space<vmem>>)
      %dma_start3A_153 = arith.constant 0 : i32
      %dma_start3A_154 = tpu.memref_slice %arg8[%add3A_47, %dma_start3A_153] : memref<50x80xi32, #tpu.memory_space<vmem>> -> memref<1x80xi32, #tpu.memory_space<vmem>>
      %dma_start3A_155 = tpu.memref_squeeze %dma_start3A_154 : memref<1x80xi32, #tpu.memory_space<vmem>> -> memref<80xi32, #tpu.memory_space<vmem>>
      %dma_start3A_156 = arith.constant 0 : i32
      %dma_start3A_157 = arith.constant 0 : i32
      %dma_start3A_158 = tpu.memref_slice %arg3[%dma_start3A_156, %dma_start3A_157] : memref<10000x128xf32, #tpu.memory_space<hbm>> -> memref<10000x128xf32, #tpu.memory_space<hbm>>
      tpu.enqueue_indirect_dma source(%dma_start3A_158 : memref<10000x128xf32, #tpu.memory_space<hbm>>) target(%arg13 : memref<80x128xf32, #tpu.memory_space<vmem>>) offsets(%dma_start3A_155 : memref<80xi32, #tpu.memory_space<vmem>>) semaphore(%arg18 : memref<!tpu.dma_semaphore, #tpu.memory_space<semaphore_mem>>) {add = true}
      %dma_wait3A_159 = arith.constant 0 : i32
      %dma_wait3A_160 = tpu.memref_slice %arg8[%add3A_31, %dma_wait3A_159] : memref<50x80xi32, #tpu.memory_space<vmem>> -> memref<1x80xi32, #tpu.memory_space<vmem>>
      %dma_wait3A_161 = tpu.memref_squeeze %dma_wait3A_160 : memref<1x80xi32, #tpu.memory_space<vmem>> -> memref<80xi32, #tpu.memory_space<vmem>>
      %dma_wait3A_162 = arith.constant 0 : i32
      %dma_wait3A_163 = arith.constant 0 : i32
      %dma_wait3A_164 = tpu.memref_slice %arg3[%dma_wait3A_162, %dma_wait3A_163] : memref<10000x128xf32, #tpu.memory_space<hbm>> -> memref<10000x128xf32, #tpu.memory_space<hbm>>
      tpu.wait_indirect_dma semaphore(%arg14 : memref<!tpu.dma_semaphore, #tpu.memory_space<semaphore_mem>>) src(%dma_wait3A_164 : memref<10000x128xf32, #tpu.memory_space<hbm>>) dst(%arg9 : memref<80x128xf32, #tpu.memory_space<vmem>>)
      %mul3A_165 = arith.constant 80 : i32
      %mul3A_166 = arith.muli %add3A_31, %mul3A_165 : i32
      %add3A_167 = arith.addi %mul3A_2, %mul3A_166 : i32
      %dma_start3A_168 = arith.constant 0 : i32
      %dma_start3A_169 = tpu.memref_slice %arg6[%add3A_167, %dma_start3A_168] : memref<128000x128xf32, #tpu.memory_space<hbm>> -> memref<80x128xf32, #tpu.memory_space<hbm>>
      %dma_start3A_170 = arith.constant 0 : i32
      %dma_start3A_171 = tpu.memref_slice %arg6[%add3A_167, %dma_start3A_170] : memref<128000x128xf32, #tpu.memory_space<hbm>> -> memref<80x128xf32, #tpu.memory_space<hbm>>
      tpu.enqueue_dma source(%arg9 : memref<80x128xf32, #tpu.memory_space<vmem>>) target(%dma_start3A_171 : memref<80x128xf32, #tpu.memory_space<hbm>>) target_semaphore(%arg14 : memref<!tpu.dma_semaphore, #tpu.memory_space<semaphore_mem>>)
      %dma_wait3A_172 = arith.constant 0 : i32
      %dma_wait3A_173 = tpu.memref_slice %arg8[%add3A_35, %dma_wait3A_172] : memref<50x80xi32, #tpu.memory_space<vmem>> -> memref<1x80xi32, #tpu.memory_space<vmem>>
      %dma_wait3A_174 = tpu.memref_squeeze %dma_wait3A_173 : memref<1x80xi32, #tpu.memory_space<vmem>> -> memref<80xi32, #tpu.memory_space<vmem>>
      %dma_wait3A_175 = arith.constant 0 : i32
      %dma_wait3A_176 = arith.constant 0 : i32
      %dma_wait3A_177 = tpu.memref_slice %arg3[%dma_wait3A_175, %dma_wait3A_176] : memref<10000x128xf32, #tpu.memory_space<hbm>> -> memref<10000x128xf32, #tpu.memory_space<hbm>>
      tpu.wait_indirect_dma semaphore(%arg15 : memref<!tpu.dma_semaphore, #tpu.memory_space<semaphore_mem>>) src(%dma_wait3A_177 : memref<10000x128xf32, #tpu.memory_space<hbm>>) dst(%arg10 : memref<80x128xf32, #tpu.memory_space<vmem>>)
      %mul3A_178 = arith.constant 80 : i32
      %mul3A_179 = arith.muli %add3A_35, %mul3A_178 : i32
      %add3A_180 = arith.addi %mul3A_2, %mul3A_179 : i32
      %dma_start3A_181 = arith.constant 0 : i32
      %dma_start3A_182 = tpu.memref_slice %arg6[%add3A_180, %dma_start3A_181] : memref<128000x128xf32, #tpu.memory_space<hbm>> -> memref<80x128xf32, #tpu.memory_space<hbm>>
      %dma_start3A_183 = arith.constant 0 : i32
      %dma_start3A_184 = tpu.memref_slice %arg6[%add3A_180, %dma_start3A_183] : memref<128000x128xf32, #tpu.memory_space<hbm>> -> memref<80x128xf32, #tpu.memory_space<hbm>>
      tpu.enqueue_dma source(%arg10 : memref<80x128xf32, #tpu.memory_space<vmem>>) target(%dma_start3A_184 : memref<80x128xf32, #tpu.memory_space<hbm>>) target_semaphore(%arg15 : memref<!tpu.dma_semaphore, #tpu.memory_space<semaphore_mem>>)
      %dma_wait3A_185 = arith.constant 0 : i32
      %dma_wait3A_186 = tpu.memref_slice %arg8[%add3A_39, %dma_wait3A_185] : memref<50x80xi32, #tpu.memory_space<vmem>> -> memref<1x80xi32, #tpu.memory_space<vmem>>
      %dma_wait3A_187 = tpu.memref_squeeze %dma_wait3A_186 : memref<1x80xi32, #tpu.memory_space<vmem>> -> memref<80xi32, #tpu.memory_space<vmem>>
      %dma_wait3A_188 = arith.constant 0 : i32
      %dma_wait3A_189 = arith.constant 0 : i32
      %dma_wait3A_190 = tpu.memref_slice %arg3[%dma_wait3A_188, %dma_wait3A_189] : memref<10000x128xf32, #tpu.memory_space<hbm>> -> memref<10000x128xf32, #tpu.memory_space<hbm>>
      tpu.wait_indirect_dma semaphore(%arg16 : memref<!tpu.dma_semaphore, #tpu.memory_space<semaphore_mem>>) src(%dma_wait3A_190 : memref<10000x128xf32, #tpu.memory_space<hbm>>) dst(%arg11 : memref<80x128xf32, #tpu.memory_space<vmem>>)
      %mul3A_191 = arith.constant 80 : i32
      %mul3A_192 = arith.muli %add3A_39, %mul3A_191 : i32
      %add3A_193 = arith.addi %mul3A_2, %mul3A_192 : i32
      %dma_start3A_194 = arith.constant 0 : i32
      %dma_start3A_195 = tpu.memref_slice %arg6[%add3A_193, %dma_start3A_194] : memref<128000x128xf32, #tpu.memory_space<hbm>> -> memref<80x128xf32, #tpu.memory_space<hbm>>
      %dma_start3A_196 = arith.constant 0 : i32
      %dma_start3A_197 = tpu.memref_slice %arg6[%add3A_193, %dma_start3A_196] : memref<128000x128xf32, #tpu.memory_space<hbm>> -> memref<80x128xf32, #tpu.memory_space<hbm>>
      tpu.enqueue_dma source(%arg11 : memref<80x128xf32, #tpu.memory_space<vmem>>) target(%dma_start3A_197 : memref<80x128xf32, #tpu.memory_space<hbm>>) target_semaphore(%arg16 : memref<!tpu.dma_semaphore, #tpu.memory_space<semaphore_mem>>)
      %dma_wait3A_198 = arith.constant 0 : i32
      %dma_wait3A_199 = tpu.memref_slice %arg8[%add3A_43, %dma_wait3A_198] : memref<50x80xi32, #tpu.memory_space<vmem>> -> memref<1x80xi32, #tpu.memory_space<vmem>>
      %dma_wait3A_200 = tpu.memref_squeeze %dma_wait3A_199 : memref<1x80xi32, #tpu.memory_space<vmem>> -> memref<80xi32, #tpu.memory_space<vmem>>
      %dma_wait3A_201 = arith.constant 0 : i32
      %dma_wait3A_202 = arith.constant 0 : i32
      %dma_wait3A_203 = tpu.memref_slice %arg3[%dma_wait3A_201, %dma_wait3A_202] : memref<10000x128xf32, #tpu.memory_space<hbm>> -> memref<10000x128xf32, #tpu.memory_space<hbm>>
      tpu.wait_indirect_dma semaphore(%arg17 : memref<!tpu.dma_semaphore, #tpu.memory_space<semaphore_mem>>) src(%dma_wait3A_203 : memref<10000x128xf32, #tpu.memory_space<hbm>>) dst(%arg12 : memref<80x128xf32, #tpu.memory_space<vmem>>)
      %mul3A_204 = arith.constant 80 : i32
      %mul3A_205 = arith.muli %add3A_43, %mul3A_204 : i32
      %add3A_206 = arith.addi %mul3A_2, %mul3A_205 : i32
      %dma_start3A_207 = arith.constant 0 : i32
      %dma_start3A_208 = tpu.memref_slice %arg6[%add3A_206, %dma_start3A_207] : memref<128000x128xf32, #tpu.memory_space<hbm>> -> memref<80x128xf32, #tpu.memory_space<hbm>>
      %dma_start3A_209 = arith.constant 0 : i32
      %dma_start3A_210 = tpu.memref_slice %arg6[%add3A_206, %dma_start3A_209] : memref<128000x128xf32, #tpu.memory_space<hbm>> -> memref<80x128xf32, #tpu.memory_space<hbm>>
      tpu.enqueue_dma source(%arg12 : memref<80x128xf32, #tpu.memory_space<vmem>>) target(%dma_start3A_210 : memref<80x128xf32, #tpu.memory_space<hbm>>) target_semaphore(%arg17 : memref<!tpu.dma_semaphore, #tpu.memory_space<semaphore_mem>>)
      %dma_wait3A_211 = arith.constant 0 : i32
      %dma_wait3A_212 = tpu.memref_slice %arg8[%add3A_47, %dma_wait3A_211] : memref<50x80xi32, #tpu.memory_space<vmem>> -> memref<1x80xi32, #tpu.memory_space<vmem>>
      %dma_wait3A_213 = tpu.memref_squeeze %dma_wait3A_212 : memref<1x80xi32, #tpu.memory_space<vmem>> -> memref<80xi32, #tpu.memory_space<vmem>>
      %dma_wait3A_214 = arith.constant 0 : i32
      %dma_wait3A_215 = arith.constant 0 : i32
      %dma_wait3A_216 = tpu.memref_slice %arg3[%dma_wait3A_214, %dma_wait3A_215] : memref<10000x128xf32, #tpu.memory_space<hbm>> -> memref<10000x128xf32, #tpu.memory_space<hbm>>
      tpu.wait_indirect_dma semaphore(%arg18 : memref<!tpu.dma_semaphore, #tpu.memory_space<semaphore_mem>>) src(%dma_wait3A_216 : memref<10000x128xf32, #tpu.memory_space<hbm>>) dst(%arg13 : memref<80x128xf32, #tpu.memory_space<vmem>>)
      %mul3A_217 = arith.constant 80 : i32
      %mul3A_218 = arith.muli %add3A_47, %mul3A_217 : i32
      %add3A_219 = arith.addi %mul3A_2, %mul3A_218 : i32
      %dma_start3A_220 = arith.constant 0 : i32
      %dma_start3A_221 = tpu.memref_slice %arg6[%add3A_219, %dma_start3A_220] : memref<128000x128xf32, #tpu.memory_space<hbm>> -> memref<80x128xf32, #tpu.memory_space<hbm>>
      %dma_start3A_222 = arith.constant 0 : i32
      %dma_start3A_223 = tpu.memref_slice %arg6[%add3A_219, %dma_start3A_222] : memref<128000x128xf32, #tpu.memory_space<hbm>> -> memref<80x128xf32, #tpu.memory_space<hbm>>
      tpu.enqueue_dma source(%arg13 : memref<80x128xf32, #tpu.memory_space<vmem>>) target(%dma_start3A_223 : memref<80x128xf32, #tpu.memory_space<hbm>>) target_semaphore(%arg18 : memref<!tpu.dma_semaphore, #tpu.memory_space<semaphore_mem>>)
    }
    %scan3A_7 = arith.constant 10 : i32
    %dma_wait3A = arith.constant 0 : i32
    %dma_wait3A_8 = tpu.memref_slice %arg6[%mul3A_2, %dma_wait3A] : memref<128000x128xf32, #tpu.memory_space<hbm>> -> memref<80x128xf32, #tpu.memory_space<hbm>>
    %dma_wait3A_9 = arith.constant 0 : i32
    %dma_wait3A_10 = tpu.memref_slice %arg6[%mul3A_2, %dma_wait3A_9] : memref<128000x128xf32, #tpu.memory_space<hbm>> -> memref<80x128xf32, #tpu.memory_space<hbm>>
    tpu.wait_dma2 semaphore(%arg14 : memref<!tpu.dma_semaphore, #tpu.memory_space<semaphore_mem>>) src(%arg9 : memref<80x128xf32, #tpu.memory_space<vmem>>) dst(%dma_wait3A_10 : memref<80x128xf32, #tpu.memory_space<hbm>>)
    %dma_wait3A_11 = arith.constant 0 : i32
    %dma_wait3A_12 = tpu.memref_slice %arg6[%mul3A_2, %dma_wait3A_11] : memref<128000x128xf32, #tpu.memory_space<hbm>> -> memref<80x128xf32, #tpu.memory_space<hbm>>
    %dma_wait3A_13 = arith.constant 0 : i32
    %dma_wait3A_14 = tpu.memref_slice %arg6[%mul3A_2, %dma_wait3A_13] : memref<128000x128xf32, #tpu.memory_space<hbm>> -> memref<80x128xf32, #tpu.memory_space<hbm>>
    tpu.wait_dma2 semaphore(%arg15 : memref<!tpu.dma_semaphore, #tpu.memory_space<semaphore_mem>>) src(%arg10 : memref<80x128xf32, #tpu.memory_space<vmem>>) dst(%dma_wait3A_14 : memref<80x128xf32, #tpu.memory_space<hbm>>)
    %dma_wait3A_15 = arith.constant 0 : i32
    %dma_wait3A_16 = tpu.memref_slice %arg6[%mul3A_2, %dma_wait3A_15] : memref<128000x128xf32, #tpu.memory_space<hbm>> -> memref<80x128xf32, #tpu.memory_space<hbm>>
    %dma_wait3A_17 = arith.constant 0 : i32
    %dma_wait3A_18 = tpu.memref_slice %arg6[%mul3A_2, %dma_wait3A_17] : memref<128000x128xf32, #tpu.memory_space<hbm>> -> memref<80x128xf32, #tpu.memory_space<hbm>>
    tpu.wait_dma2 semaphore(%arg16 : memref<!tpu.dma_semaphore, #tpu.memory_space<semaphore_mem>>) src(%arg11 : memref<80x128xf32, #tpu.memory_space<vmem>>) dst(%dma_wait3A_18 : memref<80x128xf32, #tpu.memory_space<hbm>>)
    %dma_wait3A_19 = arith.constant 0 : i32
    %dma_wait3A_20 = tpu.memref_slice %arg6[%mul3A_2, %dma_wait3A_19] : memref<128000x128xf32, #tpu.memory_space<hbm>> -> memref<80x128xf32, #tpu.memory_space<hbm>>
    %dma_wait3A_21 = arith.constant 0 : i32
    %dma_wait3A_22 = tpu.memref_slice %arg6[%mul3A_2, %dma_wait3A_21] : memref<128000x128xf32, #tpu.memory_space<hbm>> -> memref<80x128xf32, #tpu.memory_space<hbm>>
    tpu.wait_dma2 semaphore(%arg17 : memref<!tpu.dma_semaphore, #tpu.memory_space<semaphore_mem>>) src(%arg12 : memref<80x128xf32, #tpu.memory_space<vmem>>) dst(%dma_wait3A_22 : memref<80x128xf32, #tpu.memory_space<hbm>>)
    %dma_wait3A_23 = arith.constant 0 : i32
    %dma_wait3A_24 = tpu.memref_slice %arg6[%mul3A_2, %dma_wait3A_23] : memref<128000x128xf32, #tpu.memory_space<hbm>> -> memref<80x128xf32, #tpu.memory_space<hbm>>
    %dma_wait3A_25 = arith.constant 0 : i32
    %dma_wait3A_26 = tpu.memref_slice %arg6[%mul3A_2, %dma_wait3A_25] : memref<128000x128xf32, #tpu.memory_space<hbm>> -> memref<80x128xf32, #tpu.memory_space<hbm>>
    tpu.wait_dma2 semaphore(%arg18 : memref<!tpu.dma_semaphore, #tpu.memory_space<semaphore_mem>>) src(%arg13 : memref<80x128xf32, #tpu.memory_space<vmem>>) dst(%dma_wait3A_26 : memref<80x128xf32, #tpu.memory_space<hbm>>)
    return
  }
}

#map = affine_map<(d0, d1) -> (0, 0)>
#map1 = affine_map<(d0, d1) -> (0, 0, 0)>
module attributes {stable_mosaic.version = 14 : i64} {
  func.func @_scatter_body(%arg0: i32, %arg1: i32, %arg2: memref<64000x128xf32, #tpu.memory_space<hbm>>, %arg3: memref<128000x128xf32, #tpu.memory_space<hbm>>, %arg4: memref<128000x128xf32, #tpu.memory_space<hbm>>, %arg5: memref<16x50x80xi32, #tpu.memory_space<hbm>>, %arg6: memref<16x100x80xi32, #tpu.memory_space<hbm>>, %arg7: memref<16x100x80xi32, #tpu.memory_space<hbm>>, %arg8: memref<10240x128xf32, #tpu.memory_space<hbm>>, %arg9: memref<100x80xi32, #tpu.memory_space<vmem>>, %arg10: memref<80x128xf32, #tpu.memory_space<vmem>>, %arg11: memref<80x128xf32, #tpu.memory_space<vmem>>, %arg12: memref<10240x128xf32, #tpu.memory_space<vmem_shared>>, %arg13: memref<!tpu.dma_semaphore, #tpu.memory_space<semaphore_mem>>) attributes {dimension_semantics = [#tpu.dimension_semantics<core_parallel>, #tpu.dimension_semantics<subcore_parallel>], iteration_bounds = array<i64: 1, 16>, scalar_prefetch = 0 : i64, scratch_operands = 5 : i64, tpu.core_type = #tpu.core_type<sc_vector_subcore>, window_params = [{transform_indices = #map}, {transform_indices = #map}, {transform_indices = #map}, {transform_indices = #map1}, {transform_indices = #map1}, {transform_indices = #map1}, {transform_indices = #map}]} {
    %scan3A = arith.constant 0 : i32
    %scan3A_0 = arith.constant 0 : i32
    %scan3A_1 = arith.constant 80 : i32
    %scan3A_2 = arith.addi %scan3A_0, %scan3A_1 : i32
    %scan3A_3 = arith.constant 1 : i32
    scf.for %scan3A_63 = %scan3A_0 to %scan3A_2 step %scan3A_3  : i32 {
      %broadcast_in_dim3A = arith.constant 0.000000e+00 : f32
      %broadcast_in_dim3A_64 = vector.broadcast %broadcast_in_dim3A : f32 to vector<16xf32>
      %swap3A = arith.index_cast %scan3A_63 : i32 to index
      %swap3A_65 = arith.constant 0 : index
      %swap3A_66 = tpu.vector_load %arg10[%swap3A, %swap3A_65] {strides = array<i32>} : memref<80x128xf32, #tpu.memory_space<vmem>>, vector<1x16xf32>,
      %swap3A_67 = vector.shape_cast %swap3A_66 : vector<1x16xf32> to vector<16xf32>
      %swap3A_68 = vector.shape_cast %broadcast_in_dim3A_64 : vector<16xf32> to vector<1x16xf32>
      tpu.vector_store %arg10[%swap3A, %swap3A_65], %swap3A_68 {strides = array<i32>} : memref<80x128xf32, #tpu.memory_space<vmem>>, vector<1x16xf32>,
      %broadcast_in_dim3A_69 = arith.constant 0.000000e+00 : f32
      %broadcast_in_dim3A_70 = vector.broadcast %broadcast_in_dim3A_69 : f32 to vector<16xf32>
      %swap3A_71 = arith.index_cast %scan3A_63 : i32 to index
      %swap3A_72 = arith.constant 16 : index
      %swap3A_73 = tpu.vector_load %arg10[%swap3A_71, %swap3A_72] {strides = array<i32>} : memref<80x128xf32, #tpu.memory_space<vmem>>, vector<1x16xf32>,
      %swap3A_74 = vector.shape_cast %swap3A_73 : vector<1x16xf32> to vector<16xf32>
      %swap3A_75 = vector.shape_cast %broadcast_in_dim3A_70 : vector<16xf32> to vector<1x16xf32>
      tpu.vector_store %arg10[%swap3A_71, %swap3A_72], %swap3A_75 {strides = array<i32>} : memref<80x128xf32, #tpu.memory_space<vmem>>, vector<1x16xf32>,
      %broadcast_in_dim3A_76 = arith.constant 0.000000e+00 : f32
      %broadcast_in_dim3A_77 = vector.broadcast %broadcast_in_dim3A_76 : f32 to vector<16xf32>
      %swap3A_78 = arith.index_cast %scan3A_63 : i32 to index
      %swap3A_79 = arith.constant 32 : index
      %swap3A_80 = tpu.vector_load %arg10[%swap3A_78, %swap3A_79] {strides = array<i32>} : memref<80x128xf32, #tpu.memory_space<vmem>>, vector<1x16xf32>,
      %swap3A_81 = vector.shape_cast %swap3A_80 : vector<1x16xf32> to vector<16xf32>
      %swap3A_82 = vector.shape_cast %broadcast_in_dim3A_77 : vector<16xf32> to vector<1x16xf32>
      tpu.vector_store %arg10[%swap3A_78, %swap3A_79], %swap3A_82 {strides = array<i32>} : memref<80x128xf32, #tpu.memory_space<vmem>>, vector<1x16xf32>,
      %broadcast_in_dim3A_83 = arith.constant 0.000000e+00 : f32
      %broadcast_in_dim3A_84 = vector.broadcast %broadcast_in_dim3A_83 : f32 to vector<16xf32>
      %swap3A_85 = arith.index_cast %scan3A_63 : i32 to index
      %swap3A_86 = arith.constant 48 : index
      %swap3A_87 = tpu.vector_load %arg10[%swap3A_85, %swap3A_86] {strides = array<i32>} : memref<80x128xf32, #tpu.memory_space<vmem>>, vector<1x16xf32>,
      %swap3A_88 = vector.shape_cast %swap3A_87 : vector<1x16xf32> to vector<16xf32>
      %swap3A_89 = vector.shape_cast %broadcast_in_dim3A_84 : vector<16xf32> to vector<1x16xf32>
      tpu.vector_store %arg10[%swap3A_85, %swap3A_86], %swap3A_89 {strides = array<i32>} : memref<80x128xf32, #tpu.memory_space<vmem>>, vector<1x16xf32>,
      %broadcast_in_dim3A_90 = arith.constant 0.000000e+00 : f32
      %broadcast_in_dim3A_91 = vector.broadcast %broadcast_in_dim3A_90 : f32 to vector<16xf32>
      %swap3A_92 = arith.index_cast %scan3A_63 : i32 to index
      %swap3A_93 = arith.constant 64 : index
      %swap3A_94 = tpu.vector_load %arg10[%swap3A_92, %swap3A_93] {strides = array<i32>} : memref<80x128xf32, #tpu.memory_space<vmem>>, vector<1x16xf32>,
      %swap3A_95 = vector.shape_cast %swap3A_94 : vector<1x16xf32> to vector<16xf32>
      %swap3A_96 = vector.shape_cast %broadcast_in_dim3A_91 : vector<16xf32> to vector<1x16xf32>
      tpu.vector_store %arg10[%swap3A_92, %swap3A_93], %swap3A_96 {strides = array<i32>} : memref<80x128xf32, #tpu.memory_space<vmem>>, vector<1x16xf32>,
      %broadcast_in_dim3A_97 = arith.constant 0.000000e+00 : f32
      %broadcast_in_dim3A_98 = vector.broadcast %broadcast_in_dim3A_97 : f32 to vector<16xf32>
      %swap3A_99 = arith.index_cast %scan3A_63 : i32 to index
      %swap3A_100 = arith.constant 80 : index
      %swap3A_101 = tpu.vector_load %arg10[%swap3A_99, %swap3A_100] {strides = array<i32>} : memref<80x128xf32, #tpu.memory_space<vmem>>, vector<1x16xf32>,
      %swap3A_102 = vector.shape_cast %swap3A_101 : vector<1x16xf32> to vector<16xf32>
      %swap3A_103 = vector.shape_cast %broadcast_in_dim3A_98 : vector<16xf32> to vector<1x16xf32>
      tpu.vector_store %arg10[%swap3A_99, %swap3A_100], %swap3A_103 {strides = array<i32>} : memref<80x128xf32, #tpu.memory_space<vmem>>, vector<1x16xf32>,
      %broadcast_in_dim3A_104 = arith.constant 0.000000e+00 : f32
      %broadcast_in_dim3A_105 = vector.broadcast %broadcast_in_dim3A_104 : f32 to vector<16xf32>
      %swap3A_106 = arith.index_cast %scan3A_63 : i32 to index
      %swap3A_107 = arith.constant 96 : index
      %swap3A_108 = tpu.vector_load %arg10[%swap3A_106, %swap3A_107] {strides = array<i32>} : memref<80x128xf32, #tpu.memory_space<vmem>>, vector<1x16xf32>,
      %swap3A_109 = vector.shape_cast %swap3A_108 : vector<1x16xf32> to vector<16xf32>
      %swap3A_110 = vector.shape_cast %broadcast_in_dim3A_105 : vector<16xf32> to vector<1x16xf32>
      tpu.vector_store %arg10[%swap3A_106, %swap3A_107], %swap3A_110 {strides = array<i32>} : memref<80x128xf32, #tpu.memory_space<vmem>>, vector<1x16xf32>,
      %broadcast_in_dim3A_111 = arith.constant 0.000000e+00 : f32
      %broadcast_in_dim3A_112 = vector.broadcast %broadcast_in_dim3A_111 : f32 to vector<16xf32>
      %swap3A_113 = arith.index_cast %scan3A_63 : i32 to index
      %swap3A_114 = arith.constant 112 : index
      %swap3A_115 = tpu.vector_load %arg10[%swap3A_113, %swap3A_114] {strides = array<i32>} : memref<80x128xf32, #tpu.memory_space<vmem>>, vector<1x16xf32>,
      %swap3A_116 = vector.shape_cast %swap3A_115 : vector<1x16xf32> to vector<16xf32>
      %swap3A_117 = vector.shape_cast %broadcast_in_dim3A_112 : vector<16xf32> to vector<1x16xf32>
      tpu.vector_store %arg10[%swap3A_113, %swap3A_114], %swap3A_117 {strides = array<i32>} : memref<80x128xf32, #tpu.memory_space<vmem>>, vector<1x16xf32>,
    }
    %scan3A_4 = arith.constant 80 : i32
    %scan3A_5 = arith.constant 0 : i32
    %scan3A_6 = arith.constant 0 : i32
    %scan3A_7 = arith.constant 8 : i32
    %scan3A_8 = arith.addi %scan3A_6, %scan3A_7 : i32
    %scan3A_9 = arith.constant 1 : i32
    scf.for %scan3A_63 = %scan3A_6 to %scan3A_8 step %scan3A_9  : i32 {
      %mul3A_64 = arith.constant 640 : i32
      %mul3A_65 = arith.muli %arg1, %mul3A_64 : i32
      %mul3A_66 = arith.constant 80 : i32
      %mul3A_67 = arith.muli %scan3A_63, %mul3A_66 : i32
      %add3A = arith.addi %mul3A_65, %mul3A_67 : i32
      "tpu.region"() ({
        %run_scoped3A = tpu.sem_alloc : memref<!tpu.dma_semaphore, #tpu.memory_space<semaphore_mem>>
        %dma_start3A_68 = arith.constant 0 : i32
        %dma_start3A_69 = tpu.memref_slice %arg12[%add3A, %dma_start3A_68] : memref<10240x128xf32, #tpu.memory_space<vmem_shared>> -> memref<80x128xf32, #tpu.memory_space<vmem_shared>>
        %dma_start3A_70 = arith.constant 0 : i32
        %dma_start3A_71 = tpu.memref_slice %arg12[%add3A, %dma_start3A_70] : memref<10240x128xf32, #tpu.memory_space<vmem_shared>> -> memref<80x128xf32, #tpu.memory_space<vmem_shared>>
        tpu.enqueue_dma source(%arg10 : memref<80x128xf32, #tpu.memory_space<vmem>>) target(%dma_start3A_71 : memref<80x128xf32, #tpu.memory_space<vmem_shared>>) target_semaphore(%run_scoped3A : memref<!tpu.dma_semaphore, #tpu.memory_space<semaphore_mem>>)
        %dma_wait3A_72 = arith.constant 0 : i32
        %dma_wait3A_73 = tpu.memref_slice %arg12[%add3A, %dma_wait3A_72] : memref<10240x128xf32, #tpu.memory_space<vmem_shared>> -> memref<80x128xf32, #tpu.memory_space<vmem_shared>>
        %dma_wait3A_74 = arith.constant 0 : i32
        %dma_wait3A_75 = tpu.memref_slice %arg12[%add3A, %dma_wait3A_74] : memref<10240x128xf32, #tpu.memory_space<vmem_shared>> -> memref<80x128xf32, #tpu.memory_space<vmem_shared>>
        tpu.wait_dma2 semaphore(%run_scoped3A : memref<!tpu.dma_semaphore, #tpu.memory_space<semaphore_mem>>) src(%arg10 : memref<80x128xf32, #tpu.memory_space<vmem>>) dst(%dma_wait3A_75 : memref<80x128xf32, #tpu.memory_space<vmem_shared>>)
        tpu.yield
      }) : () -> ()
    }
    %scan3A_10 = arith.constant 8 : i32
    %barrier3A = arith.constant 0 : index
    tpu.barrier barrier_id(%barrier3A)
    %mul3A = arith.constant 4000 : i32
    %mul3A_11 = arith.muli %arg1, %mul3A : i32
    "tpu.region"() ({
      %run_scoped3A = tpu.sem_alloc : memref<!tpu.dma_semaphore, #tpu.memory_space<semaphore_mem>>
      %dma_start3A_63 = arith.constant 0 : i32
      %dma_start3A_64 = arith.constant 0 : i32
      %dma_start3A_65 = tpu.memref_slice %arg9[%dma_start3A_63, %dma_start3A_64] : memref<100x80xi32, #tpu.memory_space<vmem>> -> memref<50x80xi32, #tpu.memory_space<vmem>>
      %dma_start3A_66 = arith.constant 0 : i32
      %dma_start3A_67 = arith.constant 0 : i32
      %dma_start3A_68 = tpu.memref_slice %arg5[%arg1, %dma_start3A_66, %dma_start3A_67] : memref<16x50x80xi32, #tpu.memory_space<hbm>> -> memref<1x50x80xi32, #tpu.memory_space<hbm>>
      %dma_start3A_69 = tpu.memref_squeeze %dma_start3A_68 : memref<1x50x80xi32, #tpu.memory_space<hbm>> -> memref<50x80xi32, #tpu.memory_space<hbm>>
      %dma_start3A_70 = arith.constant 0 : i32
      %dma_start3A_71 = arith.constant 0 : i32
      %dma_start3A_72 = tpu.memref_slice %arg9[%dma_start3A_70, %dma_start3A_71] : memref<100x80xi32, #tpu.memory_space<vmem>> -> memref<50x80xi32, #tpu.memory_space<vmem>>
      %dma_start3A_73 = arith.constant 0 : i32
      %dma_start3A_74 = arith.constant 0 : i32
      %dma_start3A_75 = tpu.memref_slice %arg5[%arg1, %dma_start3A_73, %dma_start3A_74] : memref<16x50x80xi32, #tpu.memory_space<hbm>> -> memref<1x50x80xi32, #tpu.memory_space<hbm>>
      %dma_start3A_76 = tpu.memref_squeeze %dma_start3A_75 : memref<1x50x80xi32, #tpu.memory_space<hbm>> -> memref<50x80xi32, #tpu.memory_space<hbm>>
      tpu.enqueue_dma source(%dma_start3A_76 : memref<50x80xi32, #tpu.memory_space<hbm>>) target(%dma_start3A_72 : memref<50x80xi32, #tpu.memory_space<vmem>>) target_semaphore(%run_scoped3A : memref<!tpu.dma_semaphore, #tpu.memory_space<semaphore_mem>>)
      %dma_wait3A_77 = arith.constant 0 : i32
      %dma_wait3A_78 = arith.constant 0 : i32
      %dma_wait3A_79 = tpu.memref_slice %arg9[%dma_wait3A_77, %dma_wait3A_78] : memref<100x80xi32, #tpu.memory_space<vmem>> -> memref<50x80xi32, #tpu.memory_space<vmem>>
      %dma_wait3A_80 = arith.constant 0 : i32
      %dma_wait3A_81 = arith.constant 0 : i32
      %dma_wait3A_82 = tpu.memref_slice %arg5[%arg1, %dma_wait3A_80, %dma_wait3A_81] : memref<16x50x80xi32, #tpu.memory_space<hbm>> -> memref<1x50x80xi32, #tpu.memory_space<hbm>>
      %dma_wait3A_83 = tpu.memref_squeeze %dma_wait3A_82 : memref<1x50x80xi32, #tpu.memory_space<hbm>> -> memref<50x80xi32, #tpu.memory_space<hbm>>
      %dma_wait3A_84 = arith.constant 0 : i32
      %dma_wait3A_85 = arith.constant 0 : i32
      %dma_wait3A_86 = tpu.memref_slice %arg9[%dma_wait3A_84, %dma_wait3A_85] : memref<100x80xi32, #tpu.memory_space<vmem>> -> memref<50x80xi32, #tpu.memory_space<vmem>>
      %dma_wait3A_87 = arith.constant 0 : i32
      %dma_wait3A_88 = arith.constant 0 : i32
      %dma_wait3A_89 = tpu.memref_slice %arg5[%arg1, %dma_wait3A_87, %dma_wait3A_88] : memref<16x50x80xi32, #tpu.memory_space<hbm>> -> memref<1x50x80xi32, #tpu.memory_space<hbm>>
      %dma_wait3A_90 = tpu.memref_squeeze %dma_wait3A_89 : memref<1x50x80xi32, #tpu.memory_space<hbm>> -> memref<50x80xi32, #tpu.memory_space<hbm>>
      tpu.wait_dma2 semaphore(%run_scoped3A : memref<!tpu.dma_semaphore, #tpu.memory_space<semaphore_mem>>) src(%dma_wait3A_90 : memref<50x80xi32, #tpu.memory_space<hbm>>) dst(%dma_wait3A_86 : memref<50x80xi32, #tpu.memory_space<vmem>>)
      tpu.yield
    }) : () -> ()
    %dma_start3A = arith.constant 0 : i32
    %dma_start3A_12 = tpu.memref_slice %arg2[%mul3A_11, %dma_start3A] : memref<64000x128xf32, #tpu.memory_space<hbm>> -> memref<80x128xf32, #tpu.memory_space<hbm>>
    %dma_start3A_13 = arith.constant 0 : i32
    %dma_start3A_14 = tpu.memref_slice %arg2[%mul3A_11, %dma_start3A_13] : memref<64000x128xf32, #tpu.memory_space<hbm>> -> memref<80x128xf32, #tpu.memory_space<hbm>>
    tpu.enqueue_dma source(%dma_start3A_14 : memref<80x128xf32, #tpu.memory_space<hbm>>) target(%arg10 : memref<80x128xf32, #tpu.memory_space<vmem>>) target_semaphore(%arg13 : memref<!tpu.dma_semaphore, #tpu.memory_space<semaphore_mem>>)
    %scan3A_15 = arith.constant 0 : i32
    %scan3A_16 = arith.constant 0 : i32
    %scan3A_17 = arith.constant 50 : i32
    %scan3A_18 = arith.addi %scan3A_16, %scan3A_17 : i32
    %scan3A_19 = arith.constant 1 : i32
    scf.for %scan3A_63 = %scan3A_16 to %scan3A_18 step %scan3A_19  : i32 {
      %add3A = arith.constant 1 : i32
      %add3A_64 = arith.addi %scan3A_63, %add3A : i32
      %min3A = arith.constant 49 : i32
      %min3A_65 = arith.minsi %add3A_64, %min3A : i32
      %rem3A = arith.constant 2 : i32
      %rem3A_66 = arith.remsi %scan3A_63, %rem3A : i32
      %eq3A = arith.constant 0 : i32
      %eq3A_67 = arith.cmpi eq, %rem3A_66, %eq3A : i32
      %convert_element_type3A = arith.extui %eq3A_67 : i1 to i32
      %cond3A = arith.constant 0 : i32
      %cond3A_68 = arith.cmpi ne, %convert_element_type3A, %cond3A : i32
      scf.if %cond3A_68 {
        %dma_wait3A_73 = arith.constant 0 : i32
        %dma_wait3A_74 = tpu.memref_slice %arg2[%mul3A_11, %dma_wait3A_73] : memref<64000x128xf32, #tpu.memory_space<hbm>> -> memref<80x128xf32, #tpu.memory_space<hbm>>
        %dma_wait3A_75 = arith.constant 0 : i32
        %dma_wait3A_76 = tpu.memref_slice %arg2[%mul3A_11, %dma_wait3A_75] : memref<64000x128xf32, #tpu.memory_space<hbm>> -> memref<80x128xf32, #tpu.memory_space<hbm>>
        tpu.wait_dma2 semaphore(%arg13 : memref<!tpu.dma_semaphore, #tpu.memory_space<semaphore_mem>>) src(%dma_wait3A_76 : memref<80x128xf32, #tpu.memory_space<hbm>>) dst(%arg10 : memref<80x128xf32, #tpu.memory_space<vmem>>)
        %mul3A_77 = arith.constant 80 : i32
        %mul3A_78 = arith.muli %min3A_65, %mul3A_77 : i32
        %add3A_79 = arith.addi %mul3A_11, %mul3A_78 : i32
        %dma_start3A_80 = arith.constant 0 : i32
        %dma_start3A_81 = tpu.memref_slice %arg2[%add3A_79, %dma_start3A_80] : memref<64000x128xf32, #tpu.memory_space<hbm>> -> memref<80x128xf32, #tpu.memory_space<hbm>>
        %dma_start3A_82 = arith.constant 0 : i32
        %dma_start3A_83 = tpu.memref_slice %arg2[%add3A_79, %dma_start3A_82] : memref<64000x128xf32, #tpu.memory_space<hbm>> -> memref<80x128xf32, #tpu.memory_space<hbm>>
        tpu.enqueue_dma source(%dma_start3A_83 : memref<80x128xf32, #tpu.memory_space<hbm>>) target(%arg11 : memref<80x128xf32, #tpu.memory_space<vmem>>) target_semaphore(%arg13 : memref<!tpu.dma_semaphore, #tpu.memory_space<semaphore_mem>>)
        "tpu.region"() ({
          %run_scoped3A = tpu.sem_alloc : memref<!tpu.dma_semaphore, #tpu.memory_space<semaphore_mem>>
          %dma_start3A_84 = arith.constant 0 : i32
          %dma_start3A_85 = tpu.memref_slice %arg9[%scan3A_63, %dma_start3A_84] : memref<100x80xi32, #tpu.memory_space<vmem>> -> memref<1x80xi32, #tpu.memory_space<vmem>>
          %dma_start3A_86 = tpu.memref_squeeze %dma_start3A_85 : memref<1x80xi32, #tpu.memory_space<vmem>> -> memref<80xi32, #tpu.memory_space<vmem>>
          %dma_start3A_87 = arith.constant 0 : i32
          %dma_start3A_88 = arith.constant 0 : i32
          %dma_start3A_89 = tpu.memref_slice %arg12[%dma_start3A_87, %dma_start3A_88] : memref<10240x128xf32, #tpu.memory_space<vmem_shared>> -> memref<10240x128xf32, #tpu.memory_space<vmem_shared>>
          tpu.enqueue_indirect_dma source(%arg10 : memref<80x128xf32, #tpu.memory_space<vmem>>) target(%dma_start3A_89 : memref<10240x128xf32, #tpu.memory_space<vmem_shared>>) offsets(%dma_start3A_86 : memref<80xi32, #tpu.memory_space<vmem>>) semaphore(%run_scoped3A : memref<!tpu.dma_semaphore, #tpu.memory_space<semaphore_mem>>) {add = true}
          %dma_wait3A_90 = arith.constant 0 : i32
          %dma_wait3A_91 = tpu.memref_slice %arg9[%scan3A_63, %dma_wait3A_90] : memref<100x80xi32, #tpu.memory_space<vmem>> -> memref<1x80xi32, #tpu.memory_space<vmem>>
          %dma_wait3A_92 = tpu.memref_squeeze %dma_wait3A_91 : memref<1x80xi32, #tpu.memory_space<vmem>> -> memref<80xi32, #tpu.memory_space<vmem>>
          %dma_wait3A_93 = arith.constant 0 : i32
          %dma_wait3A_94 = arith.constant 0 : i32
          %dma_wait3A_95 = tpu.memref_slice %arg12[%dma_wait3A_93, %dma_wait3A_94] : memref<10240x128xf32, #tpu.memory_space<vmem_shared>> -> memref<10240x128xf32, #tpu.memory_space<vmem_shared>>
          tpu.wait_indirect_dma semaphore(%run_scoped3A : memref<!tpu.dma_semaphore, #tpu.memory_space<semaphore_mem>>) src(%arg10 : memref<80x128xf32, #tpu.memory_space<vmem>>) dst(%dma_wait3A_95 : memref<10240x128xf32, #tpu.memory_space<vmem_shared>>)
          tpu.yield
        }) : () -> ()
      } else {
      }
      %not3A = arith.constant true
      %not3A_69 = arith.xori %eq3A_67, %not3A : i1
      %convert_element_type3A_70 = arith.extui %not3A_69 : i1 to i32
      %cond3A_71 = arith.constant 0 : i32
      %cond3A_72 = arith.cmpi ne, %convert_element_type3A_70, %cond3A_71 : i32
      scf.if %cond3A_72 {
        %dma_wait3A_73 = arith.constant 0 : i32
        %dma_wait3A_74 = tpu.memref_slice %arg2[%mul3A_11, %dma_wait3A_73] : memref<64000x128xf32, #tpu.memory_space<hbm>> -> memref<80x128xf32, #tpu.memory_space<hbm>>
        %dma_wait3A_75 = arith.constant 0 : i32
        %dma_wait3A_76 = tpu.memref_slice %arg2[%mul3A_11, %dma_wait3A_75] : memref<64000x128xf32, #tpu.memory_space<hbm>> -> memref<80x128xf32, #tpu.memory_space<hbm>>
        tpu.wait_dma2 semaphore(%arg13 : memref<!tpu.dma_semaphore, #tpu.memory_space<semaphore_mem>>) src(%dma_wait3A_76 : memref<80x128xf32, #tpu.memory_space<hbm>>) dst(%arg11 : memref<80x128xf32, #tpu.memory_space<vmem>>)
        %mul3A_77 = arith.constant 80 : i32
        %mul3A_78 = arith.muli %min3A_65, %mul3A_77 : i32
        %add3A_79 = arith.addi %mul3A_11, %mul3A_78 : i32
        %dma_start3A_80 = arith.constant 0 : i32
        %dma_start3A_81 = tpu.memref_slice %arg2[%add3A_79, %dma_start3A_80] : memref<64000x128xf32, #tpu.memory_space<hbm>> -> memref<80x128xf32, #tpu.memory_space<hbm>>
        %dma_start3A_82 = arith.constant 0 : i32
        %dma_start3A_83 = tpu.memref_slice %arg2[%add3A_79, %dma_start3A_82] : memref<64000x128xf32, #tpu.memory_space<hbm>> -> memref<80x128xf32, #tpu.memory_space<hbm>>
        tpu.enqueue_dma source(%dma_start3A_83 : memref<80x128xf32, #tpu.memory_space<hbm>>) target(%arg10 : memref<80x128xf32, #tpu.memory_space<vmem>>) target_semaphore(%arg13 : memref<!tpu.dma_semaphore, #tpu.memory_space<semaphore_mem>>)
        "tpu.region"() ({
          %run_scoped3A = tpu.sem_alloc : memref<!tpu.dma_semaphore, #tpu.memory_space<semaphore_mem>>
          %dma_start3A_84 = arith.constant 0 : i32
          %dma_start3A_85 = tpu.memref_slice %arg9[%scan3A_63, %dma_start3A_84] : memref<100x80xi32, #tpu.memory_space<vmem>> -> memref<1x80xi32, #tpu.memory_space<vmem>>
          %dma_start3A_86 = tpu.memref_squeeze %dma_start3A_85 : memref<1x80xi32, #tpu.memory_space<vmem>> -> memref<80xi32, #tpu.memory_space<vmem>>
          %dma_start3A_87 = arith.constant 0 : i32
          %dma_start3A_88 = arith.constant 0 : i32
          %dma_start3A_89 = tpu.memref_slice %arg12[%dma_start3A_87, %dma_start3A_88] : memref<10240x128xf32, #tpu.memory_space<vmem_shared>> -> memref<10240x128xf32, #tpu.memory_space<vmem_shared>>
          tpu.enqueue_indirect_dma source(%arg11 : memref<80x128xf32, #tpu.memory_space<vmem>>) target(%dma_start3A_89 : memref<10240x128xf32, #tpu.memory_space<vmem_shared>>) offsets(%dma_start3A_86 : memref<80xi32, #tpu.memory_space<vmem>>) semaphore(%run_scoped3A : memref<!tpu.dma_semaphore, #tpu.memory_space<semaphore_mem>>) {add = true}
          %dma_wait3A_90 = arith.constant 0 : i32
          %dma_wait3A_91 = tpu.memref_slice %arg9[%scan3A_63, %dma_wait3A_90] : memref<100x80xi32, #tpu.memory_space<vmem>> -> memref<1x80xi32, #tpu.memory_space<vmem>>
          %dma_wait3A_92 = tpu.memref_squeeze %dma_wait3A_91 : memref<1x80xi32, #tpu.memory_space<vmem>> -> memref<80xi32, #tpu.memory_space<vmem>>
          %dma_wait3A_93 = arith.constant 0 : i32
          %dma_wait3A_94 = arith.constant 0 : i32
          %dma_wait3A_95 = tpu.memref_slice %arg12[%dma_wait3A_93, %dma_wait3A_94] : memref<10240x128xf32, #tpu.memory_space<vmem_shared>> -> memref<10240x128xf32, #tpu.memory_space<vmem_shared>>
          tpu.wait_indirect_dma semaphore(%run_scoped3A : memref<!tpu.dma_semaphore, #tpu.memory_space<semaphore_mem>>) src(%arg11 : memref<80x128xf32, #tpu.memory_space<vmem>>) dst(%dma_wait3A_95 : memref<10240x128xf32, #tpu.memory_space<vmem_shared>>)
          tpu.yield
        }) : () -> ()
      } else {
      }
    }
    %scan3A_20 = arith.constant 50 : i32
    %dma_wait3A = arith.constant 0 : i32
    %dma_wait3A_21 = tpu.memref_slice %arg2[%mul3A_11, %dma_wait3A] : memref<64000x128xf32, #tpu.memory_space<hbm>> -> memref<80x128xf32, #tpu.memory_space<hbm>>
    %dma_wait3A_22 = arith.constant 0 : i32
    %dma_wait3A_23 = tpu.memref_slice %arg2[%mul3A_11, %dma_wait3A_22] : memref<64000x128xf32, #tpu.memory_space<hbm>> -> memref<80x128xf32, #tpu.memory_space<hbm>>
    tpu.wait_dma2 semaphore(%arg13 : memref<!tpu.dma_semaphore, #tpu.memory_space<semaphore_mem>>) src(%dma_wait3A_23 : memref<80x128xf32, #tpu.memory_space<hbm>>) dst(%arg10 : memref<80x128xf32, #tpu.memory_space<vmem>>)
    %mul3A_24 = arith.constant 8000 : i32
    %mul3A_25 = arith.muli %arg1, %mul3A_24 : i32
    "tpu.region"() ({
      %run_scoped3A = tpu.sem_alloc : memref<!tpu.dma_semaphore, #tpu.memory_space<semaphore_mem>>
      %dma_start3A_63 = arith.constant 0 : i32
      %dma_start3A_64 = arith.constant 0 : i32
      %dma_start3A_65 = tpu.memref_slice %arg9[%dma_start3A_63, %dma_start3A_64] : memref<100x80xi32, #tpu.memory_space<vmem>> -> memref<100x80xi32, #tpu.memory_space<vmem>>
      %dma_start3A_66 = arith.constant 0 : i32
      %dma_start3A_67 = arith.constant 0 : i32
      %dma_start3A_68 = tpu.memref_slice %arg6[%arg1, %dma_start3A_66, %dma_start3A_67] : memref<16x100x80xi32, #tpu.memory_space<hbm>> -> memref<1x100x80xi32, #tpu.memory_space<hbm>>
      %dma_start3A_69 = tpu.memref_squeeze %dma_start3A_68 : memref<1x100x80xi32, #tpu.memory_space<hbm>> -> memref<100x80xi32, #tpu.memory_space<hbm>>
      %dma_start3A_70 = arith.constant 0 : i32
      %dma_start3A_71 = arith.constant 0 : i32
      %dma_start3A_72 = tpu.memref_slice %arg9[%dma_start3A_70, %dma_start3A_71] : memref<100x80xi32, #tpu.memory_space<vmem>> -> memref<100x80xi32, #tpu.memory_space<vmem>>
      %dma_start3A_73 = arith.constant 0 : i32
      %dma_start3A_74 = arith.constant 0 : i32
      %dma_start3A_75 = tpu.memref_slice %arg6[%arg1, %dma_start3A_73, %dma_start3A_74] : memref<16x100x80xi32, #tpu.memory_space<hbm>> -> memref<1x100x80xi32, #tpu.memory_space<hbm>>
      %dma_start3A_76 = tpu.memref_squeeze %dma_start3A_75 : memref<1x100x80xi32, #tpu.memory_space<hbm>> -> memref<100x80xi32, #tpu.memory_space<hbm>>
      tpu.enqueue_dma source(%dma_start3A_76 : memref<100x80xi32, #tpu.memory_space<hbm>>) target(%dma_start3A_72 : memref<100x80xi32, #tpu.memory_space<vmem>>) target_semaphore(%run_scoped3A : memref<!tpu.dma_semaphore, #tpu.memory_space<semaphore_mem>>)
      %dma_wait3A_77 = arith.constant 0 : i32
      %dma_wait3A_78 = arith.constant 0 : i32
      %dma_wait3A_79 = tpu.memref_slice %arg9[%dma_wait3A_77, %dma_wait3A_78] : memref<100x80xi32, #tpu.memory_space<vmem>> -> memref<100x80xi32, #tpu.memory_space<vmem>>
      %dma_wait3A_80 = arith.constant 0 : i32
      %dma_wait3A_81 = arith.constant 0 : i32
      %dma_wait3A_82 = tpu.memref_slice %arg6[%arg1, %dma_wait3A_80, %dma_wait3A_81] : memref<16x100x80xi32, #tpu.memory_space<hbm>> -> memref<1x100x80xi32, #tpu.memory_space<hbm>>
      %dma_wait3A_83 = tpu.memref_squeeze %dma_wait3A_82 : memref<1x100x80xi32, #tpu.memory_space<hbm>> -> memref<100x80xi32, #tpu.memory_space<hbm>>
      %dma_wait3A_84 = arith.constant 0 : i32
      %dma_wait3A_85 = arith.constant 0 : i32
      %dma_wait3A_86 = tpu.memref_slice %arg9[%dma_wait3A_84, %dma_wait3A_85] : memref<100x80xi32, #tpu.memory_space<vmem>> -> memref<100x80xi32, #tpu.memory_space<vmem>>
      %dma_wait3A_87 = arith.constant 0 : i32
      %dma_wait3A_88 = arith.constant 0 : i32
      %dma_wait3A_89 = tpu.memref_slice %arg6[%arg1, %dma_wait3A_87, %dma_wait3A_88] : memref<16x100x80xi32, #tpu.memory_space<hbm>> -> memref<1x100x80xi32, #tpu.memory_space<hbm>>
      %dma_wait3A_90 = tpu.memref_squeeze %dma_wait3A_89 : memref<1x100x80xi32, #tpu.memory_space<hbm>> -> memref<100x80xi32, #tpu.memory_space<hbm>>
      tpu.wait_dma2 semaphore(%run_scoped3A : memref<!tpu.dma_semaphore, #tpu.memory_space<semaphore_mem>>) src(%dma_wait3A_90 : memref<100x80xi32, #tpu.memory_space<hbm>>) dst(%dma_wait3A_86 : memref<100x80xi32, #tpu.memory_space<vmem>>)
      tpu.yield
    }) : () -> ()
    %dma_start3A_26 = arith.constant 0 : i32
    %dma_start3A_27 = tpu.memref_slice %arg3[%mul3A_25, %dma_start3A_26] : memref<128000x128xf32, #tpu.memory_space<hbm>> -> memref<80x128xf32, #tpu.memory_space<hbm>>
    %dma_start3A_28 = arith.constant 0 : i32
    %dma_start3A_29 = tpu.memref_slice %arg3[%mul3A_25, %dma_start3A_28] : memref<128000x128xf32, #tpu.memory_space<hbm>> -> memref<80x128xf32, #tpu.memory_space<hbm>>
    tpu.enqueue_dma source(%dma_start3A_29 : memref<80x128xf32, #tpu.memory_space<hbm>>) target(%arg10 : memref<80x128xf32, #tpu.memory_space<vmem>>) target_semaphore(%arg13 : memref<!tpu.dma_semaphore, #tpu.memory_space<semaphore_mem>>)
    %scan3A_30 = arith.constant 0 : i32
    %scan3A_31 = arith.constant 0 : i32
    %scan3A_32 = arith.constant 100 : i32
    %scan3A_33 = arith.addi %scan3A_31, %scan3A_32 : i32
    %scan3A_34 = arith.constant 1 : i32
    scf.for %scan3A_63 = %scan3A_31 to %scan3A_33 step %scan3A_34  : i32 {
      %add3A = arith.constant 1 : i32
      %add3A_64 = arith.addi %scan3A_63, %add3A : i32
      %min3A = arith.constant 99 : i32
      %min3A_65 = arith.minsi %add3A_64, %min3A : i32
      %rem3A = arith.constant 2 : i32
      %rem3A_66 = arith.remsi %scan3A_63, %rem3A : i32
      %eq3A = arith.constant 0 : i32
      %eq3A_67 = arith.cmpi eq, %rem3A_66, %eq3A : i32
      %convert_element_type3A = arith.extui %eq3A_67 : i1 to i32
      %cond3A = arith.constant 0 : i32
      %cond3A_68 = arith.cmpi ne, %convert_element_type3A, %cond3A : i32
      scf.if %cond3A_68 {
        %dma_wait3A_73 = arith.constant 0 : i32
        %dma_wait3A_74 = tpu.memref_slice %arg3[%mul3A_25, %dma_wait3A_73] : memref<128000x128xf32, #tpu.memory_space<hbm>> -> memref<80x128xf32, #tpu.memory_space<hbm>>
        %dma_wait3A_75 = arith.constant 0 : i32
        %dma_wait3A_76 = tpu.memref_slice %arg3[%mul3A_25, %dma_wait3A_75] : memref<128000x128xf32, #tpu.memory_space<hbm>> -> memref<80x128xf32, #tpu.memory_space<hbm>>
        tpu.wait_dma2 semaphore(%arg13 : memref<!tpu.dma_semaphore, #tpu.memory_space<semaphore_mem>>) src(%dma_wait3A_76 : memref<80x128xf32, #tpu.memory_space<hbm>>) dst(%arg10 : memref<80x128xf32, #tpu.memory_space<vmem>>)
        %mul3A_77 = arith.constant 80 : i32
        %mul3A_78 = arith.muli %min3A_65, %mul3A_77 : i32
        %add3A_79 = arith.addi %mul3A_25, %mul3A_78 : i32
        %dma_start3A_80 = arith.constant 0 : i32
        %dma_start3A_81 = tpu.memref_slice %arg3[%add3A_79, %dma_start3A_80] : memref<128000x128xf32, #tpu.memory_space<hbm>> -> memref<80x128xf32, #tpu.memory_space<hbm>>
        %dma_start3A_82 = arith.constant 0 : i32
        %dma_start3A_83 = tpu.memref_slice %arg3[%add3A_79, %dma_start3A_82] : memref<128000x128xf32, #tpu.memory_space<hbm>> -> memref<80x128xf32, #tpu.memory_space<hbm>>
        tpu.enqueue_dma source(%dma_start3A_83 : memref<80x128xf32, #tpu.memory_space<hbm>>) target(%arg11 : memref<80x128xf32, #tpu.memory_space<vmem>>) target_semaphore(%arg13 : memref<!tpu.dma_semaphore, #tpu.memory_space<semaphore_mem>>)
        "tpu.region"() ({
          %run_scoped3A = tpu.sem_alloc : memref<!tpu.dma_semaphore, #tpu.memory_space<semaphore_mem>>
          %dma_start3A_84 = arith.constant 0 : i32
          %dma_start3A_85 = tpu.memref_slice %arg9[%scan3A_63, %dma_start3A_84] : memref<100x80xi32, #tpu.memory_space<vmem>> -> memref<1x80xi32, #tpu.memory_space<vmem>>
          %dma_start3A_86 = tpu.memref_squeeze %dma_start3A_85 : memref<1x80xi32, #tpu.memory_space<vmem>> -> memref<80xi32, #tpu.memory_space<vmem>>
          %dma_start3A_87 = arith.constant 0 : i32
          %dma_start3A_88 = arith.constant 0 : i32
          %dma_start3A_89 = tpu.memref_slice %arg12[%dma_start3A_87, %dma_start3A_88] : memref<10240x128xf32, #tpu.memory_space<vmem_shared>> -> memref<10240x128xf32, #tpu.memory_space<vmem_shared>>
          tpu.enqueue_indirect_dma source(%arg10 : memref<80x128xf32, #tpu.memory_space<vmem>>) target(%dma_start3A_89 : memref<10240x128xf32, #tpu.memory_space<vmem_shared>>) offsets(%dma_start3A_86 : memref<80xi32, #tpu.memory_space<vmem>>) semaphore(%run_scoped3A : memref<!tpu.dma_semaphore, #tpu.memory_space<semaphore_mem>>) {add = true}
          %dma_wait3A_90 = arith.constant 0 : i32
          %dma_wait3A_91 = tpu.memref_slice %arg9[%scan3A_63, %dma_wait3A_90] : memref<100x80xi32, #tpu.memory_space<vmem>> -> memref<1x80xi32, #tpu.memory_space<vmem>>
          %dma_wait3A_92 = tpu.memref_squeeze %dma_wait3A_91 : memref<1x80xi32, #tpu.memory_space<vmem>> -> memref<80xi32, #tpu.memory_space<vmem>>
          %dma_wait3A_93 = arith.constant 0 : i32
          %dma_wait3A_94 = arith.constant 0 : i32
          %dma_wait3A_95 = tpu.memref_slice %arg12[%dma_wait3A_93, %dma_wait3A_94] : memref<10240x128xf32, #tpu.memory_space<vmem_shared>> -> memref<10240x128xf32, #tpu.memory_space<vmem_shared>>
          tpu.wait_indirect_dma semaphore(%run_scoped3A : memref<!tpu.dma_semaphore, #tpu.memory_space<semaphore_mem>>) src(%arg10 : memref<80x128xf32, #tpu.memory_space<vmem>>) dst(%dma_wait3A_95 : memref<10240x128xf32, #tpu.memory_space<vmem_shared>>)
          tpu.yield
        }) : () -> ()
      } else {
      }
      %not3A = arith.constant true
      %not3A_69 = arith.xori %eq3A_67, %not3A : i1
      %convert_element_type3A_70 = arith.extui %not3A_69 : i1 to i32
      %cond3A_71 = arith.constant 0 : i32
      %cond3A_72 = arith.cmpi ne, %convert_element_type3A_70, %cond3A_71 : i32
      scf.if %cond3A_72 {
        %dma_wait3A_73 = arith.constant 0 : i32
        %dma_wait3A_74 = tpu.memref_slice %arg3[%mul3A_25, %dma_wait3A_73] : memref<128000x128xf32, #tpu.memory_space<hbm>> -> memref<80x128xf32, #tpu.memory_space<hbm>>
        %dma_wait3A_75 = arith.constant 0 : i32
        %dma_wait3A_76 = tpu.memref_slice %arg3[%mul3A_25, %dma_wait3A_75] : memref<128000x128xf32, #tpu.memory_space<hbm>> -> memref<80x128xf32, #tpu.memory_space<hbm>>
        tpu.wait_dma2 semaphore(%arg13 : memref<!tpu.dma_semaphore, #tpu.memory_space<semaphore_mem>>) src(%dma_wait3A_76 : memref<80x128xf32, #tpu.memory_space<hbm>>) dst(%arg11 : memref<80x128xf32, #tpu.memory_space<vmem>>)
        %mul3A_77 = arith.constant 80 : i32
        %mul3A_78 = arith.muli %min3A_65, %mul3A_77 : i32
        %add3A_79 = arith.addi %mul3A_25, %mul3A_78 : i32
        %dma_start3A_80 = arith.constant 0 : i32
        %dma_start3A_81 = tpu.memref_slice %arg3[%add3A_79, %dma_start3A_80] : memref<128000x128xf32, #tpu.memory_space<hbm>> -> memref<80x128xf32, #tpu.memory_space<hbm>>
        %dma_start3A_82 = arith.constant 0 : i32
        %dma_start3A_83 = tpu.memref_slice %arg3[%add3A_79, %dma_start3A_82] : memref<128000x128xf32, #tpu.memory_space<hbm>> -> memref<80x128xf32, #tpu.memory_space<hbm>>
        tpu.enqueue_dma source(%dma_start3A_83 : memref<80x128xf32, #tpu.memory_space<hbm>>) target(%arg10 : memref<80x128xf32, #tpu.memory_space<vmem>>) target_semaphore(%arg13 : memref<!tpu.dma_semaphore, #tpu.memory_space<semaphore_mem>>)
        "tpu.region"() ({
          %run_scoped3A = tpu.sem_alloc : memref<!tpu.dma_semaphore, #tpu.memory_space<semaphore_mem>>
          %dma_start3A_84 = arith.constant 0 : i32
          %dma_start3A_85 = tpu.memref_slice %arg9[%scan3A_63, %dma_start3A_84] : memref<100x80xi32, #tpu.memory_space<vmem>> -> memref<1x80xi32, #tpu.memory_space<vmem>>
          %dma_start3A_86 = tpu.memref_squeeze %dma_start3A_85 : memref<1x80xi32, #tpu.memory_space<vmem>> -> memref<80xi32, #tpu.memory_space<vmem>>
          %dma_start3A_87 = arith.constant 0 : i32
          %dma_start3A_88 = arith.constant 0 : i32
          %dma_start3A_89 = tpu.memref_slice %arg12[%dma_start3A_87, %dma_start3A_88] : memref<10240x128xf32, #tpu.memory_space<vmem_shared>> -> memref<10240x128xf32, #tpu.memory_space<vmem_shared>>
          tpu.enqueue_indirect_dma source(%arg11 : memref<80x128xf32, #tpu.memory_space<vmem>>) target(%dma_start3A_89 : memref<10240x128xf32, #tpu.memory_space<vmem_shared>>) offsets(%dma_start3A_86 : memref<80xi32, #tpu.memory_space<vmem>>) semaphore(%run_scoped3A : memref<!tpu.dma_semaphore, #tpu.memory_space<semaphore_mem>>) {add = true}
          %dma_wait3A_90 = arith.constant 0 : i32
          %dma_wait3A_91 = tpu.memref_slice %arg9[%scan3A_63, %dma_wait3A_90] : memref<100x80xi32, #tpu.memory_space<vmem>> -> memref<1x80xi32, #tpu.memory_space<vmem>>
          %dma_wait3A_92 = tpu.memref_squeeze %dma_wait3A_91 : memref<1x80xi32, #tpu.memory_space<vmem>> -> memref<80xi32, #tpu.memory_space<vmem>>
          %dma_wait3A_93 = arith.constant 0 : i32
          %dma_wait3A_94 = arith.constant 0 : i32
          %dma_wait3A_95 = tpu.memref_slice %arg12[%dma_wait3A_93, %dma_wait3A_94] : memref<10240x128xf32, #tpu.memory_space<vmem_shared>> -> memref<10240x128xf32, #tpu.memory_space<vmem_shared>>
          tpu.wait_indirect_dma semaphore(%run_scoped3A : memref<!tpu.dma_semaphore, #tpu.memory_space<semaphore_mem>>) src(%arg11 : memref<80x128xf32, #tpu.memory_space<vmem>>) dst(%dma_wait3A_95 : memref<10240x128xf32, #tpu.memory_space<vmem_shared>>)
          tpu.yield
        }) : () -> ()
      } else {
      }
    }
    %scan3A_35 = arith.constant 100 : i32
    %dma_wait3A_36 = arith.constant 0 : i32
    %dma_wait3A_37 = tpu.memref_slice %arg3[%mul3A_25, %dma_wait3A_36] : memref<128000x128xf32, #tpu.memory_space<hbm>> -> memref<80x128xf32, #tpu.memory_space<hbm>>
    %dma_wait3A_38 = arith.constant 0 : i32
    %dma_wait3A_39 = tpu.memref_slice %arg3[%mul3A_25, %dma_wait3A_38] : memref<128000x128xf32, #tpu.memory_space<hbm>> -> memref<80x128xf32, #tpu.memory_space<hbm>>
    tpu.wait_dma2 semaphore(%arg13 : memref<!tpu.dma_semaphore, #tpu.memory_space<semaphore_mem>>) src(%dma_wait3A_39 : memref<80x128xf32, #tpu.memory_space<hbm>>) dst(%arg10 : memref<80x128xf32, #tpu.memory_space<vmem>>)
    %mul3A_40 = arith.constant 8000 : i32
    %mul3A_41 = arith.muli %arg1, %mul3A_40 : i32
    "tpu.region"() ({
      %run_scoped3A = tpu.sem_alloc : memref<!tpu.dma_semaphore, #tpu.memory_space<semaphore_mem>>
      %dma_start3A_63 = arith.constant 0 : i32
      %dma_start3A_64 = arith.constant 0 : i32
      %dma_start3A_65 = tpu.memref_slice %arg9[%dma_start3A_63, %dma_start3A_64] : memref<100x80xi32, #tpu.memory_space<vmem>> -> memref<100x80xi32, #tpu.memory_space<vmem>>
      %dma_start3A_66 = arith.constant 0 : i32
      %dma_start3A_67 = arith.constant 0 : i32
      %dma_start3A_68 = tpu.memref_slice %arg7[%arg1, %dma_start3A_66, %dma_start3A_67] : memref<16x100x80xi32, #tpu.memory_space<hbm>> -> memref<1x100x80xi32, #tpu.memory_space<hbm>>
      %dma_start3A_69 = tpu.memref_squeeze %dma_start3A_68 : memref<1x100x80xi32, #tpu.memory_space<hbm>> -> memref<100x80xi32, #tpu.memory_space<hbm>>
      %dma_start3A_70 = arith.constant 0 : i32
      %dma_start3A_71 = arith.constant 0 : i32
      %dma_start3A_72 = tpu.memref_slice %arg9[%dma_start3A_70, %dma_start3A_71] : memref<100x80xi32, #tpu.memory_space<vmem>> -> memref<100x80xi32, #tpu.memory_space<vmem>>
      %dma_start3A_73 = arith.constant 0 : i32
      %dma_start3A_74 = arith.constant 0 : i32
      %dma_start3A_75 = tpu.memref_slice %arg7[%arg1, %dma_start3A_73, %dma_start3A_74] : memref<16x100x80xi32, #tpu.memory_space<hbm>> -> memref<1x100x80xi32, #tpu.memory_space<hbm>>
      %dma_start3A_76 = tpu.memref_squeeze %dma_start3A_75 : memref<1x100x80xi32, #tpu.memory_space<hbm>> -> memref<100x80xi32, #tpu.memory_space<hbm>>
      tpu.enqueue_dma source(%dma_start3A_76 : memref<100x80xi32, #tpu.memory_space<hbm>>) target(%dma_start3A_72 : memref<100x80xi32, #tpu.memory_space<vmem>>) target_semaphore(%run_scoped3A : memref<!tpu.dma_semaphore, #tpu.memory_space<semaphore_mem>>)
      %dma_wait3A_77 = arith.constant 0 : i32
      %dma_wait3A_78 = arith.constant 0 : i32
      %dma_wait3A_79 = tpu.memref_slice %arg9[%dma_wait3A_77, %dma_wait3A_78] : memref<100x80xi32, #tpu.memory_space<vmem>> -> memref<100x80xi32, #tpu.memory_space<vmem>>
      %dma_wait3A_80 = arith.constant 0 : i32
      %dma_wait3A_81 = arith.constant 0 : i32
      %dma_wait3A_82 = tpu.memref_slice %arg7[%arg1, %dma_wait3A_80, %dma_wait3A_81] : memref<16x100x80xi32, #tpu.memory_space<hbm>> -> memref<1x100x80xi32, #tpu.memory_space<hbm>>
      %dma_wait3A_83 = tpu.memref_squeeze %dma_wait3A_82 : memref<1x100x80xi32, #tpu.memory_space<hbm>> -> memref<100x80xi32, #tpu.memory_space<hbm>>
      %dma_wait3A_84 = arith.constant 0 : i32
      %dma_wait3A_85 = arith.constant 0 : i32
      %dma_wait3A_86 = tpu.memref_slice %arg9[%dma_wait3A_84, %dma_wait3A_85] : memref<100x80xi32, #tpu.memory_space<vmem>> -> memref<100x80xi32, #tpu.memory_space<vmem>>
      %dma_wait3A_87 = arith.constant 0 : i32
      %dma_wait3A_88 = arith.constant 0 : i32
      %dma_wait3A_89 = tpu.memref_slice %arg7[%arg1, %dma_wait3A_87, %dma_wait3A_88] : memref<16x100x80xi32, #tpu.memory_space<hbm>> -> memref<1x100x80xi32, #tpu.memory_space<hbm>>
      %dma_wait3A_90 = tpu.memref_squeeze %dma_wait3A_89 : memref<1x100x80xi32, #tpu.memory_space<hbm>> -> memref<100x80xi32, #tpu.memory_space<hbm>>
      tpu.wait_dma2 semaphore(%run_scoped3A : memref<!tpu.dma_semaphore, #tpu.memory_space<semaphore_mem>>) src(%dma_wait3A_90 : memref<100x80xi32, #tpu.memory_space<hbm>>) dst(%dma_wait3A_86 : memref<100x80xi32, #tpu.memory_space<vmem>>)
      tpu.yield
    }) : () -> ()
    %dma_start3A_42 = arith.constant 0 : i32
    %dma_start3A_43 = tpu.memref_slice %arg4[%mul3A_41, %dma_start3A_42] : memref<128000x128xf32, #tpu.memory_space<hbm>> -> memref<80x128xf32, #tpu.memory_space<hbm>>
    %dma_start3A_44 = arith.constant 0 : i32
    %dma_start3A_45 = tpu.memref_slice %arg4[%mul3A_41, %dma_start3A_44] : memref<128000x128xf32, #tpu.memory_space<hbm>> -> memref<80x128xf32, #tpu.memory_space<hbm>>
    tpu.enqueue_dma source(%dma_start3A_45 : memref<80x128xf32, #tpu.memory_space<hbm>>) target(%arg10 : memref<80x128xf32, #tpu.memory_space<vmem>>) target_semaphore(%arg13 : memref<!tpu.dma_semaphore, #tpu.memory_space<semaphore_mem>>)
    %scan3A_46 = arith.constant 0 : i32
    %scan3A_47 = arith.constant 0 : i32
    %scan3A_48 = arith.constant 100 : i32
    %scan3A_49 = arith.addi %scan3A_47, %scan3A_48 : i32
    %scan3A_50 = arith.constant 1 : i32
    scf.for %scan3A_63 = %scan3A_47 to %scan3A_49 step %scan3A_50  : i32 {
      %add3A = arith.constant 1 : i32
      %add3A_64 = arith.addi %scan3A_63, %add3A : i32
      %min3A = arith.constant 99 : i32
      %min3A_65 = arith.minsi %add3A_64, %min3A : i32
      %rem3A = arith.constant 2 : i32
      %rem3A_66 = arith.remsi %scan3A_63, %rem3A : i32
      %eq3A = arith.constant 0 : i32
      %eq3A_67 = arith.cmpi eq, %rem3A_66, %eq3A : i32
      %convert_element_type3A = arith.extui %eq3A_67 : i1 to i32
      %cond3A = arith.constant 0 : i32
      %cond3A_68 = arith.cmpi ne, %convert_element_type3A, %cond3A : i32
      scf.if %cond3A_68 {
        %dma_wait3A_73 = arith.constant 0 : i32
        %dma_wait3A_74 = tpu.memref_slice %arg4[%mul3A_41, %dma_wait3A_73] : memref<128000x128xf32, #tpu.memory_space<hbm>> -> memref<80x128xf32, #tpu.memory_space<hbm>>
        %dma_wait3A_75 = arith.constant 0 : i32
        %dma_wait3A_76 = tpu.memref_slice %arg4[%mul3A_41, %dma_wait3A_75] : memref<128000x128xf32, #tpu.memory_space<hbm>> -> memref<80x128xf32, #tpu.memory_space<hbm>>
        tpu.wait_dma2 semaphore(%arg13 : memref<!tpu.dma_semaphore, #tpu.memory_space<semaphore_mem>>) src(%dma_wait3A_76 : memref<80x128xf32, #tpu.memory_space<hbm>>) dst(%arg10 : memref<80x128xf32, #tpu.memory_space<vmem>>)
        %mul3A_77 = arith.constant 80 : i32
        %mul3A_78 = arith.muli %min3A_65, %mul3A_77 : i32
        %add3A_79 = arith.addi %mul3A_41, %mul3A_78 : i32
        %dma_start3A_80 = arith.constant 0 : i32
        %dma_start3A_81 = tpu.memref_slice %arg4[%add3A_79, %dma_start3A_80] : memref<128000x128xf32, #tpu.memory_space<hbm>> -> memref<80x128xf32, #tpu.memory_space<hbm>>
        %dma_start3A_82 = arith.constant 0 : i32
        %dma_start3A_83 = tpu.memref_slice %arg4[%add3A_79, %dma_start3A_82] : memref<128000x128xf32, #tpu.memory_space<hbm>> -> memref<80x128xf32, #tpu.memory_space<hbm>>
        tpu.enqueue_dma source(%dma_start3A_83 : memref<80x128xf32, #tpu.memory_space<hbm>>) target(%arg11 : memref<80x128xf32, #tpu.memory_space<vmem>>) target_semaphore(%arg13 : memref<!tpu.dma_semaphore, #tpu.memory_space<semaphore_mem>>)
        "tpu.region"() ({
          %run_scoped3A = tpu.sem_alloc : memref<!tpu.dma_semaphore, #tpu.memory_space<semaphore_mem>>
          %dma_start3A_84 = arith.constant 0 : i32
          %dma_start3A_85 = tpu.memref_slice %arg9[%scan3A_63, %dma_start3A_84] : memref<100x80xi32, #tpu.memory_space<vmem>> -> memref<1x80xi32, #tpu.memory_space<vmem>>
          %dma_start3A_86 = tpu.memref_squeeze %dma_start3A_85 : memref<1x80xi32, #tpu.memory_space<vmem>> -> memref<80xi32, #tpu.memory_space<vmem>>
          %dma_start3A_87 = arith.constant 0 : i32
          %dma_start3A_88 = arith.constant 0 : i32
          %dma_start3A_89 = tpu.memref_slice %arg12[%dma_start3A_87, %dma_start3A_88] : memref<10240x128xf32, #tpu.memory_space<vmem_shared>> -> memref<10240x128xf32, #tpu.memory_space<vmem_shared>>
          tpu.enqueue_indirect_dma source(%arg10 : memref<80x128xf32, #tpu.memory_space<vmem>>) target(%dma_start3A_89 : memref<10240x128xf32, #tpu.memory_space<vmem_shared>>) offsets(%dma_start3A_86 : memref<80xi32, #tpu.memory_space<vmem>>) semaphore(%run_scoped3A : memref<!tpu.dma_semaphore, #tpu.memory_space<semaphore_mem>>) {add = true}
          %dma_wait3A_90 = arith.constant 0 : i32
          %dma_wait3A_91 = tpu.memref_slice %arg9[%scan3A_63, %dma_wait3A_90] : memref<100x80xi32, #tpu.memory_space<vmem>> -> memref<1x80xi32, #tpu.memory_space<vmem>>
          %dma_wait3A_92 = tpu.memref_squeeze %dma_wait3A_91 : memref<1x80xi32, #tpu.memory_space<vmem>> -> memref<80xi32, #tpu.memory_space<vmem>>
          %dma_wait3A_93 = arith.constant 0 : i32
          %dma_wait3A_94 = arith.constant 0 : i32
          %dma_wait3A_95 = tpu.memref_slice %arg12[%dma_wait3A_93, %dma_wait3A_94] : memref<10240x128xf32, #tpu.memory_space<vmem_shared>> -> memref<10240x128xf32, #tpu.memory_space<vmem_shared>>
          tpu.wait_indirect_dma semaphore(%run_scoped3A : memref<!tpu.dma_semaphore, #tpu.memory_space<semaphore_mem>>) src(%arg10 : memref<80x128xf32, #tpu.memory_space<vmem>>) dst(%dma_wait3A_95 : memref<10240x128xf32, #tpu.memory_space<vmem_shared>>)
          tpu.yield
        }) : () -> ()
      } else {
      }
      %not3A = arith.constant true
      %not3A_69 = arith.xori %eq3A_67, %not3A : i1
      %convert_element_type3A_70 = arith.extui %not3A_69 : i1 to i32
      %cond3A_71 = arith.constant 0 : i32
      %cond3A_72 = arith.cmpi ne, %convert_element_type3A_70, %cond3A_71 : i32
      scf.if %cond3A_72 {
        %dma_wait3A_73 = arith.constant 0 : i32
        %dma_wait3A_74 = tpu.memref_slice %arg4[%mul3A_41, %dma_wait3A_73] : memref<128000x128xf32, #tpu.memory_space<hbm>> -> memref<80x128xf32, #tpu.memory_space<hbm>>
        %dma_wait3A_75 = arith.constant 0 : i32
        %dma_wait3A_76 = tpu.memref_slice %arg4[%mul3A_41, %dma_wait3A_75] : memref<128000x128xf32, #tpu.memory_space<hbm>> -> memref<80x128xf32, #tpu.memory_space<hbm>>
        tpu.wait_dma2 semaphore(%arg13 : memref<!tpu.dma_semaphore, #tpu.memory_space<semaphore_mem>>) src(%dma_wait3A_76 : memref<80x128xf32, #tpu.memory_space<hbm>>) dst(%arg11 : memref<80x128xf32, #tpu.memory_space<vmem>>)
        %mul3A_77 = arith.constant 80 : i32
        %mul3A_78 = arith.muli %min3A_65, %mul3A_77 : i32
        %add3A_79 = arith.addi %mul3A_41, %mul3A_78 : i32
        %dma_start3A_80 = arith.constant 0 : i32
        %dma_start3A_81 = tpu.memref_slice %arg4[%add3A_79, %dma_start3A_80] : memref<128000x128xf32, #tpu.memory_space<hbm>> -> memref<80x128xf32, #tpu.memory_space<hbm>>
        %dma_start3A_82 = arith.constant 0 : i32
        %dma_start3A_83 = tpu.memref_slice %arg4[%add3A_79, %dma_start3A_82] : memref<128000x128xf32, #tpu.memory_space<hbm>> -> memref<80x128xf32, #tpu.memory_space<hbm>>
        tpu.enqueue_dma source(%dma_start3A_83 : memref<80x128xf32, #tpu.memory_space<hbm>>) target(%arg10 : memref<80x128xf32, #tpu.memory_space<vmem>>) target_semaphore(%arg13 : memref<!tpu.dma_semaphore, #tpu.memory_space<semaphore_mem>>)
        "tpu.region"() ({
          %run_scoped3A = tpu.sem_alloc : memref<!tpu.dma_semaphore, #tpu.memory_space<semaphore_mem>>
          %dma_start3A_84 = arith.constant 0 : i32
          %dma_start3A_85 = tpu.memref_slice %arg9[%scan3A_63, %dma_start3A_84] : memref<100x80xi32, #tpu.memory_space<vmem>> -> memref<1x80xi32, #tpu.memory_space<vmem>>
          %dma_start3A_86 = tpu.memref_squeeze %dma_start3A_85 : memref<1x80xi32, #tpu.memory_space<vmem>> -> memref<80xi32, #tpu.memory_space<vmem>>
          %dma_start3A_87 = arith.constant 0 : i32
          %dma_start3A_88 = arith.constant 0 : i32
          %dma_start3A_89 = tpu.memref_slice %arg12[%dma_start3A_87, %dma_start3A_88] : memref<10240x128xf32, #tpu.memory_space<vmem_shared>> -> memref<10240x128xf32, #tpu.memory_space<vmem_shared>>
          tpu.enqueue_indirect_dma source(%arg11 : memref<80x128xf32, #tpu.memory_space<vmem>>) target(%dma_start3A_89 : memref<10240x128xf32, #tpu.memory_space<vmem_shared>>) offsets(%dma_start3A_86 : memref<80xi32, #tpu.memory_space<vmem>>) semaphore(%run_scoped3A : memref<!tpu.dma_semaphore, #tpu.memory_space<semaphore_mem>>) {add = true}
          %dma_wait3A_90 = arith.constant 0 : i32
          %dma_wait3A_91 = tpu.memref_slice %arg9[%scan3A_63, %dma_wait3A_90] : memref<100x80xi32, #tpu.memory_space<vmem>> -> memref<1x80xi32, #tpu.memory_space<vmem>>
          %dma_wait3A_92 = tpu.memref_squeeze %dma_wait3A_91 : memref<1x80xi32, #tpu.memory_space<vmem>> -> memref<80xi32, #tpu.memory_space<vmem>>
          %dma_wait3A_93 = arith.constant 0 : i32
          %dma_wait3A_94 = arith.constant 0 : i32
          %dma_wait3A_95 = tpu.memref_slice %arg12[%dma_wait3A_93, %dma_wait3A_94] : memref<10240x128xf32, #tpu.memory_space<vmem_shared>> -> memref<10240x128xf32, #tpu.memory_space<vmem_shared>>
          tpu.wait_indirect_dma semaphore(%run_scoped3A : memref<!tpu.dma_semaphore, #tpu.memory_space<semaphore_mem>>) src(%arg11 : memref<80x128xf32, #tpu.memory_space<vmem>>) dst(%dma_wait3A_95 : memref<10240x128xf32, #tpu.memory_space<vmem_shared>>)
          tpu.yield
        }) : () -> ()
      } else {
      }
    }
    %scan3A_51 = arith.constant 100 : i32
    %dma_wait3A_52 = arith.constant 0 : i32
    %dma_wait3A_53 = tpu.memref_slice %arg4[%mul3A_41, %dma_wait3A_52] : memref<128000x128xf32, #tpu.memory_space<hbm>> -> memref<80x128xf32, #tpu.memory_space<hbm>>
    %dma_wait3A_54 = arith.constant 0 : i32
    %dma_wait3A_55 = tpu.memref_slice %arg4[%mul3A_41, %dma_wait3A_54] : memref<128000x128xf32, #tpu.memory_space<hbm>> -> memref<80x128xf32, #tpu.memory_space<hbm>>
    tpu.wait_dma2 semaphore(%arg13 : memref<!tpu.dma_semaphore, #tpu.memory_space<semaphore_mem>>) src(%dma_wait3A_55 : memref<80x128xf32, #tpu.memory_space<hbm>>) dst(%arg10 : memref<80x128xf32, #tpu.memory_space<vmem>>)
    %barrier3A_56 = arith.constant 0 : index
    tpu.barrier barrier_id(%barrier3A_56)
    %scan3A_57 = arith.constant 0 : i32
    %scan3A_58 = arith.constant 0 : i32
    %scan3A_59 = arith.constant 8 : i32
    %scan3A_60 = arith.addi %scan3A_58, %scan3A_59 : i32
    %scan3A_61 = arith.constant 1 : i32
    scf.for %scan3A_63 = %scan3A_58 to %scan3A_60 step %scan3A_61  : i32 {
      %mul3A_64 = arith.constant 640 : i32
      %mul3A_65 = arith.muli %arg1, %mul3A_64 : i32
      %mul3A_66 = arith.constant 80 : i32
      %mul3A_67 = arith.muli %scan3A_63, %mul3A_66 : i32
      %add3A = arith.addi %mul3A_65, %mul3A_67 : i32
      "tpu.region"() ({
        %run_scoped3A = tpu.sem_alloc : memref<!tpu.dma_semaphore, #tpu.memory_space<semaphore_mem>>
        %dma_start3A_73 = arith.constant 0 : i32
        %dma_start3A_74 = tpu.memref_slice %arg12[%add3A, %dma_start3A_73] : memref<10240x128xf32, #tpu.memory_space<vmem_shared>> -> memref<80x128xf32, #tpu.memory_space<vmem_shared>>
        %dma_start3A_75 = arith.constant 0 : i32
        %dma_start3A_76 = tpu.memref_slice %arg12[%add3A, %dma_start3A_75] : memref<10240x128xf32, #tpu.memory_space<vmem_shared>> -> memref<80x128xf32, #tpu.memory_space<vmem_shared>>
        tpu.enqueue_dma source(%dma_start3A_76 : memref<80x128xf32, #tpu.memory_space<vmem_shared>>) target(%arg10 : memref<80x128xf32, #tpu.memory_space<vmem>>) target_semaphore(%run_scoped3A : memref<!tpu.dma_semaphore, #tpu.memory_space<semaphore_mem>>)
        %dma_wait3A_77 = arith.constant 0 : i32
        %dma_wait3A_78 = tpu.memref_slice %arg12[%add3A, %dma_wait3A_77] : memref<10240x128xf32, #tpu.memory_space<vmem_shared>> -> memref<80x128xf32, #tpu.memory_space<vmem_shared>>
        %dma_wait3A_79 = arith.constant 0 : i32
        %dma_wait3A_80 = tpu.memref_slice %arg12[%add3A, %dma_wait3A_79] : memref<10240x128xf32, #tpu.memory_space<vmem_shared>> -> memref<80x128xf32, #tpu.memory_space<vmem_shared>>
        tpu.wait_dma2 semaphore(%run_scoped3A : memref<!tpu.dma_semaphore, #tpu.memory_space<semaphore_mem>>) src(%dma_wait3A_80 : memref<80x128xf32, #tpu.memory_space<vmem_shared>>) dst(%arg10 : memref<80x128xf32, #tpu.memory_space<vmem>>)
        tpu.yield
      }) : () -> ()
      %mul3A_68 = arith.constant 640 : i32
      %mul3A_69 = arith.muli %arg1, %mul3A_68 : i32
      %mul3A_70 = arith.constant 80 : i32
      %mul3A_71 = arith.muli %scan3A_63, %mul3A_70 : i32
      %add3A_72 = arith.addi %mul3A_69, %mul3A_71 : i32
      "tpu.region"() ({
        %run_scoped3A = tpu.sem_alloc : memref<!tpu.dma_semaphore, #tpu.memory_space<semaphore_mem>>
        %dma_start3A_73 = arith.constant 0 : i32
        %dma_start3A_74 = tpu.memref_slice %arg8[%add3A_72, %dma_start3A_73] : memref<10240x128xf32, #tpu.memory_space<hbm>> -> memref<80x128xf32, #tpu.memory_space<hbm>>
        %dma_start3A_75 = arith.constant 0 : i32
        %dma_start3A_76 = tpu.memref_slice %arg8[%add3A_72, %dma_start3A_75] : memref<10240x128xf32, #tpu.memory_space<hbm>> -> memref<80x128xf32, #tpu.memory_space<hbm>>
        tpu.enqueue_dma source(%arg10 : memref<80x128xf32, #tpu.memory_space<vmem>>) target(%dma_start3A_76 : memref<80x128xf32, #tpu.memory_space<hbm>>) target_semaphore(%run_scoped3A : memref<!tpu.dma_semaphore, #tpu.memory_space<semaphore_mem>>)
        %dma_wait3A_77 = arith.constant 0 : i32
        %dma_wait3A_78 = tpu.memref_slice %arg8[%add3A_72, %dma_wait3A_77] : memref<10240x128xf32, #tpu.memory_space<hbm>> -> memref<80x128xf32, #tpu.memory_space<hbm>>
        %dma_wait3A_79 = arith.constant 0 : i32
        %dma_wait3A_80 = tpu.memref_slice %arg8[%add3A_72, %dma_wait3A_79] : memref<10240x128xf32, #tpu.memory_space<hbm>> -> memref<80x128xf32, #tpu.memory_space<hbm>>
        tpu.wait_dma2 semaphore(%run_scoped3A : memref<!tpu.dma_semaphore, #tpu.memory_space<semaphore_mem>>) src(%arg10 : memref<80x128xf32, #tpu.memory_space<vmem>>) dst(%dma_wait3A_80 : memref<80x128xf32, #tpu.memory_space<hbm>>)
        tpu.yield
      }) : () -> ()
    }
    %scan3A_62 = arith.constant 8 : i32
    return
  }
}

#map = affine_map<(d0, d1) -> (0, 0)>
#map1 = affine_map<(d0, d1) -> (0, 0, 0, 0)>
module attributes {stable_mosaic.version = 14 : i64} {
  func.func @_gather_body(%arg0: i32, %arg1: i32, %arg2: memref<10000x128xf32, #tpu.memory_space<hbm>>, %arg3: memref<10000x128xf32, #tpu.memory_space<hbm>>, %arg4: memref<2x16x25x80xi32, #tpu.memory_space<hbm>>, %arg5: memref<2x16x25x80xi32, #tpu.memory_space<hbm>>, %arg6: memref<64000x128xf32, #tpu.memory_space<hbm>>, %arg7: memref<25x80xi32, #tpu.memory_space<vmem>>, %arg8: memref<25x80xi32, #tpu.memory_space<vmem>>, %arg9: memref<80x128xf32, #tpu.memory_space<vmem>>, %arg10: memref<80x128xf32, #tpu.memory_space<vmem>>, %arg11: memref<80x128xf32, #tpu.memory_space<vmem>>, %arg12: memref<80x128xf32, #tpu.memory_space<vmem>>, %arg13: memref<80x128xf32, #tpu.memory_space<vmem>>, %arg14: memref<!tpu.dma_semaphore, #tpu.memory_space<semaphore_mem>>, %arg15: memref<!tpu.dma_semaphore, #tpu.memory_space<semaphore_mem>>, %arg16: memref<!tpu.dma_semaphore, #tpu.memory_space<semaphore_mem>>, %arg17: memref<!tpu.dma_semaphore, #tpu.memory_space<semaphore_mem>>, %arg18: memref<!tpu.dma_semaphore, #tpu.memory_space<semaphore_mem>>) attributes {dimension_semantics = [#tpu.dimension_semantics<core_parallel>, #tpu.dimension_semantics<subcore_parallel>], iteration_bounds = array<i64: 2, 16>, scalar_prefetch = 0 : i64, scratch_operands = 12 : i64, tpu.core_type = #tpu.core_type<sc_vector_subcore>, window_params = [{transform_indices = #map}, {transform_indices = #map}, {transform_indices = #map1}, {transform_indices = #map1}, {transform_indices = #map}]} {
    %mul3A = arith.constant 16 : i32
    %mul3A_0 = arith.muli %arg0, %mul3A : i32
    %add3A = arith.addi %mul3A_0, %arg1 : i32
    %mul3A_1 = arith.constant 2000 : i32
    %mul3A_2 = arith.muli %add3A, %mul3A_1 : i32
    "tpu.region"() ({
      %run_scoped3A = tpu.sem_alloc : memref<!tpu.dma_semaphore, #tpu.memory_space<semaphore_mem>>
      %dma_start3A = arith.constant 0 : i32
      %dma_start3A_27 = arith.constant 0 : i32
      %dma_start3A_28 = tpu.memref_slice %arg4[%arg0, %arg1, %dma_start3A, %dma_start3A_27] : memref<2x16x25x80xi32, #tpu.memory_space<hbm>> -> memref<1x1x25x80xi32, #tpu.memory_space<hbm>>
      %dma_start3A_29 = tpu.memref_squeeze %dma_start3A_28 : memref<1x1x25x80xi32, #tpu.memory_space<hbm>> -> memref<25x80xi32, #tpu.memory_space<hbm>>
      %dma_start3A_30 = arith.constant 0 : i32
      %dma_start3A_31 = arith.constant 0 : i32
      %dma_start3A_32 = tpu.memref_slice %arg4[%arg0, %arg1, %dma_start3A_30, %dma_start3A_31] : memref<2x16x25x80xi32, #tpu.memory_space<hbm>> -> memref<1x1x25x80xi32, #tpu.memory_space<hbm>>
      %dma_start3A_33 = tpu.memref_squeeze %dma_start3A_32 : memref<1x1x25x80xi32, #tpu.memory_space<hbm>> -> memref<25x80xi32, #tpu.memory_space<hbm>>
      tpu.enqueue_dma source(%dma_start3A_33 : memref<25x80xi32, #tpu.memory_space<hbm>>) target(%arg7 : memref<25x80xi32, #tpu.memory_space<vmem>>) target_semaphore(%run_scoped3A : memref<!tpu.dma_semaphore, #tpu.memory_space<semaphore_mem>>)
      %dma_wait3A_34 = arith.constant 0 : i32
      %dma_wait3A_35 = arith.constant 0 : i32
      %dma_wait3A_36 = tpu.memref_slice %arg4[%arg0, %arg1, %dma_wait3A_34, %dma_wait3A_35] : memref<2x16x25x80xi32, #tpu.memory_space<hbm>> -> memref<1x1x25x80xi32, #tpu.memory_space<hbm>>
      %dma_wait3A_37 = tpu.memref_squeeze %dma_wait3A_36 : memref<1x1x25x80xi32, #tpu.memory_space<hbm>> -> memref<25x80xi32, #tpu.memory_space<hbm>>
      %dma_wait3A_38 = arith.constant 0 : i32
      %dma_wait3A_39 = arith.constant 0 : i32
      %dma_wait3A_40 = tpu.memref_slice %arg4[%arg0, %arg1, %dma_wait3A_38, %dma_wait3A_39] : memref<2x16x25x80xi32, #tpu.memory_space<hbm>> -> memref<1x1x25x80xi32, #tpu.memory_space<hbm>>
      %dma_wait3A_41 = tpu.memref_squeeze %dma_wait3A_40 : memref<1x1x25x80xi32, #tpu.memory_space<hbm>> -> memref<25x80xi32, #tpu.memory_space<hbm>>
      tpu.wait_dma2 semaphore(%run_scoped3A : memref<!tpu.dma_semaphore, #tpu.memory_space<semaphore_mem>>) src(%dma_wait3A_41 : memref<25x80xi32, #tpu.memory_space<hbm>>) dst(%arg7 : memref<25x80xi32, #tpu.memory_space<vmem>>)
      tpu.yield
    }) : () -> ()
    "tpu.region"() ({
      %run_scoped3A = tpu.sem_alloc : memref<!tpu.dma_semaphore, #tpu.memory_space<semaphore_mem>>
      %dma_start3A = arith.constant 0 : i32
      %dma_start3A_27 = arith.constant 0 : i32
      %dma_start3A_28 = tpu.memref_slice %arg5[%arg0, %arg1, %dma_start3A, %dma_start3A_27] : memref<2x16x25x80xi32, #tpu.memory_space<hbm>> -> memref<1x1x25x80xi32, #tpu.memory_space<hbm>>
      %dma_start3A_29 = tpu.memref_squeeze %dma_start3A_28 : memref<1x1x25x80xi32, #tpu.memory_space<hbm>> -> memref<25x80xi32, #tpu.memory_space<hbm>>
      %dma_start3A_30 = arith.constant 0 : i32
      %dma_start3A_31 = arith.constant 0 : i32
      %dma_start3A_32 = tpu.memref_slice %arg5[%arg0, %arg1, %dma_start3A_30, %dma_start3A_31] : memref<2x16x25x80xi32, #tpu.memory_space<hbm>> -> memref<1x1x25x80xi32, #tpu.memory_space<hbm>>
      %dma_start3A_33 = tpu.memref_squeeze %dma_start3A_32 : memref<1x1x25x80xi32, #tpu.memory_space<hbm>> -> memref<25x80xi32, #tpu.memory_space<hbm>>
      tpu.enqueue_dma source(%dma_start3A_33 : memref<25x80xi32, #tpu.memory_space<hbm>>) target(%arg8 : memref<25x80xi32, #tpu.memory_space<vmem>>) target_semaphore(%run_scoped3A : memref<!tpu.dma_semaphore, #tpu.memory_space<semaphore_mem>>)
      %dma_wait3A_34 = arith.constant 0 : i32
      %dma_wait3A_35 = arith.constant 0 : i32
      %dma_wait3A_36 = tpu.memref_slice %arg5[%arg0, %arg1, %dma_wait3A_34, %dma_wait3A_35] : memref<2x16x25x80xi32, #tpu.memory_space<hbm>> -> memref<1x1x25x80xi32, #tpu.memory_space<hbm>>
      %dma_wait3A_37 = tpu.memref_squeeze %dma_wait3A_36 : memref<1x1x25x80xi32, #tpu.memory_space<hbm>> -> memref<25x80xi32, #tpu.memory_space<hbm>>
      %dma_wait3A_38 = arith.constant 0 : i32
      %dma_wait3A_39 = arith.constant 0 : i32
      %dma_wait3A_40 = tpu.memref_slice %arg5[%arg0, %arg1, %dma_wait3A_38, %dma_wait3A_39] : memref<2x16x25x80xi32, #tpu.memory_space<hbm>> -> memref<1x1x25x80xi32, #tpu.memory_space<hbm>>
      %dma_wait3A_41 = tpu.memref_squeeze %dma_wait3A_40 : memref<1x1x25x80xi32, #tpu.memory_space<hbm>> -> memref<25x80xi32, #tpu.memory_space<hbm>>
      tpu.wait_dma2 semaphore(%run_scoped3A : memref<!tpu.dma_semaphore, #tpu.memory_space<semaphore_mem>>) src(%dma_wait3A_41 : memref<25x80xi32, #tpu.memory_space<hbm>>) dst(%arg8 : memref<25x80xi32, #tpu.memory_space<vmem>>)
      tpu.yield
    }) : () -> ()
    %scan3A = arith.constant 0 : i32
    %scan3A_3 = arith.constant 0 : i32
    %scan3A_4 = arith.constant 5 : i32
    %scan3A_5 = arith.addi %scan3A_3, %scan3A_4 : i32
    %scan3A_6 = arith.constant 1 : i32
    scf.for %scan3A_27 = %scan3A_3 to %scan3A_5 step %scan3A_6  : i32 {
      %mul3A_28 = arith.constant 5 : i32
      %mul3A_29 = arith.muli %scan3A_27, %mul3A_28 : i32
      %add3A_30 = arith.constant 0 : i32
      %add3A_31 = arith.addi %mul3A_29, %add3A_30 : i32
      %mul3A_32 = arith.constant 5 : i32
      %mul3A_33 = arith.muli %scan3A_27, %mul3A_32 : i32
      %add3A_34 = arith.constant 1 : i32
      %add3A_35 = arith.addi %mul3A_33, %add3A_34 : i32
      %mul3A_36 = arith.constant 5 : i32
      %mul3A_37 = arith.muli %scan3A_27, %mul3A_36 : i32
      %add3A_38 = arith.constant 2 : i32
      %add3A_39 = arith.addi %mul3A_37, %add3A_38 : i32
      %mul3A_40 = arith.constant 5 : i32
      %mul3A_41 = arith.muli %scan3A_27, %mul3A_40 : i32
      %add3A_42 = arith.constant 3 : i32
      %add3A_43 = arith.addi %mul3A_41, %add3A_42 : i32
      %mul3A_44 = arith.constant 5 : i32
      %mul3A_45 = arith.muli %scan3A_27, %mul3A_44 : i32
      %add3A_46 = arith.constant 4 : i32
      %add3A_47 = arith.addi %mul3A_45, %add3A_46 : i32
      %gt3A = arith.constant 0 : i32
      %gt3A_48 = arith.cmpi sgt, %scan3A_27, %gt3A : i32
      %convert_element_type3A = arith.extui %gt3A_48 : i1 to i32
      %cond3A = arith.constant 0 : i32
      %cond3A_49 = arith.cmpi ne, %convert_element_type3A, %cond3A : i32
      scf.if %cond3A_49 {
        %dma_wait3A_224 = arith.constant 0 : i32
        %dma_wait3A_225 = tpu.memref_slice %arg6[%mul3A_2, %dma_wait3A_224] : memref<64000x128xf32, #tpu.memory_space<hbm>> -> memref<80x128xf32, #tpu.memory_space<hbm>>
        %dma_wait3A_226 = arith.constant 0 : i32
        %dma_wait3A_227 = tpu.memref_slice %arg6[%mul3A_2, %dma_wait3A_226] : memref<64000x128xf32, #tpu.memory_space<hbm>> -> memref<80x128xf32, #tpu.memory_space<hbm>>
        tpu.wait_dma2 semaphore(%arg14 : memref<!tpu.dma_semaphore, #tpu.memory_space<semaphore_mem>>) src(%arg9 : memref<80x128xf32, #tpu.memory_space<vmem>>) dst(%dma_wait3A_227 : memref<80x128xf32, #tpu.memory_space<hbm>>)
      } else {
      }
      %dma_start3A = arith.constant 0 : i32
      %dma_start3A_50 = tpu.memref_slice %arg7[%add3A_31, %dma_start3A] : memref<25x80xi32, #tpu.memory_space<vmem>> -> memref<1x80xi32, #tpu.memory_space<vmem>>
      %dma_start3A_51 = tpu.memref_squeeze %dma_start3A_50 : memref<1x80xi32, #tpu.memory_space<vmem>> -> memref<80xi32, #tpu.memory_space<vmem>>
      %dma_start3A_52 = arith.constant 0 : i32
      %dma_start3A_53 = arith.constant 0 : i32
      %dma_start3A_54 = tpu.memref_slice %arg2[%dma_start3A_52, %dma_start3A_53] : memref<10000x128xf32, #tpu.memory_space<hbm>> -> memref<10000x128xf32, #tpu.memory_space<hbm>>
      tpu.enqueue_indirect_dma source(%dma_start3A_54 : memref<10000x128xf32, #tpu.memory_space<hbm>>) target(%arg9 : memref<80x128xf32, #tpu.memory_space<vmem>>) offsets(%dma_start3A_51 : memref<80xi32, #tpu.memory_space<vmem>>) semaphore(%arg14 : memref<!tpu.dma_semaphore, #tpu.memory_space<semaphore_mem>>)
      %gt3A_55 = arith.constant 0 : i32
      %gt3A_56 = arith.cmpi sgt, %scan3A_27, %gt3A_55 : i32
      %convert_element_type3A_57 = arith.extui %gt3A_56 : i1 to i32
      %cond3A_58 = arith.constant 0 : i32
      %cond3A_59 = arith.cmpi ne, %convert_element_type3A_57, %cond3A_58 : i32
      scf.if %cond3A_59 {
        %dma_wait3A_224 = arith.constant 0 : i32
        %dma_wait3A_225 = tpu.memref_slice %arg6[%mul3A_2, %dma_wait3A_224] : memref<64000x128xf32, #tpu.memory_space<hbm>> -> memref<80x128xf32, #tpu.memory_space<hbm>>
        %dma_wait3A_226 = arith.constant 0 : i32
        %dma_wait3A_227 = tpu.memref_slice %arg6[%mul3A_2, %dma_wait3A_226] : memref<64000x128xf32, #tpu.memory_space<hbm>> -> memref<80x128xf32, #tpu.memory_space<hbm>>
        tpu.wait_dma2 semaphore(%arg15 : memref<!tpu.dma_semaphore, #tpu.memory_space<semaphore_mem>>) src(%arg10 : memref<80x128xf32, #tpu.memory_space<vmem>>) dst(%dma_wait3A_227 : memref<80x128xf32, #tpu.memory_space<hbm>>)
      } else {
      }
      %dma_start3A_60 = arith.constant 0 : i32
      %dma_start3A_61 = tpu.memref_slice %arg7[%add3A_35, %dma_start3A_60] : memref<25x80xi32, #tpu.memory_space<vmem>> -> memref<1x80xi32, #tpu.memory_space<vmem>>
      %dma_start3A_62 = tpu.memref_squeeze %dma_start3A_61 : memref<1x80xi32, #tpu.memory_space<vmem>> -> memref<80xi32, #tpu.memory_space<vmem>>
      %dma_start3A_63 = arith.constant 0 : i32
      %dma_start3A_64 = arith.constant 0 : i32
      %dma_start3A_65 = tpu.memref_slice %arg2[%dma_start3A_63, %dma_start3A_64] : memref<10000x128xf32, #tpu.memory_space<hbm>> -> memref<10000x128xf32, #tpu.memory_space<hbm>>
      tpu.enqueue_indirect_dma source(%dma_start3A_65 : memref<10000x128xf32, #tpu.memory_space<hbm>>) target(%arg10 : memref<80x128xf32, #tpu.memory_space<vmem>>) offsets(%dma_start3A_62 : memref<80xi32, #tpu.memory_space<vmem>>) semaphore(%arg15 : memref<!tpu.dma_semaphore, #tpu.memory_space<semaphore_mem>>)
      %gt3A_66 = arith.constant 0 : i32
      %gt3A_67 = arith.cmpi sgt, %scan3A_27, %gt3A_66 : i32
      %convert_element_type3A_68 = arith.extui %gt3A_67 : i1 to i32
      %cond3A_69 = arith.constant 0 : i32
      %cond3A_70 = arith.cmpi ne, %convert_element_type3A_68, %cond3A_69 : i32
      scf.if %cond3A_70 {
        %dma_wait3A_224 = arith.constant 0 : i32
        %dma_wait3A_225 = tpu.memref_slice %arg6[%mul3A_2, %dma_wait3A_224] : memref<64000x128xf32, #tpu.memory_space<hbm>> -> memref<80x128xf32, #tpu.memory_space<hbm>>
        %dma_wait3A_226 = arith.constant 0 : i32
        %dma_wait3A_227 = tpu.memref_slice %arg6[%mul3A_2, %dma_wait3A_226] : memref<64000x128xf32, #tpu.memory_space<hbm>> -> memref<80x128xf32, #tpu.memory_space<hbm>>
        tpu.wait_dma2 semaphore(%arg16 : memref<!tpu.dma_semaphore, #tpu.memory_space<semaphore_mem>>) src(%arg11 : memref<80x128xf32, #tpu.memory_space<vmem>>) dst(%dma_wait3A_227 : memref<80x128xf32, #tpu.memory_space<hbm>>)
      } else {
      }
      %dma_start3A_71 = arith.constant 0 : i32
      %dma_start3A_72 = tpu.memref_slice %arg7[%add3A_39, %dma_start3A_71] : memref<25x80xi32, #tpu.memory_space<vmem>> -> memref<1x80xi32, #tpu.memory_space<vmem>>
      %dma_start3A_73 = tpu.memref_squeeze %dma_start3A_72 : memref<1x80xi32, #tpu.memory_space<vmem>> -> memref<80xi32, #tpu.memory_space<vmem>>
      %dma_start3A_74 = arith.constant 0 : i32
      %dma_start3A_75 = arith.constant 0 : i32
      %dma_start3A_76 = tpu.memref_slice %arg2[%dma_start3A_74, %dma_start3A_75] : memref<10000x128xf32, #tpu.memory_space<hbm>> -> memref<10000x128xf32, #tpu.memory_space<hbm>>
      tpu.enqueue_indirect_dma source(%dma_start3A_76 : memref<10000x128xf32, #tpu.memory_space<hbm>>) target(%arg11 : memref<80x128xf32, #tpu.memory_space<vmem>>) offsets(%dma_start3A_73 : memref<80xi32, #tpu.memory_space<vmem>>) semaphore(%arg16 : memref<!tpu.dma_semaphore, #tpu.memory_space<semaphore_mem>>)
      %gt3A_77 = arith.constant 0 : i32
      %gt3A_78 = arith.cmpi sgt, %scan3A_27, %gt3A_77 : i32
      %convert_element_type3A_79 = arith.extui %gt3A_78 : i1 to i32
      %cond3A_80 = arith.constant 0 : i32
      %cond3A_81 = arith.cmpi ne, %convert_element_type3A_79, %cond3A_80 : i32
      scf.if %cond3A_81 {
        %dma_wait3A_224 = arith.constant 0 : i32
        %dma_wait3A_225 = tpu.memref_slice %arg6[%mul3A_2, %dma_wait3A_224] : memref<64000x128xf32, #tpu.memory_space<hbm>> -> memref<80x128xf32, #tpu.memory_space<hbm>>
        %dma_wait3A_226 = arith.constant 0 : i32
        %dma_wait3A_227 = tpu.memref_slice %arg6[%mul3A_2, %dma_wait3A_226] : memref<64000x128xf32, #tpu.memory_space<hbm>> -> memref<80x128xf32, #tpu.memory_space<hbm>>
        tpu.wait_dma2 semaphore(%arg17 : memref<!tpu.dma_semaphore, #tpu.memory_space<semaphore_mem>>) src(%arg12 : memref<80x128xf32, #tpu.memory_space<vmem>>) dst(%dma_wait3A_227 : memref<80x128xf32, #tpu.memory_space<hbm>>)
      } else {
      }
      %dma_start3A_82 = arith.constant 0 : i32
      %dma_start3A_83 = tpu.memref_slice %arg7[%add3A_43, %dma_start3A_82] : memref<25x80xi32, #tpu.memory_space<vmem>> -> memref<1x80xi32, #tpu.memory_space<vmem>>
      %dma_start3A_84 = tpu.memref_squeeze %dma_start3A_83 : memref<1x80xi32, #tpu.memory_space<vmem>> -> memref<80xi32, #tpu.memory_space<vmem>>
      %dma_start3A_85 = arith.constant 0 : i32
      %dma_start3A_86 = arith.constant 0 : i32
      %dma_start3A_87 = tpu.memref_slice %arg2[%dma_start3A_85, %dma_start3A_86] : memref<10000x128xf32, #tpu.memory_space<hbm>> -> memref<10000x128xf32, #tpu.memory_space<hbm>>
      tpu.enqueue_indirect_dma source(%dma_start3A_87 : memref<10000x128xf32, #tpu.memory_space<hbm>>) target(%arg12 : memref<80x128xf32, #tpu.memory_space<vmem>>) offsets(%dma_start3A_84 : memref<80xi32, #tpu.memory_space<vmem>>) semaphore(%arg17 : memref<!tpu.dma_semaphore, #tpu.memory_space<semaphore_mem>>)
      %gt3A_88 = arith.constant 0 : i32
      %gt3A_89 = arith.cmpi sgt, %scan3A_27, %gt3A_88 : i32
      %convert_element_type3A_90 = arith.extui %gt3A_89 : i1 to i32
      %cond3A_91 = arith.constant 0 : i32
      %cond3A_92 = arith.cmpi ne, %convert_element_type3A_90, %cond3A_91 : i32
      scf.if %cond3A_92 {
        %dma_wait3A_224 = arith.constant 0 : i32
        %dma_wait3A_225 = tpu.memref_slice %arg6[%mul3A_2, %dma_wait3A_224] : memref<64000x128xf32, #tpu.memory_space<hbm>> -> memref<80x128xf32, #tpu.memory_space<hbm>>
        %dma_wait3A_226 = arith.constant 0 : i32
        %dma_wait3A_227 = tpu.memref_slice %arg6[%mul3A_2, %dma_wait3A_226] : memref<64000x128xf32, #tpu.memory_space<hbm>> -> memref<80x128xf32, #tpu.memory_space<hbm>>
        tpu.wait_dma2 semaphore(%arg18 : memref<!tpu.dma_semaphore, #tpu.memory_space<semaphore_mem>>) src(%arg13 : memref<80x128xf32, #tpu.memory_space<vmem>>) dst(%dma_wait3A_227 : memref<80x128xf32, #tpu.memory_space<hbm>>)
      } else {
      }
      %dma_start3A_93 = arith.constant 0 : i32
      %dma_start3A_94 = tpu.memref_slice %arg7[%add3A_47, %dma_start3A_93] : memref<25x80xi32, #tpu.memory_space<vmem>> -> memref<1x80xi32, #tpu.memory_space<vmem>>
      %dma_start3A_95 = tpu.memref_squeeze %dma_start3A_94 : memref<1x80xi32, #tpu.memory_space<vmem>> -> memref<80xi32, #tpu.memory_space<vmem>>
      %dma_start3A_96 = arith.constant 0 : i32
      %dma_start3A_97 = arith.constant 0 : i32
      %dma_start3A_98 = tpu.memref_slice %arg2[%dma_start3A_96, %dma_start3A_97] : memref<10000x128xf32, #tpu.memory_space<hbm>> -> memref<10000x128xf32, #tpu.memory_space<hbm>>
      tpu.enqueue_indirect_dma source(%dma_start3A_98 : memref<10000x128xf32, #tpu.memory_space<hbm>>) target(%arg13 : memref<80x128xf32, #tpu.memory_space<vmem>>) offsets(%dma_start3A_95 : memref<80xi32, #tpu.memory_space<vmem>>) semaphore(%arg18 : memref<!tpu.dma_semaphore, #tpu.memory_space<semaphore_mem>>)
      %dma_wait3A_99 = arith.constant 0 : i32
      %dma_wait3A_100 = tpu.memref_slice %arg7[%add3A_31, %dma_wait3A_99] : memref<25x80xi32, #tpu.memory_space<vmem>> -> memref<1x80xi32, #tpu.memory_space<vmem>>
      %dma_wait3A_101 = tpu.memref_squeeze %dma_wait3A_100 : memref<1x80xi32, #tpu.memory_space<vmem>> -> memref<80xi32, #tpu.memory_space<vmem>>
      %dma_wait3A_102 = arith.constant 0 : i32
      %dma_wait3A_103 = arith.constant 0 : i32
      %dma_wait3A_104 = tpu.memref_slice %arg2[%dma_wait3A_102, %dma_wait3A_103] : memref<10000x128xf32, #tpu.memory_space<hbm>> -> memref<10000x128xf32, #tpu.memory_space<hbm>>
      tpu.wait_indirect_dma semaphore(%arg14 : memref<!tpu.dma_semaphore, #tpu.memory_space<semaphore_mem>>) src(%dma_wait3A_104 : memref<10000x128xf32, #tpu.memory_space<hbm>>) dst(%arg9 : memref<80x128xf32, #tpu.memory_space<vmem>>)
      %dma_start3A_105 = arith.constant 0 : i32
      %dma_start3A_106 = tpu.memref_slice %arg8[%add3A_31, %dma_start3A_105] : memref<25x80xi32, #tpu.memory_space<vmem>> -> memref<1x80xi32, #tpu.memory_space<vmem>>
      %dma_start3A_107 = tpu.memref_squeeze %dma_start3A_106 : memref<1x80xi32, #tpu.memory_space<vmem>> -> memref<80xi32, #tpu.memory_space<vmem>>
      %dma_start3A_108 = arith.constant 0 : i32
      %dma_start3A_109 = arith.constant 0 : i32
      %dma_start3A_110 = tpu.memref_slice %arg3[%dma_start3A_108, %dma_start3A_109] : memref<10000x128xf32, #tpu.memory_space<hbm>> -> memref<10000x128xf32, #tpu.memory_space<hbm>>
      tpu.enqueue_indirect_dma source(%dma_start3A_110 : memref<10000x128xf32, #tpu.memory_space<hbm>>) target(%arg9 : memref<80x128xf32, #tpu.memory_space<vmem>>) offsets(%dma_start3A_107 : memref<80xi32, #tpu.memory_space<vmem>>) semaphore(%arg14 : memref<!tpu.dma_semaphore, #tpu.memory_space<semaphore_mem>>) {add = true}
      %dma_wait3A_111 = arith.constant 0 : i32
      %dma_wait3A_112 = tpu.memref_slice %arg7[%add3A_35, %dma_wait3A_111] : memref<25x80xi32, #tpu.memory_space<vmem>> -> memref<1x80xi32, #tpu.memory_space<vmem>>
      %dma_wait3A_113 = tpu.memref_squeeze %dma_wait3A_112 : memref<1x80xi32, #tpu.memory_space<vmem>> -> memref<80xi32, #tpu.memory_space<vmem>>
      %dma_wait3A_114 = arith.constant 0 : i32
      %dma_wait3A_115 = arith.constant 0 : i32
      %dma_wait3A_116 = tpu.memref_slice %arg2[%dma_wait3A_114, %dma_wait3A_115] : memref<10000x128xf32, #tpu.memory_space<hbm>> -> memref<10000x128xf32, #tpu.memory_space<hbm>>
      tpu.wait_indirect_dma semaphore(%arg15 : memref<!tpu.dma_semaphore, #tpu.memory_space<semaphore_mem>>) src(%dma_wait3A_116 : memref<10000x128xf32, #tpu.memory_space<hbm>>) dst(%arg10 : memref<80x128xf32, #tpu.memory_space<vmem>>)
      %dma_start3A_117 = arith.constant 0 : i32
      %dma_start3A_118 = tpu.memref_slice %arg8[%add3A_35, %dma_start3A_117] : memref<25x80xi32, #tpu.memory_space<vmem>> -> memref<1x80xi32, #tpu.memory_space<vmem>>
      %dma_start3A_119 = tpu.memref_squeeze %dma_start3A_118 : memref<1x80xi32, #tpu.memory_space<vmem>> -> memref<80xi32, #tpu.memory_space<vmem>>
      %dma_start3A_120 = arith.constant 0 : i32
      %dma_start3A_121 = arith.constant 0 : i32
      %dma_start3A_122 = tpu.memref_slice %arg3[%dma_start3A_120, %dma_start3A_121] : memref<10000x128xf32, #tpu.memory_space<hbm>> -> memref<10000x128xf32, #tpu.memory_space<hbm>>
      tpu.enqueue_indirect_dma source(%dma_start3A_122 : memref<10000x128xf32, #tpu.memory_space<hbm>>) target(%arg10 : memref<80x128xf32, #tpu.memory_space<vmem>>) offsets(%dma_start3A_119 : memref<80xi32, #tpu.memory_space<vmem>>) semaphore(%arg15 : memref<!tpu.dma_semaphore, #tpu.memory_space<semaphore_mem>>) {add = true}
      %dma_wait3A_123 = arith.constant 0 : i32
      %dma_wait3A_124 = tpu.memref_slice %arg7[%add3A_39, %dma_wait3A_123] : memref<25x80xi32, #tpu.memory_space<vmem>> -> memref<1x80xi32, #tpu.memory_space<vmem>>
      %dma_wait3A_125 = tpu.memref_squeeze %dma_wait3A_124 : memref<1x80xi32, #tpu.memory_space<vmem>> -> memref<80xi32, #tpu.memory_space<vmem>>
      %dma_wait3A_126 = arith.constant 0 : i32
      %dma_wait3A_127 = arith.constant 0 : i32
      %dma_wait3A_128 = tpu.memref_slice %arg2[%dma_wait3A_126, %dma_wait3A_127] : memref<10000x128xf32, #tpu.memory_space<hbm>> -> memref<10000x128xf32, #tpu.memory_space<hbm>>
      tpu.wait_indirect_dma semaphore(%arg16 : memref<!tpu.dma_semaphore, #tpu.memory_space<semaphore_mem>>) src(%dma_wait3A_128 : memref<10000x128xf32, #tpu.memory_space<hbm>>) dst(%arg11 : memref<80x128xf32, #tpu.memory_space<vmem>>)
      %dma_start3A_129 = arith.constant 0 : i32
      %dma_start3A_130 = tpu.memref_slice %arg8[%add3A_39, %dma_start3A_129] : memref<25x80xi32, #tpu.memory_space<vmem>> -> memref<1x80xi32, #tpu.memory_space<vmem>>
      %dma_start3A_131 = tpu.memref_squeeze %dma_start3A_130 : memref<1x80xi32, #tpu.memory_space<vmem>> -> memref<80xi32, #tpu.memory_space<vmem>>
      %dma_start3A_132 = arith.constant 0 : i32
      %dma_start3A_133 = arith.constant 0 : i32
      %dma_start3A_134 = tpu.memref_slice %arg3[%dma_start3A_132, %dma_start3A_133] : memref<10000x128xf32, #tpu.memory_space<hbm>> -> memref<10000x128xf32, #tpu.memory_space<hbm>>
      tpu.enqueue_indirect_dma source(%dma_start3A_134 : memref<10000x128xf32, #tpu.memory_space<hbm>>) target(%arg11 : memref<80x128xf32, #tpu.memory_space<vmem>>) offsets(%dma_start3A_131 : memref<80xi32, #tpu.memory_space<vmem>>) semaphore(%arg16 : memref<!tpu.dma_semaphore, #tpu.memory_space<semaphore_mem>>) {add = true}
      %dma_wait3A_135 = arith.constant 0 : i32
      %dma_wait3A_136 = tpu.memref_slice %arg7[%add3A_43, %dma_wait3A_135] : memref<25x80xi32, #tpu.memory_space<vmem>> -> memref<1x80xi32, #tpu.memory_space<vmem>>
      %dma_wait3A_137 = tpu.memref_squeeze %dma_wait3A_136 : memref<1x80xi32, #tpu.memory_space<vmem>> -> memref<80xi32, #tpu.memory_space<vmem>>
      %dma_wait3A_138 = arith.constant 0 : i32
      %dma_wait3A_139 = arith.constant 0 : i32
      %dma_wait3A_140 = tpu.memref_slice %arg2[%dma_wait3A_138, %dma_wait3A_139] : memref<10000x128xf32, #tpu.memory_space<hbm>> -> memref<10000x128xf32, #tpu.memory_space<hbm>>
      tpu.wait_indirect_dma semaphore(%arg17 : memref<!tpu.dma_semaphore, #tpu.memory_space<semaphore_mem>>) src(%dma_wait3A_140 : memref<10000x128xf32, #tpu.memory_space<hbm>>) dst(%arg12 : memref<80x128xf32, #tpu.memory_space<vmem>>)
      %dma_start3A_141 = arith.constant 0 : i32
      %dma_start3A_142 = tpu.memref_slice %arg8[%add3A_43, %dma_start3A_141] : memref<25x80xi32, #tpu.memory_space<vmem>> -> memref<1x80xi32, #tpu.memory_space<vmem>>
      %dma_start3A_143 = tpu.memref_squeeze %dma_start3A_142 : memref<1x80xi32, #tpu.memory_space<vmem>> -> memref<80xi32, #tpu.memory_space<vmem>>
      %dma_start3A_144 = arith.constant 0 : i32
      %dma_start3A_145 = arith.constant 0 : i32
      %dma_start3A_146 = tpu.memref_slice %arg3[%dma_start3A_144, %dma_start3A_145] : memref<10000x128xf32, #tpu.memory_space<hbm>> -> memref<10000x128xf32, #tpu.memory_space<hbm>>
      tpu.enqueue_indirect_dma source(%dma_start3A_146 : memref<10000x128xf32, #tpu.memory_space<hbm>>) target(%arg12 : memref<80x128xf32, #tpu.memory_space<vmem>>) offsets(%dma_start3A_143 : memref<80xi32, #tpu.memory_space<vmem>>) semaphore(%arg17 : memref<!tpu.dma_semaphore, #tpu.memory_space<semaphore_mem>>) {add = true}
      %dma_wait3A_147 = arith.constant 0 : i32
      %dma_wait3A_148 = tpu.memref_slice %arg7[%add3A_47, %dma_wait3A_147] : memref<25x80xi32, #tpu.memory_space<vmem>> -> memref<1x80xi32, #tpu.memory_space<vmem>>
      %dma_wait3A_149 = tpu.memref_squeeze %dma_wait3A_148 : memref<1x80xi32, #tpu.memory_space<vmem>> -> memref<80xi32, #tpu.memory_space<vmem>>
      %dma_wait3A_150 = arith.constant 0 : i32
      %dma_wait3A_151 = arith.constant 0 : i32
      %dma_wait3A_152 = tpu.memref_slice %arg2[%dma_wait3A_150, %dma_wait3A_151] : memref<10000x128xf32, #tpu.memory_space<hbm>> -> memref<10000x128xf32, #tpu.memory_space<hbm>>
      tpu.wait_indirect_dma semaphore(%arg18 : memref<!tpu.dma_semaphore, #tpu.memory_space<semaphore_mem>>) src(%dma_wait3A_152 : memref<10000x128xf32, #tpu.memory_space<hbm>>) dst(%arg13 : memref<80x128xf32, #tpu.memory_space<vmem>>)
      %dma_start3A_153 = arith.constant 0 : i32
      %dma_start3A_154 = tpu.memref_slice %arg8[%add3A_47, %dma_start3A_153] : memref<25x80xi32, #tpu.memory_space<vmem>> -> memref<1x80xi32, #tpu.memory_space<vmem>>
      %dma_start3A_155 = tpu.memref_squeeze %dma_start3A_154 : memref<1x80xi32, #tpu.memory_space<vmem>> -> memref<80xi32, #tpu.memory_space<vmem>>
      %dma_start3A_156 = arith.constant 0 : i32
      %dma_start3A_157 = arith.constant 0 : i32
      %dma_start3A_158 = tpu.memref_slice %arg3[%dma_start3A_156, %dma_start3A_157] : memref<10000x128xf32, #tpu.memory_space<hbm>> -> memref<10000x128xf32, #tpu.memory_space<hbm>>
      tpu.enqueue_indirect_dma source(%dma_start3A_158 : memref<10000x128xf32, #tpu.memory_space<hbm>>) target(%arg13 : memref<80x128xf32, #tpu.memory_space<vmem>>) offsets(%dma_start3A_155 : memref<80xi32, #tpu.memory_space<vmem>>) semaphore(%arg18 : memref<!tpu.dma_semaphore, #tpu.memory_space<semaphore_mem>>) {add = true}
      %dma_wait3A_159 = arith.constant 0 : i32
      %dma_wait3A_160 = tpu.memref_slice %arg8[%add3A_31, %dma_wait3A_159] : memref<25x80xi32, #tpu.memory_space<vmem>> -> memref<1x80xi32, #tpu.memory_space<vmem>>
      %dma_wait3A_161 = tpu.memref_squeeze %dma_wait3A_160 : memref<1x80xi32, #tpu.memory_space<vmem>> -> memref<80xi32, #tpu.memory_space<vmem>>
      %dma_wait3A_162 = arith.constant 0 : i32
      %dma_wait3A_163 = arith.constant 0 : i32
      %dma_wait3A_164 = tpu.memref_slice %arg3[%dma_wait3A_162, %dma_wait3A_163] : memref<10000x128xf32, #tpu.memory_space<hbm>> -> memref<10000x128xf32, #tpu.memory_space<hbm>>
      tpu.wait_indirect_dma semaphore(%arg14 : memref<!tpu.dma_semaphore, #tpu.memory_space<semaphore_mem>>) src(%dma_wait3A_164 : memref<10000x128xf32, #tpu.memory_space<hbm>>) dst(%arg9 : memref<80x128xf32, #tpu.memory_space<vmem>>)
      %mul3A_165 = arith.constant 80 : i32
      %mul3A_166 = arith.muli %add3A_31, %mul3A_165 : i32
      %add3A_167 = arith.addi %mul3A_2, %mul3A_166 : i32
      %dma_start3A_168 = arith.constant 0 : i32
      %dma_start3A_169 = tpu.memref_slice %arg6[%add3A_167, %dma_start3A_168] : memref<64000x128xf32, #tpu.memory_space<hbm>> -> memref<80x128xf32, #tpu.memory_space<hbm>>
      %dma_start3A_170 = arith.constant 0 : i32
      %dma_start3A_171 = tpu.memref_slice %arg6[%add3A_167, %dma_start3A_170] : memref<64000x128xf32, #tpu.memory_space<hbm>> -> memref<80x128xf32, #tpu.memory_space<hbm>>
      tpu.enqueue_dma source(%arg9 : memref<80x128xf32, #tpu.memory_space<vmem>>) target(%dma_start3A_171 : memref<80x128xf32, #tpu.memory_space<hbm>>) target_semaphore(%arg14 : memref<!tpu.dma_semaphore, #tpu.memory_space<semaphore_mem>>)
      %dma_wait3A_172 = arith.constant 0 : i32
      %dma_wait3A_173 = tpu.memref_slice %arg8[%add3A_35, %dma_wait3A_172] : memref<25x80xi32, #tpu.memory_space<vmem>> -> memref<1x80xi32, #tpu.memory_space<vmem>>
      %dma_wait3A_174 = tpu.memref_squeeze %dma_wait3A_173 : memref<1x80xi32, #tpu.memory_space<vmem>> -> memref<80xi32, #tpu.memory_space<vmem>>
      %dma_wait3A_175 = arith.constant 0 : i32
      %dma_wait3A_176 = arith.constant 0 : i32
      %dma_wait3A_177 = tpu.memref_slice %arg3[%dma_wait3A_175, %dma_wait3A_176] : memref<10000x128xf32, #tpu.memory_space<hbm>> -> memref<10000x128xf32, #tpu.memory_space<hbm>>
      tpu.wait_indirect_dma semaphore(%arg15 : memref<!tpu.dma_semaphore, #tpu.memory_space<semaphore_mem>>) src(%dma_wait3A_177 : memref<10000x128xf32, #tpu.memory_space<hbm>>) dst(%arg10 : memref<80x128xf32, #tpu.memory_space<vmem>>)
      %mul3A_178 = arith.constant 80 : i32
      %mul3A_179 = arith.muli %add3A_35, %mul3A_178 : i32
      %add3A_180 = arith.addi %mul3A_2, %mul3A_179 : i32
      %dma_start3A_181 = arith.constant 0 : i32
      %dma_start3A_182 = tpu.memref_slice %arg6[%add3A_180, %dma_start3A_181] : memref<64000x128xf32, #tpu.memory_space<hbm>> -> memref<80x128xf32, #tpu.memory_space<hbm>>
      %dma_start3A_183 = arith.constant 0 : i32
      %dma_start3A_184 = tpu.memref_slice %arg6[%add3A_180, %dma_start3A_183] : memref<64000x128xf32, #tpu.memory_space<hbm>> -> memref<80x128xf32, #tpu.memory_space<hbm>>
      tpu.enqueue_dma source(%arg10 : memref<80x128xf32, #tpu.memory_space<vmem>>) target(%dma_start3A_184 : memref<80x128xf32, #tpu.memory_space<hbm>>) target_semaphore(%arg15 : memref<!tpu.dma_semaphore, #tpu.memory_space<semaphore_mem>>)
      %dma_wait3A_185 = arith.constant 0 : i32
      %dma_wait3A_186 = tpu.memref_slice %arg8[%add3A_39, %dma_wait3A_185] : memref<25x80xi32, #tpu.memory_space<vmem>> -> memref<1x80xi32, #tpu.memory_space<vmem>>
      %dma_wait3A_187 = tpu.memref_squeeze %dma_wait3A_186 : memref<1x80xi32, #tpu.memory_space<vmem>> -> memref<80xi32, #tpu.memory_space<vmem>>
      %dma_wait3A_188 = arith.constant 0 : i32
      %dma_wait3A_189 = arith.constant 0 : i32
      %dma_wait3A_190 = tpu.memref_slice %arg3[%dma_wait3A_188, %dma_wait3A_189] : memref<10000x128xf32, #tpu.memory_space<hbm>> -> memref<10000x128xf32, #tpu.memory_space<hbm>>
      tpu.wait_indirect_dma semaphore(%arg16 : memref<!tpu.dma_semaphore, #tpu.memory_space<semaphore_mem>>) src(%dma_wait3A_190 : memref<10000x128xf32, #tpu.memory_space<hbm>>) dst(%arg11 : memref<80x128xf32, #tpu.memory_space<vmem>>)
      %mul3A_191 = arith.constant 80 : i32
      %mul3A_192 = arith.muli %add3A_39, %mul3A_191 : i32
      %add3A_193 = arith.addi %mul3A_2, %mul3A_192 : i32
      %dma_start3A_194 = arith.constant 0 : i32
      %dma_start3A_195 = tpu.memref_slice %arg6[%add3A_193, %dma_start3A_194] : memref<64000x128xf32, #tpu.memory_space<hbm>> -> memref<80x128xf32, #tpu.memory_space<hbm>>
      %dma_start3A_196 = arith.constant 0 : i32
      %dma_start3A_197 = tpu.memref_slice %arg6[%add3A_193, %dma_start3A_196] : memref<64000x128xf32, #tpu.memory_space<hbm>> -> memref<80x128xf32, #tpu.memory_space<hbm>>
      tpu.enqueue_dma source(%arg11 : memref<80x128xf32, #tpu.memory_space<vmem>>) target(%dma_start3A_197 : memref<80x128xf32, #tpu.memory_space<hbm>>) target_semaphore(%arg16 : memref<!tpu.dma_semaphore, #tpu.memory_space<semaphore_mem>>)
      %dma_wait3A_198 = arith.constant 0 : i32
      %dma_wait3A_199 = tpu.memref_slice %arg8[%add3A_43, %dma_wait3A_198] : memref<25x80xi32, #tpu.memory_space<vmem>> -> memref<1x80xi32, #tpu.memory_space<vmem>>
      %dma_wait3A_200 = tpu.memref_squeeze %dma_wait3A_199 : memref<1x80xi32, #tpu.memory_space<vmem>> -> memref<80xi32, #tpu.memory_space<vmem>>
      %dma_wait3A_201 = arith.constant 0 : i32
      %dma_wait3A_202 = arith.constant 0 : i32
      %dma_wait3A_203 = tpu.memref_slice %arg3[%dma_wait3A_201, %dma_wait3A_202] : memref<10000x128xf32, #tpu.memory_space<hbm>> -> memref<10000x128xf32, #tpu.memory_space<hbm>>
      tpu.wait_indirect_dma semaphore(%arg17 : memref<!tpu.dma_semaphore, #tpu.memory_space<semaphore_mem>>) src(%dma_wait3A_203 : memref<10000x128xf32, #tpu.memory_space<hbm>>) dst(%arg12 : memref<80x128xf32, #tpu.memory_space<vmem>>)
      %mul3A_204 = arith.constant 80 : i32
      %mul3A_205 = arith.muli %add3A_43, %mul3A_204 : i32
      %add3A_206 = arith.addi %mul3A_2, %mul3A_205 : i32
      %dma_start3A_207 = arith.constant 0 : i32
      %dma_start3A_208 = tpu.memref_slice %arg6[%add3A_206, %dma_start3A_207] : memref<64000x128xf32, #tpu.memory_space<hbm>> -> memref<80x128xf32, #tpu.memory_space<hbm>>
      %dma_start3A_209 = arith.constant 0 : i32
      %dma_start3A_210 = tpu.memref_slice %arg6[%add3A_206, %dma_start3A_209] : memref<64000x128xf32, #tpu.memory_space<hbm>> -> memref<80x128xf32, #tpu.memory_space<hbm>>
      tpu.enqueue_dma source(%arg12 : memref<80x128xf32, #tpu.memory_space<vmem>>) target(%dma_start3A_210 : memref<80x128xf32, #tpu.memory_space<hbm>>) target_semaphore(%arg17 : memref<!tpu.dma_semaphore, #tpu.memory_space<semaphore_mem>>)
      %dma_wait3A_211 = arith.constant 0 : i32
      %dma_wait3A_212 = tpu.memref_slice %arg8[%add3A_47, %dma_wait3A_211] : memref<25x80xi32, #tpu.memory_space<vmem>> -> memref<1x80xi32, #tpu.memory_space<vmem>>
      %dma_wait3A_213 = tpu.memref_squeeze %dma_wait3A_212 : memref<1x80xi32, #tpu.memory_space<vmem>> -> memref<80xi32, #tpu.memory_space<vmem>>
      %dma_wait3A_214 = arith.constant 0 : i32
      %dma_wait3A_215 = arith.constant 0 : i32
      %dma_wait3A_216 = tpu.memref_slice %arg3[%dma_wait3A_214, %dma_wait3A_215] : memref<10000x128xf32, #tpu.memory_space<hbm>> -> memref<10000x128xf32, #tpu.memory_space<hbm>>
      tpu.wait_indirect_dma semaphore(%arg18 : memref<!tpu.dma_semaphore, #tpu.memory_space<semaphore_mem>>) src(%dma_wait3A_216 : memref<10000x128xf32, #tpu.memory_space<hbm>>) dst(%arg13 : memref<80x128xf32, #tpu.memory_space<vmem>>)
      %mul3A_217 = arith.constant 80 : i32
      %mul3A_218 = arith.muli %add3A_47, %mul3A_217 : i32
      %add3A_219 = arith.addi %mul3A_2, %mul3A_218 : i32
      %dma_start3A_220 = arith.constant 0 : i32
      %dma_start3A_221 = tpu.memref_slice %arg6[%add3A_219, %dma_start3A_220] : memref<64000x128xf32, #tpu.memory_space<hbm>> -> memref<80x128xf32, #tpu.memory_space<hbm>>
      %dma_start3A_222 = arith.constant 0 : i32
      %dma_start3A_223 = tpu.memref_slice %arg6[%add3A_219, %dma_start3A_222] : memref<64000x128xf32, #tpu.memory_space<hbm>> -> memref<80x128xf32, #tpu.memory_space<hbm>>
      tpu.enqueue_dma source(%arg13 : memref<80x128xf32, #tpu.memory_space<vmem>>) target(%dma_start3A_223 : memref<80x128xf32, #tpu.memory_space<hbm>>) target_semaphore(%arg18 : memref<!tpu.dma_semaphore, #tpu.memory_space<semaphore_mem>>)
    }
    %scan3A_7 = arith.constant 5 : i32
    %dma_wait3A = arith.constant 0 : i32
    %dma_wait3A_8 = tpu.memref_slice %arg6[%mul3A_2, %dma_wait3A] : memref<64000x128xf32, #tpu.memory_space<hbm>> -> memref<80x128xf32, #tpu.memory_space<hbm>>
    %dma_wait3A_9 = arith.constant 0 : i32
    %dma_wait3A_10 = tpu.memref_slice %arg6[%mul3A_2, %dma_wait3A_9] : memref<64000x128xf32, #tpu.memory_space<hbm>> -> memref<80x128xf32, #tpu.memory_space<hbm>>
    tpu.wait_dma2 semaphore(%arg14 : memref<!tpu.dma_semaphore, #tpu.memory_space<semaphore_mem>>) src(%arg9 : memref<80x128xf32, #tpu.memory_space<vmem>>) dst(%dma_wait3A_10 : memref<80x128xf32, #tpu.memory_space<hbm>>)
    %dma_wait3A_11 = arith.constant 0 : i32
    %dma_wait3A_12 = tpu.memref_slice %arg6[%mul3A_2, %dma_wait3A_11] : memref<64000x128xf32, #tpu.memory_space<hbm>> -> memref<80x128xf32, #tpu.memory_space<hbm>>
    %dma_wait3A_13 = arith.constant 0 : i32
    %dma_wait3A_14 = tpu.memref_slice %arg6[%mul3A_2, %dma_wait3A_13] : memref<64000x128xf32, #tpu.memory_space<hbm>> -> memref<80x128xf32, #tpu.memory_space<hbm>>
    tpu.wait_dma2 semaphore(%arg15 : memref<!tpu.dma_semaphore, #tpu.memory_space<semaphore_mem>>) src(%arg10 : memref<80x128xf32, #tpu.memory_space<vmem>>) dst(%dma_wait3A_14 : memref<80x128xf32, #tpu.memory_space<hbm>>)
    %dma_wait3A_15 = arith.constant 0 : i32
    %dma_wait3A_16 = tpu.memref_slice %arg6[%mul3A_2, %dma_wait3A_15] : memref<64000x128xf32, #tpu.memory_space<hbm>> -> memref<80x128xf32, #tpu.memory_space<hbm>>
    %dma_wait3A_17 = arith.constant 0 : i32
    %dma_wait3A_18 = tpu.memref_slice %arg6[%mul3A_2, %dma_wait3A_17] : memref<64000x128xf32, #tpu.memory_space<hbm>> -> memref<80x128xf32, #tpu.memory_space<hbm>>
    tpu.wait_dma2 semaphore(%arg16 : memref<!tpu.dma_semaphore, #tpu.memory_space<semaphore_mem>>) src(%arg11 : memref<80x128xf32, #tpu.memory_space<vmem>>) dst(%dma_wait3A_18 : memref<80x128xf32, #tpu.memory_space<hbm>>)
    %dma_wait3A_19 = arith.constant 0 : i32
    %dma_wait3A_20 = tpu.memref_slice %arg6[%mul3A_2, %dma_wait3A_19] : memref<64000x128xf32, #tpu.memory_space<hbm>> -> memref<80x128xf32, #tpu.memory_space<hbm>>
    %dma_wait3A_21 = arith.constant 0 : i32
    %dma_wait3A_22 = tpu.memref_slice %arg6[%mul3A_2, %dma_wait3A_21] : memref<64000x128xf32, #tpu.memory_space<hbm>> -> memref<80x128xf32, #tpu.memory_space<hbm>>
    tpu.wait_dma2 semaphore(%arg17 : memref<!tpu.dma_semaphore, #tpu.memory_space<semaphore_mem>>) src(%arg12 : memref<80x128xf32, #tpu.memory_space<vmem>>) dst(%dma_wait3A_22 : memref<80x128xf32, #tpu.memory_space<hbm>>)
    %dma_wait3A_23 = arith.constant 0 : i32
    %dma_wait3A_24 = tpu.memref_slice %arg6[%mul3A_2, %dma_wait3A_23] : memref<64000x128xf32, #tpu.memory_space<hbm>> -> memref<80x128xf32, #tpu.memory_space<hbm>>
    %dma_wait3A_25 = arith.constant 0 : i32
    %dma_wait3A_26 = tpu.memref_slice %arg6[%mul3A_2, %dma_wait3A_25] : memref<64000x128xf32, #tpu.memory_space<hbm>> -> memref<80x128xf32, #tpu.memory_space<hbm>>
    tpu.wait_dma2 semaphore(%arg18 : memref<!tpu.dma_semaphore, #tpu.memory_space<semaphore_mem>>) src(%arg13 : memref<80x128xf32, #tpu.memory_space<vmem>>) dst(%dma_wait3A_26 : memref<80x128xf32, #tpu.memory_space<hbm>>)
    return
  }
}

module attributes {stable_mosaic.version = 14 : i64} {
  func.func @_precompute_body(%arg0: memref<10000x128xf32, #tpu.memory_space<vmem>>, %arg1: memref<128x128xf32, #tpu.memory_space<vmem>>, %arg2: memref<128x128xf32, #tpu.memory_space<vmem>>, %arg3: memref<1x128xf32, #tpu.memory_space<vmem>>, %arg4: memref<10000x128xf32, #tpu.memory_space<vmem>>, %arg5: memref<10000x128xf32, #tpu.memory_space<vmem>>) attributes {dimension_semantics = [], scalar_prefetch = 0 : i64, scratch_operands = 0 : i64, tpu.core_type = #tpu.core_type<tc>} {
    %get3A = arith.constant 0 : index
    %get3A_0 = arith.constant 0 : index
    %get3A_1 = vector.load %arg0[%get3A, %get3A_0] : memref<10000x128xf32, #tpu.memory_space<vmem>>, vector<10000x128xf32>
    %get3A_2 = arith.constant 0 : index
    %get3A_3 = arith.constant 0 : index
    %get3A_4 = vector.load %arg1[%get3A_2, %get3A_3] : memref<128x128xf32, #tpu.memory_space<vmem>>, vector<128x128xf32>
    %dot_general3A = arith.constant dense<0.000000e+00> : vector<10000x128xf32>
    %dot_general3A_5 = tpu.matmul %get3A_1, %get3A_4, %dot_general3A {dimension_numbers = #tpu.dot_dimension_numbers<[1], [0], [0], [1], [0, 0, 1, 1], [], []>, transpose_lhs_hint = false} : vector<10000x128xf32>, vector<128x128xf32>, vector<10000x128xf32> -> vector<10000x128xf32>
    %get3A_6 = arith.constant 0 : index
    %get3A_7 = arith.constant 0 : index
    %get3A_8 = vector.load %arg3[%get3A_6, %get3A_7] : memref<1x128xf32, #tpu.memory_space<vmem>>, vector<1x128xf32>
    %add3A = vector.broadcast %get3A_8 : vector<1x128xf32> to vector<10000x128xf32>
    %add3A_9 = arith.addf %dot_general3A_5, %add3A : vector<10000x128xf32>
    %swap3A = arith.constant 0 : index
    %swap3A_10 = arith.constant 0 : index
    %swap3A_11 = vector.load %arg4[%swap3A, %swap3A_10] : memref<10000x128xf32, #tpu.memory_space<vmem>>, vector<10000x128xf32>
    tpu.vector_store %arg4[%swap3A, %swap3A_10], %add3A_9 {strides = array<i32>} : memref<10000x128xf32, #tpu.memory_space<vmem>>, vector<10000x128xf32>,
    %get3A_12 = arith.constant 0 : index
    %get3A_13 = arith.constant 0 : index
    %get3A_14 = vector.load %arg2[%get3A_12, %get3A_13] : memref<128x128xf32, #tpu.memory_space<vmem>>, vector<128x128xf32>
    %dot_general3A_15 = arith.constant dense<0.000000e+00> : vector<10000x128xf32>
    %dot_general3A_16 = tpu.matmul %get3A_1, %get3A_14, %dot_general3A_15 {dimension_numbers = #tpu.dot_dimension_numbers<[1], [0], [0], [1], [0, 0, 1, 1], [], []>, transpose_lhs_hint = false} : vector<10000x128xf32>, vector<128x128xf32>, vector<10000x128xf32> -> vector<10000x128xf32>
    %swap3A_17 = arith.constant 0 : index
    %swap3A_18 = arith.constant 0 : index
    %swap3A_19 = vector.load %arg5[%swap3A_17, %swap3A_18] : memref<10000x128xf32, #tpu.memory_space<vmem>>, vector<10000x128xf32>
    tpu.vector_store %arg5[%swap3A_17, %swap3A_18], %dot_general3A_16 {strides = array<i32>} : memref<10000x128xf32, #tpu.memory_space<vmem>>, vector<10000x128xf32>,
    return
  }
}

module attributes {stable_mosaic.version = 14 : i64} {
  func.func @_edge_mlp_body(%arg0: i32, %arg1: memref<8000x128xf32, #tpu.memory_space<vmem>>, %arg2: memref<8000x16xf32, #tpu.memory_space<vmem>>, %arg3: memref<16x128xf32, #tpu.memory_space<vmem>>, %arg4: memref<128x128xf32, #tpu.memory_space<vmem>>, %arg5: memref<1x128xf32, #tpu.memory_space<vmem>>, %arg6: memref<1x128xf32, #tpu.memory_space<vmem>>, %arg7: memref<1x1xf32, #tpu.memory_space<vmem>>, %arg8: memref<8000x128xf32, #tpu.memory_space<vmem>>) attributes {dimension_semantics = [#tpu.dimension_semantics<arbitrary>], iteration_bounds = array<i64: 16>, scalar_prefetch = 0 : i64, scratch_operands = 0 : i64, tpu.core_type = #tpu.core_type<tc>, window_params = [{transform_indices = @transform_0, window_bounds = array<i64: 8000, 128>}, {transform_indices = @transform_1, window_bounds = array<i64: 8000, 16>}, {pipeline_mode = #tpu.pipeline_mode<synchronous>, transform_indices = @transform_2, window_bounds = array<i64: 16, 128>}, {pipeline_mode = #tpu.pipeline_mode<synchronous>, transform_indices = @transform_3, window_bounds = array<i64: 128, 128>}, {pipeline_mode = #tpu.pipeline_mode<synchronous>, transform_indices = @transform_4, window_bounds = array<i64: 1, 128>}, {pipeline_mode = #tpu.pipeline_mode<synchronous>, transform_indices = @transform_5, window_bounds = array<i64: 1, 128>}, {pipeline_mode = #tpu.pipeline_mode<synchronous>, transform_indices = @transform_6, window_bounds = array<i64: 1, 1>}, {transform_indices = @transform_7, window_bounds = array<i64: 8000, 128>}]} {
    %get3A = arith.constant 0 : index
    %get3A_0 = arith.constant 0 : index
    %get3A_1 = vector.load %arg1[%get3A, %get3A_0] : memref<8000x128xf32, #tpu.memory_space<vmem>>, vector<8000x128xf32>
    %get3A_2 = arith.constant 0 : index
    %get3A_3 = arith.constant 0 : index
    %get3A_4 = vector.load %arg2[%get3A_2, %get3A_3] : memref<8000x16xf32, #tpu.memory_space<vmem>>, vector<8000x16xf32>
    %get3A_5 = arith.constant 0 : index
    %get3A_6 = arith.constant 0 : index
    %get3A_7 = vector.load %arg3[%get3A_5, %get3A_6] : memref<16x128xf32, #tpu.memory_space<vmem>>, vector<16x128xf32>
    %dot_general3A = arith.constant dense<0.000000e+00> : vector<8000x128xf32>
    %dot_general3A_8 = tpu.matmul %get3A_4, %get3A_7, %dot_general3A {dimension_numbers = #tpu.dot_dimension_numbers<[1], [0], [0], [1], [0, 0, 1, 1], [], []>, transpose_lhs_hint = false} : vector<8000x16xf32>, vector<16x128xf32>, vector<8000x128xf32> -> vector<8000x128xf32>
    %add3A = arith.addf %get3A_1, %dot_general3A_8 : vector<8000x128xf32>
    %max3A = arith.constant 0.000000e+00 : f32
    %max3A_9 = vector.broadcast %max3A : f32 to vector<8000x128xf32>
    %max3A_10 = arith.maximumf %add3A, %max3A_9 : vector<8000x128xf32>
    %get3A_11 = arith.constant 0 : index
    %get3A_12 = arith.constant 0 : index
    %get3A_13 = vector.load %arg4[%get3A_11, %get3A_12] : memref<128x128xf32, #tpu.memory_space<vmem>>, vector<128x128xf32>
    %dot_general3A_14 = arith.constant dense<0.000000e+00> : vector<8000x128xf32>
    %dot_general3A_15 = tpu.matmul %max3A_10, %get3A_13, %dot_general3A_14 {dimension_numbers = #tpu.dot_dimension_numbers<[1], [0], [0], [1], [0, 0, 1, 1], [], []>, transpose_lhs_hint = false} : vector<8000x128xf32>, vector<128x128xf32>, vector<8000x128xf32> -> vector<8000x128xf32>
    %get3A_16 = arith.constant 0 : index
    %get3A_17 = arith.constant 0 : index
    %get3A_18 = vector.load %arg5[%get3A_16, %get3A_17] : memref<1x128xf32, #tpu.memory_space<vmem>>, vector<1x128xf32>
    %add3A_19 = vector.broadcast %get3A_18 : vector<1x128xf32> to vector<8000x128xf32>
    %add3A_20 = arith.addf %dot_general3A_15, %add3A_19 : vector<8000x128xf32>
    %max3A_21 = arith.constant 0.000000e+00 : f32
    %max3A_22 = vector.broadcast %max3A_21 : f32 to vector<8000x128xf32>
    %max3A_23 = arith.maximumf %add3A_20, %max3A_22 : vector<8000x128xf32>
    %get3A_24 = arith.constant 0 : index
    %get3A_25 = arith.constant 0 : index
    %get3A_26 = vector.load %arg6[%get3A_24, %get3A_25] : memref<1x128xf32, #tpu.memory_space<vmem>>, vector<1x128xf32>
    %mul3A = vector.broadcast %get3A_26 : vector<1x128xf32> to vector<8000x128xf32>
    %mul3A_27 = arith.mulf %max3A_23, %mul3A : vector<8000x128xf32>
    %reduce_sum3A = arith.constant dense<0.000000e+00> : vector<8000xf32>
    %reduce_sum3A_28 = vector.multi_reduction <add>, %mul3A_27, %reduce_sum3A [1] : vector<8000x128xf32> to vector<8000xf32>
    %broadcast_in_dim3A = vector.shape_cast %reduce_sum3A_28 : vector<8000xf32> to vector<8000x1xf32>
    %get3A_29 = arith.constant 0 : index
    %get3A_30 = arith.constant 0 : index
    %get3A_31 = vector.load %arg7[%get3A_29, %get3A_30] : memref<1x1xf32, #tpu.memory_space<vmem>>, vector<1x1xf32>
    %add3A_32 = vector.broadcast %get3A_31 : vector<1x1xf32> to vector<8000x1xf32>
    %add3A_33 = arith.addf %broadcast_in_dim3A, %add3A_32 : vector<8000x1xf32>
    %logistic3A = arith.negf %add3A_33 : vector<8000x1xf32>
    %logistic3A_34 = math.exp %logistic3A : vector<8000x1xf32>
    %logistic3A_35 = arith.constant 1.000000e+00 : f32
    %logistic3A_36 = vector.broadcast %logistic3A_35 : f32 to vector<8000x1xf32>
    %logistic3A_37 = arith.addf %logistic3A_36, %logistic3A_34 : vector<8000x1xf32>
    %logistic3A_38 = arith.divf %logistic3A_36, %logistic3A_37 : vector<8000x1xf32>
    %mul3A_39 = vector.broadcast %logistic3A_38 : vector<8000x1xf32> to vector<8000x128xf32>
    %mul3A_40 = arith.mulf %max3A_23, %mul3A_39 : vector<8000x128xf32>
    %swap3A = arith.constant 0 : index
    %swap3A_41 = arith.constant 0 : index
    %swap3A_42 = vector.load %arg8[%swap3A, %swap3A_41] : memref<8000x128xf32, #tpu.memory_space<vmem>>, vector<8000x128xf32>
    tpu.vector_store %arg8[%swap3A, %swap3A_41], %mul3A_40 {strides = array<i32>} : memref<8000x128xf32, #tpu.memory_space<vmem>>, vector<8000x128xf32>,
    return
  }
  func.func @transform_0(%arg0: i32) -> (i32, i32) {
    %c0_i32 = arith.constant 0 : i32
    %c0_i32_0 = arith.constant 0 : i32
    return %arg0, %c0_i32 : i32, i32
  }
  func.func @transform_1(%arg0: i32) -> (i32, i32) {
    %add3A = arith.constant 8 : i32
    %add3A_0 = arith.addi %arg0, %add3A : i32
    %c0_i32 = arith.constant 0 : i32
    %c0_i32_1 = arith.constant 0 : i32
    return %add3A_0, %c0_i32 : i32, i32
  }
  func.func @transform_2(%arg0: i32) -> (i32, i32) {
    %c0_i32 = arith.constant 0 : i32
    %c0_i32_0 = arith.constant 0 : i32
    %c0_i32_1 = arith.constant 0 : i32
    return %c0_i32, %c0_i32_0 : i32, i32
  }
  func.func @transform_3(%arg0: i32) -> (i32, i32) {
    %c0_i32 = arith.constant 0 : i32
    %c0_i32_0 = arith.constant 0 : i32
    %c0_i32_1 = arith.constant 0 : i32
    return %c0_i32, %c0_i32_0 : i32, i32
  }
  func.func @transform_4(%arg0: i32) -> (i32, i32) {
    %c0_i32 = arith.constant 0 : i32
    %c0_i32_0 = arith.constant 0 : i32
    %c0_i32_1 = arith.constant 0 : i32
    return %c0_i32, %c0_i32_0 : i32, i32
  }
  func.func @transform_5(%arg0: i32) -> (i32, i32) {
    %c0_i32 = arith.constant 0 : i32
    %c0_i32_0 = arith.constant 0 : i32
    %c0_i32_1 = arith.constant 0 : i32
    return %c0_i32, %c0_i32_0 : i32, i32
  }
  func.func @transform_6(%arg0: i32) -> (i32, i32) {
    %c0_i32 = arith.constant 0 : i32
    %c0_i32_0 = arith.constant 0 : i32
    %c0_i32_1 = arith.constant 0 : i32
    return %c0_i32, %c0_i32_0 : i32, i32
  }
  func.func @transform_7(%arg0: i32) -> (i32, i32) {
    %c0_i32 = arith.constant 0 : i32
    %c0_i32_0 = arith.constant 0 : i32
    return %arg0, %c0_i32 : i32, i32
  }
}

module attributes {stable_mosaic.version = 14 : i64} {
  func.func @_edge_mlp_body(%arg0: i32, %arg1: memref<8000x128xf32, #tpu.memory_space<vmem>>, %arg2: memref<8000x16xf32, #tpu.memory_space<vmem>>, %arg3: memref<16x128xf32, #tpu.memory_space<vmem>>, %arg4: memref<128x128xf32, #tpu.memory_space<vmem>>, %arg5: memref<1x128xf32, #tpu.memory_space<vmem>>, %arg6: memref<1x128xf32, #tpu.memory_space<vmem>>, %arg7: memref<1x1xf32, #tpu.memory_space<vmem>>, %arg8: memref<8000x128xf32, #tpu.memory_space<vmem>>) attributes {dimension_semantics = [#tpu.dimension_semantics<arbitrary>], iteration_bounds = array<i64: 16>, scalar_prefetch = 0 : i64, scratch_operands = 0 : i64, tpu.core_type = #tpu.core_type<tc>, window_params = [{transform_indices = @transform_0, window_bounds = array<i64: 8000, 128>}, {transform_indices = @transform_1, window_bounds = array<i64: 8000, 16>}, {pipeline_mode = #tpu.pipeline_mode<synchronous>, transform_indices = @transform_2, window_bounds = array<i64: 16, 128>}, {pipeline_mode = #tpu.pipeline_mode<synchronous>, transform_indices = @transform_3, window_bounds = array<i64: 128, 128>}, {pipeline_mode = #tpu.pipeline_mode<synchronous>, transform_indices = @transform_4, window_bounds = array<i64: 1, 128>}, {pipeline_mode = #tpu.pipeline_mode<synchronous>, transform_indices = @transform_5, window_bounds = array<i64: 1, 128>}, {pipeline_mode = #tpu.pipeline_mode<synchronous>, transform_indices = @transform_6, window_bounds = array<i64: 1, 1>}, {transform_indices = @transform_7, window_bounds = array<i64: 8000, 128>}]} {
    %get3A = arith.constant 0 : index
    %get3A_0 = arith.constant 0 : index
    %get3A_1 = vector.load %arg1[%get3A, %get3A_0] : memref<8000x128xf32, #tpu.memory_space<vmem>>, vector<8000x128xf32>
    %get3A_2 = arith.constant 0 : index
    %get3A_3 = arith.constant 0 : index
    %get3A_4 = vector.load %arg2[%get3A_2, %get3A_3] : memref<8000x16xf32, #tpu.memory_space<vmem>>, vector<8000x16xf32>
    %get3A_5 = arith.constant 0 : index
    %get3A_6 = arith.constant 0 : index
    %get3A_7 = vector.load %arg3[%get3A_5, %get3A_6] : memref<16x128xf32, #tpu.memory_space<vmem>>, vector<16x128xf32>
    %dot_general3A = arith.constant dense<0.000000e+00> : vector<8000x128xf32>
    %dot_general3A_8 = tpu.matmul %get3A_4, %get3A_7, %dot_general3A {dimension_numbers = #tpu.dot_dimension_numbers<[1], [0], [0], [1], [0, 0, 1, 1], [], []>, transpose_lhs_hint = false} : vector<8000x16xf32>, vector<16x128xf32>, vector<8000x128xf32> -> vector<8000x128xf32>
    %add3A = arith.addf %get3A_1, %dot_general3A_8 : vector<8000x128xf32>
    %max3A = arith.constant 0.000000e+00 : f32
    %max3A_9 = vector.broadcast %max3A : f32 to vector<8000x128xf32>
    %max3A_10 = arith.maximumf %add3A, %max3A_9 : vector<8000x128xf32>
    %get3A_11 = arith.constant 0 : index
    %get3A_12 = arith.constant 0 : index
    %get3A_13 = vector.load %arg4[%get3A_11, %get3A_12] : memref<128x128xf32, #tpu.memory_space<vmem>>, vector<128x128xf32>
    %dot_general3A_14 = arith.constant dense<0.000000e+00> : vector<8000x128xf32>
    %dot_general3A_15 = tpu.matmul %max3A_10, %get3A_13, %dot_general3A_14 {dimension_numbers = #tpu.dot_dimension_numbers<[1], [0], [0], [1], [0, 0, 1, 1], [], []>, transpose_lhs_hint = false} : vector<8000x128xf32>, vector<128x128xf32>, vector<8000x128xf32> -> vector<8000x128xf32>
    %get3A_16 = arith.constant 0 : index
    %get3A_17 = arith.constant 0 : index
    %get3A_18 = vector.load %arg5[%get3A_16, %get3A_17] : memref<1x128xf32, #tpu.memory_space<vmem>>, vector<1x128xf32>
    %add3A_19 = vector.broadcast %get3A_18 : vector<1x128xf32> to vector<8000x128xf32>
    %add3A_20 = arith.addf %dot_general3A_15, %add3A_19 : vector<8000x128xf32>
    %max3A_21 = arith.constant 0.000000e+00 : f32
    %max3A_22 = vector.broadcast %max3A_21 : f32 to vector<8000x128xf32>
    %max3A_23 = arith.maximumf %add3A_20, %max3A_22 : vector<8000x128xf32>
    %get3A_24 = arith.constant 0 : index
    %get3A_25 = arith.constant 0 : index
    %get3A_26 = vector.load %arg6[%get3A_24, %get3A_25] : memref<1x128xf32, #tpu.memory_space<vmem>>, vector<1x128xf32>
    %mul3A = vector.broadcast %get3A_26 : vector<1x128xf32> to vector<8000x128xf32>
    %mul3A_27 = arith.mulf %max3A_23, %mul3A : vector<8000x128xf32>
    %reduce_sum3A = arith.constant dense<0.000000e+00> : vector<8000xf32>
    %reduce_sum3A_28 = vector.multi_reduction <add>, %mul3A_27, %reduce_sum3A [1] : vector<8000x128xf32> to vector<8000xf32>
    %broadcast_in_dim3A = vector.shape_cast %reduce_sum3A_28 : vector<8000xf32> to vector<8000x1xf32>
    %get3A_29 = arith.constant 0 : index
    %get3A_30 = arith.constant 0 : index
    %get3A_31 = vector.load %arg7[%get3A_29, %get3A_30] : memref<1x1xf32, #tpu.memory_space<vmem>>, vector<1x1xf32>
    %add3A_32 = vector.broadcast %get3A_31 : vector<1x1xf32> to vector<8000x1xf32>
    %add3A_33 = arith.addf %broadcast_in_dim3A, %add3A_32 : vector<8000x1xf32>
    %logistic3A = arith.negf %add3A_33 : vector<8000x1xf32>
    %logistic3A_34 = math.exp %logistic3A : vector<8000x1xf32>
    %logistic3A_35 = arith.constant 1.000000e+00 : f32
    %logistic3A_36 = vector.broadcast %logistic3A_35 : f32 to vector<8000x1xf32>
    %logistic3A_37 = arith.addf %logistic3A_36, %logistic3A_34 : vector<8000x1xf32>
    %logistic3A_38 = arith.divf %logistic3A_36, %logistic3A_37 : vector<8000x1xf32>
    %mul3A_39 = vector.broadcast %logistic3A_38 : vector<8000x1xf32> to vector<8000x128xf32>
    %mul3A_40 = arith.mulf %max3A_23, %mul3A_39 : vector<8000x128xf32>
    %swap3A = arith.constant 0 : index
    %swap3A_41 = arith.constant 0 : index
    %swap3A_42 = vector.load %arg8[%swap3A, %swap3A_41] : memref<8000x128xf32, #tpu.memory_space<vmem>>, vector<8000x128xf32>
    tpu.vector_store %arg8[%swap3A, %swap3A_41], %mul3A_40 {strides = array<i32>} : memref<8000x128xf32, #tpu.memory_space<vmem>>, vector<8000x128xf32>,
    return
  }
  func.func @transform_0(%arg0: i32) -> (i32, i32) {
    %c0_i32 = arith.constant 0 : i32
    %c0_i32_0 = arith.constant 0 : i32
    return %arg0, %c0_i32 : i32, i32
  }
  func.func @transform_1(%arg0: i32) -> (i32, i32) {
    %add3A = arith.constant 24 : i32
    %add3A_0 = arith.addi %arg0, %add3A : i32
    %c0_i32 = arith.constant 0 : i32
    %c0_i32_1 = arith.constant 0 : i32
    return %add3A_0, %c0_i32 : i32, i32
  }
  func.func @transform_2(%arg0: i32) -> (i32, i32) {
    %c0_i32 = arith.constant 0 : i32
    %c0_i32_0 = arith.constant 0 : i32
    %c0_i32_1 = arith.constant 0 : i32
    return %c0_i32, %c0_i32_0 : i32, i32
  }
  func.func @transform_3(%arg0: i32) -> (i32, i32) {
    %c0_i32 = arith.constant 0 : i32
    %c0_i32_0 = arith.constant 0 : i32
    %c0_i32_1 = arith.constant 0 : i32
    return %c0_i32, %c0_i32_0 : i32, i32
  }
  func.func @transform_4(%arg0: i32) -> (i32, i32) {
    %c0_i32 = arith.constant 0 : i32
    %c0_i32_0 = arith.constant 0 : i32
    %c0_i32_1 = arith.constant 0 : i32
    return %c0_i32, %c0_i32_0 : i32, i32
  }
  func.func @transform_5(%arg0: i32) -> (i32, i32) {
    %c0_i32 = arith.constant 0 : i32
    %c0_i32_0 = arith.constant 0 : i32
    %c0_i32_1 = arith.constant 0 : i32
    return %c0_i32, %c0_i32_0 : i32, i32
  }
  func.func @transform_6(%arg0: i32) -> (i32, i32) {
    %c0_i32 = arith.constant 0 : i32
    %c0_i32_0 = arith.constant 0 : i32
    %c0_i32_1 = arith.constant 0 : i32
    return %c0_i32, %c0_i32_0 : i32, i32
  }
  func.func @transform_7(%arg0: i32) -> (i32, i32) {
    %c0_i32 = arith.constant 0 : i32
    %c0_i32_0 = arith.constant 0 : i32
    return %arg0, %c0_i32 : i32, i32
  }
}

module attributes {stable_mosaic.version = 14 : i64} {
  func.func @_edge_mlp_body(%arg0: i32, %arg1: memref<8000x128xf32, #tpu.memory_space<vmem>>, %arg2: memref<8000x16xf32, #tpu.memory_space<vmem>>, %arg3: memref<16x128xf32, #tpu.memory_space<vmem>>, %arg4: memref<128x128xf32, #tpu.memory_space<vmem>>, %arg5: memref<1x128xf32, #tpu.memory_space<vmem>>, %arg6: memref<1x128xf32, #tpu.memory_space<vmem>>, %arg7: memref<1x1xf32, #tpu.memory_space<vmem>>, %arg8: memref<8000x128xf32, #tpu.memory_space<vmem>>) attributes {dimension_semantics = [#tpu.dimension_semantics<arbitrary>], iteration_bounds = array<i64: 8>, scalar_prefetch = 0 : i64, scratch_operands = 0 : i64, tpu.core_type = #tpu.core_type<tc>, window_params = [{transform_indices = @transform_0, window_bounds = array<i64: 8000, 128>}, {transform_indices = @transform_1, window_bounds = array<i64: 8000, 16>}, {pipeline_mode = #tpu.pipeline_mode<synchronous>, transform_indices = @transform_2, window_bounds = array<i64: 16, 128>}, {pipeline_mode = #tpu.pipeline_mode<synchronous>, transform_indices = @transform_3, window_bounds = array<i64: 128, 128>}, {pipeline_mode = #tpu.pipeline_mode<synchronous>, transform_indices = @transform_4, window_bounds = array<i64: 1, 128>}, {pipeline_mode = #tpu.pipeline_mode<synchronous>, transform_indices = @transform_5, window_bounds = array<i64: 1, 128>}, {pipeline_mode = #tpu.pipeline_mode<synchronous>, transform_indices = @transform_6, window_bounds = array<i64: 1, 1>}, {transform_indices = @transform_7, window_bounds = array<i64: 8000, 128>}]} {
    %get3A = arith.constant 0 : index
    %get3A_0 = arith.constant 0 : index
    %get3A_1 = vector.load %arg1[%get3A, %get3A_0] : memref<8000x128xf32, #tpu.memory_space<vmem>>, vector<8000x128xf32>
    %get3A_2 = arith.constant 0 : index
    %get3A_3 = arith.constant 0 : index
    %get3A_4 = vector.load %arg2[%get3A_2, %get3A_3] : memref<8000x16xf32, #tpu.memory_space<vmem>>, vector<8000x16xf32>
    %get3A_5 = arith.constant 0 : index
    %get3A_6 = arith.constant 0 : index
    %get3A_7 = vector.load %arg3[%get3A_5, %get3A_6] : memref<16x128xf32, #tpu.memory_space<vmem>>, vector<16x128xf32>
    %dot_general3A = arith.constant dense<0.000000e+00> : vector<8000x128xf32>
    %dot_general3A_8 = tpu.matmul %get3A_4, %get3A_7, %dot_general3A {dimension_numbers = #tpu.dot_dimension_numbers<[1], [0], [0], [1], [0, 0, 1, 1], [], []>, transpose_lhs_hint = false} : vector<8000x16xf32>, vector<16x128xf32>, vector<8000x128xf32> -> vector<8000x128xf32>
    %add3A = arith.addf %get3A_1, %dot_general3A_8 : vector<8000x128xf32>
    %max3A = arith.constant 0.000000e+00 : f32
    %max3A_9 = vector.broadcast %max3A : f32 to vector<8000x128xf32>
    %max3A_10 = arith.maximumf %add3A, %max3A_9 : vector<8000x128xf32>
    %get3A_11 = arith.constant 0 : index
    %get3A_12 = arith.constant 0 : index
    %get3A_13 = vector.load %arg4[%get3A_11, %get3A_12] : memref<128x128xf32, #tpu.memory_space<vmem>>, vector<128x128xf32>
    %dot_general3A_14 = arith.constant dense<0.000000e+00> : vector<8000x128xf32>
    %dot_general3A_15 = tpu.matmul %max3A_10, %get3A_13, %dot_general3A_14 {dimension_numbers = #tpu.dot_dimension_numbers<[1], [0], [0], [1], [0, 0, 1, 1], [], []>, transpose_lhs_hint = false} : vector<8000x128xf32>, vector<128x128xf32>, vector<8000x128xf32> -> vector<8000x128xf32>
    %get3A_16 = arith.constant 0 : index
    %get3A_17 = arith.constant 0 : index
    %get3A_18 = vector.load %arg5[%get3A_16, %get3A_17] : memref<1x128xf32, #tpu.memory_space<vmem>>, vector<1x128xf32>
    %add3A_19 = vector.broadcast %get3A_18 : vector<1x128xf32> to vector<8000x128xf32>
    %add3A_20 = arith.addf %dot_general3A_15, %add3A_19 : vector<8000x128xf32>
    %max3A_21 = arith.constant 0.000000e+00 : f32
    %max3A_22 = vector.broadcast %max3A_21 : f32 to vector<8000x128xf32>
    %max3A_23 = arith.maximumf %add3A_20, %max3A_22 : vector<8000x128xf32>
    %get3A_24 = arith.constant 0 : index
    %get3A_25 = arith.constant 0 : index
    %get3A_26 = vector.load %arg6[%get3A_24, %get3A_25] : memref<1x128xf32, #tpu.memory_space<vmem>>, vector<1x128xf32>
    %mul3A = vector.broadcast %get3A_26 : vector<1x128xf32> to vector<8000x128xf32>
    %mul3A_27 = arith.mulf %max3A_23, %mul3A : vector<8000x128xf32>
    %reduce_sum3A = arith.constant dense<0.000000e+00> : vector<8000xf32>
    %reduce_sum3A_28 = vector.multi_reduction <add>, %mul3A_27, %reduce_sum3A [1] : vector<8000x128xf32> to vector<8000xf32>
    %broadcast_in_dim3A = vector.shape_cast %reduce_sum3A_28 : vector<8000xf32> to vector<8000x1xf32>
    %get3A_29 = arith.constant 0 : index
    %get3A_30 = arith.constant 0 : index
    %get3A_31 = vector.load %arg7[%get3A_29, %get3A_30] : memref<1x1xf32, #tpu.memory_space<vmem>>, vector<1x1xf32>
    %add3A_32 = vector.broadcast %get3A_31 : vector<1x1xf32> to vector<8000x1xf32>
    %add3A_33 = arith.addf %broadcast_in_dim3A, %add3A_32 : vector<8000x1xf32>
    %logistic3A = arith.negf %add3A_33 : vector<8000x1xf32>
    %logistic3A_34 = math.exp %logistic3A : vector<8000x1xf32>
    %logistic3A_35 = arith.constant 1.000000e+00 : f32
    %logistic3A_36 = vector.broadcast %logistic3A_35 : f32 to vector<8000x1xf32>
    %logistic3A_37 = arith.addf %logistic3A_36, %logistic3A_34 : vector<8000x1xf32>
    %logistic3A_38 = arith.divf %logistic3A_36, %logistic3A_37 : vector<8000x1xf32>
    %mul3A_39 = vector.broadcast %logistic3A_38 : vector<8000x1xf32> to vector<8000x128xf32>
    %mul3A_40 = arith.mulf %max3A_23, %mul3A_39 : vector<8000x128xf32>
    %swap3A = arith.constant 0 : index
    %swap3A_41 = arith.constant 0 : index
    %swap3A_42 = vector.load %arg8[%swap3A, %swap3A_41] : memref<8000x128xf32, #tpu.memory_space<vmem>>, vector<8000x128xf32>
    tpu.vector_store %arg8[%swap3A, %swap3A_41], %mul3A_40 {strides = array<i32>} : memref<8000x128xf32, #tpu.memory_space<vmem>>, vector<8000x128xf32>,
    return
  }
  func.func @transform_0(%arg0: i32) -> (i32, i32) {
    %c0_i32 = arith.constant 0 : i32
    %c0_i32_0 = arith.constant 0 : i32
    return %arg0, %c0_i32 : i32, i32
  }
  func.func @transform_1(%arg0: i32) -> (i32, i32) {
    %add3A = arith.constant 0 : i32
    %add3A_0 = arith.addi %arg0, %add3A : i32
    %c0_i32 = arith.constant 0 : i32
    %c0_i32_1 = arith.constant 0 : i32
    return %add3A_0, %c0_i32 : i32, i32
  }
  func.func @transform_2(%arg0: i32) -> (i32, i32) {
    %c0_i32 = arith.constant 0 : i32
    %c0_i32_0 = arith.constant 0 : i32
    %c0_i32_1 = arith.constant 0 : i32
    return %c0_i32, %c0_i32_0 : i32, i32
  }
  func.func @transform_3(%arg0: i32) -> (i32, i32) {
    %c0_i32 = arith.constant 0 : i32
    %c0_i32_0 = arith.constant 0 : i32
    %c0_i32_1 = arith.constant 0 : i32
    return %c0_i32, %c0_i32_0 : i32, i32
  }
  func.func @transform_4(%arg0: i32) -> (i32, i32) {
    %c0_i32 = arith.constant 0 : i32
    %c0_i32_0 = arith.constant 0 : i32
    %c0_i32_1 = arith.constant 0 : i32
    return %c0_i32, %c0_i32_0 : i32, i32
  }
  func.func @transform_5(%arg0: i32) -> (i32, i32) {
    %c0_i32 = arith.constant 0 : i32
    %c0_i32_0 = arith.constant 0 : i32
    %c0_i32_1 = arith.constant 0 : i32
    return %c0_i32, %c0_i32_0 : i32, i32
  }
  func.func @transform_6(%arg0: i32) -> (i32, i32) {
    %c0_i32 = arith.constant 0 : i32
    %c0_i32_0 = arith.constant 0 : i32
    %c0_i32_1 = arith.constant 0 : i32
    return %c0_i32, %c0_i32_0 : i32, i32
  }
  func.func @transform_7(%arg0: i32) -> (i32, i32) {
    %c0_i32 = arith.constant 0 : i32
    %c0_i32_0 = arith.constant 0 : i32
    return %arg0, %c0_i32 : i32, i32
  }
}

module attributes {stable_mosaic.version = 14 : i64} {
  func.func @_node_body(%arg0: i32, %arg1: memref<1000x128xf32, #tpu.memory_space<vmem>>, %arg2: memref<1000x128xf32, #tpu.memory_space<vmem>>, %arg3: memref<128x128xf32, #tpu.memory_space<vmem>>, %arg4: memref<128x128xf32, #tpu.memory_space<vmem>>, %arg5: memref<1x128xf32, #tpu.memory_space<vmem>>, %arg6: memref<128x128xf32, #tpu.memory_space<vmem>>, %arg7: memref<1x128xf32, #tpu.memory_space<vmem>>, %arg8: memref<1000x128xf32, #tpu.memory_space<vmem>>) attributes {dimension_semantics = [#tpu.dimension_semantics<arbitrary>], iteration_bounds = array<i64: 10>, scalar_prefetch = 0 : i64, scratch_operands = 0 : i64, tpu.core_type = #tpu.core_type<tc>, window_params = [{transform_indices = @transform_0, window_bounds = array<i64: 1000, 128>}, {transform_indices = @transform_1, window_bounds = array<i64: 1000, 128>}, {pipeline_mode = #tpu.pipeline_mode<synchronous>, transform_indices = @transform_2, window_bounds = array<i64: 128, 128>}, {pipeline_mode = #tpu.pipeline_mode<synchronous>, transform_indices = @transform_3, window_bounds = array<i64: 128, 128>}, {pipeline_mode = #tpu.pipeline_mode<synchronous>, transform_indices = @transform_4, window_bounds = array<i64: 1, 128>}, {pipeline_mode = #tpu.pipeline_mode<synchronous>, transform_indices = @transform_5, window_bounds = array<i64: 128, 128>}, {pipeline_mode = #tpu.pipeline_mode<synchronous>, transform_indices = @transform_6, window_bounds = array<i64: 1, 128>}, {transform_indices = @transform_7, window_bounds = array<i64: 1000, 128>}]} {
    %get3A = arith.constant 0 : index
    %get3A_0 = arith.constant 0 : index
    %get3A_1 = vector.load %arg1[%get3A, %get3A_0] : memref<1000x128xf32, #tpu.memory_space<vmem>>, vector<1000x128xf32>
    %get3A_2 = arith.constant 0 : index
    %get3A_3 = arith.constant 0 : index
    %get3A_4 = vector.load %arg3[%get3A_2, %get3A_3] : memref<128x128xf32, #tpu.memory_space<vmem>>, vector<128x128xf32>
    %dot_general3A = arith.constant dense<0.000000e+00> : vector<1000x128xf32>
    %dot_general3A_5 = tpu.matmul %get3A_1, %get3A_4, %dot_general3A {dimension_numbers = #tpu.dot_dimension_numbers<[1], [0], [0], [1], [0, 0, 1, 1], [], []>, transpose_lhs_hint = false} : vector<1000x128xf32>, vector<128x128xf32>, vector<1000x128xf32> -> vector<1000x128xf32>
    %get3A_6 = arith.constant 0 : index
    %get3A_7 = arith.constant 0 : index
    %get3A_8 = vector.load %arg2[%get3A_6, %get3A_7] : memref<1000x128xf32, #tpu.memory_space<vmem>>, vector<1000x128xf32>
    %mul3A = arith.constant 3.125000e-02 : f32
    %mul3A_9 = vector.broadcast %mul3A : f32 to vector<1000x128xf32>
    %mul3A_10 = arith.mulf %get3A_8, %mul3A_9 : vector<1000x128xf32>
    %get3A_11 = arith.constant 0 : index
    %get3A_12 = arith.constant 0 : index
    %get3A_13 = vector.load %arg4[%get3A_11, %get3A_12] : memref<128x128xf32, #tpu.memory_space<vmem>>, vector<128x128xf32>
    %dot_general3A_14 = arith.constant dense<0.000000e+00> : vector<1000x128xf32>
    %dot_general3A_15 = tpu.matmul %mul3A_10, %get3A_13, %dot_general3A_14 {dimension_numbers = #tpu.dot_dimension_numbers<[1], [0], [0], [1], [0, 0, 1, 1], [], []>, transpose_lhs_hint = false} : vector<1000x128xf32>, vector<128x128xf32>, vector<1000x128xf32> -> vector<1000x128xf32>
    %add3A = arith.addf %dot_general3A_5, %dot_general3A_15 : vector<1000x128xf32>
    %get3A_16 = arith.constant 0 : index
    %get3A_17 = arith.constant 0 : index
    %get3A_18 = vector.load %arg5[%get3A_16, %get3A_17] : memref<1x128xf32, #tpu.memory_space<vmem>>, vector<1x128xf32>
    %add3A_19 = vector.broadcast %get3A_18 : vector<1x128xf32> to vector<1000x128xf32>
    %add3A_20 = arith.addf %add3A, %add3A_19 : vector<1000x128xf32>
    %max3A = arith.constant 0.000000e+00 : f32
    %max3A_21 = vector.broadcast %max3A : f32 to vector<1000x128xf32>
    %max3A_22 = arith.maximumf %add3A_20, %max3A_21 : vector<1000x128xf32>
    %get3A_23 = arith.constant 0 : index
    %get3A_24 = arith.constant 0 : index
    %get3A_25 = vector.load %arg6[%get3A_23, %get3A_24] : memref<128x128xf32, #tpu.memory_space<vmem>>, vector<128x128xf32>
    %dot_general3A_26 = arith.constant dense<0.000000e+00> : vector<1000x128xf32>
    %dot_general3A_27 = tpu.matmul %max3A_22, %get3A_25, %dot_general3A_26 {dimension_numbers = #tpu.dot_dimension_numbers<[1], [0], [0], [1], [0, 0, 1, 1], [], []>, transpose_lhs_hint = false} : vector<1000x128xf32>, vector<128x128xf32>, vector<1000x128xf32> -> vector<1000x128xf32>
    %add3A_28 = arith.addf %get3A_1, %dot_general3A_27 : vector<1000x128xf32>
    %get3A_29 = arith.constant 0 : index
    %get3A_30 = arith.constant 0 : index
    %get3A_31 = vector.load %arg7[%get3A_29, %get3A_30] : memref<1x128xf32, #tpu.memory_space<vmem>>, vector<1x128xf32>
    %add3A_32 = vector.broadcast %get3A_31 : vector<1x128xf32> to vector<1000x128xf32>
    %add3A_33 = arith.addf %add3A_28, %add3A_32 : vector<1000x128xf32>
    %swap3A = arith.constant 0 : index
    %swap3A_34 = arith.constant 0 : index
    %swap3A_35 = vector.load %arg8[%swap3A, %swap3A_34] : memref<1000x128xf32, #tpu.memory_space<vmem>>, vector<1000x128xf32>
    tpu.vector_store %arg8[%swap3A, %swap3A_34], %add3A_33 {strides = array<i32>} : memref<1000x128xf32, #tpu.memory_space<vmem>>, vector<1000x128xf32>,
    return
  }
  func.func @transform_0(%arg0: i32) -> (i32, i32) {
    %c0_i32 = arith.constant 0 : i32
    %c0_i32_0 = arith.constant 0 : i32
    return %arg0, %c0_i32 : i32, i32
  }
  func.func @transform_1(%arg0: i32) -> (i32, i32) {
    %c0_i32 = arith.constant 0 : i32
    %c0_i32_0 = arith.constant 0 : i32
    return %arg0, %c0_i32 : i32, i32
  }
  func.func @transform_2(%arg0: i32) -> (i32, i32) {
    %c0_i32 = arith.constant 0 : i32
    %c0_i32_0 = arith.constant 0 : i32
    %c0_i32_1 = arith.constant 0 : i32
    return %c0_i32, %c0_i32_0 : i32, i32
  }
  func.func @transform_3(%arg0: i32) -> (i32, i32) {
    %c0_i32 = arith.constant 0 : i32
    %c0_i32_0 = arith.constant 0 : i32
    %c0_i32_1 = arith.constant 0 : i32
    return %c0_i32, %c0_i32_0 : i32, i32
  }
  func.func @transform_4(%arg0: i32) -> (i32, i32) {
    %c0_i32 = arith.constant 0 : i32
    %c0_i32_0 = arith.constant 0 : i32
    %c0_i32_1 = arith.constant 0 : i32
    return %c0_i32, %c0_i32_0 : i32, i32
  }
  func.func @transform_5(%arg0: i32) -> (i32, i32) {
    %c0_i32 = arith.constant 0 : i32
    %c0_i32_0 = arith.constant 0 : i32
    %c0_i32_1 = arith.constant 0 : i32
    return %c0_i32, %c0_i32_0 : i32, i32
  }
  func.func @transform_6(%arg0: i32) -> (i32, i32) {
    %c0_i32 = arith.constant 0 : i32
    %c0_i32_0 = arith.constant 0 : i32
    %c0_i32_1 = arith.constant 0 : i32
    return %c0_i32, %c0_i32_0 : i32, i32
  }
  func.func @transform_7(%arg0: i32) -> (i32, i32) {
    %c0_i32 = arith.constant 0 : i32
    %c0_i32_0 = arith.constant 0 : i32
    return %arg0, %c0_i32 : i32, i32
  }
}

</mosaic_0001>

<sc_bundles>
// kernel: kernel.11.cloned.1.call-start
scs
__scs_entry_jumppad:
0x0: {  	(pc) =	sbr.rel $0x88, $3  }
0x1: {  	(tag) =	ssettag $0x0;
	lr =	simm.s32 $0x1  }
0x2: {  	[smem:$0x3F94] =	sst lr;
	_ =	strace $0xD0000000  }
0x3: {  	_ = 	snop  }
0x4: {  	_ = 	snop  }
0x5: {  	_ = 	snop  }
0x6: {  	_ = 	snop  }
0x7: {  	_ = 	snop  }
__scs_overlays_trampoline_lowered:
0x8: {  	[smem:$0x3FA3] =	sst s0  }
0x9: {  	[smem:$0x3FA4] =	sst s1  }
0xa: {  	[smem:$0x3FA5] =	sst s2  }
0xb: {  	[smem:$0x3FA6] =	sst s3  }
0xc: {  	[smem:$0x3FA7] =	sst s4  }
0xd: {  	[smem:$0x3FA8] =	sst s5  }
0xe: {  	[smem:$0x3FA9] =	sst s6  }
0xf: {  	[smem:$0x3FAA] =	sst s7  }
0x10: {  	[smem:$0x3FAB] =	sst s8  }
0x11: {  	[smem:$0x3FAC] =	sst s9;
	s0 =	simm.s32 @!p0 $0x0  }
0x12: {  	s1 =	sld [smem:$0x3F92];
	s0 =	simm.s32 @p0 $0x1  }
0x13: {  	[smem:$0x3FAD] =	sst s0;
	s0 =	simm.s32 @!p1 $0x0  }
0x14: {  	s2 =	sld [smem:$0x3F91];
	s0 =	simm.s32 @p1 $0x1  }
0x15: {  	[smem:$0x3FAE] =	sst s0;
	s0 =	simm.s32 @!p2 $0x0  }
0x16: {  	s3 =	sld [smem:$0x3FDB];
	s0 =	simm.s32 @p2 $0x1  }
0x17: {  	s4 =	simm.s32 $0x1BF5;
	[smem:$0x3FB0] =	sst s0  }
0x18: {  	s0 =	sld [smem:$0x3F93];
	_ =	swait.ge [sflag:s4], $0x0  }
0x19: {  	s7 =	sld [smem:$0x3F94]  }
0x1a: {  	s8 =	sadd.s32 $0xFFFFE003, lr  }
0x1b: {  	s9 =	sadd.s32 $0xFFFFFEF7, lr;
	s5 =	simm.s32 $0xFFFFFFFF;
	p2 =	slt.u32 s8, $0xFFFFF086  }
0x1c: {  	p1 =	slt.u32 s9, $0xF7A;
	s5 =	simm.s32 @!p2 $0x0  }
0x1d: {  	s5 =	simm.s32 @p1 $0x1;
	p0 =	seq.s32 s7, s2  }
0x1e: {  	s7 =	smul.u32 @!p0 $0xF7A, s2;
	p2 =	seq.s32 @!p0 s5, $0x0  }
0x1f: {  	s9 =	smul.u32 $0xF7A, s1;
	s8 =	simm.s32 @!p0 $0x1BF5;
	p2 =	por !p2, p0  }
0x20: {  	[sflag:s8] =	ssyncset.s32 @!p0 $0xFFFFF086;
	s6 =	sadd.s32 @!p0 s3, s7;
	s7 =	simm.s32 @!p0 $0x108  }
0x21: {  	s3 =	sadd.s32 s3, s9;
	s6 =	sadd.s32 @!p0 $0x88, s6;
	s7 =	simm.s32 @p2 $0x1082  }
0x22: {  	[simem:s7], [sflag:s8] =	dma.local @!p0 [hbm:s6], $0xF7A  }
0x23: {  	s9 =	sor.u32 $0xD0000000, s2;
	s6 =	simm.s32 $0x108;
	_ =	swait.ge @!p0 [sflag:s8], $0x0  }
0x24: {  	s3 =	sadd.s32 $0x88, s3;
	s6 =	simm.s32 @!p1 $0x1082;
	[sflag:s4] =	ssyncset.s32 $0xFFFFF086  }
0x25: {  	[simem:s6], [sflag:s4] =	dma.local [hbm:s3], $0xF7A  }
0x26: {  	[smem:$0x3F94] =	sst s1;
	(tag) =	ssettag s2;
	_ =	strace s9  }
0x27: {  	s1 =	sld [smem:$0x3FA4]  }
0x28: {  	s2 =	sld [smem:$0x3FA5]  }
0x29: {  	s4 =	sld [smem:$0x3FA7]  }
0x2a: {  	p0 =	seq.s32 s5, $0x0;
	s5 =	sld [smem:$0x3FA8]  }
0x2b: {  	s6 =	sld [smem:$0x3FA9]  }
0x2c: {  	s7 =	sld [smem:$0x3FAA]  }
0x2d: {  	s3 =	simm.s32 $0x108;
	s8 =	sld [smem:$0x3FAB]  }
0x2e: {  	s3 =	simm.s32 @!p0 $0x1082;
	s9 =	sld [smem:$0x3FAC]  }
0x2f: {  	lr =	sadd.s32 s0, s3;
	s0 =	sld [smem:$0x3FA3]  }
0x30: {  	s3 =	sld [smem:$0x3FA6]  }
0x31: {  	[smem:$0x3FAF] =	sst s10  }
0x32: {  	s10 =	sld [smem:$0x3FAD];
	_ =	sdelay $0x3  }
0x33: {  	p0 =	seq.s32 s10, $0x1;
	s10 =	sld [smem:$0x3FAF];
	_ =	sdelay $0x3  }
0x34: {  	[smem:$0x3FAF] =	sst s10  }
0x35: {  	s10 =	sld [smem:$0x3FAE];
	_ =	sdelay $0x3  }
0x36: {  	p1 =	seq.s32 s10, $0x1;
	s10 =	sld [smem:$0x3FAF];
	_ =	sdelay $0x3  }
0x37: {  	[smem:$0x3FAF] =	sst s10  }
0x38: {  	s10 =	sld [smem:$0x3FB0]  }
0x39: {  	_ = 	snop;
	(pc) =	sbr.ind lr, $3  }
0x3a: {  	_ = 	snop  }
0x3b: {  	_ = 	snop  }
0x3c: {  	p2 =	seq.s32 s10, $0x1;
	s10 =	sld [smem:$0x3FAF]  }
0x3d: {  	_ =	shalt  }
0x3e: {  	_ =	shalt  }
0x3f: {  	_ =	shalt  }
0x40: {  	_ =	shalt  }
0x41: {  	_ =	shalt  }
0x42: {  	_ =	shalt  }
0x43: {  	_ =	shalt  }
0x44: {  	_ =	shalt  }
0x45: {  	_ =	shalt  }
0x46: {  	_ =	shalt  }
0x47: {  	_ =	shalt  }
0x48: {  	_ =	shalt  }
0x49: {  	_ =	shalt  }
0x4a: {  	_ =	shalt  }
0x4b: {  	_ =	shalt  }
0x4c: {  	_ =	shalt  }
0x4d: {  	_ =	shalt  }
0x4e: {  	_ =	shalt  }
0x4f: {  	_ =	shalt  }
0x50: {  	_ =	shalt  }
0x51: {  	_ =	shalt  }
0x52: {  	_ =	shalt  }
0x53: {  	_ =	shalt  }
0x54: {  	_ =	shalt  }
0x55: {  	_ =	shalt  }
0x56: {  	_ =	shalt  }
0x57: {  	_ =	shalt  }
0x58: {  	_ =	shalt  }
0x59: {  	_ =	shalt  }
0x5a: {  	_ =	shalt  }
0x5b: {  	_ =	shalt  }
0x5c: {  	_ =	shalt  }
0x5d: {  	_ =	shalt  }
0x5e: {  	_ =	shalt  }
0x5f: {  	_ =	shalt  }
0x60: {  	_ =	shalt  }
0x61: {  	_ =	shalt  }
0x62: {  	_ =	shalt  }
0x63: {  	_ =	shalt  }
0x64: {  	_ =	shalt  }
0x65: {  	_ =	shalt  }
0x66: {  	_ =	shalt  }
0x67: {  	_ =	shalt  }
0x68: {  	_ =	shalt  }
0x69: {  	_ =	shalt  }
0x6a: {  	_ =	shalt  }
0x6b: {  	_ =	shalt  }
0x6c: {  	_ =	shalt  }
0x6d: {  	_ =	shalt  }
0x6e: {  	_ =	shalt  }
0x6f: {  	_ =	shalt  }
0x70: {  	_ =	shalt  }
0x71: {  	_ =	shalt  }
0x72: {  	_ =	shalt  }
0x73: {  	_ =	shalt  }
0x74: {  	_ =	shalt  }
0x75: {  	_ =	shalt  }
0x76: {  	_ =	shalt  }
0x77: {  	_ =	shalt  }
0x78: {  	_ =	shalt  }
0x79: {  	_ =	shalt  }
0x7a: {  	_ =	shalt  }
0x7b: {  	_ =	shalt  }
0x7c: {  	_ =	shalt  }
0x7d: {  	_ =	shalt  }
0x7e: {  	_ =	shalt  }
0x7f: {  	_ =	shalt  }
0x80: {  	_ =	shalt  }
0x81: {  	_ =	shalt  }
0x82: {  	_ =	shalt  }
0x83: {  	_ =	shalt  }
0x84: {  	_ =	shalt  }
0x85: {  	_ =	shalt  }
0x86: {  	_ =	shalt  }
0x87: {  	_ =	shalt  }
.Lfunc_end0:
.L_simem_size_0:
called_computation_lowered:
.L_overlay_start_0:
0x88: {  	s2 =	sld [smem:$0x3FD9]  }
0x89: {  	s3 =	sld [smem:$0x3FFE];
	_ =	sdelay $0x1  }
0x8a: {  	s1 =	srdreg.scid  }
0x8b: {  	s0 =	sand.u32 $0x1, s1  }
0x8c: {  	s17 =	sshll.u32 s0, $0xA;
	s2 =	sadd.s32 s3, s2  }
0x8d: {  	s2 =	sadd.s32 s2, s17  }
0x8e: {  	[smem:$0x3FBB] =	sst s2  }
0x8f: {  	_ = 	snop  }
0x90: {  	s18 =	sld [smem:$0x3FD0];
	(tm) =	ssettm $0x1  }
0x91: {  	s19 =	sld [smem:$0x3FFB];
	_ =	sdelay $0x3  }
0x92: {  	_ =	strace s19  }
0x93: {  	s2 =	sld [smem:$0x3FFC];
	_ =	sdelay $0x3  }
0x94: {  	_ =	strace s2  }
0x95: {  	s2 =	sld [smem:$0x3FFD];
	_ =	sdelay $0x3  }
0x96: {  	_ =	strace s2  }
0x97: {  	_ =	strace $0x8FFFFFFF  }
0x98: {  	s20 =	sld [smem:$0x3FDB];
	_ =	sdelay $0x1  }
0x99: {  	s4 =	simm.s32 $_scs_section_size  }
0x9a: {  	s5 =	simm.s32 $_size__tile_overlayer_lowered;
	s6 =	simm.s32 $_tile_overlayer_lowered  }
0x9b: {  	s7 =	simm.s32 $0x1BFF;
	s21 =	sshll.u32 s6, $0x1;
	s4 =	sadd.s32 s4, s20  }
0x9c: {  	s22 =	simm.s32 $0x0;
	s5 =	sshll.u32 s5, $0x1;
	s6 =	sadd.s32 s21, s4  }
0x9d: {  	[timem:s22], [sflag:s7] =	dma.local [hbm:s6], s5  }
0x9e: {  	_ =	swait.ge [sflag:s7], s5  }
0x9f: {  	s5 =	ssub.s32 $0x0, s5;
	[sflag:s7] =	ssyncset.done $0x0  }
0xa0: {  	[sflag:s7] =	ssyncadd.s32 s5;
	_ =	sdelay $0x1  }
0xa1: {  	s23 =	simm.s32 $0x1B8B  }
0xa2: {  	_ =	swait.ge [sflag:s23], $0x1  }
0xa3: {  	[sflag:s23] =	ssyncset.done $0x0  }
0xa4: {  	[sflag:s23] =	ssyncadd.s32 $0xFFFFFFFF  }
0xa5: {  	s5 =	sld [smem:$0x0]  }
0xa6: {  	s6 =	sand.u32 $0xFFFFFFFE, s1  }
0xa7: {  	p0 =	sne.s32 s1, s6  }
0xa8: {  	s6 =	sshll.u32 @p0 s6, $0xE  }
0xa9: {  	s6 =	sadd.s32 @p0 $0x11B8D, s6;
	s7 =	sshll.u32 @p0 s5, $0x11  }
0xaa: {  	s6 =	sor.u32 @p0 s7, s6  }
0xab: {  	[sflag:s6] =	ssyncadd.remote.s32 @p0 $0x1;
	_ =	sdelay $0x1  }
0xac: {  	s6 =	simm.s32 @p0 $0x1B8D  }
0xad: {  	_ =	swait.eq @p0 [sflag:s6], $0x1  }
0xae: {  	[sflag:s6] =	ssyncadd.s32 @p0 $0xFFFFFFFF  }
0xaf: {  	s7 =	sshll.u32 @!p0 s1, $0xE  }
0xb0: {  	s7 =	sor.u32 @!p0 $0x4000, s7;
	s6 =	simm.s32 @!p0 $0x1B8D  }
0xb1: {  	s5 =	sshll.u32 @!p0 s5, $0x11;
	s7 =	sadd.s32 @!p0 $0x11B8D, s7;
	_ =	swait.eq @!p0 [sflag:s6], $0x1  }
0xb2: {  	s5 =	sor.u32 @!p0 s5, s7;
	[sflag:s6] =	ssyncadd.s32 @!p0 $0xFFFFFFFF  }
0xb3: {  	s25 =	simm.s32 $0x1B8E;
	s24 =	sld [smem:$0x3FFE];
	[sflag:s5] =	ssyncadd.remote.s32 @!p0 $0x1  }
0xb4: {  	s26 =	simm.s32 $execute0_lowered;
	[smem:$0x3FD2] =	sst s25  }
0xb5: {  	s6 =	sshll.u32 s26, $0x1;
	_ =	strace $0x8000004C;
	[dreg:$0x1] =	wrdreg $0xFFFFFFFF  }
0xb6: {  	s28 =	simm.s32 $_size_execute0_lowered;
	s4 =	sadd.s32 s4, s6;
	[dreg:$0x0] =	wrdreg $0x0  }
0xb7: {  	s6 =	sshll.u32 s28, $0x1;
	[dreg:$0x2] =	wrdreg s4  }
0xb8: {  	[dreg:$0x3] =	wrdreg s6  }
0xb9: {  	[dreg:$0x4] =	wrdreg $0xC0  }
0xba: {  	_ =	task [dreg:s22], $0x5FFFF  }
0xbb: {  	[dreg:$0x1] =	wrdreg $0xFFFFFFFF  }
0xbc: {  	[dreg:$0x0] =	wrdreg $0x60  }
0xbd: {  	[dreg:$0x2] =	wrdreg s18  }
0xbe: {  	[dreg:$0x3] =	wrdreg s24  }
0xbf: {  	[dreg:$0x4] =	wrdreg $0x9  }
0xc0: {  	_ =	task.clear_ibuf [dreg:s22], $0x5FFFF;
	_ =	strace $0x9000004C  }
0xc1: {  	s29 =	simm.s32 $0x9;
	_ =	strace $0x8000004E  }
0xc2: {  	_ =	swait.ge [sflag:s29], $0x1  }
0xc3: {  	[sflag:s29] =	ssyncadd.s32 $0xFFFFFFFF  }
0xc4: {  	_ =	strace $0x9000004E  }
0xc5: {  	_ =	sfence  }
0xc6: {  	s30 =	sld [smem:$0x0];
	_ =	sdelay $0x2  }
0xc7: {  	s31 =	sshll.u32 s1, $0xD;
	s1 =	sshrl.u32 s1, $0x2  }
0xc8: {  	s4 =	sand.u32 $0x4000, s31;
	s1 =	sadd.s32 s1, s30  }
0xc9: {  	s0 =	sor.u32 s4, s0;
	s1 =	sshll.u32 s1, $0x11  }
0xca: {  	s0 =	sor.u32 s1, s0  }
0xcb: {  	s0 =	sadd.s32 $0x8F2B, s0  }
0xcc: {  	[sflag:s0] =	ssyncadd.remote.s32 $0x1  }
0xcd: {  	_ =	sfence.sel $0xFFFF  }
0xce: {  	[dreg:$0x0] =	wrdreg $0xFFFFFFFF;
	(pc) =	sbr.abs _section_cstart, $3  }
0xcf: {  	[dreg:$0x1] =	wrdreg $0xFFFFFFFF  }
0xd0: {  	_ =	task.clear_ibuf [dreg:s22], $0x2FFFF;
	_ =	strace $0x9FFFFFFF  }
0xd1: {  	(tm) =	ssettm $0x7FFFFFFF  }
tec
execute0_lowered:
.L_overlay_start_1:
0x0: {  	(tag) =	ssettag $0x1  }
0x1: {  	s1 =	rddreg [dreg:$0x0]  }
0x2: {  	s5 =	rddreg [dreg:$0x1]  }
0x3: {  	s3 =	simm.s32 $0x0;
	s4 =	srdreg.scid;
	s0 =	stileid.u32  }
0x4: {  	s11 =	simm.s32 $0x50;
	s12 =	simm.s32 $0xC000;
	s13 =	simm.s32 $0x1  }
0x5: {  	s14 =	simm.s32 $0x2000;
	s15 =	simm.s32 $0x2;
	s16 =	simm.s32 $0x4800  }
0x6: {  	s17 =	simm.s32 $0x3;
	s18 =	simm.s32 $0x7000;
	s19 =	simm.s32 $0x4  }
0x7: {  	s20 =	simm.s32 $0x9800;
	s21 =	simm.s32 $0x5;
	s22 =	simm.s32 $0x0  }
0x8: {  	[smem:$0x7FF] =	sst s3;
	s6 =	sand.u32 $0x1, s4;
	s4 =	sadd.s32 $0x2A400, s5  }
0x9: {  	s8 =	sshll.u32 s0, $0x9;
	s10 =	smul.u32 $0x7D00, s0;
	s7 =	sshll.u32 s6, $0xD  }
0xa: {  	s30 =	smul.u32 $0x7D000, s6;
	s6 =	ssub.s32 $0x2, s6;
	s7 =	sor.u32 s8, s7  }
0xb: {  	_ =	strace $0x8000004D;
	s9 =	sshrl.u32 s6, $0x1;
	s7 =	sadd.s32 s7, s5  }
0xc: {  	s8 =	sadd.s32 s30, s5;
	s9 =	ssub.s32 s6, s9;
	s31 =	sadd.s32 $0x439600, s7  }
0xd: {  	s6 =	sadd.s32 $0x43D600, s7;
	s7 =	smax.u32 s9, $0x1;
	s8 =	sadd.s32 s10, s8  }
0xe: {  	s9 =	simm.s32 $0x6;
	[dreg:$0x3] =	wrdreg s31;
	s8 =	sadd.s32 $0x441600, s8  }
.LBB2_1:
0xf: {  	s0 =	rddreg [dreg:$0x3]  }
0x10: {  	[tilespmem:s3], [sflag:$0x6] =	stream.linear.gather [hbm4b:s0+s3], $0xC80, $0x38;
	[tilespmem:$0xE800] =	vst v63  }
0x11: {  	_ =	swait.ge [sflag:s9], $0xC80  }
0x12: {  	[sflag:s9] =	ssyncset.done $0x0  }
0x13: {  	s24 =	simm.s32 $0x1000;
	[sflag:s9] =	ssyncadd.s32 $0xFFFFF380  }
0x14: {  	[tilespmem:s24], [sflag:$0x6] =	stream.linear.gather [hbm4b:s6+s3], $0xC80, $0x38;
	[tilespmem:$0xE800] =	vst v63  }
0x15: {  	_ =	swait.ge [sflag:s9], $0xC80  }
0x16: {  	p0 =	por $0x0, $0x0;
	[sflag:s9] =	ssyncset.done $0x0  }
0x17: {  	s23 =	simm.s32 @p0 $0x1;
	[sflag:s9] =	ssyncadd.s32 $0xFFFFF380  }
0x18: {  	_ =	swait.ge @p0 [sflag:s23], $0x2800  }
0x19: {  	s25 =	simm.s32 @p0 $0x2;
	s26 =	simm.s32 @p0 $0x50;
	[sflag:s23] =	ssyncset.done @p0 $0x0  }
0x1a: {  	s24 =	simm.s32 @p0 $0x2000;
	[sflag:s23] =	ssyncadd.s32 @p0 $0xFFFFD800;
	s23 =	simm.s32 @p0 $0x0  }
0x1b: {  	[tilespmem:s24], [sflag:$0x1] =	stream.indirect.gather @p0 [hbm4b:s1+s26], $0x80, s23, s26, $0xb8;
	[tilespmem:$0xE800] =	vst v63  }
0x1c: {  	_ =	swait.ge @p0 [sflag:s25], $0x2800  }
0x1d: {  	s23 =	simm.s32 @p0 $0x80;
	[sflag:s25] =	ssyncset.done @p0 $0x0  }
0x1e: {  	s24 =	simm.s32 @p0 $0x4800;
	[sflag:s25] =	ssyncadd.s32 @p0 $0xFFFFD800;
	s25 =	simm.s32 @p0 $0x3  }
0x1f: {  	[tilespmem:s24], [sflag:$0x2] =	stream.indirect.gather @p0 [hbm4b:s1+s26], $0x80, s23, s26, $0xb8;
	[tilespmem:$0xE800] =	vst v63  }
0x20: {  	_ =	swait.ge @p0 [sflag:s25], $0x2800  }
0x21: {  	s23 =	simm.s32 @p0 $0x100;
	[sflag:s25] =	ssyncset.done @p0 $0x0  }
0x22: {  	s24 =	simm.s32 @p0 $0x7000;
	[sflag:s25] =	ssyncadd.s32 @p0 $0xFFFFD800;
	s25 =	simm.s32 @p0 $0x4  }
0x23: {  	[tilespmem:s24], [sflag:$0x3] =	stream.indirect.gather @p0 [hbm4b:s1+s26], $0x80, s23, s26, $0xb8;
	[tilespmem:$0xE800] =	vst v63  }
0x24: {  	_ =	swait.ge @p0 [sflag:s25], $0x2800  }
0x25: {  	s23 =	simm.s32 @p0 $0x180;
	[sflag:s25] =	ssyncset.done @p0 $0x0  }
0x26: {  	s24 =	simm.s32 @p0 $0x9800;
	[sflag:s25] =	ssyncadd.s32 @p0 $0xFFFFD800;
	s25 =	simm.s32 @p0 $0x5  }
0x27: {  	[tilespmem:s24], [sflag:$0x4] =	stream.indirect.gather @p0 [hbm4b:s1+s26], $0x80, s23, s26, $0xb8;
	[tilespmem:$0xE800] =	vst v63  }
0x28: {  	_ =	swait.ge @p0 [sflag:s25], $0x2800  }
0x29: {  	s23 =	simm.s32 @!p0 $0x2000;
	[sflag:s25] =	ssyncset.done @p0 $0x0  }
0x2a: {  	s24 =	simm.s32 @!p0 $0x50;
	[sflag:s25] =	ssyncadd.s32 @p0 $0xFFFFD800;
	s25 =	simm.s32 @!p0 $0x0  }
0x2b: {  	[tilespmem:s23], [sflag:$0x1] =	stream.indirect.gather @!p0 [hbm4b:s1+s24], $0x80, s25, s24, $0xb8;
	[tilespmem:$0xE800] =	vst v63  }
0x2c: {  	s23 =	simm.s32 @!p0 $0x80;
	s25 =	simm.s32 @!p0 $0x4800  }
0x2d: {  	[tilespmem:s25], [sflag:$0x2] =	stream.indirect.gather @!p0 [hbm4b:s1+s24], $0x80, s23, s24, $0xb8;
	[tilespmem:$0xE800] =	vst v63  }
0x2e: {  	s23 =	simm.s32 @!p0 $0x100;
	s25 =	simm.s32 @!p0 $0x7000  }
0x2f: {  	[tilespmem:s25], [sflag:$0x3] =	stream.indirect.gather @!p0 [hbm4b:s1+s24], $0x80, s23, s24, $0xb8;
	[tilespmem:$0xE800] =	vst v63  }
0x30: {  	s23 =	simm.s32 @!p0 $0x180;
	s25 =	simm.s32 @!p0 $0x9800  }
0x31: {  	[tilespmem:s25], [sflag:$0x4] =	stream.indirect.gather @!p0 [hbm4b:s1+s24], $0x80, s23, s24, $0xb8;
	[tilespmem:$0xE800] =	vst v63  }
0x32: {  	s25 =	simm.s32 $0x200  }
0x33: {  	[tilespmem:s12], [sflag:$0x5] =	stream.indirect.gather [hbm4b:s1+s11], $0x80, s25, s11, $0xb8;
	[tilespmem:$0xE800] =	vst v63  }
0x34: {  	s23 =	simm.s32 $0x0;
	_ =	swait.ge [sflag:s13], $0x2800  }
0x35: {  	s23 =	simm.s32 @!p0 $0x0;
	[sflag:s13] =	ssyncset.done $0x0  }
0x36: {  	s23 =	sadd.s32 $0x1000, s23;
	[sflag:s13] =	ssyncadd.s32 $0xFFFFD800  }
0x37: {  	[tilespmem:s14], [sflag:$0x1] =	stream.indirect.gather.add.f32 [hbm:s4], $0x80, s23, s11, $0xb8;
	[tilespmem:$0xE800] =	vst v63  }
0x38: {  	s23 =	simm.s32 @p0 $0x80;
	_ =	swait.ge [sflag:s15], $0x2800  }
0x39: {  	s23 =	simm.s32 @!p0 $0x80;
	[sflag:s15] =	ssyncset.done $0x0  }
0x3a: {  	s23 =	sadd.s32 $0x1000, s23;
	[sflag:s15] =	ssyncadd.s32 $0xFFFFD800  }
0x3b: {  	[tilespmem:s16], [sflag:$0x2] =	stream.indirect.gather.add.f32 [hbm:s4], $0x80, s23, s11, $0xb8;
	[tilespmem:$0xE800] =	vst v63  }
0x3c: {  	s23 =	simm.s32 @p0 $0x100;
	_ =	swait.ge [sflag:s17], $0x2800  }
0x3d: {  	s23 =	simm.s32 @!p0 $0x100;
	[sflag:s17] =	ssyncset.done $0x0  }
0x3e: {  	s23 =	sadd.s32 $0x1000, s23;
	[sflag:s17] =	ssyncadd.s32 $0xFFFFD800  }
0x3f: {  	[tilespmem:s18], [sflag:$0x3] =	stream.indirect.gather.add.f32 [hbm:s4], $0x80, s23, s11, $0xb8;
	[tilespmem:$0xE800] =	vst v63  }
0x40: {  	s23 =	simm.s32 @p0 $0x180;
	_ =	swait.ge [sflag:s19], $0x2800  }
0x41: {  	s23 =	simm.s32 @!p0 $0x180;
	[sflag:s19] =	ssyncset.done $0x0  }
0x42: {  	s23 =	sadd.s32 $0x1000, s23;
	[sflag:s19] =	ssyncadd.s32 $0xFFFFD800  }
0x43: {  	[tilespmem:s20], [sflag:$0x4] =	stream.indirect.gather.add.f32 [hbm:s4], $0x80, s23, s11, $0xb8;
	[tilespmem:$0xE800] =	vst v63  }
0x44: {  	_ =	swait.ge [sflag:s21], $0x2800  }
0x45: {  	[sflag:s21] =	ssyncset.done $0x0  }
0x46: {  	s26 =	simm.s32 $0x1200;
	[sflag:s21] =	ssyncadd.s32 $0xFFFFD800  }
0x47: {  	[tilespmem:s12], [sflag:$0x5] =	stream.indirect.gather.add.f32 [hbm:s4], $0x80, s26, s11, $0xb8;
	[tilespmem:$0xE800] =	vst v63  }
0x48: {  	_ =	swait.ge [sflag:s13], $0x2800  }
0x49: {  	[sflag:s13] =	ssyncset.done $0x0  }
0x4a: {  	[sflag:s13] =	ssyncadd.s32 $0xFFFFD800  }
0x4b: {  	[hbm4b:s8+s3] =	stream.linear.scatter [tilespmem:s14], [sflag:$0x1], $0x2800, $0x38;
	[tilespmem:$0xE800] =	vst v63  }
0x4c: {  	_ =	swait.ge [sflag:s15], $0x2800  }
0x4d: {  	[sflag:s15] =	ssyncset.done $0x0  }
0x4e: {  	s28 =	sadd.s32 $0x500, s8;
	[sflag:s15] =	ssyncadd.s32 $0xFFFFD800  }
0x4f: {  	[hbm4b:s28+s3] =	stream.linear.scatter [tilespmem:s16], [sflag:$0x2], $0x2800, $0x38;
	[tilespmem:$0xE800] =	vst v63  }
0x50: {  	_ =	swait.ge [sflag:s17], $0x2800  }
0x51: {  	[sflag:s17] =	ssyncset.done $0x0  }
0x52: {  	s29 =	sadd.s32 $0xA00, s8;
	[sflag:s17] =	ssyncadd.s32 $0xFFFFD800  }
0x53: {  	[hbm4b:s29+s3] =	stream.linear.scatter [tilespmem:s18], [sflag:$0x3], $0x2800, $0x38;
	[tilespmem:$0xE800] =	vst v63  }
0x54: {  	_ =	swait.ge [sflag:s19], $0x2800  }
0x55: {  	s31 =	sadd.s32 $0xF00, s8;
	[sflag:s19] =	ssyncset.done $0x0  }
0x56: {  	s30 =	sadd.s32 $0x1400, s8;
	s24 =	simm.s32 $0x280;
	[sflag:s19] =	ssyncadd.s32 $0xFFFFD800  }
0x57: {  	[hbm4b:s31+s3] =	stream.linear.scatter [tilespmem:s20], [sflag:$0x4], $0x2800, $0x38;
	[tilespmem:$0xE800] =	vst v63  }
0x58: {  	s25 =	simm.s32 $0xA00;
	p0 =	por $0x1, $0x1;
	_ =	swait.ge [sflag:s21], $0x2800  }
0x59: {  	s23 =	sadd.s32 $0x1900, s8;
	s26 =	simm.s32 $0x1400;
	[sflag:s21] =	ssyncset.done $0x0  }
.LBB2_2:
0x5a: {  	s31 =	simm.s32 @p0 $0x1;
	[sflag:s21] =	ssyncadd.s32 $0xFFFFD800  }
0x5b: {  	s29 =	smov.u32 s26;
	s26 =	sadd.s32 $0xA00, s26;
	s28 =	smov.u32 s23  }
0x5c: {  	[hbm4b:s30+s3] =	stream.linear.scatter [tilespmem:s12], [sflag:$0x5], $0x2800, $0x38;
	[tilespmem:$0xE800] =	vst v63  }
0x5d: {  	p1 =	sne.s32 s26, $0x3200;
	_ =	swait.ge @p0 [sflag:s31], $0x2800  }
0x5e: {  	s0 =	simm.s32 @p0 $0x2;
	s30 =	simm.s32 @p0 $0x2000;
	[sflag:s31] =	ssyncset.done @p0 $0x0  }
0x5f: {  	s2 =	simm.s32 @p0 $0x50;
	[sflag:s31] =	ssyncadd.s32 @p0 $0xFFFFD800;
	s31 =	sshra.s32 @p0 s25, $0x2  }
0x60: {  	[tilespmem:s30], [sflag:$0x1] =	stream.indirect.gather @p0 [hbm4b:s1+s2], $0x80, s31, s2, $0xb8;
	[tilespmem:$0xE800] =	vst v63  }
0x61: {  	s30 =	sadd.s32 @p0 $0x80, s31;
	s10 =	sadd.s32 @p0 $0x100, s31;
	_ =	swait.ge @p0 [sflag:s0], $0x2800  }
0x62: {  	s31 =	sadd.s32 @p0 $0x180, s31;
	[sflag:s0] =	ssyncset.done @p0 $0x0  }
0x63: {  	s5 =	simm.s32 @p0 $0x3;
	[sflag:s0] =	ssyncadd.s32 @p0 $0xFFFFD800;
	s0 =	simm.s32 @p0 $0x4800  }
0x64: {  	[tilespmem:s0], [sflag:$0x2] =	stream.indirect.gather @p0 [hbm4b:s1+s2], $0x80, s30, s2, $0xb8;
	[tilespmem:$0xE800] =	vst v63  }
0x65: {  	_ =	swait.ge @p0 [sflag:s5], $0x2800  }
0x66: {  	[sflag:s5] =	ssyncset.done @p0 $0x0  }
0x67: {  	s0 =	simm.s32 @p0 $0x7000;
	[sflag:s5] =	ssyncadd.s32 @p0 $0xFFFFD800;
	s5 =	simm.s32 @p0 $0x4  }
0x68: {  	[tilespmem:s0], [sflag:$0x3] =	stream.indirect.gather @p0 [hbm4b:s1+s2], $0x80, s10, s2, $0xb8;
	[tilespmem:$0xE800] =	vst v63  }
0x69: {  	_ =	swait.ge @p0 [sflag:s5], $0x2800  }
0x6a: {  	[sflag:s5] =	ssyncset.done @p0 $0x0  }
0x6b: {  	s0 =	simm.s32 @p0 $0x9800;
	[sflag:s5] =	ssyncadd.s32 @p0 $0xFFFFD800;
	s5 =	simm.s32 @p0 $0x5  }
0x6c: {  	[tilespmem:s0], [sflag:$0x4] =	stream.indirect.gather @p0 [hbm4b:s1+s2], $0x80, s31, s2, $0xb8;
	[tilespmem:$0xE800] =	vst v63  }
0x6d: {  	_ =	swait.ge @p0 [sflag:s5], $0x2800  }
0x6e: {  	s0 =	simm.s32 @!p0 $0x2000;
	[sflag:s5] =	ssyncset.done @p0 $0x0  }
0x6f: {  	s2 =	simm.s32 @!p0 $0x50;
	[sflag:s5] =	ssyncadd.s32 @p0 $0xFFFFD800;
	s5 =	simm.s32 @!p0 $0x0  }
0x70: {  	[tilespmem:s0], [sflag:$0x1] =	stream.indirect.gather @!p0 [hbm4b:s1+s2], $0x80, s5, s2, $0xb8;
	[tilespmem:$0xE800] =	vst v63  }
0x71: {  	s0 =	simm.s32 @!p0 $0x80;
	s5 =	simm.s32 @!p0 $0x4800  }
0x72: {  	[tilespmem:s5], [sflag:$0x2] =	stream.indirect.gather @!p0 [hbm4b:s1+s2], $0x80, s0, s2, $0xb8;
	[tilespmem:$0xE800] =	vst v63  }
0x73: {  	s0 =	simm.s32 @!p0 $0x100;
	s5 =	simm.s32 @!p0 $0x7000  }
0x74: {  	[tilespmem:s5], [sflag:$0x3] =	stream.indirect.gather @!p0 [hbm4b:s1+s2], $0x80, s0, s2, $0xb8;
	[tilespmem:$0xE800] =	vst v63  }
0x75: {  	s10 =	sshra.s32 s25, $0x2;
	s0 =	simm.s32 @!p0 $0x180;
	s5 =	simm.s32 @!p0 $0x9800  }
0x76: {  	[tilespmem:s5], [sflag:$0x4] =	stream.indirect.gather @!p0 [hbm4b:s1+s2], $0x80, s0, s2, $0xb8;
	[tilespmem:$0xE800] =	vst v63  }
0x77: {  	s25 =	smov.u32 s29;
	s0 =	sadd.s32 $0x200, s10  }
0x78: {  	[tilespmem:s12], [sflag:$0x5] =	stream.indirect.gather [hbm4b:s1+s11], $0x80, s0, s11, $0xb8;
	[tilespmem:$0xE800] =	vst v63  }
0x79: {  	s0 =	smov.u32 s24;
	_ =	swait.ge [sflag:s13], $0x2800  }
0x7a: {  	s0 =	simm.s32 @!p0 $0x0;
	[sflag:s13] =	ssyncset.done $0x0  }
0x7b: {  	s0 =	sadd.s32 $0x1000, s0;
	[sflag:s13] =	ssyncadd.s32 $0xFFFFD800  }
0x7c: {  	[tilespmem:s14], [sflag:$0x1] =	stream.indirect.gather.add.f32 [hbm:s4], $0x80, s0, s11, $0xb8;
	[tilespmem:$0xE800] =	vst v63  }
0x7d: {  	s0 =	sadd.s32 @p0 $0x80, s24;
	_ =	swait.ge [sflag:s15], $0x2800  }
0x7e: {  	s0 =	simm.s32 @!p0 $0x80;
	[sflag:s15] =	ssyncset.done $0x0  }
0x7f: {  	s0 =	sadd.s32 $0x1000, s0;
	[sflag:s15] =	ssyncadd.s32 $0xFFFFD800  }
0x80: {  	[tilespmem:s16], [sflag:$0x2] =	stream.indirect.gather.add.f32 [hbm:s4], $0x80, s0, s11, $0xb8;
	[tilespmem:$0xE800] =	vst v63  }
0x81: {  	s0 =	sadd.s32 @p0 $0x100, s24;
	_ =	swait.ge [sflag:s17], $0x2800  }
0x82: {  	s0 =	simm.s32 @!p0 $0x100;
	[sflag:s17] =	ssyncset.done $0x0  }
0x83: {  	s0 =	sadd.s32 $0x1000, s0;
	[sflag:s17] =	ssyncadd.s32 $0xFFFFD800  }
0x84: {  	[tilespmem:s18], [sflag:$0x3] =	stream.indirect.gather.add.f32 [hbm:s4], $0x80, s0, s11, $0xb8;
	[tilespmem:$0xE800] =	vst v63  }
0x85: {  	s0 =	sadd.s32 @p0 $0x180, s24;
	_ =	swait.ge [sflag:s19], $0x2800  }
0x86: {  	s0 =	simm.s32 @!p0 $0x180;
	[sflag:s19] =	ssyncset.done $0x0  }
0x87: {  	s0 =	sadd.s32 $0x1000, s0;
	[sflag:s19] =	ssyncadd.s32 $0xFFFFD800  }
0x88: {  	[tilespmem:s20], [sflag:$0x4] =	stream.indirect.gather.add.f32 [hbm:s4], $0x80, s0, s11, $0xb8;
	[tilespmem:$0xE800] =	vst v63  }
0x89: {  	_ =	swait.ge [sflag:s21], $0x2800  }
0x8a: {  	[sflag:s21] =	ssyncset.done $0x0  }
0x8b: {  	s0 =	sadd.s32 $0x1200, s10;
	[sflag:s21] =	ssyncadd.s32 $0xFFFFD800  }
0x8c: {  	[tilespmem:s12], [sflag:$0x5] =	stream.indirect.gather.add.f32 [hbm:s4], $0x80, s0, s11, $0xb8;
	[tilespmem:$0xE800] =	vst v63  }
0x8d: {  	_ =	swait.ge [sflag:s13], $0x2800  }
0x8e: {  	[sflag:s13] =	ssyncset.done $0x0  }
0x8f: {  	[sflag:s13] =	ssyncadd.s32 $0xFFFFD800  }
0x90: {  	[hbm4b:s23+s3] =	stream.linear.scatter [tilespmem:s14], [sflag:$0x1], $0x2800, $0x38;
	[tilespmem:$0xE800] =	vst v63  }
0x91: {  	_ =	swait.ge [sflag:s15], $0x2800  }
0x92: {  	[sflag:s15] =	ssyncset.done $0x0  }
0x93: {  	s0 =	sadd.s32 $0x500, s23;
	[sflag:s15] =	ssyncadd.s32 $0xFFFFD800  }
0x94: {  	[hbm4b:s0+s3] =	stream.linear.scatter [tilespmem:s16], [sflag:$0x2], $0x2800, $0x38;
	[tilespmem:$0xE800] =	vst v63  }
0x95: {  	_ =	swait.ge [sflag:s17], $0x2800  }
0x96: {  	[sflag:s17] =	ssyncset.done $0x0  }
0x97: {  	s0 =	sadd.s32 $0xA00, s23;
	[sflag:s17] =	ssyncadd.s32 $0xFFFFD800  }
0x98: {  	[hbm4b:s0+s3] =	stream.linear.scatter [tilespmem:s18], [sflag:$0x3], $0x2800, $0x38;
	[tilespmem:$0xE800] =	vst v63  }
0x99: {  	_ =	swait.ge [sflag:s19], $0x2800  }
.Ltmp0:
0x9a: {  	[sflag:s19] =	ssyncset.done $0x0;
	(pc) =	sbr.rel @p1 .LBB2_2-.Ltmp0, $4  }
0x9b: {  	s0 =	sadd.s32 $0xF00, s23;
	[sflag:s19] =	ssyncadd.s32 $0xFFFFD800  }
0x9c: {  	[hbm4b:s0+s3] =	stream.linear.scatter [tilespmem:s20], [sflag:$0x4], $0x2800, $0x38;
	[tilespmem:$0xE800] =	vst v63  }
0x9d: {  	s24 =	sadd.s32 $0x280, s24;
	s23 =	sadd.s32 $0x1900, s23;
	_ =	swait.ge [sflag:s21], $0x2800  }
0x9e: {  	s30 =	sadd.s32 $0x1400, s28;
	p0 =	sne.s32 s25, $0x0;
	[sflag:s21] =	ssyncset.done $0x0  }
0x9f: {  	s0 =	simm.s32 @p0 $0x1;
	[sflag:s21] =	ssyncadd.s32 $0xFFFFD800  }
0xa0: {  	[hbm4b:s30+s3] =	stream.linear.scatter [tilespmem:s12], [sflag:$0x5], $0x2800, $0x38;
	[tilespmem:$0xE800] =	vst v63  }
0xa1: {  	_ =	swait.ge @p0 [sflag:s0], $0x2800  }
0xa2: {  	s2 =	simm.s32 @p0 $0x2000;
	s5 =	simm.s32 @p0 $0x2;
	[sflag:s0] =	ssyncset.done @p0 $0x0  }
0xa3: {  	s10 =	simm.s32 @p0 $0x50;
	[sflag:s0] =	ssyncadd.s32 @p0 $0xFFFFD800;
	s0 =	sshra.s32 @p0 s25, $0x2  }
0xa4: {  	[tilespmem:s2], [sflag:$0x1] =	stream.indirect.gather @p0 [hbm4b:s1+s10], $0x80, s0, s10, $0xb8;
	[tilespmem:$0xE800] =	vst v63  }
0xa5: {  	_ =	swait.ge @p0 [sflag:s5], $0x2800  }
0xa6: {  	s26 =	simm.s32 @p0 $0x3;
	[sflag:s5] =	ssyncset.done @p0 $0x0  }
0xa7: {  	s2 =	sadd.s32 @p0 $0x80, s0;
	[sflag:s5] =	ssyncadd.s32 @p0 $0xFFFFD800;
	s5 =	simm.s32 @p0 $0x4800  }
0xa8: {  	[tilespmem:s5], [sflag:$0x2] =	stream.indirect.gather @p0 [hbm4b:s1+s10], $0x80, s2, s10, $0xb8;
	[tilespmem:$0xE800] =	vst v63  }
0xa9: {  	_ =	swait.ge @p0 [sflag:s26], $0x2800  }
0xaa: {  	s2 =	sadd.s32 @p0 $0x100, s0;
	[sflag:s26] =	ssyncset.done @p0 $0x0  }
0xab: {  	s5 =	simm.s32 @p0 $0x7000;
	[sflag:s26] =	ssyncadd.s32 @p0 $0xFFFFD800;
	s26 =	simm.s32 @p0 $0x4  }
0xac: {  	[tilespmem:s5], [sflag:$0x3] =	stream.indirect.gather @p0 [hbm4b:s1+s10], $0x80, s2, s10, $0xb8;
	[tilespmem:$0xE800] =	vst v63  }
0xad: {  	_ =	swait.ge @p0 [sflag:s26], $0x2800  }
0xae: {  	s0 =	sadd.s32 @p0 $0x180, s0;
	[sflag:s26] =	ssyncset.done @p0 $0x0  }
0xaf: {  	s2 =	simm.s32 @p0 $0x9800;
	s5 =	simm.s32 @p0 $0x5;
	[sflag:s26] =	ssyncadd.s32 @p0 $0xFFFFD800  }
0xb0: {  	[tilespmem:s2], [sflag:$0x4] =	stream.indirect.gather @p0 [hbm4b:s1+s10], $0x80, s0, s10, $0xb8;
	[tilespmem:$0xE800] =	vst v63  }
0xb1: {  	_ =	swait.ge @p0 [sflag:s5], $0x2800  }
0xb2: {  	s0 =	simm.s32 @!p0 $0x2000;
	[sflag:s5] =	ssyncset.done @p0 $0x0  }
0xb3: {  	s2 =	simm.s32 @!p0 $0x50;
	[sflag:s5] =	ssyncadd.s32 @p0 $0xFFFFD800;
	s5 =	simm.s32 @!p0 $0x0  }
0xb4: {  	[tilespmem:s0], [sflag:$0x1] =	stream.indirect.gather @!p0 [hbm4b:s1+s2], $0x80, s5, s2, $0xb8;
	[tilespmem:$0xE800] =	vst v63  }
0xb5: {  	s0 =	simm.s32 @!p0 $0x80;
	s5 =	simm.s32 @!p0 $0x4800  }
0xb6: {  	[tilespmem:s5], [sflag:$0x2] =	stream.indirect.gather @!p0 [hbm4b:s1+s2], $0x80, s0, s2, $0xb8;
	[tilespmem:$0xE800] =	vst v63  }
0xb7: {  	s0 =	simm.s32 @!p0 $0x100;
	s5 =	simm.s32 @!p0 $0x7000  }
0xb8: {  	[tilespmem:s5], [sflag:$0x3] =	stream.indirect.gather @!p0 [hbm4b:s1+s2], $0x80, s0, s2, $0xb8;
	[tilespmem:$0xE800] =	vst v63  }
0xb9: {  	s31 =	sshra.s32 s25, $0x2;
	s0 =	simm.s32 @!p0 $0x180;
	s5 =	simm.s32 @!p0 $0x9800  }
0xba: {  	[tilespmem:s5], [sflag:$0x4] =	stream.indirect.gather @!p0 [hbm4b:s1+s2], $0x80, s0, s2, $0xb8;
	[tilespmem:$0xE800] =	vst v63  }
0xbb: {  	s25 =	sadd.s32 $0x200, s31  }
0xbc: {  	[tilespmem:s12], [sflag:$0x5] =	stream.indirect.gather [hbm4b:s1+s11], $0x80, s25, s11, $0xb8;
	[tilespmem:$0xE800] =	vst v63  }
0xbd: {  	s0 =	smov.u32 s24;
	_ =	swait.ge [sflag:s13], $0x2800  }
0xbe: {  	s0 =	simm.s32 @!p0 $0x0;
	[sflag:s13] =	ssyncset.done $0x0  }
0xbf: {  	s0 =	sadd.s32 $0x1000, s0;
	[sflag:s13] =	ssyncadd.s32 $0xFFFFD800  }
0xc0: {  	[tilespmem:s14], [sflag:$0x1] =	stream.indirect.gather.add.f32 [hbm:s4], $0x80, s0, s11, $0xb8;
	[tilespmem:$0xE800] =	vst v63  }
0xc1: {  	s0 =	sadd.s32 @p0 $0x80, s24;
	_ =	swait.ge [sflag:s15], $0x2800  }
0xc2: {  	s0 =	simm.s32 @!p0 $0x80;
	[sflag:s15] =	ssyncset.done $0x0  }
0xc3: {  	s0 =	sadd.s32 $0x1000, s0;
	[sflag:s15] =	ssyncadd.s32 $0xFFFFD800  }
0xc4: {  	[tilespmem:s16], [sflag:$0x2] =	stream.indirect.gather.add.f32 [hbm:s4], $0x80, s0, s11, $0xb8;
	[tilespmem:$0xE800] =	vst v63  }
0xc5: {  	s0 =	sadd.s32 @p0 $0x100, s24;
	_ =	swait.ge [sflag:s17], $0x2800  }
0xc6: {  	s0 =	simm.s32 @!p0 $0x100;
	[sflag:s17] =	ssyncset.done $0x0  }
0xc7: {  	s0 =	sadd.s32 $0x1000, s0;
	[sflag:s17] =	ssyncadd.s32 $0xFFFFD800  }
0xc8: {  	[tilespmem:s18], [sflag:$0x3] =	stream.indirect.gather.add.f32 [hbm:s4], $0x80, s0, s11, $0xb8;
	[tilespmem:$0xE800] =	vst v63  }
0xc9: {  	s0 =	sadd.s32 @p0 $0x180, s24;
	_ =	swait.ge [sflag:s19], $0x2800  }
0xca: {  	s0 =	simm.s32 @!p0 $0x180;
	[sflag:s19] =	ssyncset.done $0x0  }
0xcb: {  	s0 =	sadd.s32 $0x1000, s0;
	[sflag:s19] =	ssyncadd.s32 $0xFFFFD800  }
0xcc: {  	[tilespmem:s20], [sflag:$0x4] =	stream.indirect.gather.add.f32 [hbm:s4], $0x80, s0, s11, $0xb8;
	[tilespmem:$0xE800] =	vst v63  }
0xcd: {  	_ =	swait.ge [sflag:s21], $0x2800  }
0xce: {  	[sflag:s21] =	ssyncset.done $0x0  }
0xcf: {  	s26 =	sadd.s32 $0x1200, s31;
	[sflag:s21] =	ssyncadd.s32 $0xFFFFD800  }
0xd0: {  	[tilespmem:s12], [sflag:$0x5] =	stream.indirect.gather.add.f32 [hbm:s4], $0x80, s26, s11, $0xb8;
	[tilespmem:$0xE800] =	vst v63  }
0xd1: {  	_ =	swait.ge [sflag:s13], $0x2800  }
0xd2: {  	[sflag:s13] =	ssyncset.done $0x0  }
0xd3: {  	[sflag:s13] =	ssyncadd.s32 $0xFFFFD800  }
0xd4: {  	[hbm4b:s23+s3] =	stream.linear.scatter [tilespmem:s14], [sflag:$0x1], $0x2800, $0x38;
	[tilespmem:$0xE800] =	vst v63  }
0xd5: {  	_ =	swait.ge [sflag:s15], $0x2800  }
0xd6: {  	[sflag:s15] =	ssyncset.done $0x0  }
0xd7: {  	s28 =	sadd.s32 $0x500, s23;
	[sflag:s15] =	ssyncadd.s32 $0xFFFFD800  }
0xd8: {  	[hbm4b:s28+s3] =	stream.linear.scatter [tilespmem:s16], [sflag:$0x2], $0x2800, $0x38;
	[tilespmem:$0xE800] =	vst v63  }
0xd9: {  	_ =	swait.ge [sflag:s17], $0x2800  }
0xda: {  	[sflag:s17] =	ssyncset.done $0x0  }
0xdb: {  	s29 =	sadd.s32 $0xA00, s23;
	[sflag:s17] =	ssyncadd.s32 $0xFFFFD800  }
0xdc: {  	[hbm4b:s29+s3] =	stream.linear.scatter [tilespmem:s18], [sflag:$0x3], $0x2800, $0x38;
	[tilespmem:$0xE800] =	vst v63  }
0xdd: {  	_ =	swait.ge [sflag:s19], $0x2800  }
0xde: {  	[sflag:s19] =	ssyncset.done $0x0  }
0xdf: {  	s30 =	sadd.s32 $0xF00, s23;
	[sflag:s19] =	ssyncadd.s32 $0xFFFFD800  }
0xe0: {  	[hbm4b:s30+s3] =	stream.linear.scatter [tilespmem:s20], [sflag:$0x4], $0x2800, $0x38;
	[tilespmem:$0xE800] =	vst v63  }
0xe1: {  	_ =	swait.ge [sflag:s21], $0x2800  }
0xe2: {  	[sflag:s21] =	ssyncset.done $0x0  }
0xe3: {  	s31 =	sadd.s32 $0x1400, s23;
	[sflag:s21] =	ssyncadd.s32 $0xFFFFD800  }
0xe4: {  	[hbm4b:s31+s3] =	stream.linear.scatter [tilespmem:s12], [sflag:$0x5], $0x2800, $0x38;
	[tilespmem:$0xE800] =	vst v63  }
0xe5: {  	_ =	swait.ge [sflag:s13], $0x2800  }
0xe6: {  	[sflag:s13] =	ssyncset.done $0x0  }
0xe7: {  	[sflag:s13] =	ssyncadd.s32 $0xFFFFD800  }
0xe8: {  	_ =	swait.ge [sflag:s15], $0x2800  }
0xe9: {  	[sflag:s15] =	ssyncset.done $0x0  }
0xea: {  	[sflag:s15] =	ssyncadd.s32 $0xFFFFD800  }
0xeb: {  	_ =	swait.ge [sflag:s17], $0x2800  }
0xec: {  	[sflag:s17] =	ssyncset.done $0x0  }
0xed: {  	s22 =	sadd.s32 $0x1, s22;
	[sflag:s17] =	ssyncadd.s32 $0xFFFFD800  }
0xee: {  	p0 =	sne.s32 s22, s7;
	_ =	swait.ge [sflag:s19], $0x2800  }
.Ltmp1:
0xef: {  	[sflag:s19] =	ssyncset.done $0x0;
	(pc) =	sbr.rel @p0 .LBB2_1-.Ltmp1, $4  }
0xf0: {  	[sflag:s19] =	ssyncadd.s32 $0xFFFFD800  }
0xf1: {  	_ =	swait.ge [sflag:s21], $0x2800  }
0xf2: {  	[sflag:s21] =	ssyncset.done $0x0  }
0xf3: {  	[sflag:s21] =	ssyncadd.s32 $0xFFFFD800  }
0xf4: {  	_ =	sfence.sel $0x180000  }
0xf5: {  	[bflag:$0x0] =	sbarrier.arrive $0xFFFF  }
0xf6: {  	_ =	strace $0x9000004D  }
0xf7: {  	s0 =	stileid.u32;
	[bflag:$0x2] =	sbarrier.arrive $0xFFFF  }
0xf8: {  	p0 =	sne.s32 s0, $0x0;
	s0 =	rddreg [dreg:$0x2]  }
0xf9: {  	s0 =	sadd.s32 @!p0 $0x100000, s0  }
0xfa: {  	[sflag:s0] =	ssyncadd.tile.s32 @!p0 $0x1;
	_ =	shalt  }
.Lfunc_end2:
_tile_overlayer_lowered:
.L_overlay_start_2:
0xfb: {  	(tag) =	ssettag $0x2  }
0xfc: {  	s0 =	rddreg [dreg:$0x0];
	s2 =	stileid.u32  }
0xfd: {  	s1 =	rddreg [dreg:$0x1];
	p0 =	sne.s32 s2, $0x0  }
0xfe: {  	s3 =	rddreg [dreg:$0x2];
	[bflag:$0x3] =	sbarrier.arrive $0xFFFF;
	s2 =	simm.s32 @!p0 $0x1C06  }
0xff: {  	[timem:s3], [sflag:s2] =	dma.local @!p0 [hbm:s0], s1  }
0x100: {  	s0 =	simm.s32 @!p0 $0x6  }
0x101: {  	_ =	swait.ge @!p0 [sflag:s0], s1  }
0x102: {  	s1 =	ssub.s32 @!p0 $0x0, s1;
	[sflag:s0] =	ssyncset.done @!p0 $0x0  }
0x103: {  	[sflag:s0] =	ssyncadd.s32 @!p0 s1  }
0x104: {  	[bflag:$0x3] =	sbarrier.arrive $0xFFFF  }
0x105: {  	_ =	shalt  }

// kernel: kernel.14.cloned.1.call-start
scs
__scs_entry_jumppad:
0x0: {  	(pc) =	sbr.rel $0x88, $3  }
0x1: {  	(tag) =	ssettag $0x0;
	lr =	simm.s32 $0x1  }
0x2: {  	[smem:$0x3F94] =	sst lr;
	_ =	strace $0xD0000000  }
0x3: {  	_ = 	snop  }
0x4: {  	_ = 	snop  }
0x5: {  	_ = 	snop  }
0x6: {  	_ = 	snop  }
0x7: {  	_ = 	snop  }
__scs_overlays_trampoline_lowered:
0x8: {  	[smem:$0x3FA3] =	sst s0  }
0x9: {  	[smem:$0x3FA4] =	sst s1  }
0xa: {  	[smem:$0x3FA5] =	sst s2  }
0xb: {  	[smem:$0x3FA6] =	sst s3  }
0xc: {  	[smem:$0x3FA7] =	sst s4  }
0xd: {  	[smem:$0x3FA8] =	sst s5  }
0xe: {  	[smem:$0x3FA9] =	sst s6  }
0xf: {  	[smem:$0x3FAA] =	sst s7  }
0x10: {  	[smem:$0x3FAB] =	sst s8  }
0x11: {  	[smem:$0x3FAC] =	sst s9;
	s0 =	simm.s32 @!p0 $0x0  }
0x12: {  	s1 =	sld [smem:$0x3F92];
	s0 =	simm.s32 @p0 $0x1  }
0x13: {  	[smem:$0x3FAD] =	sst s0;
	s0 =	simm.s32 @!p1 $0x0  }
0x14: {  	s2 =	sld [smem:$0x3F91];
	s0 =	simm.s32 @p1 $0x1  }
0x15: {  	[smem:$0x3FAE] =	sst s0;
	s0 =	simm.s32 @!p2 $0x0  }
0x16: {  	s3 =	sld [smem:$0x3FDB];
	s0 =	simm.s32 @p2 $0x1  }
0x17: {  	s4 =	simm.s32 $0x1BF5;
	[smem:$0x3FB0] =	sst s0  }
0x18: {  	s0 =	sld [smem:$0x3F93];
	_ =	swait.ge [sflag:s4], $0x0  }
0x19: {  	s7 =	sld [smem:$0x3F94]  }
0x1a: {  	s8 =	sadd.s32 $0xFFFFE003, lr  }
0x1b: {  	s9 =	sadd.s32 $0xFFFFFEF7, lr;
	s5 =	simm.s32 $0xFFFFFFFF;
	p2 =	slt.u32 s8, $0xFFFFF086  }
0x1c: {  	p1 =	slt.u32 s9, $0xF7A;
	s5 =	simm.s32 @!p2 $0x0  }
0x1d: {  	s5 =	simm.s32 @p1 $0x1;
	p0 =	seq.s32 s7, s2  }
0x1e: {  	s7 =	smul.u32 @!p0 $0xF7A, s2;
	p2 =	seq.s32 @!p0 s5, $0x0  }
0x1f: {  	s9 =	smul.u32 $0xF7A, s1;
	s8 =	simm.s32 @!p0 $0x1BF5;
	p2 =	por !p2, p0  }
0x20: {  	[sflag:s8] =	ssyncset.s32 @!p0 $0xFFFFF086;
	s6 =	sadd.s32 @!p0 s3, s7;
	s7 =	simm.s32 @!p0 $0x108  }
0x21: {  	s3 =	sadd.s32 s3, s9;
	s6 =	sadd.s32 @!p0 $0x88, s6;
	s7 =	simm.s32 @p2 $0x1082  }
0x22: {  	[simem:s7], [sflag:s8] =	dma.local @!p0 [hbm:s6], $0xF7A  }
0x23: {  	s9 =	sor.u32 $0xD0000000, s2;
	s6 =	simm.s32 $0x108;
	_ =	swait.ge @!p0 [sflag:s8], $0x0  }
0x24: {  	s3 =	sadd.s32 $0x88, s3;
	s6 =	simm.s32 @!p1 $0x1082;
	[sflag:s4] =	ssyncset.s32 $0xFFFFF086  }
0x25: {  	[simem:s6], [sflag:s4] =	dma.local [hbm:s3], $0xF7A  }
0x26: {  	[smem:$0x3F94] =	sst s1;
	(tag) =	ssettag s2;
	_ =	strace s9  }
0x27: {  	s1 =	sld [smem:$0x3FA4]  }
0x28: {  	s2 =	sld [smem:$0x3FA5]  }
0x29: {  	s4 =	sld [smem:$0x3FA7]  }
0x2a: {  	p0 =	seq.s32 s5, $0x0;
	s5 =	sld [smem:$0x3FA8]  }
0x2b: {  	s6 =	sld [smem:$0x3FA9]  }
0x2c: {  	s7 =	sld [smem:$0x3FAA]  }
0x2d: {  	s3 =	simm.s32 $0x108;
	s8 =	sld [smem:$0x3FAB]  }
0x2e: {  	s3 =	simm.s32 @!p0 $0x1082;
	s9 =	sld [smem:$0x3FAC]  }
0x2f: {  	lr =	sadd.s32 s0, s3;
	s0 =	sld [smem:$0x3FA3]  }
0x30: {  	s3 =	sld [smem:$0x3FA6]  }
0x31: {  	[smem:$0x3FAF] =	sst s10  }
0x32: {  	s10 =	sld [smem:$0x3FAD];
	_ =	sdelay $0x3  }
0x33: {  	p0 =	seq.s32 s10, $0x1;
	s10 =	sld [smem:$0x3FAF];
	_ =	sdelay $0x3  }
0x34: {  	[smem:$0x3FAF] =	sst s10  }
0x35: {  	s10 =	sld [smem:$0x3FAE];
	_ =	sdelay $0x3  }
0x36: {  	p1 =	seq.s32 s10, $0x1;
	s10 =	sld [smem:$0x3FAF];
	_ =	sdelay $0x3  }
0x37: {  	[smem:$0x3FAF] =	sst s10  }
0x38: {  	s10 =	sld [smem:$0x3FB0]  }
0x39: {  	_ = 	snop;
	(pc) =	sbr.ind lr, $3  }
0x3a: {  	_ = 	snop  }
0x3b: {  	_ = 	snop  }
0x3c: {  	p2 =	seq.s32 s10, $0x1;
	s10 =	sld [smem:$0x3FAF]  }
0x3d: {  	_ =	shalt  }
0x3e: {  	_ =	shalt  }
0x3f: {  	_ =	shalt  }
0x40: {  	_ =	shalt  }
0x41: {  	_ =	shalt  }
0x42: {  	_ =	shalt  }
0x43: {  	_ =	shalt  }
0x44: {  	_ =	shalt  }
0x45: {  	_ =	shalt  }
0x46: {  	_ =	shalt  }
0x47: {  	_ =	shalt  }
0x48: {  	_ =	shalt  }
0x49: {  	_ =	shalt  }
0x4a: {  	_ =	shalt  }
0x4b: {  	_ =	shalt  }
0x4c: {  	_ =	shalt  }
0x4d: {  	_ =	shalt  }
0x4e: {  	_ =	shalt  }
0x4f: {  	_ =	shalt  }
0x50: {  	_ =	shalt  }
0x51: {  	_ =	shalt  }
0x52: {  	_ =	shalt  }
0x53: {  	_ =	shalt  }
0x54: {  	_ =	shalt  }
0x55: {  	_ =	shalt  }
0x56: {  	_ =	shalt  }
0x57: {  	_ =	shalt  }
0x58: {  	_ =	shalt  }
0x59: {  	_ =	shalt  }
0x5a: {  	_ =	shalt  }
0x5b: {  	_ =	shalt  }
0x5c: {  	_ =	shalt  }
0x5d: {  	_ =	shalt  }
0x5e: {  	_ =	shalt  }
0x5f: {  	_ =	shalt  }
0x60: {  	_ =	shalt  }
0x61: {  	_ =	shalt  }
0x62: {  	_ =	shalt  }
0x63: {  	_ =	shalt  }
0x64: {  	_ =	shalt  }
0x65: {  	_ =	shalt  }
0x66: {  	_ =	shalt  }
0x67: {  	_ =	shalt  }
0x68: {  	_ =	shalt  }
0x69: {  	_ =	shalt  }
0x6a: {  	_ =	shalt  }
0x6b: {  	_ =	shalt  }
0x6c: {  	_ =	shalt  }
0x6d: {  	_ =	shalt  }
0x6e: {  	_ =	shalt  }
0x6f: {  	_ =	shalt  }
0x70: {  	_ =	shalt  }
0x71: {  	_ =	shalt  }
0x72: {  	_ =	shalt  }
0x73: {  	_ =	shalt  }
0x74: {  	_ =	shalt  }
0x75: {  	_ =	shalt  }
0x76: {  	_ =	shalt  }
0x77: {  	_ =	shalt  }
0x78: {  	_ =	shalt  }
0x79: {  	_ =	shalt  }
0x7a: {  	_ =	shalt  }
0x7b: {  	_ =	shalt  }
0x7c: {  	_ =	shalt  }
0x7d: {  	_ =	shalt  }
0x7e: {  	_ =	shalt  }
0x7f: {  	_ =	shalt  }
0x80: {  	_ =	shalt  }
0x81: {  	_ =	shalt  }
0x82: {  	_ =	shalt  }
0x83: {  	_ =	shalt  }
0x84: {  	_ =	shalt  }
0x85: {  	_ =	shalt  }
0x86: {  	_ =	shalt  }
0x87: {  	_ =	shalt  }
.Lfunc_end0:
.L_simem_size_0:
called_computation.1_lowered:
.L_overlay_start_0:
0x88: {  	s2 =	sld [smem:$0x3FD9]  }
0x89: {  	s3 =	sld [smem:$0x3FFE];
	_ =	sdelay $0x1  }
0x8a: {  	s1 =	srdreg.scid  }
0x8b: {  	s0 =	sand.u32 $0x1, s1  }
0x8c: {  	s17 =	sshll.u32 s0, $0xA;
	s2 =	sadd.s32 s3, s2  }
0x8d: {  	s2 =	sadd.s32 s2, s17  }
0x8e: {  	[smem:$0x3FBB] =	sst s2  }
0x8f: {  	_ = 	snop  }
0x90: {  	s2 =	sld [smem:$0x3FD0];
	(tm) =	ssettm $0x1  }
0x91: {  	s18 =	sld [smem:$0x3FFB];
	_ =	sdelay $0x3  }
0x92: {  	_ =	strace s18  }
0x93: {  	s3 =	sld [smem:$0x3FFC];
	_ =	sdelay $0x3  }
0x94: {  	_ =	strace s3  }
0x95: {  	s3 =	sld [smem:$0x3FFD];
	_ =	sdelay $0x3  }
0x96: {  	_ =	strace s3  }
0x97: {  	_ =	strace $0x8FFFFFFF  }
0x98: {  	s19 =	sld [smem:$0x3FDB];
	_ =	sdelay $0x1  }
0x99: {  	s4 =	simm.s32 $_scs_section_size  }
0x9a: {  	s5 =	simm.s32 $_size__tile_overlayer_lowered;
	s6 =	simm.s32 $_tile_overlayer_lowered  }
0x9b: {  	s22 =	simm.s32 $0x1BFF;
	s21 =	sshll.u32 s6, $0x1;
	s3 =	sadd.s32 s4, s19  }
0x9c: {  	s7 =	simm.s32 $0x0;
	s20 =	sshll.u32 s5, $0x1;
	s5 =	sadd.s32 s21, s3  }
0x9d: {  	[timem:s7], [sflag:s22] =	dma.local [hbm:s5], s20  }
0x9e: {  	_ =	swait.ge [sflag:s22], s20  }
0x9f: {  	s4 =	ssub.s32 $0x0, s20;
	[sflag:s22] =	ssyncset.done $0x0  }
0xa0: {  	[sflag:s22] =	ssyncadd.s32 s4;
	_ =	sdelay $0x1  }
0xa1: {  	s23 =	simm.s32 $0x1B8B  }
0xa2: {  	_ =	swait.ge [sflag:s23], $0x1  }
0xa3: {  	[sflag:s23] =	ssyncset.done $0x0  }
0xa4: {  	s25 =	simm.s32 $0x1B8E;
	s24 =	sld [smem:$0x3FFE];
	[sflag:s23] =	ssyncadd.s32 $0xFFFFFFFF  }
0xa5: {  	s26 =	simm.s32 $execute0_lowered;
	[smem:$0x3FD2] =	sst s25  }
0xa6: {  	s5 =	sshll.u32 s26, $0x1;
	_ =	strace $0x80000046;
	[dreg:$0x1] =	wrdreg $0xFFFFFFFF  }
0xa7: {  	s28 =	simm.s32 $_size_execute0_lowered;
	s3 =	sadd.s32 s3, s5;
	[dreg:$0x0] =	wrdreg $0x0  }
0xa8: {  	s5 =	sshll.u32 s28, $0x1;
	[dreg:$0x2] =	wrdreg s3  }
0xa9: {  	[dreg:$0x3] =	wrdreg s5  }
0xaa: {  	[dreg:$0x4] =	wrdreg $0xC0  }
0xab: {  	_ =	task [dreg:s7], $0x5FFFF  }
0xac: {  	[dreg:$0x1] =	wrdreg $0xFFFFFFFF  }
0xad: {  	[dreg:$0x0] =	wrdreg $0x60  }
0xae: {  	[dreg:$0x2] =	wrdreg s2  }
0xaf: {  	[dreg:$0x3] =	wrdreg s24  }
0xb0: {  	[dreg:$0x4] =	wrdreg $0xA  }
0xb1: {  	_ =	task.clear_ibuf [dreg:s7], $0x5FFFF;
	_ =	strace $0x90000046  }
0xb2: {  	s29 =	simm.s32 $0xA;
	_ =	strace $0x80000048  }
0xb3: {  	_ =	swait.ge [sflag:s29], $0x1  }
0xb4: {  	[sflag:s29] =	ssyncadd.s32 $0xFFFFFFFF  }
0xb5: {  	_ =	strace $0x90000048  }
0xb6: {  	_ =	sfence  }
0xb7: {  	s30 =	sld [smem:$0x0];
	_ =	sdelay $0x2  }
0xb8: {  	s31 =	sshll.u32 s1, $0xD;
	s1 =	sshrl.u32 s1, $0x2  }
0xb9: {  	s3 =	sand.u32 $0x4000, s31;
	s1 =	sadd.s32 s1, s30  }
0xba: {  	s0 =	sor.u32 s3, s0;
	s1 =	sshll.u32 s1, $0x11  }
0xbb: {  	s0 =	sor.u32 s1, s0  }
0xbc: {  	s0 =	sadd.s32 $0x8F2B, s0  }
0xbd: {  	[sflag:s0] =	ssyncadd.remote.s32 $0x1  }
0xbe: {  	_ =	sfence.sel $0xFFFF  }
0xbf: {  	[dreg:$0x0] =	wrdreg $0xFFFFFFFF;
	(pc) =	sbr.abs _section_cstart, $3  }
0xc0: {  	[dreg:$0x1] =	wrdreg $0xFFFFFFFF  }
0xc1: {  	_ =	task.clear_ibuf [dreg:s7], $0x2FFFF;
	_ =	strace $0x9FFFFFFF  }
0xc2: {  	(tm) =	ssettm $0x7FFFFFFF  }
0xc3: {  	_ =	shalt  }
tec
execute0_lowered:
.L_overlay_start_1:
0x0: {  	(tag) =	ssettag $0x1  }
0x1: {  	s2 =	rddreg [dreg:$0x0]  }
0x2: {  	s0 =	srdreg.scid;
	s5 =	rddreg [dreg:$0x1]  }
0x3: {  	s29 =	stileid.u32;
	s3 =	simm.s32 $0x0;
	s11 =	simm.s32 $0x50  }
0x4: {  	s12 =	simm.s32 $0xD800;
	s13 =	simm.s32 $0x1;
	s14 =	simm.s32 $0x3800  }
0x5: {  	s15 =	simm.s32 $0x2;
	s16 =	simm.s32 $0x6000;
	s17 =	simm.s32 $0x3  }
0x6: {  	s18 =	simm.s32 $0x8800;
	s19 =	simm.s32 $0x4;
	s8 =	smul.u32 $0x1C00, s29  }
0x7: {  	s20 =	simm.s32 $0xB000;
	s6 =	sand.u32 $0x1, s0;
	s10 =	smul.u32 $0xFA00, s29  }
0x8: {  	s21 =	simm.s32 $0x5;
	s22 =	simm.s32 $0x0;
	s7 =	smul.u32 $0x1C000, s6  }
0x9: {  	[smem:$0x7FF] =	sst s3;
	s4 =	sadd.s32 $0x2A400, s5;
	s30 =	smul.u32 $0xFA000, s6  }
0xa: {  	_ =	strace $0x80000047;
	s6 =	ssub.s32 $0x2, s6;
	s7 =	sadd.s32 s8, s7  }
0xb: {  	s9 =	sshrl.u32 s6, $0x1;
	s8 =	sadd.s32 s30, s5;
	s7 =	sshrl.u32 s7, $0x3  }
0xc: {  	s9 =	ssub.s32 s6, s9;
	s8 =	sadd.s32 s10, s8;
	s7 =	sadd.s32 s7, s5  }
0xd: {  	s8 =	sadd.s32 $0x51600, s8;
	s31 =	sadd.s32 $0x15400, s7;
	s6 =	sadd.s32 $0xE400, s7  }
0xe: {  	s7 =	smax.u32 s9, $0x1;
	s9 =	simm.s32 $0x6;
	[dreg:$0x3] =	wrdreg s31  }
.LBB2_1:
0xf: {  	s0 =	rddreg [dreg:$0x3]  }
0x10: {  	[tilespmem:s3], [sflag:$0x6] =	stream.linear.gather [hbm4b:s0+s3], $0x1900, $0x38;
	[tilespmem:$0x10000] =	vst v63  }
0x11: {  	_ =	swait.ge [sflag:s9], $0x1900  }
0x12: {  	[sflag:s9] =	ssyncset.done $0x0  }
0x13: {  	s24 =	simm.s32 $0x1C00;
	[sflag:s9] =	ssyncadd.s32 $0xFFFFE700  }
0x14: {  	[tilespmem:s24], [sflag:$0x6] =	stream.linear.gather [hbm4b:s6+s3], $0x1900, $0x38;
	[tilespmem:$0x10000] =	vst v63  }
0x15: {  	_ =	swait.ge [sflag:s9], $0x1900  }
0x16: {  	p0 =	por $0x0, $0x0;
	[sflag:s9] =	ssyncset.done $0x0  }
0x17: {  	s23 =	simm.s32 @p0 $0x1;
	[sflag:s9] =	ssyncadd.s32 $0xFFFFE700  }
0x18: {  	_ =	swait.ge @p0 [sflag:s23], $0x2800  }
0x19: {  	s25 =	simm.s32 @p0 $0x2;
	s26 =	simm.s32 @p0 $0x50;
	[sflag:s23] =	ssyncset.done @p0 $0x0  }
0x1a: {  	s24 =	simm.s32 @p0 $0x3800;
	[sflag:s23] =	ssyncadd.s32 @p0 $0xFFFFD800;
	s23 =	simm.s32 @p0 $0x0  }
0x1b: {  	[tilespmem:s24], [sflag:$0x1] =	stream.indirect.gather @p0 [hbm4b:s2+s26], $0x80, s23, s26, $0xb8;
	[tilespmem:$0x10000] =	vst v63  }
0x1c: {  	_ =	swait.ge @p0 [sflag:s25], $0x2800  }
0x1d: {  	s23 =	simm.s32 @p0 $0x80;
	[sflag:s25] =	ssyncset.done @p0 $0x0  }
0x1e: {  	s24 =	simm.s32 @p0 $0x6000;
	[sflag:s25] =	ssyncadd.s32 @p0 $0xFFFFD800;
	s25 =	simm.s32 @p0 $0x3  }
0x1f: {  	[tilespmem:s24], [sflag:$0x2] =	stream.indirect.gather @p0 [hbm4b:s2+s26], $0x80, s23, s26, $0xb8;
	[tilespmem:$0x10000] =	vst v63  }
0x20: {  	_ =	swait.ge @p0 [sflag:s25], $0x2800  }
0x21: {  	s23 =	simm.s32 @p0 $0x100;
	[sflag:s25] =	ssyncset.done @p0 $0x0  }
0x22: {  	s24 =	simm.s32 @p0 $0x8800;
	[sflag:s25] =	ssyncadd.s32 @p0 $0xFFFFD800;
	s25 =	simm.s32 @p0 $0x4  }
0x23: {  	[tilespmem:s24], [sflag:$0x3] =	stream.indirect.gather @p0 [hbm4b:s2+s26], $0x80, s23, s26, $0xb8;
	[tilespmem:$0x10000] =	vst v63  }
0x24: {  	_ =	swait.ge @p0 [sflag:s25], $0x2800  }
0x25: {  	s23 =	simm.s32 @p0 $0x180;
	[sflag:s25] =	ssyncset.done @p0 $0x0  }
0x26: {  	s24 =	simm.s32 @p0 $0xB000;
	[sflag:s25] =	ssyncadd.s32 @p0 $0xFFFFD800;
	s25 =	simm.s32 @p0 $0x5  }
0x27: {  	[tilespmem:s24], [sflag:$0x4] =	stream.indirect.gather @p0 [hbm4b:s2+s26], $0x80, s23, s26, $0xb8;
	[tilespmem:$0x10000] =	vst v63  }
0x28: {  	_ =	swait.ge @p0 [sflag:s25], $0x2800  }
0x29: {  	s23 =	simm.s32 @!p0 $0x3800;
	[sflag:s25] =	ssyncset.done @p0 $0x0  }
0x2a: {  	s24 =	simm.s32 @!p0 $0x50;
	[sflag:s25] =	ssyncadd.s32 @p0 $0xFFFFD800;
	s25 =	simm.s32 @!p0 $0x0  }
0x2b: {  	[tilespmem:s23], [sflag:$0x1] =	stream.indirect.gather @!p0 [hbm4b:s2+s24], $0x80, s25, s24, $0xb8;
	[tilespmem:$0x10000] =	vst v63  }
0x2c: {  	s23 =	simm.s32 @!p0 $0x80;
	s25 =	simm.s32 @!p0 $0x6000  }
0x2d: {  	[tilespmem:s25], [sflag:$0x2] =	stream.indirect.gather @!p0 [hbm4b:s2+s24], $0x80, s23, s24, $0xb8;
	[tilespmem:$0x10000] =	vst v63  }
0x2e: {  	s23 =	simm.s32 @!p0 $0x100;
	s25 =	simm.s32 @!p0 $0x8800  }
0x2f: {  	[tilespmem:s25], [sflag:$0x3] =	stream.indirect.gather @!p0 [hbm4b:s2+s24], $0x80, s23, s24, $0xb8;
	[tilespmem:$0x10000] =	vst v63  }
0x30: {  	s23 =	simm.s32 @!p0 $0x180;
	s25 =	simm.s32 @!p0 $0xB000  }
0x31: {  	[tilespmem:s25], [sflag:$0x4] =	stream.indirect.gather @!p0 [hbm4b:s2+s24], $0x80, s23, s24, $0xb8;
	[tilespmem:$0x10000] =	vst v63  }
0x32: {  	s25 =	simm.s32 $0x200  }
0x33: {  	[tilespmem:s12], [sflag:$0x5] =	stream.indirect.gather [hbm4b:s2+s11], $0x80, s25, s11, $0xb8;
	[tilespmem:$0x10000] =	vst v63  }
0x34: {  	s23 =	simm.s32 $0x0;
	_ =	swait.ge [sflag:s13], $0x2800  }
0x35: {  	s23 =	simm.s32 @!p0 $0x0;
	[sflag:s13] =	ssyncset.done $0x0  }
0x36: {  	s23 =	sadd.s32 $0x1C00, s23;
	[sflag:s13] =	ssyncadd.s32 $0xFFFFD800  }
0x37: {  	[tilespmem:s14], [sflag:$0x1] =	stream.indirect.gather.add.f32 [hbm:s4], $0x80, s23, s11, $0xb8;
	[tilespmem:$0x10000] =	vst v63  }
0x38: {  	s23 =	simm.s32 @p0 $0x80;
	_ =	swait.ge [sflag:s15], $0x2800  }
0x39: {  	s23 =	simm.s32 @!p0 $0x80;
	[sflag:s15] =	ssyncset.done $0x0  }
0x3a: {  	s23 =	sadd.s32 $0x1C00, s23;
	[sflag:s15] =	ssyncadd.s32 $0xFFFFD800  }
0x3b: {  	[tilespmem:s16], [sflag:$0x2] =	stream.indirect.gather.add.f32 [hbm:s4], $0x80, s23, s11, $0xb8;
	[tilespmem:$0x10000] =	vst v63  }
0x3c: {  	s23 =	simm.s32 @p0 $0x100;
	_ =	swait.ge [sflag:s17], $0x2800  }
0x3d: {  	s23 =	simm.s32 @!p0 $0x100;
	[sflag:s17] =	ssyncset.done $0x0  }
0x3e: {  	s23 =	sadd.s32 $0x1C00, s23;
	[sflag:s17] =	ssyncadd.s32 $0xFFFFD800  }
0x3f: {  	[tilespmem:s18], [sflag:$0x3] =	stream.indirect.gather.add.f32 [hbm:s4], $0x80, s23, s11, $0xb8;
	[tilespmem:$0x10000] =	vst v63  }
0x40: {  	s23 =	simm.s32 @p0 $0x180;
	_ =	swait.ge [sflag:s19], $0x2800  }
0x41: {  	s23 =	simm.s32 @!p0 $0x180;
	[sflag:s19] =	ssyncset.done $0x0  }
0x42: {  	s23 =	sadd.s32 $0x1C00, s23;
	[sflag:s19] =	ssyncadd.s32 $0xFFFFD800  }
0x43: {  	[tilespmem:s20], [sflag:$0x4] =	stream.indirect.gather.add.f32 [hbm:s4], $0x80, s23, s11, $0xb8;
	[tilespmem:$0x10000] =	vst v63  }
0x44: {  	_ =	swait.ge [sflag:s21], $0x2800  }
0x45: {  	[sflag:s21] =	ssyncset.done $0x0  }
0x46: {  	s26 =	simm.s32 $0x1E00;
	[sflag:s21] =	ssyncadd.s32 $0xFFFFD800  }
0x47: {  	[tilespmem:s12], [sflag:$0x5] =	stream.indirect.gather.add.f32 [hbm:s4], $0x80, s26, s11, $0xb8;
	[tilespmem:$0x10000] =	vst v63  }
0x48: {  	_ =	swait.ge [sflag:s13], $0x2800  }
0x49: {  	[sflag:s13] =	ssyncset.done $0x0  }
0x4a: {  	[sflag:s13] =	ssyncadd.s32 $0xFFFFD800  }
0x4b: {  	[hbm4b:s8+s3] =	stream.linear.scatter [tilespmem:s14], [sflag:$0x1], $0x2800, $0x38;
	[tilespmem:$0x10000] =	vst v63  }
0x4c: {  	_ =	swait.ge [sflag:s15], $0x2800  }
0x4d: {  	[sflag:s15] =	ssyncset.done $0x0  }
0x4e: {  	s28 =	sadd.s32 $0x500, s8;
	[sflag:s15] =	ssyncadd.s32 $0xFFFFD800  }
0x4f: {  	[hbm4b:s28+s3] =	stream.linear.scatter [tilespmem:s16], [sflag:$0x2], $0x2800, $0x38;
	[tilespmem:$0x10000] =	vst v63  }
0x50: {  	_ =	swait.ge [sflag:s17], $0x2800  }
0x51: {  	[sflag:s17] =	ssyncset.done $0x0  }
0x52: {  	s29 =	sadd.s32 $0xA00, s8;
	[sflag:s17] =	ssyncadd.s32 $0xFFFFD800  }
0x53: {  	[hbm4b:s29+s3] =	stream.linear.scatter [tilespmem:s18], [sflag:$0x3], $0x2800, $0x38;
	[tilespmem:$0x10000] =	vst v63  }
0x54: {  	_ =	swait.ge [sflag:s19], $0x2800  }
0x55: {  	s31 =	sadd.s32 $0xF00, s8;
	[sflag:s19] =	ssyncset.done $0x0  }
0x56: {  	s30 =	sadd.s32 $0x1400, s8;
	s24 =	simm.s32 $0x280;
	[sflag:s19] =	ssyncadd.s32 $0xFFFFD800  }
0x57: {  	[hbm4b:s31+s3] =	stream.linear.scatter [tilespmem:s20], [sflag:$0x4], $0x2800, $0x38;
	[tilespmem:$0x10000] =	vst v63  }
0x58: {  	s25 =	simm.s32 $0xA00;
	p0 =	por $0x1, $0x1;
	_ =	swait.ge [sflag:s21], $0x2800  }
0x59: {  	s23 =	sadd.s32 $0x1900, s8;
	s26 =	simm.s32 $0x1400;
	[sflag:s21] =	ssyncset.done $0x0  }
.LBB2_2:
0x5a: {  	s31 =	simm.s32 @p0 $0x1;
	[sflag:s21] =	ssyncadd.s32 $0xFFFFD800  }
0x5b: {  	s29 =	smov.u32 s26;
	s26 =	sadd.s32 $0xA00, s26;
	s28 =	smov.u32 s23  }
0x5c: {  	[hbm4b:s30+s3] =	stream.linear.scatter [tilespmem:s12], [sflag:$0x5], $0x2800, $0x38;
	[tilespmem:$0x10000] =	vst v63  }
0x5d: {  	p1 =	sne.s32 s26, $0x6400;
	_ =	swait.ge @p0 [sflag:s31], $0x2800  }
0x5e: {  	s0 =	simm.s32 @p0 $0x2;
	s30 =	simm.s32 @p0 $0x3800;
	[sflag:s31] =	ssyncset.done @p0 $0x0  }
0x5f: {  	s1 =	simm.s32 @p0 $0x50;
	[sflag:s31] =	ssyncadd.s32 @p0 $0xFFFFD800;
	s31 =	sshra.s32 @p0 s25, $0x2  }
0x60: {  	[tilespmem:s30], [sflag:$0x1] =	stream.indirect.gather @p0 [hbm4b:s2+s1], $0x80, s31, s1, $0xb8;
	[tilespmem:$0x10000] =	vst v63  }
0x61: {  	s30 =	sadd.s32 @p0 $0x80, s31;
	s10 =	sadd.s32 @p0 $0x100, s31;
	_ =	swait.ge @p0 [sflag:s0], $0x2800  }
0x62: {  	s31 =	sadd.s32 @p0 $0x180, s31;
	[sflag:s0] =	ssyncset.done @p0 $0x0  }
0x63: {  	s5 =	simm.s32 @p0 $0x3;
	[sflag:s0] =	ssyncadd.s32 @p0 $0xFFFFD800;
	s0 =	simm.s32 @p0 $0x6000  }
0x64: {  	[tilespmem:s0], [sflag:$0x2] =	stream.indirect.gather @p0 [hbm4b:s2+s1], $0x80, s30, s1, $0xb8;
	[tilespmem:$0x10000] =	vst v63  }
0x65: {  	_ =	swait.ge @p0 [sflag:s5], $0x2800  }
0x66: {  	[sflag:s5] =	ssyncset.done @p0 $0x0  }
0x67: {  	s0 =	simm.s32 @p0 $0x8800;
	[sflag:s5] =	ssyncadd.s32 @p0 $0xFFFFD800;
	s5 =	simm.s32 @p0 $0x4  }
0x68: {  	[tilespmem:s0], [sflag:$0x3] =	stream.indirect.gather @p0 [hbm4b:s2+s1], $0x80, s10, s1, $0xb8;
	[tilespmem:$0x10000] =	vst v63  }
0x69: {  	_ =	swait.ge @p0 [sflag:s5], $0x2800  }
0x6a: {  	[sflag:s5] =	ssyncset.done @p0 $0x0  }
0x6b: {  	s0 =	simm.s32 @p0 $0xB000;
	[sflag:s5] =	ssyncadd.s32 @p0 $0xFFFFD800;
	s5 =	simm.s32 @p0 $0x5  }
0x6c: {  	[tilespmem:s0], [sflag:$0x4] =	stream.indirect.gather @p0 [hbm4b:s2+s1], $0x80, s31, s1, $0xb8;
	[tilespmem:$0x10000] =	vst v63  }
0x6d: {  	_ =	swait.ge @p0 [sflag:s5], $0x2800  }
0x6e: {  	s0 =	simm.s32 @!p0 $0x3800;
	[sflag:s5] =	ssyncset.done @p0 $0x0  }
0x6f: {  	s1 =	simm.s32 @!p0 $0x50;
	[sflag:s5] =	ssyncadd.s32 @p0 $0xFFFFD800;
	s5 =	simm.s32 @!p0 $0x0  }
0x70: {  	[tilespmem:s0], [sflag:$0x1] =	stream.indirect.gather @!p0 [hbm4b:s2+s1], $0x80, s5, s1, $0xb8;
	[tilespmem:$0x10000] =	vst v63  }
0x71: {  	s0 =	simm.s32 @!p0 $0x80;
	s5 =	simm.s32 @!p0 $0x6000  }
0x72: {  	[tilespmem:s5], [sflag:$0x2] =	stream.indirect.gather @!p0 [hbm4b:s2+s1], $0x80, s0, s1, $0xb8;
	[tilespmem:$0x10000] =	vst v63  }
0x73: {  	s0 =	simm.s32 @!p0 $0x100;
	s5 =	simm.s32 @!p0 $0x8800  }
0x74: {  	[tilespmem:s5], [sflag:$0x3] =	stream.indirect.gather @!p0 [hbm4b:s2+s1], $0x80, s0, s1, $0xb8;
	[tilespmem:$0x10000] =	vst v63  }
0x75: {  	s10 =	sshra.s32 s25, $0x2;
	s0 =	simm.s32 @!p0 $0x180;
	s5 =	simm.s32 @!p0 $0xB000  }
0x76: {  	[tilespmem:s5], [sflag:$0x4] =	stream.indirect.gather @!p0 [hbm4b:s2+s1], $0x80, s0, s1, $0xb8;
	[tilespmem:$0x10000] =	vst v63  }
0x77: {  	s25 =	smov.u32 s29;
	s0 =	sadd.s32 $0x200, s10  }
0x78: {  	[tilespmem:s12], [sflag:$0x5] =	stream.indirect.gather [hbm4b:s2+s11], $0x80, s0, s11, $0xb8;
	[tilespmem:$0x10000] =	vst v63  }
0x79: {  	s0 =	smov.u32 s24;
	_ =	swait.ge [sflag:s13], $0x2800  }
0x7a: {  	s0 =	simm.s32 @!p0 $0x0;
	[sflag:s13] =	ssyncset.done $0x0  }
0x7b: {  	s0 =	sadd.s32 $0x1C00, s0;
	[sflag:s13] =	ssyncadd.s32 $0xFFFFD800  }
0x7c: {  	[tilespmem:s14], [sflag:$0x1] =	stream.indirect.gather.add.f32 [hbm:s4], $0x80, s0, s11, $0xb8;
	[tilespmem:$0x10000] =	vst v63  }
0x7d: {  	s0 =	sadd.s32 @p0 $0x80, s24;
	_ =	swait.ge [sflag:s15], $0x2800  }
0x7e: {  	s0 =	simm.s32 @!p0 $0x80;
	[sflag:s15] =	ssyncset.done $0x0  }
0x7f: {  	s0 =	sadd.s32 $0x1C00, s0;
	[sflag:s15] =	ssyncadd.s32 $0xFFFFD800  }
0x80: {  	[tilespmem:s16], [sflag:$0x2] =	stream.indirect.gather.add.f32 [hbm:s4], $0x80, s0, s11, $0xb8;
	[tilespmem:$0x10000] =	vst v63  }
0x81: {  	s0 =	sadd.s32 @p0 $0x100, s24;
	_ =	swait.ge [sflag:s17], $0x2800  }
0x82: {  	s0 =	simm.s32 @!p0 $0x100;
	[sflag:s17] =	ssyncset.done $0x0  }
0x83: {  	s0 =	sadd.s32 $0x1C00, s0;
	[sflag:s17] =	ssyncadd.s32 $0xFFFFD800  }
0x84: {  	[tilespmem:s18], [sflag:$0x3] =	stream.indirect.gather.add.f32 [hbm:s4], $0x80, s0, s11, $0xb8;
	[tilespmem:$0x10000] =	vst v63  }
0x85: {  	s0 =	sadd.s32 @p0 $0x180, s24;
	_ =	swait.ge [sflag:s19], $0x2800  }
0x86: {  	s0 =	simm.s32 @!p0 $0x180;
	[sflag:s19] =	ssyncset.done $0x0  }
0x87: {  	s0 =	sadd.s32 $0x1C00, s0;
	[sflag:s19] =	ssyncadd.s32 $0xFFFFD800  }
0x88: {  	[tilespmem:s20], [sflag:$0x4] =	stream.indirect.gather.add.f32 [hbm:s4], $0x80, s0, s11, $0xb8;
	[tilespmem:$0x10000] =	vst v63  }
0x89: {  	_ =	swait.ge [sflag:s21], $0x2800  }
0x8a: {  	[sflag:s21] =	ssyncset.done $0x0  }
0x8b: {  	s0 =	sadd.s32 $0x1E00, s10;
	[sflag:s21] =	ssyncadd.s32 $0xFFFFD800  }
0x8c: {  	[tilespmem:s12], [sflag:$0x5] =	stream.indirect.gather.add.f32 [hbm:s4], $0x80, s0, s11, $0xb8;
	[tilespmem:$0x10000] =	vst v63  }
0x8d: {  	_ =	swait.ge [sflag:s13], $0x2800  }
0x8e: {  	[sflag:s13] =	ssyncset.done $0x0  }
0x8f: {  	[sflag:s13] =	ssyncadd.s32 $0xFFFFD800  }
0x90: {  	[hbm4b:s23+s3] =	stream.linear.scatter [tilespmem:s14], [sflag:$0x1], $0x2800, $0x38;
	[tilespmem:$0x10000] =	vst v63  }
0x91: {  	_ =	swait.ge [sflag:s15], $0x2800  }
0x92: {  	[sflag:s15] =	ssyncset.done $0x0  }
0x93: {  	s0 =	sadd.s32 $0x500, s23;
	[sflag:s15] =	ssyncadd.s32 $0xFFFFD800  }
0x94: {  	[hbm4b:s0+s3] =	stream.linear.scatter [tilespmem:s16], [sflag:$0x2], $0x2800, $0x38;
	[tilespmem:$0x10000] =	vst v63  }
0x95: {  	_ =	swait.ge [sflag:s17], $0x2800  }
0x96: {  	[sflag:s17] =	ssyncset.done $0x0  }
0x97: {  	s0 =	sadd.s32 $0xA00, s23;
	[sflag:s17] =	ssyncadd.s32 $0xFFFFD800  }
0x98: {  	[hbm4b:s0+s3] =	stream.linear.scatter [tilespmem:s18], [sflag:$0x3], $0x2800, $0x38;
	[tilespmem:$0x10000] =	vst v63  }
0x99: {  	_ =	swait.ge [sflag:s19], $0x2800  }
.Ltmp0:
0x9a: {  	[sflag:s19] =	ssyncset.done $0x0;
	(pc) =	sbr.rel @p1 .LBB2_2-.Ltmp0, $4  }
0x9b: {  	s0 =	sadd.s32 $0xF00, s23;
	[sflag:s19] =	ssyncadd.s32 $0xFFFFD800  }
0x9c: {  	[hbm4b:s0+s3] =	stream.linear.scatter [tilespmem:s20], [sflag:$0x4], $0x2800, $0x38;
	[tilespmem:$0x10000] =	vst v63  }
0x9d: {  	s24 =	sadd.s32 $0x280, s24;
	s23 =	sadd.s32 $0x1900, s23;
	_ =	swait.ge [sflag:s21], $0x2800  }
0x9e: {  	s30 =	sadd.s32 $0x1400, s28;
	p0 =	sne.s32 s25, $0x0;
	[sflag:s21] =	ssyncset.done $0x0  }
0x9f: {  	s0 =	simm.s32 @p0 $0x1;
	[sflag:s21] =	ssyncadd.s32 $0xFFFFD800  }
0xa0: {  	[hbm4b:s30+s3] =	stream.linear.scatter [tilespmem:s12], [sflag:$0x5], $0x2800, $0x38;
	[tilespmem:$0x10000] =	vst v63  }
0xa1: {  	_ =	swait.ge @p0 [sflag:s0], $0x2800  }
0xa2: {  	s1 =	simm.s32 @p0 $0x3800;
	s5 =	simm.s32 @p0 $0x2;
	[sflag:s0] =	ssyncset.done @p0 $0x0  }
0xa3: {  	s10 =	simm.s32 @p0 $0x50;
	[sflag:s0] =	ssyncadd.s32 @p0 $0xFFFFD800;
	s0 =	sshra.s32 @p0 s25, $0x2  }
0xa4: {  	[tilespmem:s1], [sflag:$0x1] =	stream.indirect.gather @p0 [hbm4b:s2+s10], $0x80, s0, s10, $0xb8;
	[tilespmem:$0x10000] =	vst v63  }
0xa5: {  	_ =	swait.ge @p0 [sflag:s5], $0x2800  }
0xa6: {  	s26 =	simm.s32 @p0 $0x3;
	[sflag:s5] =	ssyncset.done @p0 $0x0  }
0xa7: {  	s1 =	sadd.s32 @p0 $0x80, s0;
	[sflag:s5] =	ssyncadd.s32 @p0 $0xFFFFD800;
	s5 =	simm.s32 @p0 $0x6000  }
0xa8: {  	[tilespmem:s5], [sflag:$0x2] =	stream.indirect.gather @p0 [hbm4b:s2+s10], $0x80, s1, s10, $0xb8;
	[tilespmem:$0x10000] =	vst v63  }
0xa9: {  	_ =	swait.ge @p0 [sflag:s26], $0x2800  }
0xaa: {  	s1 =	sadd.s32 @p0 $0x100, s0;
	[sflag:s26] =	ssyncset.done @p0 $0x0  }
0xab: {  	s5 =	simm.s32 @p0 $0x8800;
	[sflag:s26] =	ssyncadd.s32 @p0 $0xFFFFD800;
	s26 =	simm.s32 @p0 $0x4  }
0xac: {  	[tilespmem:s5], [sflag:$0x3] =	stream.indirect.gather @p0 [hbm4b:s2+s10], $0x80, s1, s10, $0xb8;
	[tilespmem:$0x10000] =	vst v63  }
0xad: {  	_ =	swait.ge @p0 [sflag:s26], $0x2800  }
0xae: {  	s0 =	sadd.s32 @p0 $0x180, s0;
	[sflag:s26] =	ssyncset.done @p0 $0x0  }
0xaf: {  	s1 =	simm.s32 @p0 $0xB000;
	s5 =	simm.s32 @p0 $0x5;
	[sflag:s26] =	ssyncadd.s32 @p0 $0xFFFFD800  }
0xb0: {  	[tilespmem:s1], [sflag:$0x4] =	stream.indirect.gather @p0 [hbm4b:s2+s10], $0x80, s0, s10, $0xb8;
	[tilespmem:$0x10000] =	vst v63  }
0xb1: {  	_ =	swait.ge @p0 [sflag:s5], $0x2800  }
0xb2: {  	s0 =	simm.s32 @!p0 $0x3800;
	[sflag:s5] =	ssyncset.done @p0 $0x0  }
0xb3: {  	s1 =	simm.s32 @!p0 $0x50;
	[sflag:s5] =	ssyncadd.s32 @p0 $0xFFFFD800;
	s5 =	simm.s32 @!p0 $0x0  }
0xb4: {  	[tilespmem:s0], [sflag:$0x1] =	stream.indirect.gather @!p0 [hbm4b:s2+s1], $0x80, s5, s1, $0xb8;
	[tilespmem:$0x10000] =	vst v63  }
0xb5: {  	s0 =	simm.s32 @!p0 $0x80;
	s5 =	simm.s32 @!p0 $0x6000  }
0xb6: {  	[tilespmem:s5], [sflag:$0x2] =	stream.indirect.gather @!p0 [hbm4b:s2+s1], $0x80, s0, s1, $0xb8;
	[tilespmem:$0x10000] =	vst v63  }
0xb7: {  	s0 =	simm.s32 @!p0 $0x100;
	s5 =	simm.s32 @!p0 $0x8800  }
0xb8: {  	[tilespmem:s5], [sflag:$0x3] =	stream.indirect.gather @!p0 [hbm4b:s2+s1], $0x80, s0, s1, $0xb8;
	[tilespmem:$0x10000] =	vst v63  }
0xb9: {  	s31 =	sshra.s32 s25, $0x2;
	s0 =	simm.s32 @!p0 $0x180;
	s5 =	simm.s32 @!p0 $0xB000  }
0xba: {  	[tilespmem:s5], [sflag:$0x4] =	stream.indirect.gather @!p0 [hbm4b:s2+s1], $0x80, s0, s1, $0xb8;
	[tilespmem:$0x10000] =	vst v63  }
0xbb: {  	s25 =	sadd.s32 $0x200, s31  }
0xbc: {  	[tilespmem:s12], [sflag:$0x5] =	stream.indirect.gather [hbm4b:s2+s11], $0x80, s25, s11, $0xb8;
	[tilespmem:$0x10000] =	vst v63  }
0xbd: {  	s0 =	smov.u32 s24;
	_ =	swait.ge [sflag:s13], $0x2800  }
0xbe: {  	s0 =	simm.s32 @!p0 $0x0;
	[sflag:s13] =	ssyncset.done $0x0  }
0xbf: {  	s0 =	sadd.s32 $0x1C00, s0;
	[sflag:s13] =	ssyncadd.s32 $0xFFFFD800  }
0xc0: {  	[tilespmem:s14], [sflag:$0x1] =	stream.indirect.gather.add.f32 [hbm:s4], $0x80, s0, s11, $0xb8;
	[tilespmem:$0x10000] =	vst v63  }
0xc1: {  	s0 =	sadd.s32 @p0 $0x80, s24;
	_ =	swait.ge [sflag:s15], $0x2800  }
0xc2: {  	s0 =	simm.s32 @!p0 $0x80;
	[sflag:s15] =	ssyncset.done $0x0  }
0xc3: {  	s0 =	sadd.s32 $0x1C00, s0;
	[sflag:s15] =	ssyncadd.s32 $0xFFFFD800  }
0xc4: {  	[tilespmem:s16], [sflag:$0x2] =	stream.indirect.gather.add.f32 [hbm:s4], $0x80, s0, s11, $0xb8;
	[tilespmem:$0x10000] =	vst v63  }
0xc5: {  	s0 =	sadd.s32 @p0 $0x100, s24;
	_ =	swait.ge [sflag:s17], $0x2800  }
0xc6: {  	s0 =	simm.s32 @!p0 $0x100;
	[sflag:s17] =	ssyncset.done $0x0  }
0xc7: {  	s0 =	sadd.s32 $0x1C00, s0;
	[sflag:s17] =	ssyncadd.s32 $0xFFFFD800  }
0xc8: {  	[tilespmem:s18], [sflag:$0x3] =	stream.indirect.gather.add.f32 [hbm:s4], $0x80, s0, s11, $0xb8;
	[tilespmem:$0x10000] =	vst v63  }
0xc9: {  	s0 =	sadd.s32 @p0 $0x180, s24;
	_ =	swait.ge [sflag:s19], $0x2800  }
0xca: {  	s0 =	simm.s32 @!p0 $0x180;
	[sflag:s19] =	ssyncset.done $0x0  }
0xcb: {  	s0 =	sadd.s32 $0x1C00, s0;
	[sflag:s19] =	ssyncadd.s32 $0xFFFFD800  }
0xcc: {  	[tilespmem:s20], [sflag:$0x4] =	stream.indirect.gather.add.f32 [hbm:s4], $0x80, s0, s11, $0xb8;
	[tilespmem:$0x10000] =	vst v63  }
0xcd: {  	_ =	swait.ge [sflag:s21], $0x2800  }
0xce: {  	[sflag:s21] =	ssyncset.done $0x0  }
0xcf: {  	s26 =	sadd.s32 $0x1E00, s31;
	[sflag:s21] =	ssyncadd.s32 $0xFFFFD800  }
0xd0: {  	[tilespmem:s12], [sflag:$0x5] =	stream.indirect.gather.add.f32 [hbm:s4], $0x80, s26, s11, $0xb8;
	[tilespmem:$0x10000] =	vst v63  }
0xd1: {  	_ =	swait.ge [sflag:s13], $0x2800  }
0xd2: {  	[sflag:s13] =	ssyncset.done $0x0  }
0xd3: {  	[sflag:s13] =	ssyncadd.s32 $0xFFFFD800  }
0xd4: {  	[hbm4b:s23+s3] =	stream.linear.scatter [tilespmem:s14], [sflag:$0x1], $0x2800, $0x38;
	[tilespmem:$0x10000] =	vst v63  }
0xd5: {  	_ =	swait.ge [sflag:s15], $0x2800  }
0xd6: {  	[sflag:s15] =	ssyncset.done $0x0  }
0xd7: {  	s28 =	sadd.s32 $0x500, s23;
	[sflag:s15] =	ssyncadd.s32 $0xFFFFD800  }
0xd8: {  	[hbm4b:s28+s3] =	stream.linear.scatter [tilespmem:s16], [sflag:$0x2], $0x2800, $0x38;
	[tilespmem:$0x10000] =	vst v63  }
0xd9: {  	_ =	swait.ge [sflag:s17], $0x2800  }
0xda: {  	[sflag:s17] =	ssyncset.done $0x0  }
0xdb: {  	s29 =	sadd.s32 $0xA00, s23;
	[sflag:s17] =	ssyncadd.s32 $0xFFFFD800  }
0xdc: {  	[hbm4b:s29+s3] =	stream.linear.scatter [tilespmem:s18], [sflag:$0x3], $0x2800, $0x38;
	[tilespmem:$0x10000] =	vst v63  }
0xdd: {  	_ =	swait.ge [sflag:s19], $0x2800  }
0xde: {  	[sflag:s19] =	ssyncset.done $0x0  }
0xdf: {  	s30 =	sadd.s32 $0xF00, s23;
	[sflag:s19] =	ssyncadd.s32 $0xFFFFD800  }
0xe0: {  	[hbm4b:s30+s3] =	stream.linear.scatter [tilespmem:s20], [sflag:$0x4], $0x2800, $0x38;
	[tilespmem:$0x10000] =	vst v63  }
0xe1: {  	_ =	swait.ge [sflag:s21], $0x2800  }
0xe2: {  	[sflag:s21] =	ssyncset.done $0x0  }
0xe3: {  	s31 =	sadd.s32 $0x1400, s23;
	[sflag:s21] =	ssyncadd.s32 $0xFFFFD800  }
0xe4: {  	[hbm4b:s31+s3] =	stream.linear.scatter [tilespmem:s12], [sflag:$0x5], $0x2800, $0x38;
	[tilespmem:$0x10000] =	vst v63  }
0xe5: {  	_ =	swait.ge [sflag:s13], $0x2800  }
0xe6: {  	[sflag:s13] =	ssyncset.done $0x0  }
0xe7: {  	[sflag:s13] =	ssyncadd.s32 $0xFFFFD800  }
0xe8: {  	_ =	swait.ge [sflag:s15], $0x2800  }
0xe9: {  	[sflag:s15] =	ssyncset.done $0x0  }
0xea: {  	[sflag:s15] =	ssyncadd.s32 $0xFFFFD800  }
0xeb: {  	_ =	swait.ge [sflag:s17], $0x2800  }
0xec: {  	[sflag:s17] =	ssyncset.done $0x0  }
0xed: {  	s22 =	sadd.s32 $0x1, s22;
	[sflag:s17] =	ssyncadd.s32 $0xFFFFD800  }
0xee: {  	p0 =	sne.s32 s22, s7;
	_ =	swait.ge [sflag:s19], $0x2800  }
.Ltmp1:
0xef: {  	[sflag:s19] =	ssyncset.done $0x0;
	(pc) =	sbr.rel @p0 .LBB2_1-.Ltmp1, $4  }
0xf0: {  	[sflag:s19] =	ssyncadd.s32 $0xFFFFD800  }
0xf1: {  	_ =	swait.ge [sflag:s21], $0x2800  }
0xf2: {  	[sflag:s21] =	ssyncset.done $0x0  }
0xf3: {  	[sflag:s21] =	ssyncadd.s32 $0xFFFFD800  }
0xf4: {  	_ =	sfence.sel $0x180000  }
0xf5: {  	[bflag:$0x0] =	sbarrier.arrive $0xFFFF  }
0xf6: {  	_ =	strace $0x90000047  }
0xf7: {  	s0 =	stileid.u32;
	[bflag:$0x2] =	sbarrier.arrive $0xFFFF  }
0xf8: {  	p0 =	sne.s32 s0, $0x0;
	s0 =	rddreg [dreg:$0x2]  }
0xf9: {  	s0 =	sadd.s32 @!p0 $0x100000, s0  }
0xfa: {  	[sflag:s0] =	ssyncadd.tile.s32 @!p0 $0x1;
	_ =	shalt  }
.Lfunc_end2:
_tile_overlayer_lowered:
.L_overlay_start_2:
0xfb: {  	(tag) =	ssettag $0x2  }
0xfc: {  	s0 =	rddreg [dreg:$0x0];
	s2 =	stileid.u32  }
0xfd: {  	s1 =	rddreg [dreg:$0x1];
	p0 =	sne.s32 s2, $0x0  }
0xfe: {  	s3 =	rddreg [dreg:$0x2];
	[bflag:$0x3] =	sbarrier.arrive $0xFFFF;
	s2 =	simm.s32 @!p0 $0x1C06  }
0xff: {  	[timem:s3], [sflag:s2] =	dma.local @!p0 [hbm:s0], s1  }
0x100: {  	s0 =	simm.s32 @!p0 $0x6  }
0x101: {  	_ =	swait.ge @!p0 [sflag:s0], s1  }
0x102: {  	s1 =	ssub.s32 @!p0 $0x0, s1;
	[sflag:s0] =	ssyncset.done @!p0 $0x0  }
0x103: {  	[sflag:s0] =	ssyncadd.s32 @!p0 s1  }
0x104: {  	[bflag:$0x3] =	sbarrier.arrive $0xFFFF  }
0x105: {  	_ =	shalt  }

// kernel: kernel.17.cloned.1.call-start
scs
__scs_entry_jumppad:
0x0: {  	(pc) =	sbr.rel $0x88, $3  }
0x1: {  	(tag) =	ssettag $0x0;
	lr =	simm.s32 $0x1  }
0x2: {  	[smem:$0x3F94] =	sst lr;
	_ =	strace $0xD0000000  }
0x3: {  	_ = 	snop  }
0x4: {  	_ = 	snop  }
0x5: {  	_ = 	snop  }
0x6: {  	_ = 	snop  }
0x7: {  	_ = 	snop  }
__scs_overlays_trampoline_lowered:
0x8: {  	[smem:$0x3FA3] =	sst s0  }
0x9: {  	[smem:$0x3FA4] =	sst s1  }
0xa: {  	[smem:$0x3FA5] =	sst s2  }
0xb: {  	[smem:$0x3FA6] =	sst s3  }
0xc: {  	[smem:$0x3FA7] =	sst s4  }
0xd: {  	[smem:$0x3FA8] =	sst s5  }
0xe: {  	[smem:$0x3FA9] =	sst s6  }
0xf: {  	[smem:$0x3FAA] =	sst s7  }
0x10: {  	[smem:$0x3FAB] =	sst s8  }
0x11: {  	[smem:$0x3FAC] =	sst s9;
	s0 =	simm.s32 @!p0 $0x0  }
0x12: {  	s1 =	sld [smem:$0x3F92];
	s0 =	simm.s32 @p0 $0x1  }
0x13: {  	[smem:$0x3FAD] =	sst s0;
	s0 =	simm.s32 @!p1 $0x0  }
0x14: {  	s2 =	sld [smem:$0x3F91];
	s0 =	simm.s32 @p1 $0x1  }
0x15: {  	[smem:$0x3FAE] =	sst s0;
	s0 =	simm.s32 @!p2 $0x0  }
0x16: {  	s3 =	sld [smem:$0x3FDB];
	s0 =	simm.s32 @p2 $0x1  }
0x17: {  	s4 =	simm.s32 $0x1BF5;
	[smem:$0x3FB0] =	sst s0  }
0x18: {  	s0 =	sld [smem:$0x3F93];
	_ =	swait.ge [sflag:s4], $0x0  }
0x19: {  	s7 =	sld [smem:$0x3F94]  }
0x1a: {  	s8 =	sadd.s32 $0xFFFFE003, lr  }
0x1b: {  	s9 =	sadd.s32 $0xFFFFFEF7, lr;
	s5 =	simm.s32 $0xFFFFFFFF;
	p2 =	slt.u32 s8, $0xFFFFF086  }
0x1c: {  	p1 =	slt.u32 s9, $0xF7A;
	s5 =	simm.s32 @!p2 $0x0  }
0x1d: {  	s5 =	simm.s32 @p1 $0x1;
	p0 =	seq.s32 s7, s2  }
0x1e: {  	s7 =	smul.u32 @!p0 $0xF7A, s2;
	p2 =	seq.s32 @!p0 s5, $0x0  }
0x1f: {  	s9 =	smul.u32 $0xF7A, s1;
	s8 =	simm.s32 @!p0 $0x1BF5;
	p2 =	por !p2, p0  }
0x20: {  	[sflag:s8] =	ssyncset.s32 @!p0 $0xFFFFF086;
	s6 =	sadd.s32 @!p0 s3, s7;
	s7 =	simm.s32 @!p0 $0x108  }
0x21: {  	s3 =	sadd.s32 s3, s9;
	s6 =	sadd.s32 @!p0 $0x88, s6;
	s7 =	simm.s32 @p2 $0x1082  }
0x22: {  	[simem:s7], [sflag:s8] =	dma.local @!p0 [hbm:s6], $0xF7A  }
0x23: {  	s9 =	sor.u32 $0xD0000000, s2;
	s6 =	simm.s32 $0x108;
	_ =	swait.ge @!p0 [sflag:s8], $0x0  }
0x24: {  	s3 =	sadd.s32 $0x88, s3;
	s6 =	simm.s32 @!p1 $0x1082;
	[sflag:s4] =	ssyncset.s32 $0xFFFFF086  }
0x25: {  	[simem:s6], [sflag:s4] =	dma.local [hbm:s3], $0xF7A  }
0x26: {  	[smem:$0x3F94] =	sst s1;
	(tag) =	ssettag s2;
	_ =	strace s9  }
0x27: {  	s1 =	sld [smem:$0x3FA4]  }
0x28: {  	s2 =	sld [smem:$0x3FA5]  }
0x29: {  	s4 =	sld [smem:$0x3FA7]  }
0x2a: {  	p0 =	seq.s32 s5, $0x0;
	s5 =	sld [smem:$0x3FA8]  }
0x2b: {  	s6 =	sld [smem:$0x3FA9]  }
0x2c: {  	s7 =	sld [smem:$0x3FAA]  }
0x2d: {  	s3 =	simm.s32 $0x108;
	s8 =	sld [smem:$0x3FAB]  }
0x2e: {  	s3 =	simm.s32 @!p0 $0x1082;
	s9 =	sld [smem:$0x3FAC]  }
0x2f: {  	lr =	sadd.s32 s0, s3;
	s0 =	sld [smem:$0x3FA3]  }
0x30: {  	s3 =	sld [smem:$0x3FA6]  }
0x31: {  	[smem:$0x3FAF] =	sst s10  }
0x32: {  	s10 =	sld [smem:$0x3FAD];
	_ =	sdelay $0x3  }
0x33: {  	p0 =	seq.s32 s10, $0x1;
	s10 =	sld [smem:$0x3FAF];
	_ =	sdelay $0x3  }
0x34: {  	[smem:$0x3FAF] =	sst s10  }
0x35: {  	s10 =	sld [smem:$0x3FAE];
	_ =	sdelay $0x3  }
0x36: {  	p1 =	seq.s32 s10, $0x1;
	s10 =	sld [smem:$0x3FAF];
	_ =	sdelay $0x3  }
0x37: {  	[smem:$0x3FAF] =	sst s10  }
0x38: {  	s10 =	sld [smem:$0x3FB0]  }
0x39: {  	_ = 	snop;
	(pc) =	sbr.ind lr, $3  }
0x3a: {  	_ = 	snop  }
0x3b: {  	_ = 	snop  }
0x3c: {  	p2 =	seq.s32 s10, $0x1;
	s10 =	sld [smem:$0x3FAF]  }
0x3d: {  	_ =	shalt  }
0x3e: {  	_ =	shalt  }
0x3f: {  	_ =	shalt  }
0x40: {  	_ =	shalt  }
0x41: {  	_ =	shalt  }
0x42: {  	_ =	shalt  }
0x43: {  	_ =	shalt  }
0x44: {  	_ =	shalt  }
0x45: {  	_ =	shalt  }
0x46: {  	_ =	shalt  }
0x47: {  	_ =	shalt  }
0x48: {  	_ =	shalt  }
0x49: {  	_ =	shalt  }
0x4a: {  	_ =	shalt  }
0x4b: {  	_ =	shalt  }
0x4c: {  	_ =	shalt  }
0x4d: {  	_ =	shalt  }
0x4e: {  	_ =	shalt  }
0x4f: {  	_ =	shalt  }
0x50: {  	_ =	shalt  }
0x51: {  	_ =	shalt  }
0x52: {  	_ =	shalt  }
0x53: {  	_ =	shalt  }
0x54: {  	_ =	shalt  }
0x55: {  	_ =	shalt  }
0x56: {  	_ =	shalt  }
0x57: {  	_ =	shalt  }
0x58: {  	_ =	shalt  }
0x59: {  	_ =	shalt  }
0x5a: {  	_ =	shalt  }
0x5b: {  	_ =	shalt  }
0x5c: {  	_ =	shalt  }
0x5d: {  	_ =	shalt  }
0x5e: {  	_ =	shalt  }
0x5f: {  	_ =	shalt  }
0x60: {  	_ =	shalt  }
0x61: {  	_ =	shalt  }
0x62: {  	_ =	shalt  }
0x63: {  	_ =	shalt  }
0x64: {  	_ =	shalt  }
0x65: {  	_ =	shalt  }
0x66: {  	_ =	shalt  }
0x67: {  	_ =	shalt  }
0x68: {  	_ =	shalt  }
0x69: {  	_ =	shalt  }
0x6a: {  	_ =	shalt  }
0x6b: {  	_ =	shalt  }
0x6c: {  	_ =	shalt  }
0x6d: {  	_ =	shalt  }
0x6e: {  	_ =	shalt  }
0x6f: {  	_ =	shalt  }
0x70: {  	_ =	shalt  }
0x71: {  	_ =	shalt  }
0x72: {  	_ =	shalt  }
0x73: {  	_ =	shalt  }
0x74: {  	_ =	shalt  }
0x75: {  	_ =	shalt  }
0x76: {  	_ =	shalt  }
0x77: {  	_ =	shalt  }
0x78: {  	_ =	shalt  }
0x79: {  	_ =	shalt  }
0x7a: {  	_ =	shalt  }
0x7b: {  	_ =	shalt  }
0x7c: {  	_ =	shalt  }
0x7d: {  	_ =	shalt  }
0x7e: {  	_ =	shalt  }
0x7f: {  	_ =	shalt  }
0x80: {  	_ =	shalt  }
0x81: {  	_ =	shalt  }
0x82: {  	_ =	shalt  }
0x83: {  	_ =	shalt  }
0x84: {  	_ =	shalt  }
0x85: {  	_ =	shalt  }
0x86: {  	_ =	shalt  }
0x87: {  	_ =	shalt  }
.Lfunc_end0:
.L_simem_size_0:
called_computation.2_lowered:
.L_overlay_start_0:
0x88: {  	s2 =	sld [smem:$0x3FD9]  }
0x89: {  	s3 =	sld [smem:$0x3FFE];
	_ =	sdelay $0x1  }
0x8a: {  	s1 =	srdreg.scid  }
0x8b: {  	s0 =	sand.u32 $0x1, s1  }
0x8c: {  	s17 =	sshll.u32 s0, $0xA;
	s2 =	sadd.s32 s3, s2  }
0x8d: {  	s2 =	sadd.s32 s2, s17  }
0x8e: {  	[smem:$0x3FBB] =	sst s2  }
0x8f: {  	_ = 	snop  }
0x90: {  	s18 =	sld [smem:$0x3FD0];
	(tm) =	ssettm $0x1  }
0x91: {  	s19 =	sld [smem:$0x3FFB];
	_ =	sdelay $0x3  }
0x92: {  	_ =	strace s19  }
0x93: {  	s2 =	sld [smem:$0x3FFC];
	_ =	sdelay $0x3  }
0x94: {  	_ =	strace s2  }
0x95: {  	s2 =	sld [smem:$0x3FFD];
	_ =	sdelay $0x3  }
0x96: {  	_ =	strace s2  }
0x97: {  	_ =	strace $0x8FFFFFFF  }
0x98: {  	s20 =	sld [smem:$0x3FDB];
	_ =	sdelay $0x1  }
0x99: {  	s4 =	simm.s32 $_scs_section_size  }
0x9a: {  	s5 =	simm.s32 $_size__tile_overlayer_lowered;
	s6 =	simm.s32 $_tile_overlayer_lowered  }
0x9b: {  	s7 =	simm.s32 $0x1BFF;
	s21 =	sshll.u32 s6, $0x1;
	s4 =	sadd.s32 s4, s20  }
0x9c: {  	s22 =	simm.s32 $0x0;
	s5 =	sshll.u32 s5, $0x1;
	s6 =	sadd.s32 s21, s4  }
0x9d: {  	[timem:s22], [sflag:s7] =	dma.local [hbm:s6], s5  }
0x9e: {  	_ =	swait.ge [sflag:s7], s5  }
0x9f: {  	s5 =	ssub.s32 $0x0, s5;
	[sflag:s7] =	ssyncset.done $0x0  }
0xa0: {  	[sflag:s7] =	ssyncadd.s32 s5;
	_ =	sdelay $0x1  }
0xa1: {  	s23 =	simm.s32 $0x1B8B  }
0xa2: {  	_ =	swait.ge [sflag:s23], $0x1  }
0xa3: {  	[sflag:s23] =	ssyncset.done $0x0  }
0xa4: {  	[sflag:s23] =	ssyncadd.s32 $0xFFFFFFFF  }
0xa5: {  	s5 =	sld [smem:$0x0]  }
0xa6: {  	s6 =	sand.u32 $0xFFFFFFFE, s1  }
0xa7: {  	p0 =	sne.s32 s1, s6  }
0xa8: {  	s6 =	sshll.u32 @p0 s6, $0xE  }
0xa9: {  	s6 =	sadd.s32 @p0 $0x11B8D, s6;
	s7 =	sshll.u32 @p0 s5, $0x11  }
0xaa: {  	s6 =	sor.u32 @p0 s7, s6  }
0xab: {  	[sflag:s6] =	ssyncadd.remote.s32 @p0 $0x1;
	_ =	sdelay $0x1  }
0xac: {  	s6 =	simm.s32 @p0 $0x1B8D  }
0xad: {  	_ =	swait.eq @p0 [sflag:s6], $0x1  }
0xae: {  	[sflag:s6] =	ssyncadd.s32 @p0 $0xFFFFFFFF  }
0xaf: {  	s7 =	sshll.u32 @!p0 s1, $0xE  }
0xb0: {  	s7 =	sor.u32 @!p0 $0x4000, s7;
	s6 =	simm.s32 @!p0 $0x1B8D  }
0xb1: {  	s5 =	sshll.u32 @!p0 s5, $0x11;
	s7 =	sadd.s32 @!p0 $0x11B8D, s7;
	_ =	swait.eq @!p0 [sflag:s6], $0x1  }
0xb2: {  	s5 =	sor.u32 @!p0 s5, s7;
	[sflag:s6] =	ssyncadd.s32 @!p0 $0xFFFFFFFF  }
0xb3: {  	s25 =	simm.s32 $0x1B8E;
	s24 =	sld [smem:$0x3FFE];
	[sflag:s5] =	ssyncadd.remote.s32 @!p0 $0x1  }
0xb4: {  	s26 =	simm.s32 $execute0_lowered;
	[smem:$0x3FD2] =	sst s25  }
0xb5: {  	s6 =	sshll.u32 s26, $0x1;
	_ =	strace $0x80000049;
	[dreg:$0x1] =	wrdreg $0xFFFFFFFF  }
0xb6: {  	s28 =	simm.s32 $_size_execute0_lowered;
	s4 =	sadd.s32 s4, s6;
	[dreg:$0x0] =	wrdreg $0x0  }
0xb7: {  	s6 =	sshll.u32 s28, $0x1;
	[dreg:$0x2] =	wrdreg s4  }
0xb8: {  	[dreg:$0x3] =	wrdreg s6  }
0xb9: {  	[dreg:$0x4] =	wrdreg $0xC0  }
0xba: {  	_ =	task [dreg:s22], $0x5FFFF  }
0xbb: {  	[dreg:$0x1] =	wrdreg $0xFFFFFFFF  }
0xbc: {  	[dreg:$0x0] =	wrdreg $0x60  }
0xbd: {  	[dreg:$0x2] =	wrdreg s18  }
0xbe: {  	[dreg:$0x3] =	wrdreg s24  }
0xbf: {  	[dreg:$0x4] =	wrdreg $0xB  }
0xc0: {  	_ =	task.clear_ibuf [dreg:s22], $0x5FFFF;
	_ =	strace $0x90000049  }
0xc1: {  	s29 =	simm.s32 $0xB;
	_ =	strace $0x8000004B  }
0xc2: {  	_ =	swait.ge [sflag:s29], $0x1  }
0xc3: {  	[sflag:s29] =	ssyncadd.s32 $0xFFFFFFFF  }
0xc4: {  	_ =	strace $0x9000004B  }
0xc5: {  	_ =	sfence  }
0xc6: {  	s30 =	sld [smem:$0x0];
	_ =	sdelay $0x2  }
0xc7: {  	s31 =	sshll.u32 s1, $0xD;
	s1 =	sshrl.u32 s1, $0x2  }
0xc8: {  	s4 =	sand.u32 $0x4000, s31;
	s1 =	sadd.s32 s1, s30  }
0xc9: {  	s0 =	sor.u32 s4, s0;
	s1 =	sshll.u32 s1, $0x11  }
0xca: {  	s0 =	sor.u32 s1, s0  }
0xcb: {  	s0 =	sadd.s32 $0x8F2B, s0  }
0xcc: {  	[sflag:s0] =	ssyncadd.remote.s32 $0x1  }
0xcd: {  	_ =	sfence.sel $0xFFFF  }
0xce: {  	[dreg:$0x0] =	wrdreg $0xFFFFFFFF;
	(pc) =	sbr.abs _section_cstart, $3  }
0xcf: {  	[dreg:$0x1] =	wrdreg $0xFFFFFFFF  }
0xd0: {  	_ =	task.clear_ibuf [dreg:s22], $0x2FFFF;
	_ =	strace $0x9FFFFFFF  }
0xd1: {  	(tm) =	ssettm $0x7FFFFFFF  }
tec
execute0_lowered:
.L_overlay_start_1:
0x0: {  	(tag) =	ssettag $0x1  }
0x1: {  	s2 =	rddreg [dreg:$0x0]  }
0x2: {  	s0 =	srdreg.scid;
	s5 =	rddreg [dreg:$0x1]  }
0x3: {  	s29 =	stileid.u32;
	s3 =	simm.s32 $0x0;
	s11 =	simm.s32 $0x50  }
0x4: {  	s12 =	simm.s32 $0xD800;
	s13 =	simm.s32 $0x1;
	s14 =	simm.s32 $0x3800  }
0x5: {  	s15 =	simm.s32 $0x2;
	s16 =	simm.s32 $0x6000;
	s17 =	simm.s32 $0x3  }
0x6: {  	s18 =	simm.s32 $0x8800;
	s19 =	simm.s32 $0x4;
	s8 =	smul.u32 $0x1C00, s29  }
0x7: {  	s20 =	simm.s32 $0xB000;
	s6 =	sand.u32 $0x1, s0;
	s10 =	smul.u32 $0xFA00, s29  }
0x8: {  	s21 =	simm.s32 $0x5;
	s22 =	simm.s32 $0x0;
	s7 =	smul.u32 $0x1C000, s6  }
0x9: {  	[smem:$0x7FF] =	sst s3;
	s4 =	sadd.s32 $0x2A400, s5;
	s30 =	smul.u32 $0xFA000, s6  }
0xa: {  	_ =	strace $0x8000004A;
	s6 =	ssub.s32 $0x2, s6;
	s7 =	sadd.s32 s8, s7  }
0xb: {  	s9 =	sshrl.u32 s6, $0x1;
	s8 =	sadd.s32 s30, s5;
	s7 =	sshrl.u32 s7, $0x3  }
0xc: {  	s9 =	ssub.s32 s6, s9;
	s8 =	sadd.s32 s10, s8;
	s7 =	sadd.s32 s7, s5  }
0xd: {  	s8 =	sadd.s32 $0x245600, s8;
	s31 =	sadd.s32 $0x23400, s7;
	s6 =	sadd.s32 $0x1C400, s7  }
0xe: {  	s7 =	smax.u32 s9, $0x1;
	s9 =	simm.s32 $0x6;
	[dreg:$0x3] =	wrdreg s31  }
.LBB2_1:
0xf: {  	s0 =	rddreg [dreg:$0x3]  }
0x10: {  	[tilespmem:s3], [sflag:$0x6] =	stream.linear.gather [hbm4b:s0+s3], $0x1900, $0x38;
	[tilespmem:$0x10000] =	vst v63  }
0x11: {  	_ =	swait.ge [sflag:s9], $0x1900  }
0x12: {  	[sflag:s9] =	ssyncset.done $0x0  }
0x13: {  	s24 =	simm.s32 $0x1C00;
	[sflag:s9] =	ssyncadd.s32 $0xFFFFE700  }
0x14: {  	[tilespmem:s24], [sflag:$0x6] =	stream.linear.gather [hbm4b:s6+s3], $0x1900, $0x38;
	[tilespmem:$0x10000] =	vst v63  }
0x15: {  	_ =	swait.ge [sflag:s9], $0x1900  }
0x16: {  	p0 =	por $0x0, $0x0;
	[sflag:s9] =	ssyncset.done $0x0  }
0x17: {  	s23 =	simm.s32 @p0 $0x1;
	[sflag:s9] =	ssyncadd.s32 $0xFFFFE700  }
0x18: {  	_ =	swait.ge @p0 [sflag:s23], $0x2800  }
0x19: {  	s25 =	simm.s32 @p0 $0x2;
	s26 =	simm.s32 @p0 $0x50;
	[sflag:s23] =	ssyncset.done @p0 $0x0  }
0x1a: {  	s24 =	simm.s32 @p0 $0x3800;
	[sflag:s23] =	ssyncadd.s32 @p0 $0xFFFFD800;
	s23 =	simm.s32 @p0 $0x0  }
0x1b: {  	[tilespmem:s24], [sflag:$0x1] =	stream.indirect.gather @p0 [hbm4b:s2+s26], $0x80, s23, s26, $0xb8;
	[tilespmem:$0x10000] =	vst v63  }
0x1c: {  	_ =	swait.ge @p0 [sflag:s25], $0x2800  }
0x1d: {  	s23 =	simm.s32 @p0 $0x80;
	[sflag:s25] =	ssyncset.done @p0 $0x0  }
0x1e: {  	s24 =	simm.s32 @p0 $0x6000;
	[sflag:s25] =	ssyncadd.s32 @p0 $0xFFFFD800;
	s25 =	simm.s32 @p0 $0x3  }
0x1f: {  	[tilespmem:s24], [sflag:$0x2] =	stream.indirect.gather @p0 [hbm4b:s2+s26], $0x80, s23, s26, $0xb8;
	[tilespmem:$0x10000] =	vst v63  }
0x20: {  	_ =	swait.ge @p0 [sflag:s25], $0x2800  }
0x21: {  	s23 =	simm.s32 @p0 $0x100;
	[sflag:s25] =	ssyncset.done @p0 $0x0  }
0x22: {  	s24 =	simm.s32 @p0 $0x8800;
	[sflag:s25] =	ssyncadd.s32 @p0 $0xFFFFD800;
	s25 =	simm.s32 @p0 $0x4  }
0x23: {  	[tilespmem:s24], [sflag:$0x3] =	stream.indirect.gather @p0 [hbm4b:s2+s26], $0x80, s23, s26, $0xb8;
	[tilespmem:$0x10000] =	vst v63  }
0x24: {  	_ =	swait.ge @p0 [sflag:s25], $0x2800  }
0x25: {  	s23 =	simm.s32 @p0 $0x180;
	[sflag:s25] =	ssyncset.done @p0 $0x0  }
0x26: {  	s24 =	simm.s32 @p0 $0xB000;
	[sflag:s25] =	ssyncadd.s32 @p0 $0xFFFFD800;
	s25 =	simm.s32 @p0 $0x5  }
0x27: {  	[tilespmem:s24], [sflag:$0x4] =	stream.indirect.gather @p0 [hbm4b:s2+s26], $0x80, s23, s26, $0xb8;
	[tilespmem:$0x10000] =	vst v63  }
0x28: {  	_ =	swait.ge @p0 [sflag:s25], $0x2800  }
0x29: {  	s23 =	simm.s32 @!p0 $0x3800;
	[sflag:s25] =	ssyncset.done @p0 $0x0  }
0x2a: {  	s24 =	simm.s32 @!p0 $0x50;
	[sflag:s25] =	ssyncadd.s32 @p0 $0xFFFFD800;
	s25 =	simm.s32 @!p0 $0x0  }
0x2b: {  	[tilespmem:s23], [sflag:$0x1] =	stream.indirect.gather @!p0 [hbm4b:s2+s24], $0x80, s25, s24, $0xb8;
	[tilespmem:$0x10000] =	vst v63  }
0x2c: {  	s23 =	simm.s32 @!p0 $0x80;
	s25 =	simm.s32 @!p0 $0x6000  }
0x2d: {  	[tilespmem:s25], [sflag:$0x2] =	stream.indirect.gather @!p0 [hbm4b:s2+s24], $0x80, s23, s24, $0xb8;
	[tilespmem:$0x10000] =	vst v63  }
0x2e: {  	s23 =	simm.s32 @!p0 $0x100;
	s25 =	simm.s32 @!p0 $0x8800  }
0x2f: {  	[tilespmem:s25], [sflag:$0x3] =	stream.indirect.gather @!p0 [hbm4b:s2+s24], $0x80, s23, s24, $0xb8;
	[tilespmem:$0x10000] =	vst v63  }
0x30: {  	s23 =	simm.s32 @!p0 $0x180;
	s25 =	simm.s32 @!p0 $0xB000  }
0x31: {  	[tilespmem:s25], [sflag:$0x4] =	stream.indirect.gather @!p0 [hbm4b:s2+s24], $0x80, s23, s24, $0xb8;
	[tilespmem:$0x10000] =	vst v63  }
0x32: {  	s25 =	simm.s32 $0x200  }
0x33: {  	[tilespmem:s12], [sflag:$0x5] =	stream.indirect.gather [hbm4b:s2+s11], $0x80, s25, s11, $0xb8;
	[tilespmem:$0x10000] =	vst v63  }
0x34: {  	s23 =	simm.s32 $0x0;
	_ =	swait.ge [sflag:s13], $0x2800  }
0x35: {  	s23 =	simm.s32 @!p0 $0x0;
	[sflag:s13] =	ssyncset.done $0x0  }
0x36: {  	s23 =	sadd.s32 $0x1C00, s23;
	[sflag:s13] =	ssyncadd.s32 $0xFFFFD800  }
0x37: {  	[tilespmem:s14], [sflag:$0x1] =	stream.indirect.gather.add.f32 [hbm:s4], $0x80, s23, s11, $0xb8;
	[tilespmem:$0x10000] =	vst v63  }
0x38: {  	s23 =	simm.s32 @p0 $0x80;
	_ =	swait.ge [sflag:s15], $0x2800  }
0x39: {  	s23 =	simm.s32 @!p0 $0x80;
	[sflag:s15] =	ssyncset.done $0x0  }
0x3a: {  	s23 =	sadd.s32 $0x1C00, s23;
	[sflag:s15] =	ssyncadd.s32 $0xFFFFD800  }
0x3b: {  	[tilespmem:s16], [sflag:$0x2] =	stream.indirect.gather.add.f32 [hbm:s4], $0x80, s23, s11, $0xb8;
	[tilespmem:$0x10000] =	vst v63  }
0x3c: {  	s23 =	simm.s32 @p0 $0x100;
	_ =	swait.ge [sflag:s17], $0x2800  }
0x3d: {  	s23 =	simm.s32 @!p0 $0x100;
	[sflag:s17] =	ssyncset.done $0x0  }
0x3e: {  	s23 =	sadd.s32 $0x1C00, s23;
	[sflag:s17] =	ssyncadd.s32 $0xFFFFD800  }
0x3f: {  	[tilespmem:s18], [sflag:$0x3] =	stream.indirect.gather.add.f32 [hbm:s4], $0x80, s23, s11, $0xb8;
	[tilespmem:$0x10000] =	vst v63  }
0x40: {  	s23 =	simm.s32 @p0 $0x180;
	_ =	swait.ge [sflag:s19], $0x2800  }
0x41: {  	s23 =	simm.s32 @!p0 $0x180;
	[sflag:s19] =	ssyncset.done $0x0  }
0x42: {  	s23 =	sadd.s32 $0x1C00, s23;
	[sflag:s19] =	ssyncadd.s32 $0xFFFFD800  }
0x43: {  	[tilespmem:s20], [sflag:$0x4] =	stream.indirect.gather.add.f32 [hbm:s4], $0x80, s23, s11, $0xb8;
	[tilespmem:$0x10000] =	vst v63  }
0x44: {  	_ =	swait.ge [sflag:s21], $0x2800  }
0x45: {  	[sflag:s21] =	ssyncset.done $0x0  }
0x46: {  	s26 =	simm.s32 $0x1E00;
	[sflag:s21] =	ssyncadd.s32 $0xFFFFD800  }
0x47: {  	[tilespmem:s12], [sflag:$0x5] =	stream.indirect.gather.add.f32 [hbm:s4], $0x80, s26, s11, $0xb8;
	[tilespmem:$0x10000] =	vst v63  }
0x48: {  	_ =	swait.ge [sflag:s13], $0x2800  }
0x49: {  	[sflag:s13] =	ssyncset.done $0x0  }
0x4a: {  	[sflag:s13] =	ssyncadd.s32 $0xFFFFD800  }
0x4b: {  	[hbm4b:s8+s3] =	stream.linear.scatter [tilespmem:s14], [sflag:$0x1], $0x2800, $0x38;
	[tilespmem:$0x10000] =	vst v63  }
0x4c: {  	_ =	swait.ge [sflag:s15], $0x2800  }
0x4d: {  	[sflag:s15] =	ssyncset.done $0x0  }
0x4e: {  	s28 =	sadd.s32 $0x500, s8;
	[sflag:s15] =	ssyncadd.s32 $0xFFFFD800  }
0x4f: {  	[hbm4b:s28+s3] =	stream.linear.scatter [tilespmem:s16], [sflag:$0x2], $0x2800, $0x38;
	[tilespmem:$0x10000] =	vst v63  }
0x50: {  	_ =	swait.ge [sflag:s17], $0x2800  }
0x51: {  	[sflag:s17] =	ssyncset.done $0x0  }
0x52: {  	s29 =	sadd.s32 $0xA00, s8;
	[sflag:s17] =	ssyncadd.s32 $0xFFFFD800  }
0x53: {  	[hbm4b:s29+s3] =	stream.linear.scatter [tilespmem:s18], [sflag:$0x3], $0x2800, $0x38;
	[tilespmem:$0x10000] =	vst v63  }
0x54: {  	_ =	swait.ge [sflag:s19], $0x2800  }
0x55: {  	s31 =	sadd.s32 $0xF00, s8;
	[sflag:s19] =	ssyncset.done $0x0  }
0x56: {  	s30 =	sadd.s32 $0x1400, s8;
	s24 =	simm.s32 $0x280;
	[sflag:s19] =	ssyncadd.s32 $0xFFFFD800  }
0x57: {  	[hbm4b:s31+s3] =	stream.linear.scatter [tilespmem:s20], [sflag:$0x4], $0x2800, $0x38;
	[tilespmem:$0x10000] =	vst v63  }
0x58: {  	s25 =	simm.s32 $0xA00;
	p0 =	por $0x1, $0x1;
	_ =	swait.ge [sflag:s21], $0x2800  }
0x59: {  	s23 =	sadd.s32 $0x1900, s8;
	s26 =	simm.s32 $0x1400;
	[sflag:s21] =	ssyncset.done $0x0  }
.LBB2_2:
0x5a: {  	s31 =	simm.s32 @p0 $0x1;
	[sflag:s21] =	ssyncadd.s32 $0xFFFFD800  }
0x5b: {  	s29 =	smov.u32 s26;
	s26 =	sadd.s32 $0xA00, s26;
	s28 =	smov.u32 s23  }
0x5c: {  	[hbm4b:s30+s3] =	stream.linear.scatter [tilespmem:s12], [sflag:$0x5], $0x2800, $0x38;
	[tilespmem:$0x10000] =	vst v63  }
0x5d: {  	p1 =	sne.s32 s26, $0x6400;
	_ =	swait.ge @p0 [sflag:s31], $0x2800  }
0x5e: {  	s0 =	simm.s32 @p0 $0x2;
	s30 =	simm.s32 @p0 $0x3800;
	[sflag:s31] =	ssyncset.done @p0 $0x0  }
0x5f: {  	s1 =	simm.s32 @p0 $0x50;
	[sflag:s31] =	ssyncadd.s32 @p0 $0xFFFFD800;
	s31 =	sshra.s32 @p0 s25, $0x2  }
0x60: {  	[tilespmem:s30], [sflag:$0x1] =	stream.indirect.gather @p0 [hbm4b:s2+s1], $0x80, s31, s1, $0xb8;
	[tilespmem:$0x10000] =	vst v63  }
0x61: {  	s30 =	sadd.s32 @p0 $0x80, s31;
	s10 =	sadd.s32 @p0 $0x100, s31;
	_ =	swait.ge @p0 [sflag:s0], $0x2800  }
0x62: {  	s31 =	sadd.s32 @p0 $0x180, s31;
	[sflag:s0] =	ssyncset.done @p0 $0x0  }
0x63: {  	s5 =	simm.s32 @p0 $0x3;
	[sflag:s0] =	ssyncadd.s32 @p0 $0xFFFFD800;
	s0 =	simm.s32 @p0 $0x6000  }
0x64: {  	[tilespmem:s0], [sflag:$0x2] =	stream.indirect.gather @p0 [hbm4b:s2+s1], $0x80, s30, s1, $0xb8;
	[tilespmem:$0x10000] =	vst v63  }
0x65: {  	_ =	swait.ge @p0 [sflag:s5], $0x2800  }
0x66: {  	[sflag:s5] =	ssyncset.done @p0 $0x0  }
0x67: {  	s0 =	simm.s32 @p0 $0x8800;
	[sflag:s5] =	ssyncadd.s32 @p0 $0xFFFFD800;
	s5 =	simm.s32 @p0 $0x4  }
0x68: {  	[tilespmem:s0], [sflag:$0x3] =	stream.indirect.gather @p0 [hbm4b:s2+s1], $0x80, s10, s1, $0xb8;
	[tilespmem:$0x10000] =	vst v63  }
0x69: {  	_ =	swait.ge @p0 [sflag:s5], $0x2800  }
0x6a: {  	[sflag:s5] =	ssyncset.done @p0 $0x0  }
0x6b: {  	s0 =	simm.s32 @p0 $0xB000;
	[sflag:s5] =	ssyncadd.s32 @p0 $0xFFFFD800;
	s5 =	simm.s32 @p0 $0x5  }
0x6c: {  	[tilespmem:s0], [sflag:$0x4] =	stream.indirect.gather @p0 [hbm4b:s2+s1], $0x80, s31, s1, $0xb8;
	[tilespmem:$0x10000] =	vst v63  }
0x6d: {  	_ =	swait.ge @p0 [sflag:s5], $0x2800  }
0x6e: {  	s0 =	simm.s32 @!p0 $0x3800;
	[sflag:s5] =	ssyncset.done @p0 $0x0  }
0x6f: {  	s1 =	simm.s32 @!p0 $0x50;
	[sflag:s5] =	ssyncadd.s32 @p0 $0xFFFFD800;
	s5 =	simm.s32 @!p0 $0x0  }
0x70: {  	[tilespmem:s0], [sflag:$0x1] =	stream.indirect.gather @!p0 [hbm4b:s2+s1], $0x80, s5, s1, $0xb8;
	[tilespmem:$0x10000] =	vst v63  }
0x71: {  	s0 =	simm.s32 @!p0 $0x80;
	s5 =	simm.s32 @!p0 $0x6000  }
0x72: {  	[tilespmem:s5], [sflag:$0x2] =	stream.indirect.gather @!p0 [hbm4b:s2+s1], $0x80, s0, s1, $0xb8;
	[tilespmem:$0x10000] =	vst v63  }
0x73: {  	s0 =	simm.s32 @!p0 $0x100;
	s5 =	simm.s32 @!p0 $0x8800  }
0x74: {  	[tilespmem:s5], [sflag:$0x3] =	stream.indirect.gather @!p0 [hbm4b:s2+s1], $0x80, s0, s1, $0xb8;
	[tilespmem:$0x10000] =	vst v63  }
0x75: {  	s10 =	sshra.s32 s25, $0x2;
	s0 =	simm.s32 @!p0 $0x180;
	s5 =	simm.s32 @!p0 $0xB000  }
0x76: {  	[tilespmem:s5], [sflag:$0x4] =	stream.indirect.gather @!p0 [hbm4b:s2+s1], $0x80, s0, s1, $0xb8;
	[tilespmem:$0x10000] =	vst v63  }
0x77: {  	s25 =	smov.u32 s29;
	s0 =	sadd.s32 $0x200, s10  }
0x78: {  	[tilespmem:s12], [sflag:$0x5] =	stream.indirect.gather [hbm4b:s2+s11], $0x80, s0, s11, $0xb8;
	[tilespmem:$0x10000] =	vst v63  }
0x79: {  	s0 =	smov.u32 s24;
	_ =	swait.ge [sflag:s13], $0x2800  }
0x7a: {  	s0 =	simm.s32 @!p0 $0x0;
	[sflag:s13] =	ssyncset.done $0x0  }
0x7b: {  	s0 =	sadd.s32 $0x1C00, s0;
	[sflag:s13] =	ssyncadd.s32 $0xFFFFD800  }
0x7c: {  	[tilespmem:s14], [sflag:$0x1] =	stream.indirect.gather.add.f32 [hbm:s4], $0x80, s0, s11, $0xb8;
	[tilespmem:$0x10000] =	vst v63  }
0x7d: {  	s0 =	sadd.s32 @p0 $0x80, s24;
	_ =	swait.ge [sflag:s15], $0x2800  }
0x7e: {  	s0 =	simm.s32 @!p0 $0x80;
	[sflag:s15] =	ssyncset.done $0x0  }
0x7f: {  	s0 =	sadd.s32 $0x1C00, s0;
	[sflag:s15] =	ssyncadd.s32 $0xFFFFD800  }
0x80: {  	[tilespmem:s16], [sflag:$0x2] =	stream.indirect.gather.add.f32 [hbm:s4], $0x80, s0, s11, $0xb8;
	[tilespmem:$0x10000] =	vst v63  }
0x81: {  	s0 =	sadd.s32 @p0 $0x100, s24;
	_ =	swait.ge [sflag:s17], $0x2800  }
0x82: {  	s0 =	simm.s32 @!p0 $0x100;
	[sflag:s17] =	ssyncset.done $0x0  }
0x83: {  	s0 =	sadd.s32 $0x1C00, s0;
	[sflag:s17] =	ssyncadd.s32 $0xFFFFD800  }
0x84: {  	[tilespmem:s18], [sflag:$0x3] =	stream.indirect.gather.add.f32 [hbm:s4], $0x80, s0, s11, $0xb8;
	[tilespmem:$0x10000] =	vst v63  }
0x85: {  	s0 =	sadd.s32 @p0 $0x180, s24;
	_ =	swait.ge [sflag:s19], $0x2800  }
0x86: {  	s0 =	simm.s32 @!p0 $0x180;
	[sflag:s19] =	ssyncset.done $0x0  }
0x87: {  	s0 =	sadd.s32 $0x1C00, s0;
	[sflag:s19] =	ssyncadd.s32 $0xFFFFD800  }
0x88: {  	[tilespmem:s20], [sflag:$0x4] =	stream.indirect.gather.add.f32 [hbm:s4], $0x80, s0, s11, $0xb8;
	[tilespmem:$0x10000] =	vst v63  }
0x89: {  	_ =	swait.ge [sflag:s21], $0x2800  }
0x8a: {  	[sflag:s21] =	ssyncset.done $0x0  }
0x8b: {  	s0 =	sadd.s32 $0x1E00, s10;
	[sflag:s21] =	ssyncadd.s32 $0xFFFFD800  }
0x8c: {  	[tilespmem:s12], [sflag:$0x5] =	stream.indirect.gather.add.f32 [hbm:s4], $0x80, s0, s11, $0xb8;
	[tilespmem:$0x10000] =	vst v63  }
0x8d: {  	_ =	swait.ge [sflag:s13], $0x2800  }
0x8e: {  	[sflag:s13] =	ssyncset.done $0x0  }
0x8f: {  	[sflag:s13] =	ssyncadd.s32 $0xFFFFD800  }
0x90: {  	[hbm4b:s23+s3] =	stream.linear.scatter [tilespmem:s14], [sflag:$0x1], $0x2800, $0x38;
	[tilespmem:$0x10000] =	vst v63  }
0x91: {  	_ =	swait.ge [sflag:s15], $0x2800  }
0x92: {  	[sflag:s15] =	ssyncset.done $0x0  }
0x93: {  	s0 =	sadd.s32 $0x500, s23;
	[sflag:s15] =	ssyncadd.s32 $0xFFFFD800  }
0x94: {  	[hbm4b:s0+s3] =	stream.linear.scatter [tilespmem:s16], [sflag:$0x2], $0x2800, $0x38;
	[tilespmem:$0x10000] =	vst v63  }
0x95: {  	_ =	swait.ge [sflag:s17], $0x2800  }
0x96: {  	[sflag:s17] =	ssyncset.done $0x0  }
0x97: {  	s0 =	sadd.s32 $0xA00, s23;
	[sflag:s17] =	ssyncadd.s32 $0xFFFFD800  }
0x98: {  	[hbm4b:s0+s3] =	stream.linear.scatter [tilespmem:s18], [sflag:$0x3], $0x2800, $0x38;
	[tilespmem:$0x10000] =	vst v63  }
0x99: {  	_ =	swait.ge [sflag:s19], $0x2800  }
.Ltmp0:
0x9a: {  	[sflag:s19] =	ssyncset.done $0x0;
	(pc) =	sbr.rel @p1 .LBB2_2-.Ltmp0, $4  }
0x9b: {  	s0 =	sadd.s32 $0xF00, s23;
	[sflag:s19] =	ssyncadd.s32 $0xFFFFD800  }
0x9c: {  	[hbm4b:s0+s3] =	stream.linear.scatter [tilespmem:s20], [sflag:$0x4], $0x2800, $0x38;
	[tilespmem:$0x10000] =	vst v63  }
0x9d: {  	s24 =	sadd.s32 $0x280, s24;
	s23 =	sadd.s32 $0x1900, s23;
	_ =	swait.ge [sflag:s21], $0x2800  }
0x9e: {  	s30 =	sadd.s32 $0x1400, s28;
	p0 =	sne.s32 s25, $0x0;
	[sflag:s21] =	ssyncset.done $0x0  }
0x9f: {  	s0 =	simm.s32 @p0 $0x1;
	[sflag:s21] =	ssyncadd.s32 $0xFFFFD800  }
0xa0: {  	[hbm4b:s30+s3] =	stream.linear.scatter [tilespmem:s12], [sflag:$0x5], $0x2800, $0x38;
	[tilespmem:$0x10000] =	vst v63  }
0xa1: {  	_ =	swait.ge @p0 [sflag:s0], $0x2800  }
0xa2: {  	s1 =	simm.s32 @p0 $0x3800;
	s5 =	simm.s32 @p0 $0x2;
	[sflag:s0] =	ssyncset.done @p0 $0x0  }
0xa3: {  	s10 =	simm.s32 @p0 $0x50;
	[sflag:s0] =	ssyncadd.s32 @p0 $0xFFFFD800;
	s0 =	sshra.s32 @p0 s25, $0x2  }
0xa4: {  	[tilespmem:s1], [sflag:$0x1] =	stream.indirect.gather @p0 [hbm4b:s2+s10], $0x80, s0, s10, $0xb8;
	[tilespmem:$0x10000] =	vst v63  }
0xa5: {  	_ =	swait.ge @p0 [sflag:s5], $0x2800  }
0xa6: {  	s26 =	simm.s32 @p0 $0x3;
	[sflag:s5] =	ssyncset.done @p0 $0x0  }
0xa7: {  	s1 =	sadd.s32 @p0 $0x80, s0;
	[sflag:s5] =	ssyncadd.s32 @p0 $0xFFFFD800;
	s5 =	simm.s32 @p0 $0x6000  }
0xa8: {  	[tilespmem:s5], [sflag:$0x2] =	stream.indirect.gather @p0 [hbm4b:s2+s10], $0x80, s1, s10, $0xb8;
	[tilespmem:$0x10000] =	vst v63  }
0xa9: {  	_ =	swait.ge @p0 [sflag:s26], $0x2800  }
0xaa: {  	s1 =	sadd.s32 @p0 $0x100, s0;
	[sflag:s26] =	ssyncset.done @p0 $0x0  }
0xab: {  	s5 =	simm.s32 @p0 $0x8800;
	[sflag:s26] =	ssyncadd.s32 @p0 $0xFFFFD800;
	s26 =	simm.s32 @p0 $0x4  }
0xac: {  	[tilespmem:s5], [sflag:$0x3] =	stream.indirect.gather @p0 [hbm4b:s2+s10], $0x80, s1, s10, $0xb8;
	[tilespmem:$0x10000] =	vst v63  }
0xad: {  	_ =	swait.ge @p0 [sflag:s26], $0x2800  }
0xae: {  	s0 =	sadd.s32 @p0 $0x180, s0;
	[sflag:s26] =	ssyncset.done @p0 $0x0  }
0xaf: {  	s1 =	simm.s32 @p0 $0xB000;
	s5 =	simm.s32 @p0 $0x5;
	[sflag:s26] =	ssyncadd.s32 @p0 $0xFFFFD800  }
0xb0: {  	[tilespmem:s1], [sflag:$0x4] =	stream.indirect.gather @p0 [hbm4b:s2+s10], $0x80, s0, s10, $0xb8;
	[tilespmem:$0x10000] =	vst v63  }
0xb1: {  	_ =	swait.ge @p0 [sflag:s5], $0x2800  }
0xb2: {  	s0 =	simm.s32 @!p0 $0x3800;
	[sflag:s5] =	ssyncset.done @p0 $0x0  }
0xb3: {  	s1 =	simm.s32 @!p0 $0x50;
	[sflag:s5] =	ssyncadd.s32 @p0 $0xFFFFD800;
	s5 =	simm.s32 @!p0 $0x0  }
0xb4: {  	[tilespmem:s0], [sflag:$0x1] =	stream.indirect.gather @!p0 [hbm4b:s2+s1], $0x80, s5, s1, $0xb8;
	[tilespmem:$0x10000] =	vst v63  }
0xb5: {  	s0 =	simm.s32 @!p0 $0x80;
	s5 =	simm.s32 @!p0 $0x6000  }
0xb6: {  	[tilespmem:s5], [sflag:$0x2] =	stream.indirect.gather @!p0 [hbm4b:s2+s1], $0x80, s0, s1, $0xb8;
	[tilespmem:$0x10000] =	vst v63  }
0xb7: {  	s0 =	simm.s32 @!p0 $0x100;
	s5 =	simm.s32 @!p0 $0x8800  }
0xb8: {  	[tilespmem:s5], [sflag:$0x3] =	stream.indirect.gather @!p0 [hbm4b:s2+s1], $0x80, s0, s1, $0xb8;
	[tilespmem:$0x10000] =	vst v63  }
0xb9: {  	s31 =	sshra.s32 s25, $0x2;
	s0 =	simm.s32 @!p0 $0x180;
	s5 =	simm.s32 @!p0 $0xB000  }
0xba: {  	[tilespmem:s5], [sflag:$0x4] =	stream.indirect.gather @!p0 [hbm4b:s2+s1], $0x80, s0, s1, $0xb8;
	[tilespmem:$0x10000] =	vst v63  }
0xbb: {  	s25 =	sadd.s32 $0x200, s31  }
0xbc: {  	[tilespmem:s12], [sflag:$0x5] =	stream.indirect.gather [hbm4b:s2+s11], $0x80, s25, s11, $0xb8;
	[tilespmem:$0x10000] =	vst v63  }
0xbd: {  	s0 =	smov.u32 s24;
	_ =	swait.ge [sflag:s13], $0x2800  }
0xbe: {  	s0 =	simm.s32 @!p0 $0x0;
	[sflag:s13] =	ssyncset.done $0x0  }
0xbf: {  	s0 =	sadd.s32 $0x1C00, s0;
	[sflag:s13] =	ssyncadd.s32 $0xFFFFD800  }
0xc0: {  	[tilespmem:s14], [sflag:$0x1] =	stream.indirect.gather.add.f32 [hbm:s4], $0x80, s0, s11, $0xb8;
	[tilespmem:$0x10000] =	vst v63  }
0xc1: {  	s0 =	sadd.s32 @p0 $0x80, s24;
	_ =	swait.ge [sflag:s15], $0x2800  }
0xc2: {  	s0 =	simm.s32 @!p0 $0x80;
	[sflag:s15] =	ssyncset.done $0x0  }
0xc3: {  	s0 =	sadd.s32 $0x1C00, s0;
	[sflag:s15] =	ssyncadd.s32 $0xFFFFD800  }
0xc4: {  	[tilespmem:s16], [sflag:$0x2] =	stream.indirect.gather.add.f32 [hbm:s4], $0x80, s0, s11, $0xb8;
	[tilespmem:$0x10000] =	vst v63  }
0xc5: {  	s0 =	sadd.s32 @p0 $0x100, s24;
	_ =	swait.ge [sflag:s17], $0x2800  }
0xc6: {  	s0 =	simm.s32 @!p0 $0x100;
	[sflag:s17] =	ssyncset.done $0x0  }
0xc7: {  	s0 =	sadd.s32 $0x1C00, s0;
	[sflag:s17] =	ssyncadd.s32 $0xFFFFD800  }
0xc8: {  	[tilespmem:s18], [sflag:$0x3] =	stream.indirect.gather.add.f32 [hbm:s4], $0x80, s0, s11, $0xb8;
	[tilespmem:$0x10000] =	vst v63  }
0xc9: {  	s0 =	sadd.s32 @p0 $0x180, s24;
	_ =	swait.ge [sflag:s19], $0x2800  }
0xca: {  	s0 =	simm.s32 @!p0 $0x180;
	[sflag:s19] =	ssyncset.done $0x0  }
0xcb: {  	s0 =	sadd.s32 $0x1C00, s0;
	[sflag:s19] =	ssyncadd.s32 $0xFFFFD800  }
0xcc: {  	[tilespmem:s20], [sflag:$0x4] =	stream.indirect.gather.add.f32 [hbm:s4], $0x80, s0, s11, $0xb8;
	[tilespmem:$0x10000] =	vst v63  }
0xcd: {  	_ =	swait.ge [sflag:s21], $0x2800  }
0xce: {  	[sflag:s21] =	ssyncset.done $0x0  }
0xcf: {  	s26 =	sadd.s32 $0x1E00, s31;
	[sflag:s21] =	ssyncadd.s32 $0xFFFFD800  }
0xd0: {  	[tilespmem:s12], [sflag:$0x5] =	stream.indirect.gather.add.f32 [hbm:s4], $0x80, s26, s11, $0xb8;
	[tilespmem:$0x10000] =	vst v63  }
0xd1: {  	_ =	swait.ge [sflag:s13], $0x2800  }
0xd2: {  	[sflag:s13] =	ssyncset.done $0x0  }
0xd3: {  	[sflag:s13] =	ssyncadd.s32 $0xFFFFD800  }
0xd4: {  	[hbm4b:s23+s3] =	stream.linear.scatter [tilespmem:s14], [sflag:$0x1], $0x2800, $0x38;
	[tilespmem:$0x10000] =	vst v63  }
0xd5: {  	_ =	swait.ge [sflag:s15], $0x2800  }
0xd6: {  	[sflag:s15] =	ssyncset.done $0x0  }
0xd7: {  	s28 =	sadd.s32 $0x500, s23;
	[sflag:s15] =	ssyncadd.s32 $0xFFFFD800  }
0xd8: {  	[hbm4b:s28+s3] =	stream.linear.scatter [tilespmem:s16], [sflag:$0x2], $0x2800, $0x38;
	[tilespmem:$0x10000] =	vst v63  }
0xd9: {  	_ =	swait.ge [sflag:s17], $0x2800  }
0xda: {  	[sflag:s17] =	ssyncset.done $0x0  }
0xdb: {  	s29 =	sadd.s32 $0xA00, s23;
	[sflag:s17] =	ssyncadd.s32 $0xFFFFD800  }
0xdc: {  	[hbm4b:s29+s3] =	stream.linear.scatter [tilespmem:s18], [sflag:$0x3], $0x2800, $0x38;
	[tilespmem:$0x10000] =	vst v63  }
0xdd: {  	_ =	swait.ge [sflag:s19], $0x2800  }
0xde: {  	[sflag:s19] =	ssyncset.done $0x0  }
0xdf: {  	s30 =	sadd.s32 $0xF00, s23;
	[sflag:s19] =	ssyncadd.s32 $0xFFFFD800  }
0xe0: {  	[hbm4b:s30+s3] =	stream.linear.scatter [tilespmem:s20], [sflag:$0x4], $0x2800, $0x38;
	[tilespmem:$0x10000] =	vst v63  }
0xe1: {  	_ =	swait.ge [sflag:s21], $0x2800  }
0xe2: {  	[sflag:s21] =	ssyncset.done $0x0  }
0xe3: {  	s31 =	sadd.s32 $0x1400, s23;
	[sflag:s21] =	ssyncadd.s32 $0xFFFFD800  }
0xe4: {  	[hbm4b:s31+s3] =	stream.linear.scatter [tilespmem:s12], [sflag:$0x5], $0x2800, $0x38;
	[tilespmem:$0x10000] =	vst v63  }
0xe5: {  	_ =	swait.ge [sflag:s13], $0x2800  }
0xe6: {  	[sflag:s13] =	ssyncset.done $0x0  }
0xe7: {  	[sflag:s13] =	ssyncadd.s32 $0xFFFFD800  }
0xe8: {  	_ =	swait.ge [sflag:s15], $0x2800  }
0xe9: {  	[sflag:s15] =	ssyncset.done $0x0  }
0xea: {  	[sflag:s15] =	ssyncadd.s32 $0xFFFFD800  }
0xeb: {  	_ =	swait.ge [sflag:s17], $0x2800  }
0xec: {  	[sflag:s17] =	ssyncset.done $0x0  }
0xed: {  	s22 =	sadd.s32 $0x1, s22;
	[sflag:s17] =	ssyncadd.s32 $0xFFFFD800  }
0xee: {  	p0 =	sne.s32 s22, s7;
	_ =	swait.ge [sflag:s19], $0x2800  }
.Ltmp1:
0xef: {  	[sflag:s19] =	ssyncset.done $0x0;
	(pc) =	sbr.rel @p0 .LBB2_1-.Ltmp1, $4  }
0xf0: {  	[sflag:s19] =	ssyncadd.s32 $0xFFFFD800  }
0xf1: {  	_ =	swait.ge [sflag:s21], $0x2800  }
0xf2: {  	[sflag:s21] =	ssyncset.done $0x0  }
0xf3: {  	[sflag:s21] =	ssyncadd.s32 $0xFFFFD800  }
0xf4: {  	_ =	sfence.sel $0x180000  }
0xf5: {  	[bflag:$0x0] =	sbarrier.arrive $0xFFFF  }
0xf6: {  	_ =	strace $0x9000004A  }
0xf7: {  	s0 =	stileid.u32;
	[bflag:$0x2] =	sbarrier.arrive $0xFFFF  }
0xf8: {  	p0 =	sne.s32 s0, $0x0;
	s0 =	rddreg [dreg:$0x2]  }
0xf9: {  	s0 =	sadd.s32 @!p0 $0x100000, s0  }
0xfa: {  	[sflag:s0] =	ssyncadd.tile.s32 @!p0 $0x1;
	_ =	shalt  }
.Lfunc_end2:
_tile_overlayer_lowered:
.L_overlay_start_2:
0xfb: {  	(tag) =	ssettag $0x2  }
0xfc: {  	s0 =	rddreg [dreg:$0x0];
	s2 =	stileid.u32  }
0xfd: {  	s1 =	rddreg [dreg:$0x1];
	p0 =	sne.s32 s2, $0x0  }
0xfe: {  	s3 =	rddreg [dreg:$0x2];
	[bflag:$0x3] =	sbarrier.arrive $0xFFFF;
	s2 =	simm.s32 @!p0 $0x1C06  }
0xff: {  	[timem:s3], [sflag:s2] =	dma.local @!p0 [hbm:s0], s1  }
0x100: {  	s0 =	simm.s32 @!p0 $0x6  }
0x101: {  	_ =	swait.ge @!p0 [sflag:s0], s1  }
0x102: {  	s1 =	ssub.s32 @!p0 $0x0, s1;
	[sflag:s0] =	ssyncset.done @!p0 $0x0  }
0x103: {  	[sflag:s0] =	ssyncadd.s32 @!p0 s1  }
0x104: {  	[bflag:$0x3] =	sbarrier.arrive $0xFFFF  }
0x105: {  	_ =	shalt  }

// kernel: kernel.20.cloned.1.call-start
scs
__scs_entry_jumppad:
0x0: {  	(pc) =	sbr.rel $0x88, $3  }
0x1: {  	(tag) =	ssettag $0x0;
	lr =	simm.s32 $0x1  }
0x2: {  	[smem:$0x3F94] =	sst lr;
	_ =	strace $0xD0000000  }
0x3: {  	_ = 	snop  }
0x4: {  	_ = 	snop  }
0x5: {  	_ = 	snop  }
0x6: {  	_ = 	snop  }
0x7: {  	_ = 	snop  }
__scs_overlays_trampoline_lowered:
0x8: {  	[smem:$0x3FA3] =	sst s0  }
0x9: {  	[smem:$0x3FA4] =	sst s1  }
0xa: {  	[smem:$0x3FA5] =	sst s2  }
0xb: {  	[smem:$0x3FA6] =	sst s3  }
0xc: {  	[smem:$0x3FA7] =	sst s4  }
0xd: {  	[smem:$0x3FA8] =	sst s5  }
0xe: {  	[smem:$0x3FA9] =	sst s6  }
0xf: {  	[smem:$0x3FAA] =	sst s7  }
0x10: {  	[smem:$0x3FAB] =	sst s8  }
0x11: {  	[smem:$0x3FAC] =	sst s9;
	s0 =	simm.s32 @!p0 $0x0  }
0x12: {  	s1 =	sld [smem:$0x3F92];
	s0 =	simm.s32 @p0 $0x1  }
0x13: {  	[smem:$0x3FAD] =	sst s0;
	s0 =	simm.s32 @!p1 $0x0  }
0x14: {  	s2 =	sld [smem:$0x3F91];
	s0 =	simm.s32 @p1 $0x1  }
0x15: {  	[smem:$0x3FAE] =	sst s0;
	s0 =	simm.s32 @!p2 $0x0  }
0x16: {  	s3 =	sld [smem:$0x3FDB];
	s0 =	simm.s32 @p2 $0x1  }
0x17: {  	s4 =	simm.s32 $0x1BF5;
	[smem:$0x3FB0] =	sst s0  }
0x18: {  	s0 =	sld [smem:$0x3F93];
	_ =	swait.ge [sflag:s4], $0x0  }
0x19: {  	s7 =	sld [smem:$0x3F94]  }
0x1a: {  	s8 =	sadd.s32 $0xFFFFE003, lr  }
0x1b: {  	s9 =	sadd.s32 $0xFFFFFEF7, lr;
	s5 =	simm.s32 $0xFFFFFFFF;
	p2 =	slt.u32 s8, $0xFFFFF086  }
0x1c: {  	p1 =	slt.u32 s9, $0xF7A;
	s5 =	simm.s32 @!p2 $0x0  }
0x1d: {  	s5 =	simm.s32 @p1 $0x1;
	p0 =	seq.s32 s7, s2  }
0x1e: {  	s7 =	smul.u32 @!p0 $0xF7A, s2;
	p2 =	seq.s32 @!p0 s5, $0x0  }
0x1f: {  	s9 =	smul.u32 $0xF7A, s1;
	s8 =	simm.s32 @!p0 $0x1BF5;
	p2 =	por !p2, p0  }
0x20: {  	[sflag:s8] =	ssyncset.s32 @!p0 $0xFFFFF086;
	s6 =	sadd.s32 @!p0 s3, s7;
	s7 =	simm.s32 @!p0 $0x108  }
0x21: {  	s3 =	sadd.s32 s3, s9;
	s6 =	sadd.s32 @!p0 $0x88, s6;
	s7 =	simm.s32 @p2 $0x1082  }
0x22: {  	[simem:s7], [sflag:s8] =	dma.local @!p0 [hbm:s6], $0xF7A  }
0x23: {  	s9 =	sor.u32 $0xD0000000, s2;
	s6 =	simm.s32 $0x108;
	_ =	swait.ge @!p0 [sflag:s8], $0x0  }
0x24: {  	s3 =	sadd.s32 $0x88, s3;
	s6 =	simm.s32 @!p1 $0x1082;
	[sflag:s4] =	ssyncset.s32 $0xFFFFF086  }
0x25: {  	[simem:s6], [sflag:s4] =	dma.local [hbm:s3], $0xF7A  }
0x26: {  	[smem:$0x3F94] =	sst s1;
	(tag) =	ssettag s2;
	_ =	strace s9  }
0x27: {  	s1 =	sld [smem:$0x3FA4]  }
0x28: {  	s2 =	sld [smem:$0x3FA5]  }
0x29: {  	s4 =	sld [smem:$0x3FA7]  }
0x2a: {  	p0 =	seq.s32 s5, $0x0;
	s5 =	sld [smem:$0x3FA8]  }
0x2b: {  	s6 =	sld [smem:$0x3FA9]  }
0x2c: {  	s7 =	sld [smem:$0x3FAA]  }
0x2d: {  	s3 =	simm.s32 $0x108;
	s8 =	sld [smem:$0x3FAB]  }
0x2e: {  	s3 =	simm.s32 @!p0 $0x1082;
	s9 =	sld [smem:$0x3FAC]  }
0x2f: {  	lr =	sadd.s32 s0, s3;
	s0 =	sld [smem:$0x3FA3]  }
0x30: {  	s3 =	sld [smem:$0x3FA6]  }
0x31: {  	[smem:$0x3FAF] =	sst s10  }
0x32: {  	s10 =	sld [smem:$0x3FAD];
	_ =	sdelay $0x3  }
0x33: {  	p0 =	seq.s32 s10, $0x1;
	s10 =	sld [smem:$0x3FAF];
	_ =	sdelay $0x3  }
0x34: {  	[smem:$0x3FAF] =	sst s10  }
0x35: {  	s10 =	sld [smem:$0x3FAE];
	_ =	sdelay $0x3  }
0x36: {  	p1 =	seq.s32 s10, $0x1;
	s10 =	sld [smem:$0x3FAF];
	_ =	sdelay $0x3  }
0x37: {  	[smem:$0x3FAF] =	sst s10  }
0x38: {  	s10 =	sld [smem:$0x3FB0]  }
0x39: {  	_ = 	snop;
	(pc) =	sbr.ind lr, $3  }
0x3a: {  	_ = 	snop  }
0x3b: {  	_ = 	snop  }
0x3c: {  	p2 =	seq.s32 s10, $0x1;
	s10 =	sld [smem:$0x3FAF]  }
0x3d: {  	_ =	shalt  }
0x3e: {  	_ =	shalt  }
0x3f: {  	_ =	shalt  }
0x40: {  	_ =	shalt  }
0x41: {  	_ =	shalt  }
0x42: {  	_ =	shalt  }
0x43: {  	_ =	shalt  }
0x44: {  	_ =	shalt  }
0x45: {  	_ =	shalt  }
0x46: {  	_ =	shalt  }
0x47: {  	_ =	shalt  }
0x48: {  	_ =	shalt  }
0x49: {  	_ =	shalt  }
0x4a: {  	_ =	shalt  }
0x4b: {  	_ =	shalt  }
0x4c: {  	_ =	shalt  }
0x4d: {  	_ =	shalt  }
0x4e: {  	_ =	shalt  }
0x4f: {  	_ =	shalt  }
0x50: {  	_ =	shalt  }
0x51: {  	_ =	shalt  }
0x52: {  	_ =	shalt  }
0x53: {  	_ =	shalt  }
0x54: {  	_ =	shalt  }
0x55: {  	_ =	shalt  }
0x56: {  	_ =	shalt  }
0x57: {  	_ =	shalt  }
0x58: {  	_ =	shalt  }
0x59: {  	_ =	shalt  }
0x5a: {  	_ =	shalt  }
0x5b: {  	_ =	shalt  }
0x5c: {  	_ =	shalt  }
0x5d: {  	_ =	shalt  }
0x5e: {  	_ =	shalt  }
0x5f: {  	_ =	shalt  }
0x60: {  	_ =	shalt  }
0x61: {  	_ =	shalt  }
0x62: {  	_ =	shalt  }
0x63: {  	_ =	shalt  }
0x64: {  	_ =	shalt  }
0x65: {  	_ =	shalt  }
0x66: {  	_ =	shalt  }
0x67: {  	_ =	shalt  }
0x68: {  	_ =	shalt  }
0x69: {  	_ =	shalt  }
0x6a: {  	_ =	shalt  }
0x6b: {  	_ =	shalt  }
0x6c: {  	_ =	shalt  }
0x6d: {  	_ =	shalt  }
0x6e: {  	_ =	shalt  }
0x6f: {  	_ =	shalt  }
0x70: {  	_ =	shalt  }
0x71: {  	_ =	shalt  }
0x72: {  	_ =	shalt  }
0x73: {  	_ =	shalt  }
0x74: {  	_ =	shalt  }
0x75: {  	_ =	shalt  }
0x76: {  	_ =	shalt  }
0x77: {  	_ =	shalt  }
0x78: {  	_ =	shalt  }
0x79: {  	_ =	shalt  }
0x7a: {  	_ =	shalt  }
0x7b: {  	_ =	shalt  }
0x7c: {  	_ =	shalt  }
0x7d: {  	_ =	shalt  }
0x7e: {  	_ =	shalt  }
0x7f: {  	_ =	shalt  }
0x80: {  	_ =	shalt  }
0x81: {  	_ =	shalt  }
0x82: {  	_ =	shalt  }
0x83: {  	_ =	shalt  }
0x84: {  	_ =	shalt  }
0x85: {  	_ =	shalt  }
0x86: {  	_ =	shalt  }
0x87: {  	_ =	shalt  }
.Lfunc_end0:
.L_simem_size_0:
called_computation.3_lowered:
.L_overlay_start_0:
0x88: {  	s0 =	sld [smem:$0x3FD9]  }
0x89: {  	s1 =	sld [smem:$0x3FFE];
	_ =	sdelay $0x3  }
0x8a: {  	s0 =	sadd.s32 s1, s0  }
0x8b: {  	[smem:$0x3FBB] =	sst s0  }
0x8c: {  	_ = 	snop  }
0x8d: {  	(tm) =	ssettm $0x1  }
0x8e: {  	s15 =	sld [smem:$0x3FFB];
	_ =	sdelay $0x3  }
0x8f: {  	_ =	strace s15  }
0x90: {  	s0 =	sld [smem:$0x3FFC];
	_ =	sdelay $0x3  }
0x91: {  	_ =	strace s0  }
0x92: {  	s0 =	sld [smem:$0x3FFD];
	_ =	sdelay $0x3  }
0x93: {  	_ =	strace s0  }
0x94: {  	_ =	strace $0x8FFFFFFF  }
0x95: {  	s16 =	sld [smem:$0x3FDB];
	_ =	sdelay $0x1  }
0x96: {  	s17 =	simm.s32 $_scs_section_size  }
0x97: {  	s2 =	simm.s32 $_size__tile_overlayer_lowered;
	s3 =	simm.s32 $_tile_overlayer_lowered  }
0x98: {  	s20 =	simm.s32 $0x1BFF;
	s19 =	sshll.u32 s3, $0x1;
	s0 =	sadd.s32 s17, s16  }
0x99: {  	s4 =	simm.s32 $0x0;
	s18 =	sshll.u32 s2, $0x1;
	s2 =	sadd.s32 s19, s0  }
0x9a: {  	[timem:s4], [sflag:s20] =	dma.local [hbm:s2], s18  }
0x9b: {  	_ =	swait.ge [sflag:s20], s18  }
0x9c: {  	s1 =	ssub.s32 $0x0, s18;
	[sflag:s20] =	ssyncset.done $0x0  }
0x9d: {  	[sflag:s20] =	ssyncadd.s32 s1;
	_ =	sdelay $0x1  }
0x9e: {  	s21 =	simm.s32 $0x1B8B  }
0x9f: {  	_ =	swait.ge [sflag:s21], $0x1  }
0xa0: {  	[sflag:s21] =	ssyncset.done $0x0  }
0xa1: {  	s23 =	simm.s32 $0x1B8E;
	s22 =	sld [smem:$0x3FFE];
	[sflag:s21] =	ssyncadd.s32 $0xFFFFFFFF  }
0xa2: {  	s24 =	simm.s32 $execute0_lowered;
	[smem:$0x3FD2] =	sst s23  }
0xa3: {  	s2 =	sshll.u32 s24, $0x1;
	_ =	strace $0x8000004F;
	[dreg:$0x1] =	wrdreg $0xFFFFFFFF  }
0xa4: {  	s25 =	simm.s32 $_size_execute0_lowered;
	s0 =	sadd.s32 s0, s2;
	[dreg:$0x0] =	wrdreg $0x0  }
0xa5: {  	s2 =	sshll.u32 s25, $0x1;
	[dreg:$0x2] =	wrdreg s0  }
0xa6: {  	[dreg:$0x3] =	wrdreg s2  }
0xa7: {  	[dreg:$0x4] =	wrdreg $0xC0  }
0xa8: {  	_ =	task [dreg:s4], $0x5FFFF  }
0xa9: {  	[dreg:$0x1] =	wrdreg $0xFFFFFFFF  }
0xaa: {  	[dreg:$0x0] =	wrdreg $0x60  }
0xab: {  	[dreg:$0x2] =	wrdreg s22  }
0xac: {  	[dreg:$0x3] =	wrdreg $0x84000  }
0xad: {  	[dreg:$0x4] =	wrdreg $0x9  }
0xae: {  	_ =	task.clear_ibuf [dreg:s4], $0x5FFFF;
	_ =	strace $0x9000004F  }
0xaf: {  	s26 =	simm.s32 $0x9;
	_ =	strace $0x80000051  }
0xb0: {  	_ =	swait.ge [sflag:s26], $0x1  }
0xb1: {  	[sflag:s26] =	ssyncadd.s32 $0xFFFFFFFF  }
0xb2: {  	_ =	strace $0x90000051  }
0xb3: {  	_ =	sfence  }
0xb4: {  	s28 =	sld [smem:$0x0];
	_ =	sdelay $0x1  }
0xb5: {  	s29 =	srdreg.scid  }
0xb6: {  	s30 =	sshll.u32 s29, $0xD;
	s31 =	sshrl.u32 s29, $0x2  }
0xb7: {  	s1 =	sand.u32 $0x1, s29;
	s2 =	sand.u32 $0x4000, s30;
	s0 =	sadd.s32 s31, s28  }
0xb8: {  	s1 =	sor.u32 s2, s1;
	s0 =	sshll.u32 s0, $0x11  }
0xb9: {  	s0 =	sor.u32 s0, s1  }
0xba: {  	s0 =	sadd.s32 $0x8F2B, s0  }
0xbb: {  	[sflag:s0] =	ssyncadd.remote.s32 $0x1  }
0xbc: {  	_ =	sfence.sel $0xFFFF  }
0xbd: {  	[dreg:$0x0] =	wrdreg $0xFFFFFFFF;
	(pc) =	sbr.abs _section_cstart, $3  }
0xbe: {  	[dreg:$0x1] =	wrdreg $0xFFFFFFFF  }
0xbf: {  	_ =	task.clear_ibuf [dreg:s4], $0x2FFFF;
	_ =	strace $0x9FFFFFFF  }
0xc0: {  	(tm) =	ssettm $0x7FFFFFFF  }
0xc1: {  	_ =	shalt  }
tec
execute0_lowered:
.L_overlay_start_1:
0x0: {  	(tag) =	ssettag $0x1  }
0x1: {  	s1 =	rddreg [dreg:$0x0]  }
0x2: {  	s3 =	rddreg [dreg:$0x1];
	s2 =	simm.s32 $0x0;
	s5 =	simm.s32 $0x200  }
0x3: {  	s4 =	simm.s32 $0x0;
	s23 =	sadd.s32 $0x245600, s1;
	s21 =	sadd.s32 $0xA2A600, s1  }
0x4: {  	[smem:$0x7FF] =	sst s2;
	s8 =	sadd.s32 $0x51600, s1;
	s22 =	sadd.s32 $0xA23E00, s1  }
0x5: {  	s24 =	sadd.s32 $0x4600, s1;
	s0 =	sadd.s32 $0xA1D600, s1;
	s2 =	sadd.s32 $0x7E00, s1  }
0x6: {  	v0 =	vimm.f32 $0.0e+00;
	s1 =	stileid.u32;
	_ =	strace $0x80000050;
	[dreg:$0x4] =	wrdreg s0  }
.LBB2_1:
0x7: {  	p0 =	sne.s32 s5, $0x9E00;
	[tilespmem:s4+$0x3470] =	vst v0  }
0x8: {  	[tilespmem:s4+$0x3400] =	vst v0  }
0x9: {  	[tilespmem:s4+$0x3410] =	vst v0  }
.Ltmp0:
0xa: {  	[tilespmem:s4+$0x3420] =	vst v0;
	(pc) =	sbr.rel @p0 .LBB2_1-.Ltmp0, $4  }
0xb: {  	[tilespmem:s4+$0x3430] =	vst v0  }
0xc: {  	[tilespmem:s4+$0x3440] =	vst v0  }
0xd: {  	[tilespmem:s4+$0x3450] =	vst v0  }
0xe: {  	[tilespmem:s4+$0x3460] =	vst v0;
	s4 =	sshra.s32 s5, $0x2;
	s5 =	sadd.s32 $0x200, s5  }
0xf: {  	[tilespmem:s4+$0x3470] =	vst v0  }
0x10: {  	[tilespmem:s4+$0x3400] =	vst v0  }
0x11: {  	[tilespmem:s4+$0x3410] =	vst v0  }
0x12: {  	[tilespmem:s4+$0x3420] =	vst v0  }
0x13: {  	[tilespmem:s4+$0x3430] =	vst v0;
	s5 =	smul.u32 $0x50000, s1  }
0x14: {  	[tilespmem:s4+$0x3440] =	vst v0  }
0x15: {  	[tilespmem:s4+$0x3450] =	vst v0;
	s0 =	smul.u32 $0x280, s1;
	s5 =	sshrl.u32 s5, $0x2  }
0x16: {  	[tilespmem:s4+$0x3460] =	vst v0;
	s25 =	simm.s32 $0x3400;
	s26 =	simm.s32 $0x2;
	s19 =	sadd.s32 s5, s3  }
0x17: {  	[spmem:s19] =	stream.linear.scatter [tilespmem:s25], [sflag:$0x2], $0x2800, $0x38;
	[tilespmem:$0x1C400] =	vst v63  }
0x18: {  	s15 =	sor.u32 $0x50, s0;
	_ =	swait.ge [sflag:s26], $0x2800  }
0x19: {  	s10 =	sshll.u32 s15, $0x7;
	[sflag:s26] =	ssyncset.done $0x0  }
0x1a: {  	s18 =	sadd.s32 s10, s3;
	[sflag:s26] =	ssyncadd.s32 $0xFFFFD800  }
0x1b: {  	[spmem:s18] =	stream.linear.scatter [tilespmem:s25], [sflag:$0x2], $0x2800, $0x38;
	[tilespmem:$0x1C400] =	vst v63  }
0x1c: {  	s13 =	sadd.s32 $0xA0, s0;
	_ =	swait.ge [sflag:s26], $0x2800  }
0x1d: {  	s11 =	sshll.u32 s13, $0x7;
	[sflag:s26] =	ssyncset.done $0x0  }
0x1e: {  	s17 =	sadd.s32 s11, s3;
	[sflag:s26] =	ssyncadd.s32 $0xFFFFD800  }
0x1f: {  	[spmem:s17] =	stream.linear.scatter [tilespmem:s25], [sflag:$0x2], $0x2800, $0x38;
	[tilespmem:$0x1C400] =	vst v63  }
0x20: {  	s11 =	sadd.s32 $0xF0, s0;
	_ =	swait.ge [sflag:s26], $0x2800  }
0x21: {  	s12 =	sshll.u32 s11, $0x7;
	[sflag:s26] =	ssyncset.done $0x0  }
0x22: {  	s16 =	sadd.s32 s12, s3;
	[sflag:s26] =	ssyncadd.s32 $0xFFFFD800  }
0x23: {  	[spmem:s16] =	stream.linear.scatter [tilespmem:s25], [sflag:$0x2], $0x2800, $0x38;
	[tilespmem:$0x1C400] =	vst v63  }
0x24: {  	s9 =	sadd.s32 $0x140, s0;
	_ =	swait.ge [sflag:s26], $0x2800  }
0x25: {  	s14 =	sshll.u32 s9, $0x7;
	[sflag:s26] =	ssyncset.done $0x0  }
0x26: {  	s14 =	sadd.s32 s14, s3;
	[sflag:s26] =	ssyncadd.s32 $0xFFFFD800  }
0x27: {  	[spmem:s14] =	stream.linear.scatter [tilespmem:s25], [sflag:$0x2], $0x2800, $0x38;
	[tilespmem:$0x1C400] =	vst v63  }
0x28: {  	s6 =	sadd.s32 $0x190, s0;
	_ =	swait.ge [sflag:s26], $0x2800  }
0x29: {  	s20 =	sshll.u32 s6, $0x7;
	[sflag:s26] =	ssyncset.done $0x0  }
0x2a: {  	s12 =	sadd.s32 s20, s3;
	[sflag:s26] =	ssyncadd.s32 $0xFFFFD800  }
0x2b: {  	[spmem:s12] =	stream.linear.scatter [tilespmem:s25], [sflag:$0x2], $0x2800, $0x38;
	[tilespmem:$0x1C400] =	vst v63  }
0x2c: {  	s5 =	sadd.s32 $0x1E0, s0;
	_ =	swait.ge [sflag:s26], $0x2800  }
0x2d: {  	s7 =	sshll.u32 s5, $0x7;
	[sflag:s26] =	ssyncset.done $0x0  }
0x2e: {  	s10 =	sadd.s32 s7, s3;
	[sflag:s26] =	ssyncadd.s32 $0xFFFFD800  }
0x2f: {  	[spmem:s10] =	stream.linear.scatter [tilespmem:s25], [sflag:$0x2], $0x2800, $0x38;
	[tilespmem:$0x1C400] =	vst v63  }
0x30: {  	s0 =	sadd.s32 $0x230, s0;
	_ =	swait.ge [sflag:s26], $0x2800  }
0x31: {  	[dreg:$0x3] =	wrdreg s0;
	s0 =	sshll.u32 s0, $0x7;
	[sflag:s26] =	ssyncset.done $0x0  }
0x32: {  	s7 =	sadd.s32 s0, s3;
	[sflag:s26] =	ssyncadd.s32 $0xFFFFD800  }
0x33: {  	[spmem:s7] =	stream.linear.scatter [tilespmem:s25], [sflag:$0x2], $0x2800, $0x38;
	[tilespmem:$0x1C400] =	vst v63  }
0x34: {  	_ =	swait.ge [sflag:s26], $0x2800  }
0x35: {  	s28 =	smul.u32 $0x380, s1;
	[sflag:s26] =	ssyncset.done $0x0  }
0x36: {  	[sflag:s26] =	ssyncadd.s32 $0xFFFFD800  }
0x37: {  	s24 =	sadd.s32 s24, s28;
	s28 =	simm.s32 $0x0;
	[bflag:$0x0] =	sbarrier.arrive $0xFFFF  }
0x38: {  	[tilespmem:s28], [sflag:$0x2] =	stream.linear.gather [hbm4b:s24+s28], $0x1900, $0x38;
	[tilespmem:$0x1C400] =	vst v63  }
0x39: {  	s4 =	smul.u32 $0xFA00, s1;
	_ =	swait.ge [sflag:s26], $0x1900  }
0x3a: {  	[sflag:s26] =	ssyncset.done $0x0  }
0x3b: {  	s24 =	sadd.s32 s23, s4;
	[sflag:s26] =	ssyncadd.s32 $0xFFFFE700  }
0x3c: {  	[tilespmem:s25], [sflag:$0x1] =	stream.linear.gather [hbm4b:s24+s28], $0x2800, $0x38;
	[tilespmem:$0x1C400] =	vst v63  }
0x3d: {  	s24 =	simm.s32 $0x1  }
0x3e: {  	s25 =	smul.u32 $0xFA0, s1;
	s20 =	smin.u32 s24, $0x31  }
0x3f: {  	s26 =	smul.u32 $0x50, s20  }
0x40: {  	_ =	swait.ge [sflag:s24], $0x2800  }
0x41: {  	s29 =	sand.u32 $0x1, s24;
	[sflag:s24] =	ssyncset.done $0x0;
	s26 =	sadd.s32 s25, s26  }
0x42: {  	p0 =	seq.s32 s29, $0x0;
	[sflag:s24] =	ssyncadd.s32 $0xFFFFD800;
	s26 =	sshll.u32 s26, $0x4  }
0x43: {  	s29 =	simm.s32 @p0 $0x0;
	s30 =	simm.s32 @p0 $0x3400;
	s26 =	sadd.s32 s23, s26  }
0x44: {  	[tilespmem:s30], [sflag:$0x1] =	stream.linear.gather @p0 [hbm4b:s26+s29], $0x2800, $0x38;
	[tilespmem:$0x1C400] =	vst v63  }
0x45: {  	s29 =	simm.s32 @p0 $0x50;
	s30 =	simm.s32 @p0 $0x5C00  }
0x46: {  	[spmem:s3] =	stream.indirect.scatter.add.f32 @p0 [tilespmem:s30], [sflag:$0x2], $0x80, s28, s29, $0xb8;
	[tilespmem:$0x1C400] =	vst v63  }
0x47: {  	s31 =	simm.s32 @!p0 $0x5C00;
	s29 =	simm.s32 @!p0 $0x3;
	s30 =	simm.s32 @!p0 $0x0  }
0x48: {  	[tilespmem:s31], [sflag:$0x1] =	stream.linear.gather @!p0 [hbm4b:s26+s30], $0x2800, $0x38;
	[tilespmem:$0x1C400] =	vst v63  }
0x49: {  	s29 =	simm.s32 @p0 $0x2;
	s26 =	simm.s32 @!p0 $0x50;
	s30 =	simm.s32 @!p0 $0x3400  }
0x4a: {  	[spmem:s3] =	stream.indirect.scatter.add.f32 @!p0 [tilespmem:s30], [sflag:$0x3], $0x80, s28, s26, $0xb8;
	[tilespmem:$0x1C400] =	vst v63  }
0x4b: {  	s30 =	simm.s32 $0x2;
	s28 =	simm.s32 $0x3;
	_ =	swait.ge [sflag:s29], $0x2800  }
0x4c: {  	s26 =	simm.s32 $0x80;
	s31 =	smin.u32 s30, $0x31;
	[sflag:s29] =	ssyncset.done $0x0  }
.LBB2_3:
0x4d: {  	s31 =	smul.u32 $0x50, s31  }
0x4e: {  	[sflag:s29] =	ssyncadd.s32 $0xFFFFD800;
	s0 =	smov.u32 s28;
	s28 =	sadd.s32 $0x1, s28  }
0x4f: {  	p0 =	sne.s32 s28, $0x33;
	_ =	swait.ge [sflag:s24], $0x2800  }
0x50: {  	s29 =	sand.u32 $0x1, s30;
	[sflag:s24] =	ssyncset.done $0x0;
	s30 =	sadd.s32 s25, s31  }
0x51: {  	p1 =	seq.s32 s29, $0x0;
	[sflag:s24] =	ssyncadd.s32 $0xFFFFD800;
	s29 =	sshll.u32 s30, $0x4  }
0x52: {  	s30 =	simm.s32 @p1 $0x3400;
	s31 =	sadd.s32 s23, s29;
	s29 =	simm.s32 @p1 $0x0  }
0x53: {  	[tilespmem:s30], [sflag:$0x1] =	stream.linear.gather @p1 [hbm4b:s31+s29], $0x2800, $0x38;
	[tilespmem:$0x1C400] =	vst v63  }
0x54: {  	s20 =	simm.s32 @p1 $0x5C00;
	s30 =	simm.s32 @p1 $0x50;
	s29 =	simm.s32 @!p1 $0x3  }
0x55: {  	[spmem:s3] =	stream.indirect.scatter.add.f32 @p1 [tilespmem:s20], [sflag:$0x2], $0x80, s26, s30, $0xb8;
	[tilespmem:$0x1C400] =	vst v63  }
0x56: {  	s4 =	simm.s32 @!p1 $0x5C00;
	s20 =	simm.s32 @!p1 $0x0;
	s30 =	smov.u32 s0  }
0x57: {  	[tilespmem:s4], [sflag:$0x1] =	stream.linear.gather @!p1 [hbm4b:s31+s20], $0x2800, $0x38;
	[tilespmem:$0x1C400] =	vst v63  }
.Ltmp1:
0x58: {  	_ = 	snop;
	(pc) =	sbr.rel @p0 .LBB2_3-.Ltmp1, $4  }
0x59: {  	s29 =	simm.s32 @p1 $0x2;
	s0 =	simm.s32 @!p1 $0x50;
	s4 =	simm.s32 @!p1 $0x3400  }
0x5a: {  	[spmem:s3] =	stream.indirect.scatter.add.f32 @!p1 [tilespmem:s4], [sflag:$0x3], $0x80, s26, s0, $0xb8;
	[tilespmem:$0x1C400] =	vst v63  }
0x5b: {  	_ =	swait.ge [sflag:s29], $0x2800  }
0x5c: {  	s31 =	smin.u32 s30, $0x31;
	s26 =	sadd.s32 $0x80, s26;
	[sflag:s29] =	ssyncset.done $0x0  }
0x5d: {  	s0 =	smul.u32 $0x50, s31  }
0x5e: {  	[sflag:s29] =	ssyncadd.s32 $0xFFFFD800;
	s4 =	sand.u32 $0x1, s30  }
0x5f: {  	_ =	swait.ge [sflag:s24], $0x2800;
	p0 =	seq.s32 s4, $0x0;
	s0 =	sadd.s32 s25, s0  }
0x60: {  	[sflag:s24] =	ssyncset.done $0x0;
	s4 =	simm.s32 @p0 $0x0;
	s0 =	sshll.u32 s0, $0x4  }
0x61: {  	s20 =	simm.s32 @p0 $0x3400;
	[sflag:s24] =	ssyncadd.s32 $0xFFFFD800;
	s0 =	sadd.s32 s23, s0  }
0x62: {  	[tilespmem:s20], [sflag:$0x1] =	stream.linear.gather @p0 [hbm4b:s0+s4], $0x2800, $0x38;
	[tilespmem:$0x1C400] =	vst v63  }
0x63: {  	s4 =	simm.s32 @p0 $0x50;
	s20 =	simm.s32 @p0 $0x5C00  }
0x64: {  	[spmem:s3] =	stream.indirect.scatter.add.f32 @p0 [tilespmem:s20], [sflag:$0x2], $0x80, s26, s4, $0xb8;
	[tilespmem:$0x1C400] =	vst v63  }
0x65: {  	s23 =	simm.s32 @!p0 $0x5C00;
	s4 =	simm.s32 @!p0 $0x3;
	s20 =	simm.s32 @!p0 $0x0  }
0x66: {  	[tilespmem:s23], [sflag:$0x1] =	stream.linear.gather @!p0 [hbm4b:s0+s20], $0x2800, $0x38;
	[tilespmem:$0x1C400] =	vst v63  }
0x67: {  	s4 =	simm.s32 @p0 $0x2;
	s0 =	simm.s32 @!p0 $0x50;
	s20 =	simm.s32 @!p0 $0x3400  }
0x68: {  	[spmem:s3] =	stream.indirect.scatter.add.f32 @!p0 [tilespmem:s20], [sflag:$0x3], $0x80, s26, s0, $0xb8;
	[tilespmem:$0x1C400] =	vst v63  }
0x69: {  	_ =	swait.ge [sflag:s4], $0x2800  }
0x6a: {  	[sflag:s4] =	ssyncset.done $0x0  }
0x6b: {  	s25 =	simm.s32 $0x1;
	s23 =	smul.u32 $0x680, s1;
	[sflag:s4] =	ssyncadd.s32 $0xFFFFD800  }
0x6c: {  	_ =	swait.ge [sflag:s25], $0x2800  }
0x6d: {  	s26 =	sadd.s32 s22, s23;
	[sflag:s25] =	ssyncset.done $0x0  }
0x6e: {  	s20 =	simm.s32 $0x2;
	s4 =	simm.s32 $0x0;
	[sflag:s25] =	ssyncadd.s32 $0xFFFFD800  }
0x6f: {  	[tilespmem:s4], [sflag:$0x2] =	stream.linear.gather [hbm4b:s26+s4], $0x3200, $0x38;
	[tilespmem:$0x1C400] =	vst v63  }
0x70: {  	s24 =	smul.u32 $0x1F400, s1;
	_ =	swait.ge [sflag:s20], $0x3200  }
0x71: {  	[sflag:s20] =	ssyncset.done $0x0  }
0x72: {  	s22 =	sadd.s32 s21, s24;
	s26 =	simm.s32 $0x3400;
	[sflag:s20] =	ssyncadd.s32 $0xFFFFCE00  }
0x73: {  	[tilespmem:s26], [sflag:$0x1] =	stream.linear.gather [hbm4b:s22+s4], $0x2800, $0x38;
	[tilespmem:$0x1C400] =	vst v63  }
0x74: {  	s20 =	smin.u32 s25, $0x63;
	s22 =	smul.u32 $0x1F40, s1  }
0x75: {  	s0 =	smul.u32 $0x50, s20  }
0x76: {  	s26 =	sand.u32 $0x1, s25  }
0x77: {  	_ =	swait.ge [sflag:s25], $0x2800;
	p0 =	seq.s32 s26, $0x0;
	s0 =	sadd.s32 s22, s0  }
0x78: {  	[sflag:s25] =	ssyncset.done $0x0;
	s20 =	simm.s32 @p0 $0x0;
	s0 =	sshll.u32 s0, $0x4  }
0x79: {  	s26 =	simm.s32 @p0 $0x3400;
	[sflag:s25] =	ssyncadd.s32 $0xFFFFD800;
	s0 =	sadd.s32 s21, s0  }
0x7a: {  	[tilespmem:s26], [sflag:$0x1] =	stream.linear.gather @p0 [hbm4b:s0+s20], $0x2800, $0x38;
	[tilespmem:$0x1C400] =	vst v63  }
0x7b: {  	s20 =	simm.s32 @p0 $0x50;
	s26 =	simm.s32 @p0 $0x5C00  }
0x7c: {  	[spmem:s3] =	stream.indirect.scatter.add.f32 @p0 [tilespmem:s26], [sflag:$0x2], $0x80, s4, s20, $0xb8;
	[tilespmem:$0x1C400] =	vst v63  }
0x7d: {  	s29 =	simm.s32 @!p0 $0x3;
	s20 =	simm.s32 @!p0 $0x0;
	s26 =	simm.s32 @!p0 $0x5C00  }
0x7e: {  	[tilespmem:s26], [sflag:$0x1] =	stream.linear.gather @!p0 [hbm4b:s0+s20], $0x2800, $0x38;
	[tilespmem:$0x1C400] =	vst v63  }
0x7f: {  	s29 =	simm.s32 @p0 $0x2;
	s0 =	simm.s32 @!p0 $0x50;
	s20 =	simm.s32 @!p0 $0x3400  }
0x80: {  	[spmem:s3] =	stream.indirect.scatter.add.f32 @!p0 [tilespmem:s20], [sflag:$0x3], $0x80, s4, s0, $0xb8;
	[tilespmem:$0x1C400] =	vst v63  }
0x81: {  	s30 =	simm.s32 $0x2;
	s28 =	simm.s32 $0x3;
	_ =	swait.ge [sflag:s29], $0x2800  }
0x82: {  	s31 =	smin.u32 s30, $0x63;
	s26 =	simm.s32 $0x80;
	[sflag:s29] =	ssyncset.done $0x0  }
.LBB2_5:
0x83: {  	s0 =	smul.u32 $0x50, s31  }
0x84: {  	[sflag:s29] =	ssyncadd.s32 $0xFFFFD800;
	s4 =	smov.u32 s28;
	s28 =	sadd.s32 $0x1, s28  }
0x85: {  	p0 =	sne.s32 s28, $0x65;
	_ =	swait.ge [sflag:s25], $0x2800  }
0x86: {  	s20 =	sand.u32 $0x1, s30;
	[sflag:s25] =	ssyncset.done $0x0;
	s0 =	sadd.s32 s22, s0  }
0x87: {  	p1 =	seq.s32 s20, $0x0;
	[sflag:s25] =	ssyncadd.s32 $0xFFFFD800;
	s0 =	sshll.u32 s0, $0x4  }
0x88: {  	s20 =	simm.s32 @p1 $0x0;
	s29 =	simm.s32 @p1 $0x3400;
	s0 =	sadd.s32 s21, s0  }
0x89: {  	[tilespmem:s29], [sflag:$0x1] =	stream.linear.gather @p1 [hbm4b:s0+s20], $0x2800, $0x38;
	[tilespmem:$0x1C400] =	vst v63  }
0x8a: {  	s30 =	simm.s32 @p1 $0x5C00;
	s20 =	simm.s32 @p1 $0x50;
	s29 =	simm.s32 @!p1 $0x3  }
0x8b: {  	[spmem:s3] =	stream.indirect.scatter.add.f32 @p1 [tilespmem:s30], [sflag:$0x2], $0x80, s26, s20, $0xb8;
	[tilespmem:$0x1C400] =	vst v63  }
0x8c: {  	s31 =	simm.s32 @!p1 $0x5C00;
	s20 =	simm.s32 @!p1 $0x0;
	s30 =	smov.u32 s4  }
0x8d: {  	[tilespmem:s31], [sflag:$0x1] =	stream.linear.gather @!p1 [hbm4b:s0+s20], $0x2800, $0x38;
	[tilespmem:$0x1C400] =	vst v63  }
.Ltmp2:
0x8e: {  	_ = 	snop;
	(pc) =	sbr.rel @p0 .LBB2_5-.Ltmp2, $4  }
0x8f: {  	s29 =	simm.s32 @p1 $0x2;
	s4 =	simm.s32 @!p1 $0x3400;
	s0 =	simm.s32 @!p1 $0x50  }
0x90: {  	[spmem:s3] =	stream.indirect.scatter.add.f32 @!p1 [tilespmem:s4], [sflag:$0x3], $0x80, s26, s0, $0xb8;
	[tilespmem:$0x1C400] =	vst v63  }
0x91: {  	_ =	swait.ge [sflag:s29], $0x2800  }
0x92: {  	s31 =	smin.u32 s30, $0x63;
	s26 =	sadd.s32 $0x80, s26;
	[sflag:s29] =	ssyncset.done $0x0  }
0x93: {  	s0 =	smul.u32 $0x50, s31  }
0x94: {  	[sflag:s29] =	ssyncadd.s32 $0xFFFFD800;
	s4 =	sand.u32 $0x1, s30  }
0x95: {  	_ =	swait.ge [sflag:s25], $0x2800;
	p0 =	seq.s32 s4, $0x0;
	s0 =	sadd.s32 s22, s0  }
0x96: {  	[sflag:s25] =	ssyncset.done $0x0;
	s4 =	simm.s32 @p0 $0x0;
	s0 =	sshll.u32 s0, $0x4  }
0x97: {  	s20 =	simm.s32 @p0 $0x3400;
	[sflag:s25] =	ssyncadd.s32 $0xFFFFD800;
	s0 =	sadd.s32 s21, s0  }
0x98: {  	[tilespmem:s20], [sflag:$0x1] =	stream.linear.gather @p0 [hbm4b:s0+s4], $0x2800, $0x38;
	[tilespmem:$0x1C400] =	vst v63  }
0x99: {  	s4 =	simm.s32 @p0 $0x50;
	s20 =	simm.s32 @p0 $0x5C00  }
0x9a: {  	[spmem:s3] =	stream.indirect.scatter.add.f32 @p0 [tilespmem:s20], [sflag:$0x2], $0x80, s26, s4, $0xb8;
	[tilespmem:$0x1C400] =	vst v63  }
0x9b: {  	s21 =	simm.s32 @!p0 $0x5C00;
	s4 =	simm.s32 @!p0 $0x3;
	s20 =	simm.s32 @!p0 $0x0  }
0x9c: {  	[tilespmem:s21], [sflag:$0x1] =	stream.linear.gather @!p0 [hbm4b:s0+s20], $0x2800, $0x38;
	[tilespmem:$0x1C400] =	vst v63  }
0x9d: {  	s4 =	simm.s32 @p0 $0x2;
	s0 =	simm.s32 @!p0 $0x50;
	s20 =	simm.s32 @!p0 $0x3400  }
0x9e: {  	[spmem:s3] =	stream.indirect.scatter.add.f32 @!p0 [tilespmem:s20], [sflag:$0x3], $0x80, s26, s0, $0xb8;
	[tilespmem:$0x1C400] =	vst v63  }
0x9f: {  	_ =	swait.ge [sflag:s4], $0x2800  }
0xa0: {  	[sflag:s4] =	ssyncset.done $0x0  }
0xa1: {  	s21 =	simm.s32 $0x1;
	[sflag:s4] =	ssyncadd.s32 $0xFFFFD800  }
0xa2: {  	_ =	swait.ge [sflag:s21], $0x2800  }
0xa3: {  	s26 =	simm.s32 $0x2;
	[sflag:s21] =	ssyncset.done $0x0;
	s25 =	rddreg [dreg:$0x4]  }
0xa4: {  	s4 =	simm.s32 $0x0;
	s0 =	sadd.s32 s25, s23;
	[sflag:s21] =	ssyncadd.s32 $0xFFFFD800  }
0xa5: {  	[tilespmem:s4], [sflag:$0x2] =	stream.linear.gather [hbm4b:s0+s4], $0x3200, $0x38;
	[tilespmem:$0x1C400] =	vst v63  }
0xa6: {  	s28 =	sadd.s32 s8, s24;
	_ =	swait.ge [sflag:s26], $0x3200  }
0xa7: {  	s29 =	simm.s32 $0x3400;
	s30 =	smin.u32 s21, $0x63;
	[sflag:s26] =	ssyncset.done $0x0  }
0xa8: {  	s31 =	sand.u32 $0x1, s21;
	s0 =	smul.u32 $0x50, s30;
	[sflag:s26] =	ssyncadd.s32 $0xFFFFCE00  }
0xa9: {  	[tilespmem:s29], [sflag:$0x1] =	stream.linear.gather [hbm4b:s28+s4], $0x2800, $0x38;
	[tilespmem:$0x1C400] =	vst v63  }
0xaa: {  	p0 =	seq.s32 s31, $0x0;
	s0 =	sadd.s32 s22, s0;
	_ =	swait.ge [sflag:s21], $0x2800  }
0xab: {  	s20 =	simm.s32 @p0 $0x0;
	s0 =	sshll.u32 s0, $0x4;
	[sflag:s21] =	ssyncset.done $0x0  }
0xac: {  	s23 =	simm.s32 @p0 $0x3400;
	s0 =	sadd.s32 s8, s0;
	[sflag:s21] =	ssyncadd.s32 $0xFFFFD800  }
0xad: {  	[tilespmem:s23], [sflag:$0x1] =	stream.linear.gather @p0 [hbm4b:s0+s20], $0x2800, $0x38;
	[tilespmem:$0x1C400] =	vst v63  }
0xae: {  	s24 =	simm.s32 @!p0 $0x3;
	s20 =	simm.s32 @p0 $0x50;
	s23 =	simm.s32 @p0 $0x5C00  }
0xaf: {  	[spmem:s3] =	stream.indirect.scatter.add.f32 @p0 [tilespmem:s23], [sflag:$0x2], $0x80, s4, s20, $0xb8;
	[tilespmem:$0x1C400] =	vst v63  }
0xb0: {  	s24 =	simm.s32 @p0 $0x2;
	s20 =	simm.s32 @!p0 $0x0;
	s23 =	simm.s32 @!p0 $0x5C00  }
0xb1: {  	[tilespmem:s23], [sflag:$0x1] =	stream.linear.gather @!p0 [hbm4b:s0+s20], $0x2800, $0x38;
	[tilespmem:$0x1C400] =	vst v63  }
0xb2: {  	s25 =	simm.s32 $0x2;
	s0 =	simm.s32 @!p0 $0x50;
	s20 =	simm.s32 @!p0 $0x3400  }
0xb3: {  	[spmem:s3] =	stream.indirect.scatter.add.f32 @!p0 [tilespmem:s20], [sflag:$0x3], $0x80, s4, s0, $0xb8;
	[tilespmem:$0x1C400] =	vst v63  }
0xb4: {  	s26 =	smin.u32 s25, $0x63;
	_ =	swait.ge [sflag:s24], $0x2800  }
0xb5: {  	s23 =	simm.s32 $0x3;
	s20 =	simm.s32 $0x80;
	[sflag:s24] =	ssyncset.done $0x0  }
.LBB2_7:
0xb6: {  	s0 =	smul.u32 $0x50, s26  }
0xb7: {  	[sflag:s24] =	ssyncadd.s32 $0xFFFFD800;
	s4 =	smov.u32 s23;
	s23 =	sadd.s32 $0x1, s23  }
0xb8: {  	p0 =	sne.s32 s23, $0x65;
	_ =	swait.ge [sflag:s21], $0x2800  }
0xb9: {  	s24 =	sand.u32 $0x1, s25;
	[sflag:s21] =	ssyncset.done $0x0;
	s0 =	sadd.s32 s22, s0  }
0xba: {  	p1 =	seq.s32 s24, $0x0;
	[sflag:s21] =	ssyncadd.s32 $0xFFFFD800;
	s0 =	sshll.u32 s0, $0x4  }
0xbb: {  	s24 =	simm.s32 @p1 $0x0;
	s25 =	simm.s32 @p1 $0x3400;
	s0 =	sadd.s32 s8, s0  }
0xbc: {  	[tilespmem:s25], [sflag:$0x1] =	stream.linear.gather @p1 [hbm4b:s0+s24], $0x2800, $0x38;
	[tilespmem:$0x1C400] =	vst v63  }
0xbd: {  	s26 =	simm.s32 @p1 $0x5C00;
	s25 =	simm.s32 @p1 $0x50;
	s24 =	simm.s32 @!p1 $0x3  }
0xbe: {  	[spmem:s3] =	stream.indirect.scatter.add.f32 @p1 [tilespmem:s26], [sflag:$0x2], $0x80, s20, s25, $0xb8;
	[tilespmem:$0x1C400] =	vst v63  }
0xbf: {  	s28 =	simm.s32 @!p1 $0x5C00;
	s26 =	simm.s32 @!p1 $0x0;
	s25 =	smov.u32 s4  }
0xc0: {  	[tilespmem:s28], [sflag:$0x1] =	stream.linear.gather @!p1 [hbm4b:s0+s26], $0x2800, $0x38;
	[tilespmem:$0x1C400] =	vst v63  }
.Ltmp3:
0xc1: {  	_ = 	snop;
	(pc) =	sbr.rel @p0 .LBB2_7-.Ltmp3, $4  }
0xc2: {  	s24 =	simm.s32 @p1 $0x2;
	s4 =	simm.s32 @!p1 $0x3400;
	s0 =	simm.s32 @!p1 $0x50  }
0xc3: {  	[spmem:s3] =	stream.indirect.scatter.add.f32 @!p1 [tilespmem:s4], [sflag:$0x3], $0x80, s20, s0, $0xb8;
	[tilespmem:$0x1C400] =	vst v63  }
0xc4: {  	_ =	swait.ge [sflag:s24], $0x2800  }
0xc5: {  	s26 =	smin.u32 s25, $0x63;
	s20 =	sadd.s32 $0x80, s20;
	[sflag:s24] =	ssyncset.done $0x0  }
0xc6: {  	s0 =	smul.u32 $0x50, s26  }
0xc7: {  	[sflag:s24] =	ssyncadd.s32 $0xFFFFD800;
	s4 =	sand.u32 $0x1, s25  }
0xc8: {  	_ =	swait.ge [sflag:s21], $0x2800;
	p0 =	seq.s32 s4, $0x0;
	s0 =	sadd.s32 s22, s0  }
0xc9: {  	[sflag:s21] =	ssyncset.done $0x0;
	s4 =	simm.s32 @p0 $0x0;
	s0 =	sshll.u32 s0, $0x4  }
0xca: {  	[sflag:s21] =	ssyncadd.s32 $0xFFFFD800;
	s0 =	sadd.s32 s8, s0;
	s8 =	simm.s32 @p0 $0x3400  }
0xcb: {  	[tilespmem:s8], [sflag:$0x1] =	stream.linear.gather @p0 [hbm4b:s0+s4], $0x2800, $0x38;
	[tilespmem:$0x1C400] =	vst v63  }
0xcc: {  	s4 =	simm.s32 @p0 $0x50;
	s8 =	simm.s32 @p0 $0x5C00  }
0xcd: {  	[spmem:s3] =	stream.indirect.scatter.add.f32 @p0 [tilespmem:s8], [sflag:$0x2], $0x80, s20, s4, $0xb8;
	[tilespmem:$0x1C400] =	vst v63  }
0xce: {  	s21 =	simm.s32 @!p0 $0x5C00;
	s4 =	simm.s32 @!p0 $0x3;
	s8 =	simm.s32 @!p0 $0x0  }
0xcf: {  	[tilespmem:s21], [sflag:$0x1] =	stream.linear.gather @!p0 [hbm4b:s0+s8], $0x2800, $0x38;
	[tilespmem:$0x1C400] =	vst v63  }
0xd0: {  	s4 =	simm.s32 @p0 $0x2;
	s0 =	simm.s32 @!p0 $0x50;
	s8 =	simm.s32 @!p0 $0x3400  }
0xd1: {  	[spmem:s3] =	stream.indirect.scatter.add.f32 @!p0 [tilespmem:s8], [sflag:$0x3], $0x80, s20, s0, $0xb8;
	[tilespmem:$0x1C400] =	vst v63  }
0xd2: {  	_ =	swait.ge [sflag:s4], $0x2800  }
0xd3: {  	[sflag:s4] =	ssyncset.done $0x0  }
0xd4: {  	s8 =	simm.s32 $0x1;
	[sflag:s4] =	ssyncadd.s32 $0xFFFFD800  }
0xd5: {  	_ =	swait.ge [sflag:s8], $0x2800  }
0xd6: {  	[sflag:s8] =	ssyncset.done $0x0  }
0xd7: {  	[sflag:s8] =	ssyncadd.s32 $0xFFFFD800  }
0xd8: {  	s21 =	simm.s32 $0x2;
	s20 =	simm.s32 $0x3400;
	[bflag:$0x0] =	sbarrier.arrive $0xFFFF  }
0xd9: {  	[tilespmem:s20], [sflag:$0x2] =	stream.linear.gather [spmem:s19], $0x2800, $0x38;
	[tilespmem:$0x1C400] =	vst v63  }
0xda: {  	s22 =	smul.u32 $0x2800, s1;
	_ =	swait.ge [sflag:s21], $0x2800  }
0xdb: {  	[sflag:s21] =	ssyncset.done $0x0  }
0xdc: {  	s23 =	simm.s32 $0x0;
	s0 =	sadd.s32 s2, s22;
	[sflag:s21] =	ssyncadd.s32 $0xFFFFD800  }
0xdd: {  	[hbm4b:s0+s23] =	stream.linear.scatter [tilespmem:s20], [sflag:$0x2], $0x2800, $0x38;
	[tilespmem:$0x1C400] =	vst v63  }
0xde: {  	_ =	swait.ge [sflag:s21], $0x2800  }
0xdf: {  	[sflag:s21] =	ssyncset.done $0x0  }
0xe0: {  	[sflag:s21] =	ssyncadd.s32 $0xFFFFD800  }
0xe1: {  	[tilespmem:s20], [sflag:$0x2] =	stream.linear.gather [spmem:s18], $0x2800, $0x38;
	[tilespmem:$0x1C400] =	vst v63  }
0xe2: {  	_ =	swait.ge [sflag:s21], $0x2800  }
0xe3: {  	s24 =	sshll.u32 s15, $0x4;
	[sflag:s21] =	ssyncset.done $0x0  }
0xe4: {  	s0 =	sadd.s32 s2, s24;
	[sflag:s21] =	ssyncadd.s32 $0xFFFFD800  }
0xe5: {  	[hbm4b:s0+s23] =	stream.linear.scatter [tilespmem:s20], [sflag:$0x2], $0x2800, $0x38;
	[tilespmem:$0x1C400] =	vst v63  }
0xe6: {  	_ =	swait.ge [sflag:s21], $0x2800  }
0xe7: {  	[sflag:s21] =	ssyncset.done $0x0  }
0xe8: {  	[sflag:s21] =	ssyncadd.s32 $0xFFFFD800  }
0xe9: {  	[tilespmem:s20], [sflag:$0x2] =	stream.linear.gather [spmem:s17], $0x2800, $0x38;
	[tilespmem:$0x1C400] =	vst v63  }
0xea: {  	_ =	swait.ge [sflag:s21], $0x2800  }
0xeb: {  	s25 =	sshll.u32 s13, $0x4;
	[sflag:s21] =	ssyncset.done $0x0  }
0xec: {  	s0 =	sadd.s32 s2, s25;
	[sflag:s21] =	ssyncadd.s32 $0xFFFFD800  }
0xed: {  	[hbm4b:s0+s23] =	stream.linear.scatter [tilespmem:s20], [sflag:$0x2], $0x2800, $0x38;
	[tilespmem:$0x1C400] =	vst v63  }
0xee: {  	_ =	swait.ge [sflag:s21], $0x2800  }
0xef: {  	[sflag:s21] =	ssyncset.done $0x0  }
0xf0: {  	[sflag:s21] =	ssyncadd.s32 $0xFFFFD800  }
0xf1: {  	[tilespmem:s20], [sflag:$0x2] =	stream.linear.gather [spmem:s16], $0x2800, $0x38;
	[tilespmem:$0x1C400] =	vst v63  }
0xf2: {  	_ =	swait.ge [sflag:s21], $0x2800  }
0xf3: {  	s26 =	sshll.u32 s11, $0x4;
	[sflag:s21] =	ssyncset.done $0x0  }
0xf4: {  	s0 =	sadd.s32 s2, s26;
	[sflag:s21] =	ssyncadd.s32 $0xFFFFD800  }
0xf5: {  	[hbm4b:s0+s23] =	stream.linear.scatter [tilespmem:s20], [sflag:$0x2], $0x2800, $0x38;
	[tilespmem:$0x1C400] =	vst v63  }
0xf6: {  	_ =	swait.ge [sflag:s21], $0x2800  }
0xf7: {  	[sflag:s21] =	ssyncset.done $0x0  }
0xf8: {  	[sflag:s21] =	ssyncadd.s32 $0xFFFFD800  }
0xf9: {  	[tilespmem:s20], [sflag:$0x2] =	stream.linear.gather [spmem:s14], $0x2800, $0x38;
	[tilespmem:$0x1C400] =	vst v63  }
0xfa: {  	_ =	swait.ge [sflag:s21], $0x2800  }
0xfb: {  	s28 =	sshll.u32 s9, $0x4;
	[sflag:s21] =	ssyncset.done $0x0  }
0xfc: {  	s0 =	sadd.s32 s2, s28;
	[sflag:s21] =	ssyncadd.s32 $0xFFFFD800  }
0xfd: {  	[hbm4b:s0+s23] =	stream.linear.scatter [tilespmem:s20], [sflag:$0x2], $0x2800, $0x38;
	[tilespmem:$0x1C400] =	vst v63  }
0xfe: {  	_ =	swait.ge [sflag:s21], $0x2800  }
0xff: {  	[sflag:s21] =	ssyncset.done $0x0  }
0x100: {  	[sflag:s21] =	ssyncadd.s32 $0xFFFFD800  }
0x101: {  	[tilespmem:s20], [sflag:$0x2] =	stream.linear.gather [spmem:s12], $0x2800, $0x38;
	[tilespmem:$0x1C400] =	vst v63  }
0x102: {  	_ =	swait.ge [sflag:s21], $0x2800  }
0x103: {  	s29 =	sshll.u32 s6, $0x4;
	[sflag:s21] =	ssyncset.done $0x0  }
0x104: {  	s0 =	sadd.s32 s2, s29;
	[sflag:s21] =	ssyncadd.s32 $0xFFFFD800  }
0x105: {  	[hbm4b:s0+s23] =	stream.linear.scatter [tilespmem:s20], [sflag:$0x2], $0x2800, $0x38;
	[tilespmem:$0x1C400] =	vst v63  }
0x106: {  	_ =	swait.ge [sflag:s21], $0x2800  }
0x107: {  	[sflag:s21] =	ssyncset.done $0x0  }
0x108: {  	[sflag:s21] =	ssyncadd.s32 $0xFFFFD800  }
0x109: {  	[tilespmem:s20], [sflag:$0x2] =	stream.linear.gather [spmem:s10], $0x2800, $0x38;
	[tilespmem:$0x1C400] =	vst v63  }
0x10a: {  	_ =	swait.ge [sflag:s21], $0x2800  }
0x10b: {  	s30 =	sshll.u32 s5, $0x4;
	[sflag:s21] =	ssyncset.done $0x0  }
0x10c: {  	s0 =	sadd.s32 s2, s30;
	[sflag:s21] =	ssyncadd.s32 $0xFFFFD800  }
0x10d: {  	[hbm4b:s0+s23] =	stream.linear.scatter [tilespmem:s20], [sflag:$0x2], $0x2800, $0x38;
	[tilespmem:$0x1C400] =	vst v63  }
0x10e: {  	_ =	swait.ge [sflag:s21], $0x2800  }
0x10f: {  	[sflag:s21] =	ssyncset.done $0x0  }
0x110: {  	[sflag:s21] =	ssyncadd.s32 $0xFFFFD800  }
0x111: {  	[tilespmem:s20], [sflag:$0x2] =	stream.linear.gather [spmem:s7], $0x2800, $0x38;
	[tilespmem:$0x1C400] =	vst v63  }
0x112: {  	_ =	swait.ge [sflag:s21], $0x2800  }
0x113: {  	s31 =	rddreg [dreg:$0x3]  }
0x114: {  	[sflag:s21] =	ssyncset.done $0x0;
	s0 =	sshll.u32 s31, $0x4  }
0x115: {  	[sflag:s21] =	ssyncadd.s32 $0xFFFFD800;
	s0 =	sadd.s32 s2, s0  }
0x116: {  	[hbm4b:s0+s23] =	stream.linear.scatter [tilespmem:s20], [sflag:$0x2], $0x2800, $0x38;
	[tilespmem:$0x1C400] =	vst v63  }
0x117: {  	_ =	swait.ge [sflag:s21], $0x2800  }
0x118: {  	[sflag:s21] =	ssyncset.done $0x0  }
0x119: {  	[sflag:s21] =	ssyncadd.s32 $0xFFFFD800  }
0x11a: {  	_ =	sfence.sel $0x180000  }
0x11b: {  	[bflag:$0x0] =	sbarrier.arrive $0xFFFF  }
0x11c: {  	_ =	strace $0x90000050  }
0x11d: {  	[bflag:$0x2] =	sbarrier.arrive $0xFFFF  }
0x11e: {  	p0 =	sne.s32 s1, $0x0;
	s0 =	rddreg [dreg:$0x2]  }
0x11f: {  	s0 =	sadd.s32 @!p0 $0x100000, s0  }
0x120: {  	[sflag:s0] =	ssyncadd.tile.s32 @!p0 $0x1;
	_ =	shalt  }
.Lfunc_end2:
_tile_overlayer_lowered:
.L_overlay_start_2:
0x121: {  	(tag) =	ssettag $0x2  }
0x122: {  	s0 =	rddreg [dreg:$0x0];
	s2 =	stileid.u32  }
0x123: {  	s1 =	rddreg [dreg:$0x1];
	p0 =	sne.s32 s2, $0x0  }
0x124: {  	s3 =	rddreg [dreg:$0x2];
	[bflag:$0x3] =	sbarrier.arrive $0xFFFF;
	s2 =	simm.s32 @!p0 $0x1C02  }
0x125: {  	[timem:s3], [sflag:s2] =	dma.local @!p0 [hbm:s0], s1  }
0x126: {  	s0 =	simm.s32 @!p0 $0x2  }
0x127: {  	_ =	swait.ge @!p0 [sflag:s0], s1  }
0x128: {  	s1 =	ssub.s32 @!p0 $0x0, s1;
	[sflag:s0] =	ssyncset.done @!p0 $0x0  }
0x129: {  	[sflag:s0] =	ssyncadd.s32 @!p0 s1  }
0x12a: {  	[bflag:$0x3] =	sbarrier.arrive $0xFFFF  }
0x12b: {  	_ =	shalt  }

</sc_bundles>
